<compile_context>
chip_gen: v7x
topology: tpu7x:2x2x1
jax: 0.10.2.dev20260603
libtpu: 0.0.44.dev20260713+nightly
codegen_flags: <defaults>
</compile_context>

<pallas_src>
import functools

import jax
import jax.numpy as jnp
from jax import lax
from jax.experimental import pallas as pl
from jax.experimental.pallas import tpu as pltpu
from jax.experimental.pallas import tpu_sc as plsc

NC = 2
NS = 16
NW = NC * NS
CHUNK = 128
ZROWS = 32
NIDX = 4
NROW = 2
NBUF = NIDX


def _round_up(x, m):
    return (x + m - 1) // m * m


@functools.lru_cache(maxsize=None)
def _make_segsum(nq_pad, nd_pad, eq_pad, ed_pad, d):
    cq = eq_pad // (NW * CHUNK)
    cd = ed_pad // (NW * CHUNK)
    rq = nq_pad // NS
    rd = nd_pad // NS
    mesh = plsc.VectorSubcoreMesh(core_axis_name="c", subcore_axis_name="s")

    @functools.partial(
        pl.kernel,
        out_type=[
            jax.ShapeDtypeStruct((NC, nq_pad, d), jnp.float32),
            jax.ShapeDtypeStruct((NC, nd_pad, d), jnp.float32),
        ],
        mesh=mesh,
        scratch_types=(
            [pltpu.VMEM((2, CHUNK), jnp.int32) for _ in range(NIDX)]
            + [pltpu.VMEM((CHUNK, d), jnp.float32) for _ in range(NROW)]
            + [
                pltpu.VMEM((ZROWS, d), jnp.float32),
                pltpu.VMEM_SHARED((nq_pad, d), jnp.float32),
                pltpu.VMEM_SHARED((nd_pad, d), jnp.float32),
                pltpu.SemaphoreType.DMA((NIDX,)),
                pltpu.SemaphoreType.DMA((NROW,)),
                pltpu.SemaphoreType.DMA((NROW,)),
            ]
        ),
    )
    def seg(xq_hbm, xd_hbm, qe_hbm, de_hbm, outq_hbm, outd_hbm,
            i0, i1, i2, i3, r0, r1, zbuf, accq, accd, isem, gsem, ssem):
        idxb = [i0, i1, i2, i3]
        rowb = [r0, r1]
        c = lax.axis_index("c")
        s = lax.axis_index("s")
        wid = c * NS + s

        @pl.loop(0, ZROWS)
        def _(r):
            @pl.loop(0, d // 16)
            def _(k):
                zbuf[r, pl.ds(k * 16, 16)] = jnp.zeros((16,), jnp.float32)

        def zero_rows(acc, base, total):
            chunk = min(total, ZROWS)
            nloop = -(-total // chunk)
            last = total - chunk

            @pl.loop(0, nloop)
            def _(j):
                off = jnp.minimum(j * chunk, last)
                pltpu.sync_copy(zbuf.at[pl.ds(0, chunk)],
                                acc.at[pl.ds(base + off, chunk)])

        zero_rows(accq, s * rq, rq)
        zero_rows(accd, s * rd, rd)

        plsc.subcore_barrier()

        def ring(e_hbm, x_hbm, acc, nchunks):
            ngroups = nchunks // NIDX

            def icp(bi, chunk):
                return pltpu.make_async_copy(e_hbm.at[chunk], idxb[bi],
                                             isem.at[bi])

            def gcp(br, bi):
                return pltpu.make_async_copy(x_hbm.at[idxb[bi].at[0]],
                                             rowb[br], gsem.at[br])

            def scp(br, bi):
                return pltpu.make_async_copy(rowb[br], acc.at[idxb[bi].at[1]],
                                             ssem.at[br])

            def cid(i):
                return wid * nchunks + i

            icp(0, cid(0)).start()
            icp(1, cid(1)).start()

            @pl.loop(0, ngroups)
            def _(g):
                for b in range(NIDX):
                    br = b % NROW
                    bp = (b + 2) % NIDX
                    if b >= 2:
                        scp(br, bp).wait()
                    else:
                        @pl.when(g > 0)
                        def _():
                            scp(br, bp).wait()
                    if b < 2:
                        icp(bp, cid(g * NIDX + b + 2)).start()
                    else:
                        @pl.when(g < ngroups - 1)
                        def _():
                            icp(bp, cid(g * NIDX + b + 2)).start()
                    icp(b, cid(g * NIDX + b)).wait()
                    gcp(br, b).start()
                    gcp(br, b).wait()
                    scp(br, b).start(add=True)

            scp(0, 2).wait()
            scp(1, 3).wait()

        ring(qe_hbm, xq_hbm, accq, cq)
        ring(de_hbm, xd_hbm, accd, cd)

        plsc.subcore_barrier()

        pltpu.sync_copy(accq.at[pl.ds(s * rq, rq)],
                        outq_hbm.at[c].at[pl.ds(s * rq, rq)])
        pltpu.sync_copy(accd.at[pl.ds(s * rd, rd)],
                        outd_hbm.at[c].at[pl.ds(s * rd, rd)])

    return seg


def _mm_body(x_ref, p0_ref, p1_ref, w_ref, b_ref, o_ref):
    acc = x_ref[...] + p0_ref[...] + p1_ref[...]
    y = jnp.dot(acc, w_ref[...], preferred_element_type=jnp.float32,
                 precision=lax.Precision.HIGHEST) + b_ref[...]
    o_ref[...] = jnp.maximum(y, 0.0)


def _mm_add_relu(x, p, w, b, bm):
    m, k = x.shape
    n = w.shape[1]
    return pl.pallas_call(
        _mm_body,
        grid=(m // bm,),
        in_specs=[
            pl.BlockSpec((bm, k), lambda i: (i, 0)),
            pl.BlockSpec((bm, k), lambda i: (i, 0)),
            pl.BlockSpec((bm, k), lambda i: (i, 0)),
            pl.BlockSpec((k, n), lambda i: (0, 0)),
            pl.BlockSpec((1, n), lambda i: (0, 0)),
        ],
        out_specs=pl.BlockSpec((bm, n), lambda i: (i, 0)),
        out_shape=jax.ShapeDtypeStruct((m, n), jnp.float32),
    )(x, p[0], p[1], w, b.reshape(1, n))


def _mm_plain_body(x_ref, w_ref, o_ref):
    o_ref[...] = jnp.dot(x_ref[...], w_ref[...],
                         preferred_element_type=jnp.float32,
                 precision=lax.Precision.HIGHEST)


def _mm_plain(x, w, bm):
    m, k = x.shape
    n = w.shape[1]
    return pl.pallas_call(
        _mm_plain_body,
        grid=(m // bm,),
        in_specs=[
            pl.BlockSpec((bm, k), lambda i: (i, 0)),
            pl.BlockSpec((k, n), lambda i: (0, 0)),
        ],
        out_specs=pl.BlockSpec((bm, n), lambda i: (i, 0)),
        out_shape=jax.ShapeDtypeStruct((m, n), jnp.float32),
    )(x, w)


def _reduce_body(u_ref, p0_ref, p1_ref, b_ref, o_ref):
    i = pl.program_id(0)
    h = jnp.maximum(u_ref[...] + p0_ref[...] + p1_ref[...] + b_ref[...], 0.0)

    @pl.when(i == 0)
    def _():
        o_ref[...] = jnp.zeros_like(o_ref)

    o_ref[...] += jnp.sum(h, axis=0, keepdims=True)


def _reduce_relu_sum(u, p, b, bm):
    m, n = u.shape
    return pl.pallas_call(
        _reduce_body,
        grid=(m // bm,),
        in_specs=[
            pl.BlockSpec((bm, n), lambda i: (i, 0)),
            pl.BlockSpec((bm, n), lambda i: (i, 0)),
            pl.BlockSpec((bm, n), lambda i: (i, 0)),
            pl.BlockSpec((1, n), lambda i: (0, 0)),
        ],
        out_specs=pl.BlockSpec((1, n), lambda i: (0, 0)),
        out_shape=jax.ShapeDtypeStruct((1, n), jnp.float32),
    )(u, p[0], p[1], b.reshape(1, n))


def _head_body(gq_ref, gd_ref, w1q_ref, w1d_ref, b1_ref, w2_ref, b2_ref,
               w3_ref, b3_ref, o_ref):
    z1 = jnp.maximum(
        jnp.dot(gq_ref[...], w1q_ref[...], preferred_element_type=jnp.float32,
                 precision=lax.Precision.HIGHEST)
        + jnp.dot(gd_ref[...], w1d_ref[...], preferred_element_type=jnp.float32,
                 precision=lax.Precision.HIGHEST)
        + b1_ref[...], 0.0)
    z2 = jnp.maximum(
        jnp.dot(z1, w2_ref[...], preferred_element_type=jnp.float32,
                 precision=lax.Precision.HIGHEST)
        + b2_ref[...], 0.0)
    z3 = jnp.maximum(jnp.sum(z2 * w3_ref[...], axis=1, keepdims=True)
                     + b3_ref[...], 0.0)
    o_ref[...] = z3


def _head(gq, gd, w1, b1, w2, b2, w3, b3):
    o1 = w1.shape[1]
    h2 = w2.shape[1]
    k = gq.shape[1]
    return pl.pallas_call(
        _head_body,
        out_shape=jax.ShapeDtypeStruct((1, 1), jnp.float32),
    )(gq, gd, w1[:k], w1[k:], b1.reshape(1, o1), w2, b2.reshape(1, h2),
      w3.reshape(1, h2), b3.reshape(1, 1))


def _pad_edges(edge_index, e_pad, dump, ndump):
    src = edge_index[0].astype(jnp.int32)
    dst = edge_index[1].astype(jnp.int32)
    e = src.shape[0]
    pad = e_pad - e
    src_p = jnp.concatenate([src, jnp.zeros((pad,), jnp.int32)])
    dump_rows = dump + jnp.arange(pad, dtype=jnp.int32) % ndump
    dst_p = jnp.concatenate([dst, dump_rows])
    return jnp.stack([src_p.reshape(-1, CHUNK), dst_p.reshape(-1, CHUNK)],
                     axis=1)


def kernel(query_x, query_edge_index, data_x, data_edge_index,
           Wq1, bq1, Wq2, bq2, Wd1, bd1, Wd2, bd2,
           L1W, L1b, L2W, L2b, L3W, L3b):
    nq, d = query_x.shape
    nd = data_x.shape[0]
    eq = query_edge_index.shape[1]
    ed = data_edge_index.shape[1]

    nq_pad = _round_up(nq + 1, NS * 8)
    nd_pad = _round_up(nd + 1, NS * 8)
    eq_pad = _round_up(eq, NW * CHUNK * NBUF)
    ed_pad = _round_up(ed, NW * CHUNK * NBUF)

    qe = _pad_edges(query_edge_index, eq_pad, nq, nq_pad - nq)
    de = _pad_edges(data_edge_index, ed_pad, nd, nd_pad - nd)

    seg = _make_segsum(nq_pad, nd_pad, eq_pad, ed_pad, d)

    pq1, pd1 = seg(query_x, data_x, qe, de)
    hq = _mm_add_relu(query_x, pq1, Wq1, bq1, bm=nq)
    hd = _mm_add_relu(data_x, pd1, Wd1, bd1, bm=1000)

    uq = _mm_plain(hq, Wq2, bm=nq)
    ud = _mm_plain(hd, Wd2, bm=1000)
    pq2, pd2 = seg(uq, ud, qe, de)

    gq = _reduce_relu_sum(uq, pq2, bq2, bm=nq)
    gd = _reduce_relu_sum(ud, pd2, bd2, bm=1000)

    o = _head(gq, gd, L1W, L1b, L2W, L2b, L3W, L3b)
    return o.reshape(1)

# --- scband reference (transcript-rebuilt; emitter-appended) ---
"""Pipeline reference for scband-coarsen-net-6871947674190 (READ-ONLY COPY).

The authoritative reference and input builder live on the scoring server;
editing this copy changes nothing except your own understanding.
"""

import jax, jax.numpy as jnp
import numpy as np


def setup_inputs(seed: int = 0) -> dict:
    key = jax.random.key(seed)
    ks = jax.random.split(key, 16)
    Nq, Eq = 1000, 16000
    Nd, Ed = 10000, 320000
    D, Hq, Hd, O = 128, 128, 256, 128
    inp = {}
    inp["query_x"] = jax.random.normal(ks[0], (Nq, D), dtype=jnp.float32)
    inp["query_edge_index"] = jax.random.randint(ks[1], (2, Eq), 0, Nq, dtype=jnp.int32).astype(jnp.int64)
    inp["data_x"] = jax.random.normal(ks[2], (Nd, D), dtype=jnp.float32)
    inp["data_edge_index"] = jax.random.randint(ks[3], (2, Ed), 0, Nd, dtype=jnp.int32).astype(jnp.int64)
    def lin(k, fin, fout):
        s = 1.0 / np.sqrt(fin)
        return jax.random.normal(k, (fin, fout), dtype=jnp.float32) * s
    # query GIN (2 conv layers): D->Hq->O
    inp["Wq1"] = lin(ks[4], D, Hq); inp["bq1"] = jnp.zeros((Hq,), jnp.float32)
    inp["Wq2"] = lin(ks[5], Hq, O); inp["bq2"] = jnp.zeros((O,), jnp.float32)
    # data GIN (2 conv layers): D->Hd->O
    inp["Wd1"] = lin(ks[6], D, Hd); inp["bd1"] = jnp.zeros((Hd,), jnp.float32)
    inp["Wd2"] = lin(ks[7], Hd, O); inp["bd2"] = jnp.zeros((O,), jnp.float32)
    # linear_layers: 2*O -> O -> O//2 -> 1
    inp["L1W"] = lin(ks[8], 2 * O, O); inp["L1b"] = jnp.zeros((O,), jnp.float32)
    inp["L2W"] = lin(ks[9], O, O // 2); inp["L2b"] = jnp.zeros((O // 2,), jnp.float32)
    inp["L3W"] = lin(ks[10], O // 2, 1); inp["L3b"] = jnp.zeros((1,), jnp.float32)
    return inp


def _gin(x, edge_index, W1, b1, W2, b2):
    # GIN conv with eps=0: h = MLP(x + sum_{j in N(i)} x_j)
    n = x.shape[0]
    src = edge_index[0]
    dst = edge_index[1]
    agg = jax.ops.segment_sum(x[src], dst, num_segments=n)
    h = jax.nn.relu((x + agg) @ W1 + b1)
    agg2 = jax.ops.segment_sum(h[src], dst, num_segments=n)
    h2 = jax.nn.relu((h + agg2) @ W2 + b2)
    return h2


def reference(query_x, query_edge_index, data_x, data_edge_index,
              Wq1, bq1, Wq2, bq2, Wd1, bd1, Wd2, bd2,
              L1W, L1b, L2W, L2b, L3W, L3b):
    hq = _gin(query_x, query_edge_index, Wq1, bq1, Wq2, bq2)
    hd = _gin(data_x, data_edge_index, Wd1, bd1, Wd2, bd2)
    # sumpool readout -> graph-level embeddings
    gq = jnp.sum(hq, axis=0)
    gd = jnp.sum(hd, axis=0)
    z = jnp.concatenate([gq, gd], axis=-1)
    o = jax.nn.relu(z @ L1W + L1b)
    o = jax.nn.relu(o @ L2W + L2b)
    o = jax.nn.relu(o @ L3W + L3b)
    return o

if __name__ == "__main__":
    import jax
    _d = setup_inputs()
    print(jax.jit(kernel)(*tuple(_d.values())))

</pallas_src>

<mosaic_0001>
#map = affine_map<(d0, d1) -> (0, 0)>
#map1 = affine_map<(d0, d1) -> (0, 0, 0)>
module attributes {stable_mosaic.version = 14 : i64} {
  func.func @seg(%arg0: i32, %arg1: i32, %arg2: memref<1000x128xf32, #tpu.memory_space<hbm>>, %arg3: memref<10000x128xf32, #tpu.memory_space<hbm>>, %arg4: memref<128x2x128xi32, #tpu.memory_space<hbm>>, %arg5: memref<2560x2x128xi32, #tpu.memory_space<hbm>>, %arg6: memref<2x1024x128xf32, #tpu.memory_space<hbm>>, %arg7: memref<2x10112x128xf32, #tpu.memory_space<hbm>>, %arg8: memref<2x128xi32, #tpu.memory_space<vmem>>, %arg9: memref<2x128xi32, #tpu.memory_space<vmem>>, %arg10: memref<2x128xi32, #tpu.memory_space<vmem>>, %arg11: memref<2x128xi32, #tpu.memory_space<vmem>>, %arg12: memref<128x128xf32, #tpu.memory_space<vmem>>, %arg13: memref<128x128xf32, #tpu.memory_space<vmem>>, %arg14: memref<32x128xf32, #tpu.memory_space<vmem>>, %arg15: memref<1024x128xf32, #tpu.memory_space<vmem_shared>>, %arg16: memref<10112x128xf32, #tpu.memory_space<vmem_shared>>, %arg17: memref<4x!tpu.dma_semaphore, #tpu.memory_space<semaphore_mem>>, %arg18: memref<2x!tpu.dma_semaphore, #tpu.memory_space<semaphore_mem>>, %arg19: memref<2x!tpu.dma_semaphore, #tpu.memory_space<semaphore_mem>>) attributes {dimension_semantics = [#tpu.dimension_semantics<core_parallel>, #tpu.dimension_semantics<subcore_parallel>], iteration_bounds = array<i64: 2, 16>, scalar_prefetch = 0 : i64, scratch_operands = 12 : i64, tpu.core_type = #tpu.core_type<sc_vector_subcore>, window_params = [{transform_indices = #map}, {transform_indices = #map}, {transform_indices = #map1}, {transform_indices = #map1}, {transform_indices = #map1}, {transform_indices = #map1}]} {
    %mul3A = arith.constant 16 : i32
    %mul3A_0 = arith.muli %arg0, %mul3A : i32
    %add3A = arith.addi %mul3A_0, %arg1 : i32
    %scan3A = arith.constant 0 : i32
    %scan3A_1 = arith.constant 32 : i32
    %scan3A_2 = arith.addi %scan3A, %scan3A_1 : i32
    %scan3A_3 = arith.constant 1 : i32
    scf.for %scan3A_405 = %scan3A to %scan3A_2 step %scan3A_3  : i32 {
      %mul3A_406 = arith.constant 1 : i32
      %mul3A_407 = arith.muli %scan3A_405, %mul3A_406 : i32
      %add3A_408 = arith.constant 0 : i32
      %add3A_409 = arith.addi %add3A_408, %mul3A_407 : i32
      %scan3A_410 = arith.constant 0 : i32
      %scan3A_411 = arith.constant 8 : i32
      %scan3A_412 = arith.addi %scan3A_410, %scan3A_411 : i32
      %scan3A_413 = arith.constant 1 : i32
      scf.for %scan3A_415 = %scan3A_410 to %scan3A_412 step %scan3A_413  : i32 {
        %mul3A_416 = arith.constant 1 : i32
        %mul3A_417 = arith.muli %scan3A_415, %mul3A_416 : i32
        %add3A_418 = arith.constant 0 : i32
        %add3A_419 = arith.addi %add3A_418, %mul3A_417 : i32
        %broadcast_in_dim3A = arith.constant 0.000000e+00 : f32
        %broadcast_in_dim3A_420 = vector.broadcast %broadcast_in_dim3A : f32 to vector<16xf32>
        %mul3A_421 = arith.constant 16 : i32
        %mul3A_422 = arith.muli %add3A_419, %mul3A_421 : i32
        %swap3A = arith.index_cast %add3A_409 : i32 to index
        %swap3A_423 = arith.index_cast %mul3A_422 : i32 to index
        %swap3A_424 = tpu.vector_load %arg14[%swap3A, %swap3A_423] {strides = array<i32>} : memref<32x128xf32, #tpu.memory_space<vmem>>, vector<1x16xf32>,
        %swap3A_425 = vector.shape_cast %swap3A_424 : vector<1x16xf32> to vector<16xf32>
        %swap3A_426 = vector.shape_cast %broadcast_in_dim3A_420 : vector<16xf32> to vector<1x16xf32>
        tpu.vector_store %arg14[%swap3A, %swap3A_423], %swap3A_426 {strides = array<i32>} : memref<32x128xf32, #tpu.memory_space<vmem>>, vector<1x16xf32>,
      }
      %scan3A_414 = arith.constant 8 : i32
    }
    %scan3A_4 = arith.constant 32 : i32
    %mul3A_5 = arith.constant 64 : i32
    %mul3A_6 = arith.muli %arg1, %mul3A_5 : i32
    %scan3A_7 = arith.constant 0 : i32
    %scan3A_8 = arith.constant 2 : i32
    %scan3A_9 = arith.addi %scan3A_7, %scan3A_8 : i32
    %scan3A_10 = arith.constant 1 : i32
    scf.for %scan3A_405 = %scan3A_7 to %scan3A_9 step %scan3A_10  : i32 {
      %mul3A_406 = arith.constant 1 : i32
      %mul3A_407 = arith.muli %scan3A_405, %mul3A_406 : i32
      %add3A_408 = arith.constant 0 : i32
      %add3A_409 = arith.addi %add3A_408, %mul3A_407 : i32
      %mul3A_410 = arith.constant 32 : i32
      %mul3A_411 = arith.muli %add3A_409, %mul3A_410 : i32
      %min3A = arith.constant 32 : i32
      %min3A_412 = arith.minsi %mul3A_411, %min3A : i32
      %add3A_413 = arith.addi %mul3A_6, %min3A_412 : i32
      "tpu.region"() ({
        %run_scoped3A = tpu.sem_alloc : memref<!tpu.dma_semaphore, #tpu.memory_space<semaphore_mem>>
        %dma_start3A_414 = arith.constant 0 : i32
        %dma_start3A_415 = arith.constant 0 : i32
        %dma_start3A_416 = tpu.memref_slice %arg14[%dma_start3A_414, %dma_start3A_415] : memref<32x128xf32, #tpu.memory_space<vmem>> -> memref<32x128xf32, #tpu.memory_space<vmem>>
        %dma_start3A_417 = arith.constant 0 : i32
        %dma_start3A_418 = tpu.memref_slice %arg15[%add3A_413, %dma_start3A_417] : memref<1024x128xf32, #tpu.memory_space<vmem_shared>> -> memref<32x128xf32, #tpu.memory_space<vmem_shared>>
        %dma_start3A_419 = arith.constant 0 : i32
        %dma_start3A_420 = tpu.memref_slice %arg15[%add3A_413, %dma_start3A_419] : memref<1024x128xf32, #tpu.memory_space<vmem_shared>> -> memref<32x128xf32, #tpu.memory_space<vmem_shared>>
        %dma_start3A_421 = arith.constant 0 : i32
        %dma_start3A_422 = arith.constant 0 : i32
        %dma_start3A_423 = tpu.memref_slice %arg14[%dma_start3A_421, %dma_start3A_422] : memref<32x128xf32, #tpu.memory_space<vmem>> -> memref<32x128xf32, #tpu.memory_space<vmem>>
        tpu.enqueue_dma source(%dma_start3A_423 : memref<32x128xf32, #tpu.memory_space<vmem>>) target(%dma_start3A_420 : memref<32x128xf32, #tpu.memory_space<vmem_shared>>) target_semaphore(%run_scoped3A : memref<!tpu.dma_semaphore, #tpu.memory_space<semaphore_mem>>)
        %dma_wait3A_424 = arith.constant 0 : i32
        %dma_wait3A_425 = arith.constant 0 : i32
        %dma_wait3A_426 = tpu.memref_slice %arg14[%dma_wait3A_424, %dma_wait3A_425] : memref<32x128xf32, #tpu.memory_space<vmem>> -> memref<32x128xf32, #tpu.memory_space<vmem>>
        %dma_wait3A_427 = arith.constant 0 : i32
        %dma_wait3A_428 = tpu.memref_slice %arg15[%add3A_413, %dma_wait3A_427] : memref<1024x128xf32, #tpu.memory_space<vmem_shared>> -> memref<32x128xf32, #tpu.memory_space<vmem_shared>>
        %dma_wait3A_429 = arith.constant 0 : i32
        %dma_wait3A_430 = tpu.memref_slice %arg15[%add3A_413, %dma_wait3A_429] : memref<1024x128xf32, #tpu.memory_space<vmem_shared>> -> memref<32x128xf32, #tpu.memory_space<vmem_shared>>
        %dma_wait3A_431 = arith.constant 0 : i32
        %dma_wait3A_432 = arith.constant 0 : i32
        %dma_wait3A_433 = tpu.memref_slice %arg14[%dma_wait3A_431, %dma_wait3A_432] : memref<32x128xf32, #tpu.memory_space<vmem>> -> memref<32x128xf32, #tpu.memory_space<vmem>>
        tpu.wait_dma2 semaphore(%run_scoped3A : memref<!tpu.dma_semaphore, #tpu.memory_space<semaphore_mem>>) src(%dma_wait3A_433 : memref<32x128xf32, #tpu.memory_space<vmem>>) dst(%dma_wait3A_430 : memref<32x128xf32, #tpu.memory_space<vmem_shared>>)
        tpu.yield
      }) : () -> ()
    }
    %scan3A_11 = arith.constant 2 : i32
    %mul3A_12 = arith.constant 632 : i32
    %mul3A_13 = arith.muli %arg1, %mul3A_12 : i32
    %scan3A_14 = arith.constant 0 : i32
    %scan3A_15 = arith.constant 20 : i32
    %scan3A_16 = arith.addi %scan3A_14, %scan3A_15 : i32
    %scan3A_17 = arith.constant 1 : i32
    scf.for %scan3A_405 = %scan3A_14 to %scan3A_16 step %scan3A_17  : i32 {
      %mul3A_406 = arith.constant 1 : i32
      %mul3A_407 = arith.muli %scan3A_405, %mul3A_406 : i32
      %add3A_408 = arith.constant 0 : i32
      %add3A_409 = arith.addi %add3A_408, %mul3A_407 : i32
      %mul3A_410 = arith.constant 32 : i32
      %mul3A_411 = arith.muli %add3A_409, %mul3A_410 : i32
      %min3A = arith.constant 600 : i32
      %min3A_412 = arith.minsi %mul3A_411, %min3A : i32
      %add3A_413 = arith.addi %mul3A_13, %min3A_412 : i32
      "tpu.region"() ({
        %run_scoped3A = tpu.sem_alloc : memref<!tpu.dma_semaphore, #tpu.memory_space<semaphore_mem>>
        %dma_start3A_414 = arith.constant 0 : i32
        %dma_start3A_415 = arith.constant 0 : i32
        %dma_start3A_416 = tpu.memref_slice %arg14[%dma_start3A_414, %dma_start3A_415] : memref<32x128xf32, #tpu.memory_space<vmem>> -> memref<32x128xf32, #tpu.memory_space<vmem>>
        %dma_start3A_417 = arith.constant 0 : i32
        %dma_start3A_418 = tpu.memref_slice %arg16[%add3A_413, %dma_start3A_417] : memref<10112x128xf32, #tpu.memory_space<vmem_shared>> -> memref<32x128xf32, #tpu.memory_space<vmem_shared>>
        %dma_start3A_419 = arith.constant 0 : i32
        %dma_start3A_420 = tpu.memref_slice %arg16[%add3A_413, %dma_start3A_419] : memref<10112x128xf32, #tpu.memory_space<vmem_shared>> -> memref<32x128xf32, #tpu.memory_space<vmem_shared>>
        %dma_start3A_421 = arith.constant 0 : i32
        %dma_start3A_422 = arith.constant 0 : i32
        %dma_start3A_423 = tpu.memref_slice %arg14[%dma_start3A_421, %dma_start3A_422] : memref<32x128xf32, #tpu.memory_space<vmem>> -> memref<32x128xf32, #tpu.memory_space<vmem>>
        tpu.enqueue_dma source(%dma_start3A_423 : memref<32x128xf32, #tpu.memory_space<vmem>>) target(%dma_start3A_420 : memref<32x128xf32, #tpu.memory_space<vmem_shared>>) target_semaphore(%run_scoped3A : memref<!tpu.dma_semaphore, #tpu.memory_space<semaphore_mem>>)
        %dma_wait3A_424 = arith.constant 0 : i32
        %dma_wait3A_425 = arith.constant 0 : i32
        %dma_wait3A_426 = tpu.memref_slice %arg14[%dma_wait3A_424, %dma_wait3A_425] : memref<32x128xf32, #tpu.memory_space<vmem>> -> memref<32x128xf32, #tpu.memory_space<vmem>>
        %dma_wait3A_427 = arith.constant 0 : i32
        %dma_wait3A_428 = tpu.memref_slice %arg16[%add3A_413, %dma_wait3A_427] : memref<10112x128xf32, #tpu.memory_space<vmem_shared>> -> memref<32x128xf32, #tpu.memory_space<vmem_shared>>
        %dma_wait3A_429 = arith.constant 0 : i32
        %dma_wait3A_430 = tpu.memref_slice %arg16[%add3A_413, %dma_wait3A_429] : memref<10112x128xf32, #tpu.memory_space<vmem_shared>> -> memref<32x128xf32, #tpu.memory_space<vmem_shared>>
        %dma_wait3A_431 = arith.constant 0 : i32
        %dma_wait3A_432 = arith.constant 0 : i32
        %dma_wait3A_433 = tpu.memref_slice %arg14[%dma_wait3A_431, %dma_wait3A_432] : memref<32x128xf32, #tpu.memory_space<vmem>> -> memref<32x128xf32, #tpu.memory_space<vmem>>
        tpu.wait_dma2 semaphore(%run_scoped3A : memref<!tpu.dma_semaphore, #tpu.memory_space<semaphore_mem>>) src(%dma_wait3A_433 : memref<32x128xf32, #tpu.memory_space<vmem>>) dst(%dma_wait3A_430 : memref<32x128xf32, #tpu.memory_space<vmem_shared>>)
        tpu.yield
      }) : () -> ()
    }
    %scan3A_18 = arith.constant 20 : i32
    %barrier3A = arith.constant 0 : index
    tpu.barrier barrier_id(%barrier3A)
    %mul3A_19 = arith.constant 4 : i32
    %mul3A_20 = arith.muli %add3A, %mul3A_19 : i32
    %add3A_21 = arith.constant 0 : i32
    %add3A_22 = arith.addi %mul3A_20, %add3A_21 : i32
    %dma_start3A = arith.constant 0 : i32
    %dma_start3A_23 = arith.constant 0 : i32
    %dma_start3A_24 = arith.constant 0 : i32
    %dma_start3A_25 = tpu.memref_slice %arg4[%add3A_22, %dma_start3A_23, %dma_start3A_24] : memref<128x2x128xi32, #tpu.memory_space<hbm>> -> memref<1x2x128xi32, #tpu.memory_space<hbm>>
    %dma_start3A_26 = tpu.memref_squeeze %dma_start3A_25 : memref<1x2x128xi32, #tpu.memory_space<hbm>> -> memref<2x128xi32, #tpu.memory_space<hbm>>
    %dma_start3A_27 = tpu.memref_slice %arg17[%dma_start3A] : memref<4x!tpu.dma_semaphore, #tpu.memory_space<semaphore_mem>> -> memref<1x!tpu.dma_semaphore, #tpu.memory_space<semaphore_mem>>
    %dma_start3A_28 = tpu.memref_squeeze %dma_start3A_27 : memref<1x!tpu.dma_semaphore, #tpu.memory_space<semaphore_mem>> -> memref<!tpu.dma_semaphore, #tpu.memory_space<semaphore_mem>>
    %dma_start3A_29 = arith.constant 0 : i32
    %dma_start3A_30 = arith.constant 0 : i32
    %dma_start3A_31 = tpu.memref_slice %arg4[%add3A_22, %dma_start3A_29, %dma_start3A_30] : memref<128x2x128xi32, #tpu.memory_space<hbm>> -> memref<1x2x128xi32, #tpu.memory_space<hbm>>
    %dma_start3A_32 = tpu.memref_squeeze %dma_start3A_31 : memref<1x2x128xi32, #tpu.memory_space<hbm>> -> memref<2x128xi32, #tpu.memory_space<hbm>>
    tpu.enqueue_dma source(%dma_start3A_32 : memref<2x128xi32, #tpu.memory_space<hbm>>) target(%arg8 : memref<2x128xi32, #tpu.memory_space<vmem>>) target_semaphore(%dma_start3A_28 : memref<!tpu.dma_semaphore, #tpu.memory_space<semaphore_mem>>)
    %mul3A_33 = arith.constant 4 : i32
    %mul3A_34 = arith.muli %add3A, %mul3A_33 : i32
    %add3A_35 = arith.constant 1 : i32
    %add3A_36 = arith.addi %mul3A_34, %add3A_35 : i32
    %dma_start3A_37 = arith.constant 1 : i32
    %dma_start3A_38 = arith.constant 0 : i32
    %dma_start3A_39 = arith.constant 0 : i32
    %dma_start3A_40 = tpu.memref_slice %arg4[%add3A_36, %dma_start3A_38, %dma_start3A_39] : memref<128x2x128xi32, #tpu.memory_space<hbm>> -> memref<1x2x128xi32, #tpu.memory_space<hbm>>
    %dma_start3A_41 = tpu.memref_squeeze %dma_start3A_40 : memref<1x2x128xi32, #tpu.memory_space<hbm>> -> memref<2x128xi32, #tpu.memory_space<hbm>>
    %dma_start3A_42 = tpu.memref_slice %arg17[%dma_start3A_37] : memref<4x!tpu.dma_semaphore, #tpu.memory_space<semaphore_mem>> -> memref<1x!tpu.dma_semaphore, #tpu.memory_space<semaphore_mem>>
    %dma_start3A_43 = tpu.memref_squeeze %dma_start3A_42 : memref<1x!tpu.dma_semaphore, #tpu.memory_space<semaphore_mem>> -> memref<!tpu.dma_semaphore, #tpu.memory_space<semaphore_mem>>
    %dma_start3A_44 = arith.constant 0 : i32
    %dma_start3A_45 = arith.constant 0 : i32
    %dma_start3A_46 = tpu.memref_slice %arg4[%add3A_36, %dma_start3A_44, %dma_start3A_45] : memref<128x2x128xi32, #tpu.memory_space<hbm>> -> memref<1x2x128xi32, #tpu.memory_space<hbm>>
    %dma_start3A_47 = tpu.memref_squeeze %dma_start3A_46 : memref<1x2x128xi32, #tpu.memory_space<hbm>> -> memref<2x128xi32, #tpu.memory_space<hbm>>
    tpu.enqueue_dma source(%dma_start3A_47 : memref<2x128xi32, #tpu.memory_space<hbm>>) target(%arg9 : memref<2x128xi32, #tpu.memory_space<vmem>>) target_semaphore(%dma_start3A_43 : memref<!tpu.dma_semaphore, #tpu.memory_space<semaphore_mem>>)
    %scan3A_48 = arith.constant 0 : i32
    %mul3A_49 = arith.constant 1 : i32
    %mul3A_50 = arith.muli %scan3A_48, %mul3A_49 : i32
    %add3A_51 = arith.constant 0 : i32
    %add3A_52 = arith.addi %add3A_51, %mul3A_50 : i32
    %gt3A = arith.constant 0 : i32
    %gt3A_53 = arith.cmpi sgt, %add3A_52, %gt3A : i32
    %convert_element_type3A = arith.extui %gt3A_53 : i1 to i32
    %cond3A = arith.constant 0 : i32
    %cond3A_54 = arith.cmpi ne, %convert_element_type3A, %cond3A : i32
    scf.if %cond3A_54 {
      %dma_wait3A_405 = arith.constant 1 : i32
      %dma_wait3A_406 = arith.constant 0 : i32
      %dma_wait3A_407 = arith.constant 0 : i32
      %dma_wait3A_408 = tpu.memref_slice %arg10[%dma_wait3A_405, %dma_wait3A_407] : memref<2x128xi32, #tpu.memory_space<vmem>> -> memref<1x128xi32, #tpu.memory_space<vmem>>
      %dma_wait3A_409 = tpu.memref_squeeze %dma_wait3A_408 : memref<1x128xi32, #tpu.memory_space<vmem>> -> memref<128xi32, #tpu.memory_space<vmem>>
      %dma_wait3A_410 = arith.constant 0 : i32
      %dma_wait3A_411 = arith.constant 0 : i32
      %dma_wait3A_412 = tpu.memref_slice %arg15[%dma_wait3A_410, %dma_wait3A_411] : memref<1024x128xf32, #tpu.memory_space<vmem_shared>> -> memref<1024x128xf32, #tpu.memory_space<vmem_shared>>
      %dma_wait3A_413 = tpu.memref_slice %arg19[%dma_wait3A_406] : memref<2x!tpu.dma_semaphore, #tpu.memory_space<semaphore_mem>> -> memref<1x!tpu.dma_semaphore, #tpu.memory_space<semaphore_mem>>
      %dma_wait3A_414 = tpu.memref_squeeze %dma_wait3A_413 : memref<1x!tpu.dma_semaphore, #tpu.memory_space<semaphore_mem>> -> memref<!tpu.dma_semaphore, #tpu.memory_space<semaphore_mem>>
      tpu.wait_indirect_dma semaphore(%dma_wait3A_414 : memref<!tpu.dma_semaphore, #tpu.memory_space<semaphore_mem>>) src(%arg12 : memref<128x128xf32, #tpu.memory_space<vmem>>) dst(%dma_wait3A_412 : memref<1024x128xf32, #tpu.memory_space<vmem_shared>>)
    } else {
    }
    %mul3A_55 = arith.constant 4 : i32
    %mul3A_56 = arith.muli %add3A_52, %mul3A_55 : i32
    %add3A_57 = arith.constant 0 : i32
    %add3A_58 = arith.addi %mul3A_56, %add3A_57 : i32
    %add3A_59 = arith.constant 2 : i32
    %add3A_60 = arith.addi %add3A_58, %add3A_59 : i32
    %mul3A_61 = arith.constant 4 : i32
    %mul3A_62 = arith.muli %add3A, %mul3A_61 : i32
    %add3A_63 = arith.addi %mul3A_62, %add3A_60 : i32
    %dma_start3A_64 = arith.constant 2 : i32
    %dma_start3A_65 = arith.constant 0 : i32
    %dma_start3A_66 = arith.constant 0 : i32
    %dma_start3A_67 = tpu.memref_slice %arg4[%add3A_63, %dma_start3A_65, %dma_start3A_66] : memref<128x2x128xi32, #tpu.memory_space<hbm>> -> memref<1x2x128xi32, #tpu.memory_space<hbm>>
    %dma_start3A_68 = tpu.memref_squeeze %dma_start3A_67 : memref<1x2x128xi32, #tpu.memory_space<hbm>> -> memref<2x128xi32, #tpu.memory_space<hbm>>
    %dma_start3A_69 = tpu.memref_slice %arg17[%dma_start3A_64] : memref<4x!tpu.dma_semaphore, #tpu.memory_space<semaphore_mem>> -> memref<1x!tpu.dma_semaphore, #tpu.memory_space<semaphore_mem>>
    %dma_start3A_70 = tpu.memref_squeeze %dma_start3A_69 : memref<1x!tpu.dma_semaphore, #tpu.memory_space<semaphore_mem>> -> memref<!tpu.dma_semaphore, #tpu.memory_space<semaphore_mem>>
    %dma_start3A_71 = arith.constant 0 : i32
    %dma_start3A_72 = arith.constant 0 : i32
    %dma_start3A_73 = tpu.memref_slice %arg4[%add3A_63, %dma_start3A_71, %dma_start3A_72] : memref<128x2x128xi32, #tpu.memory_space<hbm>> -> memref<1x2x128xi32, #tpu.memory_space<hbm>>
    %dma_start3A_74 = tpu.memref_squeeze %dma_start3A_73 : memref<1x2x128xi32, #tpu.memory_space<hbm>> -> memref<2x128xi32, #tpu.memory_space<hbm>>
    tpu.enqueue_dma source(%dma_start3A_74 : memref<2x128xi32, #tpu.memory_space<hbm>>) target(%arg10 : memref<2x128xi32, #tpu.memory_space<vmem>>) target_semaphore(%dma_start3A_70 : memref<!tpu.dma_semaphore, #tpu.memory_space<semaphore_mem>>)
    %mul3A_75 = arith.constant 4 : i32
    %mul3A_76 = arith.muli %add3A_52, %mul3A_75 : i32
    %add3A_77 = arith.constant 0 : i32
    %add3A_78 = arith.addi %mul3A_76, %add3A_77 : i32
    %mul3A_79 = arith.constant 4 : i32
    %mul3A_80 = arith.muli %add3A, %mul3A_79 : i32
    %add3A_81 = arith.addi %mul3A_80, %add3A_78 : i32
    %dma_wait3A = arith.constant 0 : i32
    %dma_wait3A_82 = arith.constant 0 : i32
    %dma_wait3A_83 = arith.constant 0 : i32
    %dma_wait3A_84 = tpu.memref_slice %arg4[%add3A_81, %dma_wait3A_82, %dma_wait3A_83] : memref<128x2x128xi32, #tpu.memory_space<hbm>> -> memref<1x2x128xi32, #tpu.memory_space<hbm>>
    %dma_wait3A_85 = tpu.memref_squeeze %dma_wait3A_84 : memref<1x2x128xi32, #tpu.memory_space<hbm>> -> memref<2x128xi32, #tpu.memory_space<hbm>>
    %dma_wait3A_86 = tpu.memref_slice %arg17[%dma_wait3A] : memref<4x!tpu.dma_semaphore, #tpu.memory_space<semaphore_mem>> -> memref<1x!tpu.dma_semaphore, #tpu.memory_space<semaphore_mem>>
    %dma_wait3A_87 = tpu.memref_squeeze %dma_wait3A_86 : memref<1x!tpu.dma_semaphore, #tpu.memory_space<semaphore_mem>> -> memref<!tpu.dma_semaphore, #tpu.memory_space<semaphore_mem>>
    %dma_wait3A_88 = arith.constant 0 : i32
    %dma_wait3A_89 = arith.constant 0 : i32
    %dma_wait3A_90 = tpu.memref_slice %arg4[%add3A_81, %dma_wait3A_88, %dma_wait3A_89] : memref<128x2x128xi32, #tpu.memory_space<hbm>> -> memref<1x2x128xi32, #tpu.memory_space<hbm>>
    %dma_wait3A_91 = tpu.memref_squeeze %dma_wait3A_90 : memref<1x2x128xi32, #tpu.memory_space<hbm>> -> memref<2x128xi32, #tpu.memory_space<hbm>>
    tpu.wait_dma2 semaphore(%dma_wait3A_87 : memref<!tpu.dma_semaphore, #tpu.memory_space<semaphore_mem>>) src(%dma_wait3A_91 : memref<2x128xi32, #tpu.memory_space<hbm>>) dst(%arg8 : memref<2x128xi32, #tpu.memory_space<vmem>>)
    %dma_start3A_92 = arith.constant 0 : i32
    %dma_start3A_93 = arith.constant 0 : i32
    %dma_start3A_94 = arith.constant 0 : i32
    %dma_start3A_95 = tpu.memref_slice %arg8[%dma_start3A_92, %dma_start3A_94] : memref<2x128xi32, #tpu.memory_space<vmem>> -> memref<1x128xi32, #tpu.memory_space<vmem>>
    %dma_start3A_96 = tpu.memref_squeeze %dma_start3A_95 : memref<1x128xi32, #tpu.memory_space<vmem>> -> memref<128xi32, #tpu.memory_space<vmem>>
    %dma_start3A_97 = arith.constant 0 : i32
    %dma_start3A_98 = arith.constant 0 : i32
    %dma_start3A_99 = tpu.memref_slice %arg2[%dma_start3A_97, %dma_start3A_98] : memref<1000x128xf32, #tpu.memory_space<hbm>> -> memref<1000x128xf32, #tpu.memory_space<hbm>>
    %dma_start3A_100 = tpu.memref_slice %arg18[%dma_start3A_93] : memref<2x!tpu.dma_semaphore, #tpu.memory_space<semaphore_mem>> -> memref<1x!tpu.dma_semaphore, #tpu.memory_space<semaphore_mem>>
    %dma_start3A_101 = tpu.memref_squeeze %dma_start3A_100 : memref<1x!tpu.dma_semaphore, #tpu.memory_space<semaphore_mem>> -> memref<!tpu.dma_semaphore, #tpu.memory_space<semaphore_mem>>
    tpu.enqueue_indirect_dma source(%dma_start3A_99 : memref<1000x128xf32, #tpu.memory_space<hbm>>) target(%arg12 : memref<128x128xf32, #tpu.memory_space<vmem>>) offsets(%dma_start3A_96 : memref<128xi32, #tpu.memory_space<vmem>>) semaphore(%dma_start3A_101 : memref<!tpu.dma_semaphore, #tpu.memory_space<semaphore_mem>>)
    %dma_wait3A_102 = arith.constant 0 : i32
    %dma_wait3A_103 = arith.constant 0 : i32
    %dma_wait3A_104 = arith.constant 0 : i32
    %dma_wait3A_105 = tpu.memref_slice %arg8[%dma_wait3A_102, %dma_wait3A_104] : memref<2x128xi32, #tpu.memory_space<vmem>> -> memref<1x128xi32, #tpu.memory_space<vmem>>
    %dma_wait3A_106 = tpu.memref_squeeze %dma_wait3A_105 : memref<1x128xi32, #tpu.memory_space<vmem>> -> memref<128xi32, #tpu.memory_space<vmem>>
    %dma_wait3A_107 = arith.constant 0 : i32
    %dma_wait3A_108 = arith.constant 0 : i32
    %dma_wait3A_109 = tpu.memref_slice %arg2[%dma_wait3A_107, %dma_wait3A_108] : memref<1000x128xf32, #tpu.memory_space<hbm>> -> memref<1000x128xf32, #tpu.memory_space<hbm>>
    %dma_wait3A_110 = tpu.memref_slice %arg18[%dma_wait3A_103] : memref<2x!tpu.dma_semaphore, #tpu.memory_space<semaphore_mem>> -> memref<1x!tpu.dma_semaphore, #tpu.memory_space<semaphore_mem>>
    %dma_wait3A_111 = tpu.memref_squeeze %dma_wait3A_110 : memref<1x!tpu.dma_semaphore, #tpu.memory_space<semaphore_mem>> -> memref<!tpu.dma_semaphore, #tpu.memory_space<semaphore_mem>>
    tpu.wait_indirect_dma semaphore(%dma_wait3A_111 : memref<!tpu.dma_semaphore, #tpu.memory_space<semaphore_mem>>) src(%dma_wait3A_109 : memref<1000x128xf32, #tpu.memory_space<hbm>>) dst(%arg12 : memref<128x128xf32, #tpu.memory_space<vmem>>)
    %dma_start3A_112 = arith.constant 1 : i32
    %dma_start3A_113 = arith.constant 0 : i32
    %dma_start3A_114 = arith.constant 0 : i32
    %dma_start3A_115 = tpu.memref_slice %arg8[%dma_start3A_112, %dma_start3A_114] : memref<2x128xi32, #tpu.memory_space<vmem>> -> memref<1x128xi32, #tpu.memory_space<vmem>>
    %dma_start3A_116 = tpu.memref_squeeze %dma_start3A_115 : memref<1x128xi32, #tpu.memory_space<vmem>> -> memref<128xi32, #tpu.memory_space<vmem>>
    %dma_start3A_117 = arith.constant 0 : i32
    %dma_start3A_118 = arith.constant 0 : i32
    %dma_start3A_119 = tpu.memref_slice %arg15[%dma_start3A_117, %dma_start3A_118] : memref<1024x128xf32, #tpu.memory_space<vmem_shared>> -> memref<1024x128xf32, #tpu.memory_space<vmem_shared>>
    %dma_start3A_120 = tpu.memref_slice %arg19[%dma_start3A_113] : memref<2x!tpu.dma_semaphore, #tpu.memory_space<semaphore_mem>> -> memref<1x!tpu.dma_semaphore, #tpu.memory_space<semaphore_mem>>
    %dma_start3A_121 = tpu.memref_squeeze %dma_start3A_120 : memref<1x!tpu.dma_semaphore, #tpu.memory_space<semaphore_mem>> -> memref<!tpu.dma_semaphore, #tpu.memory_space<semaphore_mem>>
    tpu.enqueue_indirect_dma source(%arg12 : memref<128x128xf32, #tpu.memory_space<vmem>>) target(%dma_start3A_119 : memref<1024x128xf32, #tpu.memory_space<vmem_shared>>) offsets(%dma_start3A_116 : memref<128xi32, #tpu.memory_space<vmem>>) semaphore(%dma_start3A_121 : memref<!tpu.dma_semaphore, #tpu.memory_space<semaphore_mem>>) {add = true}
    %gt3A_122 = arith.constant 0 : i32
    %gt3A_123 = arith.cmpi sgt, %add3A_52, %gt3A_122 : i32
    %convert_element_type3A_124 = arith.extui %gt3A_123 : i1 to i32
    %cond3A_125 = arith.constant 0 : i32
    %cond3A_126 = arith.cmpi ne, %convert_element_type3A_124, %cond3A_125 : i32
    scf.if %cond3A_126 {
      %dma_wait3A_405 = arith.constant 1 : i32
      %dma_wait3A_406 = arith.constant 1 : i32
      %dma_wait3A_407 = arith.constant 0 : i32
      %dma_wait3A_408 = tpu.memref_slice %arg11[%dma_wait3A_405, %dma_wait3A_407] : memref<2x128xi32, #tpu.memory_space<vmem>> -> memref<1x128xi32, #tpu.memory_space<vmem>>
      %dma_wait3A_409 = tpu.memref_squeeze %dma_wait3A_408 : memref<1x128xi32, #tpu.memory_space<vmem>> -> memref<128xi32, #tpu.memory_space<vmem>>
      %dma_wait3A_410 = arith.constant 0 : i32
      %dma_wait3A_411 = arith.constant 0 : i32
      %dma_wait3A_412 = tpu.memref_slice %arg15[%dma_wait3A_410, %dma_wait3A_411] : memref<1024x128xf32, #tpu.memory_space<vmem_shared>> -> memref<1024x128xf32, #tpu.memory_space<vmem_shared>>
      %dma_wait3A_413 = tpu.memref_slice %arg19[%dma_wait3A_406] : memref<2x!tpu.dma_semaphore, #tpu.memory_space<semaphore_mem>> -> memref<1x!tpu.dma_semaphore, #tpu.memory_space<semaphore_mem>>
      %dma_wait3A_414 = tpu.memref_squeeze %dma_wait3A_413 : memref<1x!tpu.dma_semaphore, #tpu.memory_space<semaphore_mem>> -> memref<!tpu.dma_semaphore, #tpu.memory_space<semaphore_mem>>
      tpu.wait_indirect_dma semaphore(%dma_wait3A_414 : memref<!tpu.dma_semaphore, #tpu.memory_space<semaphore_mem>>) src(%arg13 : memref<128x128xf32, #tpu.memory_space<vmem>>) dst(%dma_wait3A_412 : memref<1024x128xf32, #tpu.memory_space<vmem_shared>>)
    } else {
    }
    %mul3A_127 = arith.constant 4 : i32
    %mul3A_128 = arith.muli %add3A_52, %mul3A_127 : i32
    %add3A_129 = arith.constant 1 : i32
    %add3A_130 = arith.addi %mul3A_128, %add3A_129 : i32
    %add3A_131 = arith.constant 2 : i32
    %add3A_132 = arith.addi %add3A_130, %add3A_131 : i32
    %mul3A_133 = arith.constant 4 : i32
    %mul3A_134 = arith.muli %add3A, %mul3A_133 : i32
    %add3A_135 = arith.addi %mul3A_134, %add3A_132 : i32
    %dma_start3A_136 = arith.constant 3 : i32
    %dma_start3A_137 = arith.constant 0 : i32
    %dma_start3A_138 = arith.constant 0 : i32
    %dma_start3A_139 = tpu.memref_slice %arg4[%add3A_135, %dma_start3A_137, %dma_start3A_138] : memref<128x2x128xi32, #tpu.memory_space<hbm>> -> memref<1x2x128xi32, #tpu.memory_space<hbm>>
    %dma_start3A_140 = tpu.memref_squeeze %dma_start3A_139 : memref<1x2x128xi32, #tpu.memory_space<hbm>> -> memref<2x128xi32, #tpu.memory_space<hbm>>
    %dma_start3A_141 = tpu.memref_slice %arg17[%dma_start3A_136] : memref<4x!tpu.dma_semaphore, #tpu.memory_space<semaphore_mem>> -> memref<1x!tpu.dma_semaphore, #tpu.memory_space<semaphore_mem>>
    %dma_start3A_142 = tpu.memref_squeeze %dma_start3A_141 : memref<1x!tpu.dma_semaphore, #tpu.memory_space<semaphore_mem>> -> memref<!tpu.dma_semaphore, #tpu.memory_space<semaphore_mem>>
    %dma_start3A_143 = arith.constant 0 : i32
    %dma_start3A_144 = arith.constant 0 : i32
    %dma_start3A_145 = tpu.memref_slice %arg4[%add3A_135, %dma_start3A_143, %dma_start3A_144] : memref<128x2x128xi32, #tpu.memory_space<hbm>> -> memref<1x2x128xi32, #tpu.memory_space<hbm>>
    %dma_start3A_146 = tpu.memref_squeeze %dma_start3A_145 : memref<1x2x128xi32, #tpu.memory_space<hbm>> -> memref<2x128xi32, #tpu.memory_space<hbm>>
    tpu.enqueue_dma source(%dma_start3A_146 : memref<2x128xi32, #tpu.memory_space<hbm>>) target(%arg11 : memref<2x128xi32, #tpu.memory_space<vmem>>) target_semaphore(%dma_start3A_142 : memref<!tpu.dma_semaphore, #tpu.memory_space<semaphore_mem>>)
    %mul3A_147 = arith.constant 4 : i32
    %mul3A_148 = arith.muli %add3A_52, %mul3A_147 : i32
    %add3A_149 = arith.constant 1 : i32
    %add3A_150 = arith.addi %mul3A_148, %add3A_149 : i32
    %mul3A_151 = arith.constant 4 : i32
    %mul3A_152 = arith.muli %add3A, %mul3A_151 : i32
    %add3A_153 = arith.addi %mul3A_152, %add3A_150 : i32
    %dma_wait3A_154 = arith.constant 1 : i32
    %dma_wait3A_155 = arith.constant 0 : i32
    %dma_wait3A_156 = arith.constant 0 : i32
    %dma_wait3A_157 = tpu.memref_slice %arg4[%add3A_153, %dma_wait3A_155, %dma_wait3A_156] : memref<128x2x128xi32, #tpu.memory_space<hbm>> -> memref<1x2x128xi32, #tpu.memory_space<hbm>>
    %dma_wait3A_158 = tpu.memref_squeeze %dma_wait3A_157 : memref<1x2x128xi32, #tpu.memory_space<hbm>> -> memref<2x128xi32, #tpu.memory_space<hbm>>
    %dma_wait3A_159 = tpu.memref_slice %arg17[%dma_wait3A_154] : memref<4x!tpu.dma_semaphore, #tpu.memory_space<semaphore_mem>> -> memref<1x!tpu.dma_semaphore, #tpu.memory_space<semaphore_mem>>
    %dma_wait3A_160 = tpu.memref_squeeze %dma_wait3A_159 : memref<1x!tpu.dma_semaphore, #tpu.memory_space<semaphore_mem>> -> memref<!tpu.dma_semaphore, #tpu.memory_space<semaphore_mem>>
    %dma_wait3A_161 = arith.constant 0 : i32
    %dma_wait3A_162 = arith.constant 0 : i32
    %dma_wait3A_163 = tpu.memref_slice %arg4[%add3A_153, %dma_wait3A_161, %dma_wait3A_162] : memref<128x2x128xi32, #tpu.memory_space<hbm>> -> memref<1x2x128xi32, #tpu.memory_space<hbm>>
    %dma_wait3A_164 = tpu.memref_squeeze %dma_wait3A_163 : memref<1x2x128xi32, #tpu.memory_space<hbm>> -> memref<2x128xi32, #tpu.memory_space<hbm>>
    tpu.wait_dma2 semaphore(%dma_wait3A_160 : memref<!tpu.dma_semaphore, #tpu.memory_space<semaphore_mem>>) src(%dma_wait3A_164 : memref<2x128xi32, #tpu.memory_space<hbm>>) dst(%arg9 : memref<2x128xi32, #tpu.memory_space<vmem>>)
    %dma_start3A_165 = arith.constant 0 : i32
    %dma_start3A_166 = arith.constant 1 : i32
    %dma_start3A_167 = arith.constant 0 : i32
    %dma_start3A_168 = tpu.memref_slice %arg9[%dma_start3A_165, %dma_start3A_167] : memref<2x128xi32, #tpu.memory_space<vmem>> -> memref<1x128xi32, #tpu.memory_space<vmem>>
    %dma_start3A_169 = tpu.memref_squeeze %dma_start3A_168 : memref<1x128xi32, #tpu.memory_space<vmem>> -> memref<128xi32, #tpu.memory_space<vmem>>
    %dma_start3A_170 = arith.constant 0 : i32
    %dma_start3A_171 = arith.constant 0 : i32
    %dma_start3A_172 = tpu.memref_slice %arg2[%dma_start3A_170, %dma_start3A_171] : memref<1000x128xf32, #tpu.memory_space<hbm>> -> memref<1000x128xf32, #tpu.memory_space<hbm>>
    %dma_start3A_173 = tpu.memref_slice %arg18[%dma_start3A_166] : memref<2x!tpu.dma_semaphore, #tpu.memory_space<semaphore_mem>> -> memref<1x!tpu.dma_semaphore, #tpu.memory_space<semaphore_mem>>
    %dma_start3A_174 = tpu.memref_squeeze %dma_start3A_173 : memref<1x!tpu.dma_semaphore, #tpu.memory_space<semaphore_mem>> -> memref<!tpu.dma_semaphore, #tpu.memory_space<semaphore_mem>>
    tpu.enqueue_indirect_dma source(%dma_start3A_172 : memref<1000x128xf32, #tpu.memory_space<hbm>>) target(%arg13 : memref<128x128xf32, #tpu.memory_space<vmem>>) offsets(%dma_start3A_169 : memref<128xi32, #tpu.memory_space<vmem>>) semaphore(%dma_start3A_174 : memref<!tpu.dma_semaphore, #tpu.memory_space<semaphore_mem>>)
    %dma_wait3A_175 = arith.constant 0 : i32
    %dma_wait3A_176 = arith.constant 1 : i32
    %dma_wait3A_177 = arith.constant 0 : i32
    %dma_wait3A_178 = tpu.memref_slice %arg9[%dma_wait3A_175, %dma_wait3A_177] : memref<2x128xi32, #tpu.memory_space<vmem>> -> memref<1x128xi32, #tpu.memory_space<vmem>>
    %dma_wait3A_179 = tpu.memref_squeeze %dma_wait3A_178 : memref<1x128xi32, #tpu.memory_space<vmem>> -> memref<128xi32, #tpu.memory_space<vmem>>
    %dma_wait3A_180 = arith.constant 0 : i32
    %dma_wait3A_181 = arith.constant 0 : i32
    %dma_wait3A_182 = tpu.memref_slice %arg2[%dma_wait3A_180, %dma_wait3A_181] : memref<1000x128xf32, #tpu.memory_space<hbm>> -> memref<1000x128xf32, #tpu.memory_space<hbm>>
    %dma_wait3A_183 = tpu.memref_slice %arg18[%dma_wait3A_176] : memref<2x!tpu.dma_semaphore, #tpu.memory_space<semaphore_mem>> -> memref<1x!tpu.dma_semaphore, #tpu.memory_space<semaphore_mem>>
    %dma_wait3A_184 = tpu.memref_squeeze %dma_wait3A_183 : memref<1x!tpu.dma_semaphore, #tpu.memory_space<semaphore_mem>> -> memref<!tpu.dma_semaphore, #tpu.memory_space<semaphore_mem>>
    tpu.wait_indirect_dma semaphore(%dma_wait3A_184 : memref<!tpu.dma_semaphore, #tpu.memory_space<semaphore_mem>>) src(%dma_wait3A_182 : memref<1000x128xf32, #tpu.memory_space<hbm>>) dst(%arg13 : memref<128x128xf32, #tpu.memory_space<vmem>>)
    %dma_start3A_185 = arith.constant 1 : i32
    %dma_start3A_186 = arith.constant 1 : i32
    %dma_start3A_187 = arith.constant 0 : i32
    %dma_start3A_188 = tpu.memref_slice %arg9[%dma_start3A_185, %dma_start3A_187] : memref<2x128xi32, #tpu.memory_space<vmem>> -> memref<1x128xi32, #tpu.memory_space<vmem>>
    %dma_start3A_189 = tpu.memref_squeeze %dma_start3A_188 : memref<1x128xi32, #tpu.memory_space<vmem>> -> memref<128xi32, #tpu.memory_space<vmem>>
    %dma_start3A_190 = arith.constant 0 : i32
    %dma_start3A_191 = arith.constant 0 : i32
    %dma_start3A_192 = tpu.memref_slice %arg15[%dma_start3A_190, %dma_start3A_191] : memref<1024x128xf32, #tpu.memory_space<vmem_shared>> -> memref<1024x128xf32, #tpu.memory_space<vmem_shared>>
    %dma_start3A_193 = tpu.memref_slice %arg19[%dma_start3A_186] : memref<2x!tpu.dma_semaphore, #tpu.memory_space<semaphore_mem>> -> memref<1x!tpu.dma_semaphore, #tpu.memory_space<semaphore_mem>>
    %dma_start3A_194 = tpu.memref_squeeze %dma_start3A_193 : memref<1x!tpu.dma_semaphore, #tpu.memory_space<semaphore_mem>> -> memref<!tpu.dma_semaphore, #tpu.memory_space<semaphore_mem>>
    tpu.enqueue_indirect_dma source(%arg13 : memref<128x128xf32, #tpu.memory_space<vmem>>) target(%dma_start3A_192 : memref<1024x128xf32, #tpu.memory_space<vmem_shared>>) offsets(%dma_start3A_189 : memref<128xi32, #tpu.memory_space<vmem>>) semaphore(%dma_start3A_194 : memref<!tpu.dma_semaphore, #tpu.memory_space<semaphore_mem>>) {add = true}
    %dma_wait3A_195 = arith.constant 1 : i32
    %dma_wait3A_196 = arith.constant 0 : i32
    %dma_wait3A_197 = arith.constant 0 : i32
    %dma_wait3A_198 = tpu.memref_slice %arg8[%dma_wait3A_195, %dma_wait3A_197] : memref<2x128xi32, #tpu.memory_space<vmem>> -> memref<1x128xi32, #tpu.memory_space<vmem>>
    %dma_wait3A_199 = tpu.memref_squeeze %dma_wait3A_198 : memref<1x128xi32, #tpu.memory_space<vmem>> -> memref<128xi32, #tpu.memory_space<vmem>>
    %dma_wait3A_200 = arith.constant 0 : i32
    %dma_wait3A_201 = arith.constant 0 : i32
    %dma_wait3A_202 = tpu.memref_slice %arg15[%dma_wait3A_200, %dma_wait3A_201] : memref<1024x128xf32, #tpu.memory_space<vmem_shared>> -> memref<1024x128xf32, #tpu.memory_space<vmem_shared>>
    %dma_wait3A_203 = tpu.memref_slice %arg19[%dma_wait3A_196] : memref<2x!tpu.dma_semaphore, #tpu.memory_space<semaphore_mem>> -> memref<1x!tpu.dma_semaphore, #tpu.memory_space<semaphore_mem>>
    %dma_wait3A_204 = tpu.memref_squeeze %dma_wait3A_203 : memref<1x!tpu.dma_semaphore, #tpu.memory_space<semaphore_mem>> -> memref<!tpu.dma_semaphore, #tpu.memory_space<semaphore_mem>>
    tpu.wait_indirect_dma semaphore(%dma_wait3A_204 : memref<!tpu.dma_semaphore, #tpu.memory_space<semaphore_mem>>) src(%arg12 : memref<128x128xf32, #tpu.memory_space<vmem>>) dst(%dma_wait3A_202 : memref<1024x128xf32, #tpu.memory_space<vmem_shared>>)
    %lt3A = arith.constant 0 : i32
    %lt3A_205 = arith.cmpi slt, %add3A_52, %lt3A : i32
    %convert_element_type3A_206 = arith.extui %lt3A_205 : i1 to i32
    %cond3A_207 = arith.constant 0 : i32
    %cond3A_208 = arith.cmpi ne, %convert_element_type3A_206, %cond3A_207 : i32
    scf.if %cond3A_208 {
      %mul3A_405 = arith.constant 4 : i32
      %mul3A_406 = arith.muli %add3A_52, %mul3A_405 : i32
      %add3A_407 = arith.constant 2 : i32
      %add3A_408 = arith.addi %mul3A_406, %add3A_407 : i32
      %add3A_409 = arith.constant 2 : i32
      %add3A_410 = arith.addi %add3A_408, %add3A_409 : i32
      %mul3A_411 = arith.constant 4 : i32
      %mul3A_412 = arith.muli %add3A, %mul3A_411 : i32
      %add3A_413 = arith.addi %mul3A_412, %add3A_410 : i32
      %dma_start3A_414 = arith.constant 0 : i32
      %dma_start3A_415 = arith.constant 0 : i32
      %dma_start3A_416 = arith.constant 0 : i32
      %dma_start3A_417 = tpu.memref_slice %arg4[%add3A_413, %dma_start3A_415, %dma_start3A_416] : memref<128x2x128xi32, #tpu.memory_space<hbm>> -> memref<1x2x128xi32, #tpu.memory_space<hbm>>
      %dma_start3A_418 = tpu.memref_squeeze %dma_start3A_417 : memref<1x2x128xi32, #tpu.memory_space<hbm>> -> memref<2x128xi32, #tpu.memory_space<hbm>>
      %dma_start3A_419 = tpu.memref_slice %arg17[%dma_start3A_414] : memref<4x!tpu.dma_semaphore, #tpu.memory_space<semaphore_mem>> -> memref<1x!tpu.dma_semaphore, #tpu.memory_space<semaphore_mem>>
      %dma_start3A_420 = tpu.memref_squeeze %dma_start3A_419 : memref<1x!tpu.dma_semaphore, #tpu.memory_space<semaphore_mem>> -> memref<!tpu.dma_semaphore, #tpu.memory_space<semaphore_mem>>
      %dma_start3A_421 = arith.constant 0 : i32
      %dma_start3A_422 = arith.constant 0 : i32
      %dma_start3A_423 = tpu.memref_slice %arg4[%add3A_413, %dma_start3A_421, %dma_start3A_422] : memref<128x2x128xi32, #tpu.memory_space<hbm>> -> memref<1x2x128xi32, #tpu.memory_space<hbm>>
      %dma_start3A_424 = tpu.memref_squeeze %dma_start3A_423 : memref<1x2x128xi32, #tpu.memory_space<hbm>> -> memref<2x128xi32, #tpu.memory_space<hbm>>
      tpu.enqueue_dma source(%dma_start3A_424 : memref<2x128xi32, #tpu.memory_space<hbm>>) target(%arg8 : memref<2x128xi32, #tpu.memory_space<vmem>>) target_semaphore(%dma_start3A_420 : memref<!tpu.dma_semaphore, #tpu.memory_space<semaphore_mem>>)
    } else {
    }
    %mul3A_209 = arith.constant 4 : i32
    %mul3A_210 = arith.muli %add3A_52, %mul3A_209 : i32
    %add3A_211 = arith.constant 2 : i32
    %add3A_212 = arith.addi %mul3A_210, %add3A_211 : i32
    %mul3A_213 = arith.constant 4 : i32
    %mul3A_214 = arith.muli %add3A, %mul3A_213 : i32
    %add3A_215 = arith.addi %mul3A_214, %add3A_212 : i32
    %dma_wait3A_216 = arith.constant 2 : i32
    %dma_wait3A_217 = arith.constant 0 : i32
    %dma_wait3A_218 = arith.constant 0 : i32
    %dma_wait3A_219 = tpu.memref_slice %arg4[%add3A_215, %dma_wait3A_217, %dma_wait3A_218] : memref<128x2x128xi32, #tpu.memory_space<hbm>> -> memref<1x2x128xi32, #tpu.memory_space<hbm>>
    %dma_wait3A_220 = tpu.memref_squeeze %dma_wait3A_219 : memref<1x2x128xi32, #tpu.memory_space<hbm>> -> memref<2x128xi32, #tpu.memory_space<hbm>>
    %dma_wait3A_221 = tpu.memref_slice %arg17[%dma_wait3A_216] : memref<4x!tpu.dma_semaphore, #tpu.memory_space<semaphore_mem>> -> memref<1x!tpu.dma_semaphore, #tpu.memory_space<semaphore_mem>>
    %dma_wait3A_222 = tpu.memref_squeeze %dma_wait3A_221 : memref<1x!tpu.dma_semaphore, #tpu.memory_space<semaphore_mem>> -> memref<!tpu.dma_semaphore, #tpu.memory_space<semaphore_mem>>
    %dma_wait3A_223 = arith.constant 0 : i32
    %dma_wait3A_224 = arith.constant 0 : i32
    %dma_wait3A_225 = tpu.memref_slice %arg4[%add3A_215, %dma_wait3A_223, %dma_wait3A_224] : memref<128x2x128xi32, #tpu.memory_space<hbm>> -> memref<1x2x128xi32, #tpu.memory_space<hbm>>
    %dma_wait3A_226 = tpu.memref_squeeze %dma_wait3A_225 : memref<1x2x128xi32, #tpu.memory_space<hbm>> -> memref<2x128xi32, #tpu.memory_space<hbm>>
    tpu.wait_dma2 semaphore(%dma_wait3A_222 : memref<!tpu.dma_semaphore, #tpu.memory_space<semaphore_mem>>) src(%dma_wait3A_226 : memref<2x128xi32, #tpu.memory_space<hbm>>) dst(%arg10 : memref<2x128xi32, #tpu.memory_space<vmem>>)
    %dma_start3A_227 = arith.constant 0 : i32
    %dma_start3A_228 = arith.constant 0 : i32
    %dma_start3A_229 = arith.constant 0 : i32
    %dma_start3A_230 = tpu.memref_slice %arg10[%dma_start3A_227, %dma_start3A_229] : memref<2x128xi32, #tpu.memory_space<vmem>> -> memref<1x128xi32, #tpu.memory_space<vmem>>
    %dma_start3A_231 = tpu.memref_squeeze %dma_start3A_230 : memref<1x128xi32, #tpu.memory_space<vmem>> -> memref<128xi32, #tpu.memory_space<vmem>>
    %dma_start3A_232 = arith.constant 0 : i32
    %dma_start3A_233 = arith.constant 0 : i32
    %dma_start3A_234 = tpu.memref_slice %arg2[%dma_start3A_232, %dma_start3A_233] : memref<1000x128xf32, #tpu.memory_space<hbm>> -> memref<1000x128xf32, #tpu.memory_space<hbm>>
    %dma_start3A_235 = tpu.memref_slice %arg18[%dma_start3A_228] : memref<2x!tpu.dma_semaphore, #tpu.memory_space<semaphore_mem>> -> memref<1x!tpu.dma_semaphore, #tpu.memory_space<semaphore_mem>>
    %dma_start3A_236 = tpu.memref_squeeze %dma_start3A_235 : memref<1x!tpu.dma_semaphore, #tpu.memory_space<semaphore_mem>> -> memref<!tpu.dma_semaphore, #tpu.memory_space<semaphore_mem>>
    tpu.enqueue_indirect_dma source(%dma_start3A_234 : memref<1000x128xf32, #tpu.memory_space<hbm>>) target(%arg12 : memref<128x128xf32, #tpu.memory_space<vmem>>) offsets(%dma_start3A_231 : memref<128xi32, #tpu.memory_space<vmem>>) semaphore(%dma_start3A_236 : memref<!tpu.dma_semaphore, #tpu.memory_space<semaphore_mem>>)
    %dma_wait3A_237 = arith.constant 0 : i32
    %dma_wait3A_238 = arith.constant 0 : i32
    %dma_wait3A_239 = arith.constant 0 : i32
    %dma_wait3A_240 = tpu.memref_slice %arg10[%dma_wait3A_237, %dma_wait3A_239] : memref<2x128xi32, #tpu.memory_space<vmem>> -> memref<1x128xi32, #tpu.memory_space<vmem>>
    %dma_wait3A_241 = tpu.memref_squeeze %dma_wait3A_240 : memref<1x128xi32, #tpu.memory_space<vmem>> -> memref<128xi32, #tpu.memory_space<vmem>>
    %dma_wait3A_242 = arith.constant 0 : i32
    %dma_wait3A_243 = arith.constant 0 : i32
    %dma_wait3A_244 = tpu.memref_slice %arg2[%dma_wait3A_242, %dma_wait3A_243] : memref<1000x128xf32, #tpu.memory_space<hbm>> -> memref<1000x128xf32, #tpu.memory_space<hbm>>
    %dma_wait3A_245 = tpu.memref_slice %arg18[%dma_wait3A_238] : memref<2x!tpu.dma_semaphore, #tpu.memory_space<semaphore_mem>> -> memref<1x!tpu.dma_semaphore, #tpu.memory_space<semaphore_mem>>
    %dma_wait3A_246 = tpu.memref_squeeze %dma_wait3A_245 : memref<1x!tpu.dma_semaphore, #tpu.memory_space<semaphore_mem>> -> memref<!tpu.dma_semaphore, #tpu.memory_space<semaphore_mem>>
    tpu.wait_indirect_dma semaphore(%dma_wait3A_246 : memref<!tpu.dma_semaphore, #tpu.memory_space<semaphore_mem>>) src(%dma_wait3A_244 : memref<1000x128xf32, #tpu.memory_space<hbm>>) dst(%arg12 : memref<128x128xf32, #tpu.memory_space<vmem>>)
    %dma_start3A_247 = arith.constant 1 : i32
    %dma_start3A_248 = arith.constant 0 : i32
    %dma_start3A_249 = arith.constant 0 : i32
    %dma_start3A_250 = tpu.memref_slice %arg10[%dma_start3A_247, %dma_start3A_249] : memref<2x128xi32, #tpu.memory_space<vmem>> -> memref<1x128xi32, #tpu.memory_space<vmem>>
    %dma_start3A_251 = tpu.memref_squeeze %dma_start3A_250 : memref<1x128xi32, #tpu.memory_space<vmem>> -> memref<128xi32, #tpu.memory_space<vmem>>
    %dma_start3A_252 = arith.constant 0 : i32
    %dma_start3A_253 = arith.constant 0 : i32
    %dma_start3A_254 = tpu.memref_slice %arg15[%dma_start3A_252, %dma_start3A_253] : memref<1024x128xf32, #tpu.memory_space<vmem_shared>> -> memref<1024x128xf32, #tpu.memory_space<vmem_shared>>
    %dma_start3A_255 = tpu.memref_slice %arg19[%dma_start3A_248] : memref<2x!tpu.dma_semaphore, #tpu.memory_space<semaphore_mem>> -> memref<1x!tpu.dma_semaphore, #tpu.memory_space<semaphore_mem>>
    %dma_start3A_256 = tpu.memref_squeeze %dma_start3A_255 : memref<1x!tpu.dma_semaphore, #tpu.memory_space<semaphore_mem>> -> memref<!tpu.dma_semaphore, #tpu.memory_space<semaphore_mem>>
    tpu.enqueue_indirect_dma source(%arg12 : memref<128x128xf32, #tpu.memory_space<vmem>>) target(%dma_start3A_254 : memref<1024x128xf32, #tpu.memory_space<vmem_shared>>) offsets(%dma_start3A_251 : memref<128xi32, #tpu.memory_space<vmem>>) semaphore(%dma_start3A_256 : memref<!tpu.dma_semaphore, #tpu.memory_space<semaphore_mem>>) {add = true}
    %dma_wait3A_257 = arith.constant 1 : i32
    %dma_wait3A_258 = arith.constant 1 : i32
    %dma_wait3A_259 = arith.constant 0 : i32
    %dma_wait3A_260 = tpu.memref_slice %arg9[%dma_wait3A_257, %dma_wait3A_259] : memref<2x128xi32, #tpu.memory_space<vmem>> -> memref<1x128xi32, #tpu.memory_space<vmem>>
    %dma_wait3A_261 = tpu.memref_squeeze %dma_wait3A_260 : memref<1x128xi32, #tpu.memory_space<vmem>> -> memref<128xi32, #tpu.memory_space<vmem>>
    %dma_wait3A_262 = arith.constant 0 : i32
    %dma_wait3A_263 = arith.constant 0 : i32
    %dma_wait3A_264 = tpu.memref_slice %arg15[%dma_wait3A_262, %dma_wait3A_263] : memref<1024x128xf32, #tpu.memory_space<vmem_shared>> -> memref<1024x128xf32, #tpu.memory_space<vmem_shared>>
    %dma_wait3A_265 = tpu.memref_slice %arg19[%dma_wait3A_258] : memref<2x!tpu.dma_semaphore, #tpu.memory_space<semaphore_mem>> -> memref<1x!tpu.dma_semaphore, #tpu.memory_space<semaphore_mem>>
    %dma_wait3A_266 = tpu.memref_squeeze %dma_wait3A_265 : memref<1x!tpu.dma_semaphore, #tpu.memory_space<semaphore_mem>> -> memref<!tpu.dma_semaphore, #tpu.memory_space<semaphore_mem>>
    tpu.wait_indirect_dma semaphore(%dma_wait3A_266 : memref<!tpu.dma_semaphore, #tpu.memory_space<semaphore_mem>>) src(%arg13 : memref<128x128xf32, #tpu.memory_space<vmem>>) dst(%dma_wait3A_264 : memref<1024x128xf32, #tpu.memory_space<vmem_shared>>)
    %lt3A_267 = arith.constant 0 : i32
    %lt3A_268 = arith.cmpi slt, %add3A_52, %lt3A_267 : i32
    %convert_element_type3A_269 = arith.extui %lt3A_268 : i1 to i32
    %cond3A_270 = arith.constant 0 : i32
    %cond3A_271 = arith.cmpi ne, %convert_element_type3A_269, %cond3A_270 : i32
    scf.if %cond3A_271 {
      %mul3A_405 = arith.constant 4 : i32
      %mul3A_406 = arith.muli %add3A_52, %mul3A_405 : i32
      %add3A_407 = arith.constant 3 : i32
      %add3A_408 = arith.addi %mul3A_406, %add3A_407 : i32
      %add3A_409 = arith.constant 2 : i32
      %add3A_410 = arith.addi %add3A_408, %add3A_409 : i32
      %mul3A_411 = arith.constant 4 : i32
      %mul3A_412 = arith.muli %add3A, %mul3A_411 : i32
      %add3A_413 = arith.addi %mul3A_412, %add3A_410 : i32
      %dma_start3A_414 = arith.constant 1 : i32
      %dma_start3A_415 = arith.constant 0 : i32
      %dma_start3A_416 = arith.constant 0 : i32
      %dma_start3A_417 = tpu.memref_slice %arg4[%add3A_413, %dma_start3A_415, %dma_start3A_416] : memref<128x2x128xi32, #tpu.memory_space<hbm>> -> memref<1x2x128xi32, #tpu.memory_space<hbm>>
      %dma_start3A_418 = tpu.memref_squeeze %dma_start3A_417 : memref<1x2x128xi32, #tpu.memory_space<hbm>> -> memref<2x128xi32, #tpu.memory_space<hbm>>
      %dma_start3A_419 = tpu.memref_slice %arg17[%dma_start3A_414] : memref<4x!tpu.dma_semaphore, #tpu.memory_space<semaphore_mem>> -> memref<1x!tpu.dma_semaphore, #tpu.memory_space<semaphore_mem>>
      %dma_start3A_420 = tpu.memref_squeeze %dma_start3A_419 : memref<1x!tpu.dma_semaphore, #tpu.memory_space<semaphore_mem>> -> memref<!tpu.dma_semaphore, #tpu.memory_space<semaphore_mem>>
      %dma_start3A_421 = arith.constant 0 : i32
      %dma_start3A_422 = arith.constant 0 : i32
      %dma_start3A_423 = tpu.memref_slice %arg4[%add3A_413, %dma_start3A_421, %dma_start3A_422] : memref<128x2x128xi32, #tpu.memory_space<hbm>> -> memref<1x2x128xi32, #tpu.memory_space<hbm>>
      %dma_start3A_424 = tpu.memref_squeeze %dma_start3A_423 : memref<1x2x128xi32, #tpu.memory_space<hbm>> -> memref<2x128xi32, #tpu.memory_space<hbm>>
      tpu.enqueue_dma source(%dma_start3A_424 : memref<2x128xi32, #tpu.memory_space<hbm>>) target(%arg9 : memref<2x128xi32, #tpu.memory_space<vmem>>) target_semaphore(%dma_start3A_420 : memref<!tpu.dma_semaphore, #tpu.memory_space<semaphore_mem>>)
    } else {
    }
    %mul3A_272 = arith.constant 4 : i32
    %mul3A_273 = arith.muli %add3A_52, %mul3A_272 : i32
    %add3A_274 = arith.constant 3 : i32
    %add3A_275 = arith.addi %mul3A_273, %add3A_274 : i32
    %mul3A_276 = arith.constant 4 : i32
    %mul3A_277 = arith.muli %add3A, %mul3A_276 : i32
    %add3A_278 = arith.addi %mul3A_277, %add3A_275 : i32
    %dma_wait3A_279 = arith.constant 3 : i32
    %dma_wait3A_280 = arith.constant 0 : i32
    %dma_wait3A_281 = arith.constant 0 : i32
    %dma_wait3A_282 = tpu.memref_slice %arg4[%add3A_278, %dma_wait3A_280, %dma_wait3A_281] : memref<128x2x128xi32, #tpu.memory_space<hbm>> -> memref<1x2x128xi32, #tpu.memory_space<hbm>>
    %dma_wait3A_283 = tpu.memref_squeeze %dma_wait3A_282 : memref<1x2x128xi32, #tpu.memory_space<hbm>> -> memref<2x128xi32, #tpu.memory_space<hbm>>
    %dma_wait3A_284 = tpu.memref_slice %arg17[%dma_wait3A_279] : memref<4x!tpu.dma_semaphore, #tpu.memory_space<semaphore_mem>> -> memref<1x!tpu.dma_semaphore, #tpu.memory_space<semaphore_mem>>
    %dma_wait3A_285 = tpu.memref_squeeze %dma_wait3A_284 : memref<1x!tpu.dma_semaphore, #tpu.memory_space<semaphore_mem>> -> memref<!tpu.dma_semaphore, #tpu.memory_space<semaphore_mem>>
    %dma_wait3A_286 = arith.constant 0 : i32
    %dma_wait3A_287 = arith.constant 0 : i32
    %dma_wait3A_288 = tpu.memref_slice %arg4[%add3A_278, %dma_wait3A_286, %dma_wait3A_287] : memref<128x2x128xi32, #tpu.memory_space<hbm>> -> memref<1x2x128xi32, #tpu.memory_space<hbm>>
    %dma_wait3A_289 = tpu.memref_squeeze %dma_wait3A_288 : memref<1x2x128xi32, #tpu.memory_space<hbm>> -> memref<2x128xi32, #tpu.memory_space<hbm>>
    tpu.wait_dma2 semaphore(%dma_wait3A_285 : memref<!tpu.dma_semaphore, #tpu.memory_space<semaphore_mem>>) src(%dma_wait3A_289 : memref<2x128xi32, #tpu.memory_space<hbm>>) dst(%arg11 : memref<2x128xi32, #tpu.memory_space<vmem>>)
    %dma_start3A_290 = arith.constant 0 : i32
    %dma_start3A_291 = arith.constant 1 : i32
    %dma_start3A_292 = arith.constant 0 : i32
    %dma_start3A_293 = tpu.memref_slice %arg11[%dma_start3A_290, %dma_start3A_292] : memref<2x128xi32, #tpu.memory_space<vmem>> -> memref<1x128xi32, #tpu.memory_space<vmem>>
    %dma_start3A_294 = tpu.memref_squeeze %dma_start3A_293 : memref<1x128xi32, #tpu.memory_space<vmem>> -> memref<128xi32, #tpu.memory_space<vmem>>
    %dma_start3A_295 = arith.constant 0 : i32
    %dma_start3A_296 = arith.constant 0 : i32
    %dma_start3A_297 = tpu.memref_slice %arg2[%dma_start3A_295, %dma_start3A_296] : memref<1000x128xf32, #tpu.memory_space<hbm>> -> memref<1000x128xf32, #tpu.memory_space<hbm>>
    %dma_start3A_298 = tpu.memref_slice %arg18[%dma_start3A_291] : memref<2x!tpu.dma_semaphore, #tpu.memory_space<semaphore_mem>> -> memref<1x!tpu.dma_semaphore, #tpu.memory_space<semaphore_mem>>
    %dma_start3A_299 = tpu.memref_squeeze %dma_start3A_298 : memref<1x!tpu.dma_semaphore, #tpu.memory_space<semaphore_mem>> -> memref<!tpu.dma_semaphore, #tpu.memory_space<semaphore_mem>>
    tpu.enqueue_indirect_dma source(%dma_start3A_297 : memref<1000x128xf32, #tpu.memory_space<hbm>>) target(%arg13 : memref<128x128xf32, #tpu.memory_space<vmem>>) offsets(%dma_start3A_294 : memref<128xi32, #tpu.memory_space<vmem>>) semaphore(%dma_start3A_299 : memref<!tpu.dma_semaphore, #tpu.memory_space<semaphore_mem>>)
    %dma_wait3A_300 = arith.constant 0 : i32
    %dma_wait3A_301 = arith.constant 1 : i32
    %dma_wait3A_302 = arith.constant 0 : i32
    %dma_wait3A_303 = tpu.memref_slice %arg11[%dma_wait3A_300, %dma_wait3A_302] : memref<2x128xi32, #tpu.memory_space<vmem>> -> memref<1x128xi32, #tpu.memory_space<vmem>>
    %dma_wait3A_304 = tpu.memref_squeeze %dma_wait3A_303 : memref<1x128xi32, #tpu.memory_space<vmem>> -> memref<128xi32, #tpu.memory_space<vmem>>
    %dma_wait3A_305 = arith.constant 0 : i32
    %dma_wait3A_306 = arith.constant 0 : i32
    %dma_wait3A_307 = tpu.memref_slice %arg2[%dma_wait3A_305, %dma_wait3A_306] : memref<1000x128xf32, #tpu.memory_space<hbm>> -> memref<1000x128xf32, #tpu.memory_space<hbm>>
    %dma_wait3A_308 = tpu.memref_slice %arg18[%dma_wait3A_301] : memref<2x!tpu.dma_semaphore, #tpu.memory_space<semaphore_mem>> -> memref<1x!tpu.dma_semaphore, #tpu.memory_space<semaphore_mem>>
    %dma_wait3A_309 = tpu.memref_squeeze %dma_wait3A_308 : memref<1x!tpu.dma_semaphore, #tpu.memory_space<semaphore_mem>> -> memref<!tpu.dma_semaphore, #tpu.memory_space<semaphore_mem>>
    tpu.wait_indirect_dma semaphore(%dma_wait3A_309 : memref<!tpu.dma_semaphore, #tpu.memory_space<semaphore_mem>>) src(%dma_wait3A_307 : memref<1000x128xf32, #tpu.memory_space<hbm>>) dst(%arg13 : memref<128x128xf32, #tpu.memory_space<vmem>>)
    %dma_start3A_310 = arith.constant 1 : i32
    %dma_start3A_311 = arith.constant 1 : i32
    %dma_start3A_312 = arith.constant 0 : i32
    %dma_start3A_313 = tpu.memref_slice %arg11[%dma_start3A_310, %dma_start3A_312] : memref<2x128xi32, #tpu.memory_space<vmem>> -> memref<1x128xi32, #tpu.memory_space<vmem>>
    %dma_start3A_314 = tpu.memref_squeeze %dma_start3A_313 : memref<1x128xi32, #tpu.memory_space<vmem>> -> memref<128xi32, #tpu.memory_space<vmem>>
    %dma_start3A_315 = arith.constant 0 : i32
    %dma_start3A_316 = arith.constant 0 : i32
    %dma_start3A_317 = tpu.memref_slice %arg15[%dma_start3A_315, %dma_start3A_316] : memref<1024x128xf32, #tpu.memory_space<vmem_shared>> -> memref<1024x128xf32, #tpu.memory_space<vmem_shared>>
    %dma_start3A_318 = tpu.memref_slice %arg19[%dma_start3A_311] : memref<2x!tpu.dma_semaphore, #tpu.memory_space<semaphore_mem>> -> memref<1x!tpu.dma_semaphore, #tpu.memory_space<semaphore_mem>>
    %dma_start3A_319 = tpu.memref_squeeze %dma_start3A_318 : memref<1x!tpu.dma_semaphore, #tpu.memory_space<semaphore_mem>> -> memref<!tpu.dma_semaphore, #tpu.memory_space<semaphore_mem>>
    tpu.enqueue_indirect_dma source(%arg13 : memref<128x128xf32, #tpu.memory_space<vmem>>) target(%dma_start3A_317 : memref<1024x128xf32, #tpu.memory_space<vmem_shared>>) offsets(%dma_start3A_314 : memref<128xi32, #tpu.memory_space<vmem>>) semaphore(%dma_start3A_319 : memref<!tpu.dma_semaphore, #tpu.memory_space<semaphore_mem>>) {add = true}
    %scan3A_320 = arith.constant 1 : i32
    %dma_wait3A_321 = arith.constant 1 : i32
    %dma_wait3A_322 = arith.constant 0 : i32
    %dma_wait3A_323 = arith.constant 0 : i32
    %dma_wait3A_324 = tpu.memref_slice %arg10[%dma_wait3A_321, %dma_wait3A_323] : memref<2x128xi32, #tpu.memory_space<vmem>> -> memref<1x128xi32, #tpu.memory_space<vmem>>
    %dma_wait3A_325 = tpu.memref_squeeze %dma_wait3A_324 : memref<1x128xi32, #tpu.memory_space<vmem>> -> memref<128xi32, #tpu.memory_space<vmem>>
    %dma_wait3A_326 = arith.constant 0 : i32
    %dma_wait3A_327 = arith.constant 0 : i32
    %dma_wait3A_328 = tpu.memref_slice %arg15[%dma_wait3A_326, %dma_wait3A_327] : memref<1024x128xf32, #tpu.memory_space<vmem_shared>> -> memref<1024x128xf32, #tpu.memory_space<vmem_shared>>
    %dma_wait3A_329 = tpu.memref_slice %arg19[%dma_wait3A_322] : memref<2x!tpu.dma_semaphore, #tpu.memory_space<semaphore_mem>> -> memref<1x!tpu.dma_semaphore, #tpu.memory_space<semaphore_mem>>
    %dma_wait3A_330 = tpu.memref_squeeze %dma_wait3A_329 : memref<1x!tpu.dma_semaphore, #tpu.memory_space<semaphore_mem>> -> memref<!tpu.dma_semaphore, #tpu.memory_space<semaphore_mem>>
    tpu.wait_indirect_dma semaphore(%dma_wait3A_330 : memref<!tpu.dma_semaphore, #tpu.memory_space<semaphore_mem>>) src(%arg12 : memref<128x128xf32, #tpu.memory_space<vmem>>) dst(%dma_wait3A_328 : memref<1024x128xf32, #tpu.memory_space<vmem_shared>>)
    %dma_wait3A_331 = arith.constant 1 : i32
    %dma_wait3A_332 = arith.constant 1 : i32
    %dma_wait3A_333 = arith.constant 0 : i32
    %dma_wait3A_334 = tpu.memref_slice %arg11[%dma_wait3A_331, %dma_wait3A_333] : memref<2x128xi32, #tpu.memory_space<vmem>> -> memref<1x128xi32, #tpu.memory_space<vmem>>
    %dma_wait3A_335 = tpu.memref_squeeze %dma_wait3A_334 : memref<1x128xi32, #tpu.memory_space<vmem>> -> memref<128xi32, #tpu.memory_space<vmem>>
    %dma_wait3A_336 = arith.constant 0 : i32
    %dma_wait3A_337 = arith.constant 0 : i32
    %dma_wait3A_338 = tpu.memref_slice %arg15[%dma_wait3A_336, %dma_wait3A_337] : memref<1024x128xf32, #tpu.memory_space<vmem_shared>> -> memref<1024x128xf32, #tpu.memory_space<vmem_shared>>
    %dma_wait3A_339 = tpu.memref_slice %arg19[%dma_wait3A_332] : memref<2x!tpu.dma_semaphore, #tpu.memory_space<semaphore_mem>> -> memref<1x!tpu.dma_semaphore, #tpu.memory_space<semaphore_mem>>
    %dma_wait3A_340 = tpu.memref_squeeze %dma_wait3A_339 : memref<1x!tpu.dma_semaphore, #tpu.memory_space<semaphore_mem>> -> memref<!tpu.dma_semaphore, #tpu.memory_space<semaphore_mem>>
    tpu.wait_indirect_dma semaphore(%dma_wait3A_340 : memref<!tpu.dma_semaphore, #tpu.memory_space<semaphore_mem>>) src(%arg13 : memref<128x128xf32, #tpu.memory_space<vmem>>) dst(%dma_wait3A_338 : memref<1024x128xf32, #tpu.memory_space<vmem_shared>>)
    %mul3A_341 = arith.constant 80 : i32
    %mul3A_342 = arith.muli %add3A, %mul3A_341 : i32
    %add3A_343 = arith.constant 0 : i32
    %add3A_344 = arith.addi %mul3A_342, %add3A_343 : i32
    %dma_start3A_345 = arith.constant 0 : i32
    %dma_start3A_346 = arith.constant 0 : i32
    %dma_start3A_347 = arith.constant 0 : i32
    %dma_start3A_348 = tpu.memref_slice %arg5[%add3A_344, %dma_start3A_346, %dma_start3A_347] : memref<2560x2x128xi32, #tpu.memory_space<hbm>> -> memref<1x2x128xi32, #tpu.memory_space<hbm>>
    %dma_start3A_349 = tpu.memref_squeeze %dma_start3A_348 : memref<1x2x128xi32, #tpu.memory_space<hbm>> -> memref<2x128xi32, #tpu.memory_space<hbm>>
    %dma_start3A_350 = tpu.memref_slice %arg17[%dma_start3A_345] : memref<4x!tpu.dma_semaphore, #tpu.memory_space<semaphore_mem>> -> memref<1x!tpu.dma_semaphore, #tpu.memory_space<semaphore_mem>>
    %dma_start3A_351 = tpu.memref_squeeze %dma_start3A_350 : memref<1x!tpu.dma_semaphore, #tpu.memory_space<semaphore_mem>> -> memref<!tpu.dma_semaphore, #tpu.memory_space<semaphore_mem>>
    %dma_start3A_352 = arith.constant 0 : i32
    %dma_start3A_353 = arith.constant 0 : i32
    %dma_start3A_354 = tpu.memref_slice %arg5[%add3A_344, %dma_start3A_352, %dma_start3A_353] : memref<2560x2x128xi32, #tpu.memory_space<hbm>> -> memref<1x2x128xi32, #tpu.memory_space<hbm>>
    %dma_start3A_355 = tpu.memref_squeeze %dma_start3A_354 : memref<1x2x128xi32, #tpu.memory_space<hbm>> -> memref<2x128xi32, #tpu.memory_space<hbm>>
    tpu.enqueue_dma source(%dma_start3A_355 : memref<2x128xi32, #tpu.memory_space<hbm>>) target(%arg8 : memref<2x128xi32, #tpu.memory_space<vmem>>) target_semaphore(%dma_start3A_351 : memref<!tpu.dma_semaphore, #tpu.memory_space<semaphore_mem>>)
    %mul3A_356 = arith.constant 80 : i32
    %mul3A_357 = arith.muli %add3A, %mul3A_356 : i32
    %add3A_358 = arith.constant 1 : i32
    %add3A_359 = arith.addi %mul3A_357, %add3A_358 : i32
    %dma_start3A_360 = arith.constant 1 : i32
    %dma_start3A_361 = arith.constant 0 : i32
    %dma_start3A_362 = arith.constant 0 : i32
    %dma_start3A_363 = tpu.memref_slice %arg5[%add3A_359, %dma_start3A_361, %dma_start3A_362] : memref<2560x2x128xi32, #tpu.memory_space<hbm>> -> memref<1x2x128xi32, #tpu.memory_space<hbm>>
    %dma_start3A_364 = tpu.memref_squeeze %dma_start3A_363 : memref<1x2x128xi32, #tpu.memory_space<hbm>> -> memref<2x128xi32, #tpu.memory_space<hbm>>
    %dma_start3A_365 = tpu.memref_slice %arg17[%dma_start3A_360] : memref<4x!tpu.dma_semaphore, #tpu.memory_space<semaphore_mem>> -> memref<1x!tpu.dma_semaphore, #tpu.memory_space<semaphore_mem>>
    %dma_start3A_366 = tpu.memref_squeeze %dma_start3A_365 : memref<1x!tpu.dma_semaphore, #tpu.memory_space<semaphore_mem>> -> memref<!tpu.dma_semaphore, #tpu.memory_space<semaphore_mem>>
    %dma_start3A_367 = arith.constant 0 : i32
    %dma_start3A_368 = arith.constant 0 : i32
    %dma_start3A_369 = tpu.memref_slice %arg5[%add3A_359, %dma_start3A_367, %dma_start3A_368] : memref<2560x2x128xi32, #tpu.memory_space<hbm>> -> memref<1x2x128xi32, #tpu.memory_space<hbm>>
    %dma_start3A_370 = tpu.memref_squeeze %dma_start3A_369 : memref<1x2x128xi32, #tpu.memory_space<hbm>> -> memref<2x128xi32, #tpu.memory_space<hbm>>
    tpu.enqueue_dma source(%dma_start3A_370 : memref<2x128xi32, #tpu.memory_space<hbm>>) target(%arg9 : memref<2x128xi32, #tpu.memory_space<vmem>>) target_semaphore(%dma_start3A_366 : memref<!tpu.dma_semaphore, #tpu.memory_space<semaphore_mem>>)
    %scan3A_371 = arith.constant 0 : i32
    %scan3A_372 = arith.constant 20 : i32
    %scan3A_373 = arith.addi %scan3A_371, %scan3A_372 : i32
    %scan3A_374 = arith.constant 1 : i32
    scf.for %scan3A_405 = %scan3A_371 to %scan3A_373 step %scan3A_374  : i32 {
      %mul3A_406 = arith.constant 1 : i32
      %mul3A_407 = arith.muli %scan3A_405, %mul3A_406 : i32
      %add3A_408 = arith.constant 0 : i32
      %add3A_409 = arith.addi %add3A_408, %mul3A_407 : i32
      %gt3A_410 = arith.constant 0 : i32
      %gt3A_411 = arith.cmpi sgt, %add3A_409, %gt3A_410 : i32
      %convert_element_type3A_412 = arith.extui %gt3A_411 : i1 to i32
      %cond3A_413 = arith.constant 0 : i32
      %cond3A_414 = arith.cmpi ne, %convert_element_type3A_412, %cond3A_413 : i32
      scf.if %cond3A_414 {
        %dma_wait3A_682 = arith.constant 1 : i32
        %dma_wait3A_683 = arith.constant 0 : i32
        %dma_wait3A_684 = arith.constant 0 : i32
        %dma_wait3A_685 = tpu.memref_slice %arg10[%dma_wait3A_682, %dma_wait3A_684] : memref<2x128xi32, #tpu.memory_space<vmem>> -> memref<1x128xi32, #tpu.memory_space<vmem>>
        %dma_wait3A_686 = tpu.memref_squeeze %dma_wait3A_685 : memref<1x128xi32, #tpu.memory_space<vmem>> -> memref<128xi32, #tpu.memory_space<vmem>>
        %dma_wait3A_687 = arith.constant 0 : i32
        %dma_wait3A_688 = arith.constant 0 : i32
        %dma_wait3A_689 = tpu.memref_slice %arg16[%dma_wait3A_687, %dma_wait3A_688] : memref<10112x128xf32, #tpu.memory_space<vmem_shared>> -> memref<10112x128xf32, #tpu.memory_space<vmem_shared>>
        %dma_wait3A_690 = tpu.memref_slice %arg19[%dma_wait3A_683] : memref<2x!tpu.dma_semaphore, #tpu.memory_space<semaphore_mem>> -> memref<1x!tpu.dma_semaphore, #tpu.memory_space<semaphore_mem>>
        %dma_wait3A_691 = tpu.memref_squeeze %dma_wait3A_690 : memref<1x!tpu.dma_semaphore, #tpu.memory_space<semaphore_mem>> -> memref<!tpu.dma_semaphore, #tpu.memory_space<semaphore_mem>>
        tpu.wait_indirect_dma semaphore(%dma_wait3A_691 : memref<!tpu.dma_semaphore, #tpu.memory_space<semaphore_mem>>) src(%arg12 : memref<128x128xf32, #tpu.memory_space<vmem>>) dst(%dma_wait3A_689 : memref<10112x128xf32, #tpu.memory_space<vmem_shared>>)
      } else {
      }
      %mul3A_415 = arith.constant 4 : i32
      %mul3A_416 = arith.muli %add3A_409, %mul3A_415 : i32
      %add3A_417 = arith.constant 0 : i32
      %add3A_418 = arith.addi %mul3A_416, %add3A_417 : i32
      %add3A_419 = arith.constant 2 : i32
      %add3A_420 = arith.addi %add3A_418, %add3A_419 : i32
      %mul3A_421 = arith.constant 80 : i32
      %mul3A_422 = arith.muli %add3A, %mul3A_421 : i32
      %add3A_423 = arith.addi %mul3A_422, %add3A_420 : i32
      %dma_start3A_424 = arith.constant 2 : i32
      %dma_start3A_425 = arith.constant 0 : i32
      %dma_start3A_426 = arith.constant 0 : i32
      %dma_start3A_427 = tpu.memref_slice %arg5[%add3A_423, %dma_start3A_425, %dma_start3A_426] : memref<2560x2x128xi32, #tpu.memory_space<hbm>> -> memref<1x2x128xi32, #tpu.memory_space<hbm>>
      %dma_start3A_428 = tpu.memref_squeeze %dma_start3A_427 : memref<1x2x128xi32, #tpu.memory_space<hbm>> -> memref<2x128xi32, #tpu.memory_space<hbm>>
      %dma_start3A_429 = tpu.memref_slice %arg17[%dma_start3A_424] : memref<4x!tpu.dma_semaphore, #tpu.memory_space<semaphore_mem>> -> memref<1x!tpu.dma_semaphore, #tpu.memory_space<semaphore_mem>>
      %dma_start3A_430 = tpu.memref_squeeze %dma_start3A_429 : memref<1x!tpu.dma_semaphore, #tpu.memory_space<semaphore_mem>> -> memref<!tpu.dma_semaphore, #tpu.memory_space<semaphore_mem>>
      %dma_start3A_431 = arith.constant 0 : i32
      %dma_start3A_432 = arith.constant 0 : i32
      %dma_start3A_433 = tpu.memref_slice %arg5[%add3A_423, %dma_start3A_431, %dma_start3A_432] : memref<2560x2x128xi32, #tpu.memory_space<hbm>> -> memref<1x2x128xi32, #tpu.memory_space<hbm>>
      %dma_start3A_434 = tpu.memref_squeeze %dma_start3A_433 : memref<1x2x128xi32, #tpu.memory_space<hbm>> -> memref<2x128xi32, #tpu.memory_space<hbm>>
      tpu.enqueue_dma source(%dma_start3A_434 : memref<2x128xi32, #tpu.memory_space<hbm>>) target(%arg10 : memref<2x128xi32, #tpu.memory_space<vmem>>) target_semaphore(%dma_start3A_430 : memref<!tpu.dma_semaphore, #tpu.memory_space<semaphore_mem>>)
      %mul3A_435 = arith.constant 4 : i32
      %mul3A_436 = arith.muli %add3A_409, %mul3A_435 : i32
      %add3A_437 = arith.constant 0 : i32
      %add3A_438 = arith.addi %mul3A_436, %add3A_437 : i32
      %mul3A_439 = arith.constant 80 : i32
      %mul3A_440 = arith.muli %add3A, %mul3A_439 : i32
      %add3A_441 = arith.addi %mul3A_440, %add3A_438 : i32
      %dma_wait3A_442 = arith.constant 0 : i32
      %dma_wait3A_443 = arith.constant 0 : i32
      %dma_wait3A_444 = arith.constant 0 : i32
      %dma_wait3A_445 = tpu.memref_slice %arg5[%add3A_441, %dma_wait3A_443, %dma_wait3A_444] : memref<2560x2x128xi32, #tpu.memory_space<hbm>> -> memref<1x2x128xi32, #tpu.memory_space<hbm>>
      %dma_wait3A_446 = tpu.memref_squeeze %dma_wait3A_445 : memref<1x2x128xi32, #tpu.memory_space<hbm>> -> memref<2x128xi32, #tpu.memory_space<hbm>>
      %dma_wait3A_447 = tpu.memref_slice %arg17[%dma_wait3A_442] : memref<4x!tpu.dma_semaphore, #tpu.memory_space<semaphore_mem>> -> memref<1x!tpu.dma_semaphore, #tpu.memory_space<semaphore_mem>>
      %dma_wait3A_448 = tpu.memref_squeeze %dma_wait3A_447 : memref<1x!tpu.dma_semaphore, #tpu.memory_space<semaphore_mem>> -> memref<!tpu.dma_semaphore, #tpu.memory_space<semaphore_mem>>
      %dma_wait3A_449 = arith.constant 0 : i32
      %dma_wait3A_450 = arith.constant 0 : i32
      %dma_wait3A_451 = tpu.memref_slice %arg5[%add3A_441, %dma_wait3A_449, %dma_wait3A_450] : memref<2560x2x128xi32, #tpu.memory_space<hbm>> -> memref<1x2x128xi32, #tpu.memory_space<hbm>>
      %dma_wait3A_452 = tpu.memref_squeeze %dma_wait3A_451 : memref<1x2x128xi32, #tpu.memory_space<hbm>> -> memref<2x128xi32, #tpu.memory_space<hbm>>
      tpu.wait_dma2 semaphore(%dma_wait3A_448 : memref<!tpu.dma_semaphore, #tpu.memory_space<semaphore_mem>>) src(%dma_wait3A_452 : memref<2x128xi32, #tpu.memory_space<hbm>>) dst(%arg8 : memref<2x128xi32, #tpu.memory_space<vmem>>)
      %dma_start3A_453 = arith.constant 0 : i32
      %dma_start3A_454 = arith.constant 0 : i32
      %dma_start3A_455 = arith.constant 0 : i32
      %dma_start3A_456 = tpu.memref_slice %arg8[%dma_start3A_453, %dma_start3A_455] : memref<2x128xi32, #tpu.memory_space<vmem>> -> memref<1x128xi32, #tpu.memory_space<vmem>>
      %dma_start3A_457 = tpu.memref_squeeze %dma_start3A_456 : memref<1x128xi32, #tpu.memory_space<vmem>> -> memref<128xi32, #tpu.memory_space<vmem>>
      %dma_start3A_458 = arith.constant 0 : i32
      %dma_start3A_459 = arith.constant 0 : i32
      %dma_start3A_460 = tpu.memref_slice %arg3[%dma_start3A_458, %dma_start3A_459] : memref<10000x128xf32, #tpu.memory_space<hbm>> -> memref<10000x128xf32, #tpu.memory_space<hbm>>
      %dma_start3A_461 = tpu.memref_slice %arg18[%dma_start3A_454] : memref<2x!tpu.dma_semaphore, #tpu.memory_space<semaphore_mem>> -> memref<1x!tpu.dma_semaphore, #tpu.memory_space<semaphore_mem>>
      %dma_start3A_462 = tpu.memref_squeeze %dma_start3A_461 : memref<1x!tpu.dma_semaphore, #tpu.memory_space<semaphore_mem>> -> memref<!tpu.dma_semaphore, #tpu.memory_space<semaphore_mem>>
      tpu.enqueue_indirect_dma source(%dma_start3A_460 : memref<10000x128xf32, #tpu.memory_space<hbm>>) target(%arg12 : memref<128x128xf32, #tpu.memory_space<vmem>>) offsets(%dma_start3A_457 : memref<128xi32, #tpu.memory_space<vmem>>) semaphore(%dma_start3A_462 : memref<!tpu.dma_semaphore, #tpu.memory_space<semaphore_mem>>)
      %dma_wait3A_463 = arith.constant 0 : i32
      %dma_wait3A_464 = arith.constant 0 : i32
      %dma_wait3A_465 = arith.constant 0 : i32
      %dma_wait3A_466 = tpu.memref_slice %arg8[%dma_wait3A_463, %dma_wait3A_465] : memref<2x128xi32, #tpu.memory_space<vmem>> -> memref<1x128xi32, #tpu.memory_space<vmem>>
      %dma_wait3A_467 = tpu.memref_squeeze %dma_wait3A_466 : memref<1x128xi32, #tpu.memory_space<vmem>> -> memref<128xi32, #tpu.memory_space<vmem>>
      %dma_wait3A_468 = arith.constant 0 : i32
      %dma_wait3A_469 = arith.constant 0 : i32
      %dma_wait3A_470 = tpu.memref_slice %arg3[%dma_wait3A_468, %dma_wait3A_469] : memref<10000x128xf32, #tpu.memory_space<hbm>> -> memref<10000x128xf32, #tpu.memory_space<hbm>>
      %dma_wait3A_471 = tpu.memref_slice %arg18[%dma_wait3A_464] : memref<2x!tpu.dma_semaphore, #tpu.memory_space<semaphore_mem>> -> memref<1x!tpu.dma_semaphore, #tpu.memory_space<semaphore_mem>>
      %dma_wait3A_472 = tpu.memref_squeeze %dma_wait3A_471 : memref<1x!tpu.dma_semaphore, #tpu.memory_space<semaphore_mem>> -> memref<!tpu.dma_semaphore, #tpu.memory_space<semaphore_mem>>
      tpu.wait_indirect_dma semaphore(%dma_wait3A_472 : memref<!tpu.dma_semaphore, #tpu.memory_space<semaphore_mem>>) src(%dma_wait3A_470 : memref<10000x128xf32, #tpu.memory_space<hbm>>) dst(%arg12 : memref<128x128xf32, #tpu.memory_space<vmem>>)
      %dma_start3A_473 = arith.constant 1 : i32
      %dma_start3A_474 = arith.constant 0 : i32
      %dma_start3A_475 = arith.constant 0 : i32
      %dma_start3A_476 = tpu.memref_slice %arg8[%dma_start3A_473, %dma_start3A_475] : memref<2x128xi32, #tpu.memory_space<vmem>> -> memref<1x128xi32, #tpu.memory_space<vmem>>
      %dma_start3A_477 = tpu.memref_squeeze %dma_start3A_476 : memref<1x128xi32, #tpu.memory_space<vmem>> -> memref<128xi32, #tpu.memory_space<vmem>>
      %dma_start3A_478 = arith.constant 0 : i32
      %dma_start3A_479 = arith.constant 0 : i32
      %dma_start3A_480 = tpu.memref_slice %arg16[%dma_start3A_478, %dma_start3A_479] : memref<10112x128xf32, #tpu.memory_space<vmem_shared>> -> memref<10112x128xf32, #tpu.memory_space<vmem_shared>>
      %dma_start3A_481 = tpu.memref_slice %arg19[%dma_start3A_474] : memref<2x!tpu.dma_semaphore, #tpu.memory_space<semaphore_mem>> -> memref<1x!tpu.dma_semaphore, #tpu.memory_space<semaphore_mem>>
      %dma_start3A_482 = tpu.memref_squeeze %dma_start3A_481 : memref<1x!tpu.dma_semaphore, #tpu.memory_space<semaphore_mem>> -> memref<!tpu.dma_semaphore, #tpu.memory_space<semaphore_mem>>
      tpu.enqueue_indirect_dma source(%arg12 : memref<128x128xf32, #tpu.memory_space<vmem>>) target(%dma_start3A_480 : memref<10112x128xf32, #tpu.memory_space<vmem_shared>>) offsets(%dma_start3A_477 : memref<128xi32, #tpu.memory_space<vmem>>) semaphore(%dma_start3A_482 : memref<!tpu.dma_semaphore, #tpu.memory_space<semaphore_mem>>) {add = true}
      %gt3A_483 = arith.constant 0 : i32
      %gt3A_484 = arith.cmpi sgt, %add3A_409, %gt3A_483 : i32
      %convert_element_type3A_485 = arith.extui %gt3A_484 : i1 to i32
      %cond3A_486 = arith.constant 0 : i32
      %cond3A_487 = arith.cmpi ne, %convert_element_type3A_485, %cond3A_486 : i32
      scf.if %cond3A_487 {
        %dma_wait3A_682 = arith.constant 1 : i32
        %dma_wait3A_683 = arith.constant 1 : i32
        %dma_wait3A_684 = arith.constant 0 : i32
        %dma_wait3A_685 = tpu.memref_slice %arg11[%dma_wait3A_682, %dma_wait3A_684] : memref<2x128xi32, #tpu.memory_space<vmem>> -> memref<1x128xi32, #tpu.memory_space<vmem>>
        %dma_wait3A_686 = tpu.memref_squeeze %dma_wait3A_685 : memref<1x128xi32, #tpu.memory_space<vmem>> -> memref<128xi32, #tpu.memory_space<vmem>>
        %dma_wait3A_687 = arith.constant 0 : i32
        %dma_wait3A_688 = arith.constant 0 : i32
        %dma_wait3A_689 = tpu.memref_slice %arg16[%dma_wait3A_687, %dma_wait3A_688] : memref<10112x128xf32, #tpu.memory_space<vmem_shared>> -> memref<10112x128xf32, #tpu.memory_space<vmem_shared>>
        %dma_wait3A_690 = tpu.memref_slice %arg19[%dma_wait3A_683] : memref<2x!tpu.dma_semaphore, #tpu.memory_space<semaphore_mem>> -> memref<1x!tpu.dma_semaphore, #tpu.memory_space<semaphore_mem>>
        %dma_wait3A_691 = tpu.memref_squeeze %dma_wait3A_690 : memref<1x!tpu.dma_semaphore, #tpu.memory_space<semaphore_mem>> -> memref<!tpu.dma_semaphore, #tpu.memory_space<semaphore_mem>>
        tpu.wait_indirect_dma semaphore(%dma_wait3A_691 : memref<!tpu.dma_semaphore, #tpu.memory_space<semaphore_mem>>) src(%arg13 : memref<128x128xf32, #tpu.memory_space<vmem>>) dst(%dma_wait3A_689 : memref<10112x128xf32, #tpu.memory_space<vmem_shared>>)
      } else {
      }
      %mul3A_488 = arith.constant 4 : i32
      %mul3A_489 = arith.muli %add3A_409, %mul3A_488 : i32
      %add3A_490 = arith.constant 1 : i32
      %add3A_491 = arith.addi %mul3A_489, %add3A_490 : i32
      %add3A_492 = arith.constant 2 : i32
      %add3A_493 = arith.addi %add3A_491, %add3A_492 : i32
      %mul3A_494 = arith.constant 80 : i32
      %mul3A_495 = arith.muli %add3A, %mul3A_494 : i32
      %add3A_496 = arith.addi %mul3A_495, %add3A_493 : i32
      %dma_start3A_497 = arith.constant 3 : i32
      %dma_start3A_498 = arith.constant 0 : i32
      %dma_start3A_499 = arith.constant 0 : i32
      %dma_start3A_500 = tpu.memref_slice %arg5[%add3A_496, %dma_start3A_498, %dma_start3A_499] : memref<2560x2x128xi32, #tpu.memory_space<hbm>> -> memref<1x2x128xi32, #tpu.memory_space<hbm>>
      %dma_start3A_501 = tpu.memref_squeeze %dma_start3A_500 : memref<1x2x128xi32, #tpu.memory_space<hbm>> -> memref<2x128xi32, #tpu.memory_space<hbm>>
      %dma_start3A_502 = tpu.memref_slice %arg17[%dma_start3A_497] : memref<4x!tpu.dma_semaphore, #tpu.memory_space<semaphore_mem>> -> memref<1x!tpu.dma_semaphore, #tpu.memory_space<semaphore_mem>>
      %dma_start3A_503 = tpu.memref_squeeze %dma_start3A_502 : memref<1x!tpu.dma_semaphore, #tpu.memory_space<semaphore_mem>> -> memref<!tpu.dma_semaphore, #tpu.memory_space<semaphore_mem>>
      %dma_start3A_504 = arith.constant 0 : i32
      %dma_start3A_505 = arith.constant 0 : i32
      %dma_start3A_506 = tpu.memref_slice %arg5[%add3A_496, %dma_start3A_504, %dma_start3A_505] : memref<2560x2x128xi32, #tpu.memory_space<hbm>> -> memref<1x2x128xi32, #tpu.memory_space<hbm>>
      %dma_start3A_507 = tpu.memref_squeeze %dma_start3A_506 : memref<1x2x128xi32, #tpu.memory_space<hbm>> -> memref<2x128xi32, #tpu.memory_space<hbm>>
      tpu.enqueue_dma source(%dma_start3A_507 : memref<2x128xi32, #tpu.memory_space<hbm>>) target(%arg11 : memref<2x128xi32, #tpu.memory_space<vmem>>) target_semaphore(%dma_start3A_503 : memref<!tpu.dma_semaphore, #tpu.memory_space<semaphore_mem>>)
      %mul3A_508 = arith.constant 4 : i32
      %mul3A_509 = arith.muli %add3A_409, %mul3A_508 : i32
      %add3A_510 = arith.constant 1 : i32
      %add3A_511 = arith.addi %mul3A_509, %add3A_510 : i32
      %mul3A_512 = arith.constant 80 : i32
      %mul3A_513 = arith.muli %add3A, %mul3A_512 : i32
      %add3A_514 = arith.addi %mul3A_513, %add3A_511 : i32
      %dma_wait3A_515 = arith.constant 1 : i32
      %dma_wait3A_516 = arith.constant 0 : i32
      %dma_wait3A_517 = arith.constant 0 : i32
      %dma_wait3A_518 = tpu.memref_slice %arg5[%add3A_514, %dma_wait3A_516, %dma_wait3A_517] : memref<2560x2x128xi32, #tpu.memory_space<hbm>> -> memref<1x2x128xi32, #tpu.memory_space<hbm>>
      %dma_wait3A_519 = tpu.memref_squeeze %dma_wait3A_518 : memref<1x2x128xi32, #tpu.memory_space<hbm>> -> memref<2x128xi32, #tpu.memory_space<hbm>>
      %dma_wait3A_520 = tpu.memref_slice %arg17[%dma_wait3A_515] : memref<4x!tpu.dma_semaphore, #tpu.memory_space<semaphore_mem>> -> memref<1x!tpu.dma_semaphore, #tpu.memory_space<semaphore_mem>>
      %dma_wait3A_521 = tpu.memref_squeeze %dma_wait3A_520 : memref<1x!tpu.dma_semaphore, #tpu.memory_space<semaphore_mem>> -> memref<!tpu.dma_semaphore, #tpu.memory_space<semaphore_mem>>
      %dma_wait3A_522 = arith.constant 0 : i32
      %dma_wait3A_523 = arith.constant 0 : i32
      %dma_wait3A_524 = tpu.memref_slice %arg5[%add3A_514, %dma_wait3A_522, %dma_wait3A_523] : memref<2560x2x128xi32, #tpu.memory_space<hbm>> -> memref<1x2x128xi32, #tpu.memory_space<hbm>>
      %dma_wait3A_525 = tpu.memref_squeeze %dma_wait3A_524 : memref<1x2x128xi32, #tpu.memory_space<hbm>> -> memref<2x128xi32, #tpu.memory_space<hbm>>
      tpu.wait_dma2 semaphore(%dma_wait3A_521 : memref<!tpu.dma_semaphore, #tpu.memory_space<semaphore_mem>>) src(%dma_wait3A_525 : memref<2x128xi32, #tpu.memory_space<hbm>>) dst(%arg9 : memref<2x128xi32, #tpu.memory_space<vmem>>)
      %dma_start3A_526 = arith.constant 0 : i32
      %dma_start3A_527 = arith.constant 1 : i32
      %dma_start3A_528 = arith.constant 0 : i32
      %dma_start3A_529 = tpu.memref_slice %arg9[%dma_start3A_526, %dma_start3A_528] : memref<2x128xi32, #tpu.memory_space<vmem>> -> memref<1x128xi32, #tpu.memory_space<vmem>>
      %dma_start3A_530 = tpu.memref_squeeze %dma_start3A_529 : memref<1x128xi32, #tpu.memory_space<vmem>> -> memref<128xi32, #tpu.memory_space<vmem>>
      %dma_start3A_531 = arith.constant 0 : i32
      %dma_start3A_532 = arith.constant 0 : i32
      %dma_start3A_533 = tpu.memref_slice %arg3[%dma_start3A_531, %dma_start3A_532] : memref<10000x128xf32, #tpu.memory_space<hbm>> -> memref<10000x128xf32, #tpu.memory_space<hbm>>
      %dma_start3A_534 = tpu.memref_slice %arg18[%dma_start3A_527] : memref<2x!tpu.dma_semaphore, #tpu.memory_space<semaphore_mem>> -> memref<1x!tpu.dma_semaphore, #tpu.memory_space<semaphore_mem>>
      %dma_start3A_535 = tpu.memref_squeeze %dma_start3A_534 : memref<1x!tpu.dma_semaphore, #tpu.memory_space<semaphore_mem>> -> memref<!tpu.dma_semaphore, #tpu.memory_space<semaphore_mem>>
      tpu.enqueue_indirect_dma source(%dma_start3A_533 : memref<10000x128xf32, #tpu.memory_space<hbm>>) target(%arg13 : memref<128x128xf32, #tpu.memory_space<vmem>>) offsets(%dma_start3A_530 : memref<128xi32, #tpu.memory_space<vmem>>) semaphore(%dma_start3A_535 : memref<!tpu.dma_semaphore, #tpu.memory_space<semaphore_mem>>)
      %dma_wait3A_536 = arith.constant 0 : i32
      %dma_wait3A_537 = arith.constant 1 : i32
      %dma_wait3A_538 = arith.constant 0 : i32
      %dma_wait3A_539 = tpu.memref_slice %arg9[%dma_wait3A_536, %dma_wait3A_538] : memref<2x128xi32, #tpu.memory_space<vmem>> -> memref<1x128xi32, #tpu.memory_space<vmem>>
      %dma_wait3A_540 = tpu.memref_squeeze %dma_wait3A_539 : memref<1x128xi32, #tpu.memory_space<vmem>> -> memref<128xi32, #tpu.memory_space<vmem>>
      %dma_wait3A_541 = arith.constant 0 : i32
      %dma_wait3A_542 = arith.constant 0 : i32
      %dma_wait3A_543 = tpu.memref_slice %arg3[%dma_wait3A_541, %dma_wait3A_542] : memref<10000x128xf32, #tpu.memory_space<hbm>> -> memref<10000x128xf32, #tpu.memory_space<hbm>>
      %dma_wait3A_544 = tpu.memref_slice %arg18[%dma_wait3A_537] : memref<2x!tpu.dma_semaphore, #tpu.memory_space<semaphore_mem>> -> memref<1x!tpu.dma_semaphore, #tpu.memory_space<semaphore_mem>>
      %dma_wait3A_545 = tpu.memref_squeeze %dma_wait3A_544 : memref<1x!tpu.dma_semaphore, #tpu.memory_space<semaphore_mem>> -> memref<!tpu.dma_semaphore, #tpu.memory_space<semaphore_mem>>
      tpu.wait_indirect_dma semaphore(%dma_wait3A_545 : memref<!tpu.dma_semaphore, #tpu.memory_space<semaphore_mem>>) src(%dma_wait3A_543 : memref<10000x128xf32, #tpu.memory_space<hbm>>) dst(%arg13 : memref<128x128xf32, #tpu.memory_space<vmem>>)
      %dma_start3A_546 = arith.constant 1 : i32
      %dma_start3A_547 = arith.constant 1 : i32
      %dma_start3A_548 = arith.constant 0 : i32
      %dma_start3A_549 = tpu.memref_slice %arg9[%dma_start3A_546, %dma_start3A_548] : memref<2x128xi32, #tpu.memory_space<vmem>> -> memref<1x128xi32, #tpu.memory_space<vmem>>
      %dma_start3A_550 = tpu.memref_squeeze %dma_start3A_549 : memref<1x128xi32, #tpu.memory_space<vmem>> -> memref<128xi32, #tpu.memory_space<vmem>>
      %dma_start3A_551 = arith.constant 0 : i32
      %dma_start3A_552 = arith.constant 0 : i32
      %dma_start3A_553 = tpu.memref_slice %arg16[%dma_start3A_551, %dma_start3A_552] : memref<10112x128xf32, #tpu.memory_space<vmem_shared>> -> memref<10112x128xf32, #tpu.memory_space<vmem_shared>>
      %dma_start3A_554 = tpu.memref_slice %arg19[%dma_start3A_547] : memref<2x!tpu.dma_semaphore, #tpu.memory_space<semaphore_mem>> -> memref<1x!tpu.dma_semaphore, #tpu.memory_space<semaphore_mem>>
      %dma_start3A_555 = tpu.memref_squeeze %dma_start3A_554 : memref<1x!tpu.dma_semaphore, #tpu.memory_space<semaphore_mem>> -> memref<!tpu.dma_semaphore, #tpu.memory_space<semaphore_mem>>
      tpu.enqueue_indirect_dma source(%arg13 : memref<128x128xf32, #tpu.memory_space<vmem>>) target(%dma_start3A_553 : memref<10112x128xf32, #tpu.memory_space<vmem_shared>>) offsets(%dma_start3A_550 : memref<128xi32, #tpu.memory_space<vmem>>) semaphore(%dma_start3A_555 : memref<!tpu.dma_semaphore, #tpu.memory_space<semaphore_mem>>) {add = true}
      %dma_wait3A_556 = arith.constant 1 : i32
      %dma_wait3A_557 = arith.constant 0 : i32
      %dma_wait3A_558 = arith.constant 0 : i32
      %dma_wait3A_559 = tpu.memref_slice %arg8[%dma_wait3A_556, %dma_wait3A_558] : memref<2x128xi32, #tpu.memory_space<vmem>> -> memref<1x128xi32, #tpu.memory_space<vmem>>
      %dma_wait3A_560 = tpu.memref_squeeze %dma_wait3A_559 : memref<1x128xi32, #tpu.memory_space<vmem>> -> memref<128xi32, #tpu.memory_space<vmem>>
      %dma_wait3A_561 = arith.constant 0 : i32
      %dma_wait3A_562 = arith.constant 0 : i32
      %dma_wait3A_563 = tpu.memref_slice %arg16[%dma_wait3A_561, %dma_wait3A_562] : memref<10112x128xf32, #tpu.memory_space<vmem_shared>> -> memref<10112x128xf32, #tpu.memory_space<vmem_shared>>
      %dma_wait3A_564 = tpu.memref_slice %arg19[%dma_wait3A_557] : memref<2x!tpu.dma_semaphore, #tpu.memory_space<semaphore_mem>> -> memref<1x!tpu.dma_semaphore, #tpu.memory_space<semaphore_mem>>
      %dma_wait3A_565 = tpu.memref_squeeze %dma_wait3A_564 : memref<1x!tpu.dma_semaphore, #tpu.memory_space<semaphore_mem>> -> memref<!tpu.dma_semaphore, #tpu.memory_space<semaphore_mem>>
      tpu.wait_indirect_dma semaphore(%dma_wait3A_565 : memref<!tpu.dma_semaphore, #tpu.memory_space<semaphore_mem>>) src(%arg12 : memref<128x128xf32, #tpu.memory_space<vmem>>) dst(%dma_wait3A_563 : memref<10112x128xf32, #tpu.memory_space<vmem_shared>>)
      %lt3A_566 = arith.constant 19 : i32
      %lt3A_567 = arith.cmpi slt, %add3A_409, %lt3A_566 : i32
      %convert_element_type3A_568 = arith.extui %lt3A_567 : i1 to i32
      %cond3A_569 = arith.constant 0 : i32
      %cond3A_570 = arith.cmpi ne, %convert_element_type3A_568, %cond3A_569 : i32
      scf.if %cond3A_570 {
        %mul3A_682 = arith.constant 4 : i32
        %mul3A_683 = arith.muli %add3A_409, %mul3A_682 : i32
        %add3A_684 = arith.constant 2 : i32
        %add3A_685 = arith.addi %mul3A_683, %add3A_684 : i32
        %add3A_686 = arith.constant 2 : i32
        %add3A_687 = arith.addi %add3A_685, %add3A_686 : i32
        %mul3A_688 = arith.constant 80 : i32
        %mul3A_689 = arith.muli %add3A, %mul3A_688 : i32
        %add3A_690 = arith.addi %mul3A_689, %add3A_687 : i32
        %dma_start3A_691 = arith.constant 0 : i32
        %dma_start3A_692 = arith.constant 0 : i32
        %dma_start3A_693 = arith.constant 0 : i32
        %dma_start3A_694 = tpu.memref_slice %arg5[%add3A_690, %dma_start3A_692, %dma_start3A_693] : memref<2560x2x128xi32, #tpu.memory_space<hbm>> -> memref<1x2x128xi32, #tpu.memory_space<hbm>>
        %dma_start3A_695 = tpu.memref_squeeze %dma_start3A_694 : memref<1x2x128xi32, #tpu.memory_space<hbm>> -> memref<2x128xi32, #tpu.memory_space<hbm>>
        %dma_start3A_696 = tpu.memref_slice %arg17[%dma_start3A_691] : memref<4x!tpu.dma_semaphore, #tpu.memory_space<semaphore_mem>> -> memref<1x!tpu.dma_semaphore, #tpu.memory_space<semaphore_mem>>
        %dma_start3A_697 = tpu.memref_squeeze %dma_start3A_696 : memref<1x!tpu.dma_semaphore, #tpu.memory_space<semaphore_mem>> -> memref<!tpu.dma_semaphore, #tpu.memory_space<semaphore_mem>>
        %dma_start3A_698 = arith.constant 0 : i32
        %dma_start3A_699 = arith.constant 0 : i32
        %dma_start3A_700 = tpu.memref_slice %arg5[%add3A_690, %dma_start3A_698, %dma_start3A_699] : memref<2560x2x128xi32, #tpu.memory_space<hbm>> -> memref<1x2x128xi32, #tpu.memory_space<hbm>>
        %dma_start3A_701 = tpu.memref_squeeze %dma_start3A_700 : memref<1x2x128xi32, #tpu.memory_space<hbm>> -> memref<2x128xi32, #tpu.memory_space<hbm>>
        tpu.enqueue_dma source(%dma_start3A_701 : memref<2x128xi32, #tpu.memory_space<hbm>>) target(%arg8 : memref<2x128xi32, #tpu.memory_space<vmem>>) target_semaphore(%dma_start3A_697 : memref<!tpu.dma_semaphore, #tpu.memory_space<semaphore_mem>>)
      } else {
      }
      %mul3A_571 = arith.constant 4 : i32
      %mul3A_572 = arith.muli %add3A_409, %mul3A_571 : i32
      %add3A_573 = arith.constant 2 : i32
      %add3A_574 = arith.addi %mul3A_572, %add3A_573 : i32
      %mul3A_575 = arith.constant 80 : i32
      %mul3A_576 = arith.muli %add3A, %mul3A_575 : i32
      %add3A_577 = arith.addi %mul3A_576, %add3A_574 : i32
      %dma_wait3A_578 = arith.constant 2 : i32
      %dma_wait3A_579 = arith.constant 0 : i32
      %dma_wait3A_580 = arith.constant 0 : i32
      %dma_wait3A_581 = tpu.memref_slice %arg5[%add3A_577, %dma_wait3A_579, %dma_wait3A_580] : memref<2560x2x128xi32, #tpu.memory_space<hbm>> -> memref<1x2x128xi32, #tpu.memory_space<hbm>>
      %dma_wait3A_582 = tpu.memref_squeeze %dma_wait3A_581 : memref<1x2x128xi32, #tpu.memory_space<hbm>> -> memref<2x128xi32, #tpu.memory_space<hbm>>
      %dma_wait3A_583 = tpu.memref_slice %arg17[%dma_wait3A_578] : memref<4x!tpu.dma_semaphore, #tpu.memory_space<semaphore_mem>> -> memref<1x!tpu.dma_semaphore, #tpu.memory_space<semaphore_mem>>
      %dma_wait3A_584 = tpu.memref_squeeze %dma_wait3A_583 : memref<1x!tpu.dma_semaphore, #tpu.memory_space<semaphore_mem>> -> memref<!tpu.dma_semaphore, #tpu.memory_space<semaphore_mem>>
      %dma_wait3A_585 = arith.constant 0 : i32
      %dma_wait3A_586 = arith.constant 0 : i32
      %dma_wait3A_587 = tpu.memref_slice %arg5[%add3A_577, %dma_wait3A_585, %dma_wait3A_586] : memref<2560x2x128xi32, #tpu.memory_space<hbm>> -> memref<1x2x128xi32, #tpu.memory_space<hbm>>
      %dma_wait3A_588 = tpu.memref_squeeze %dma_wait3A_587 : memref<1x2x128xi32, #tpu.memory_space<hbm>> -> memref<2x128xi32, #tpu.memory_space<hbm>>
      tpu.wait_dma2 semaphore(%dma_wait3A_584 : memref<!tpu.dma_semaphore, #tpu.memory_space<semaphore_mem>>) src(%dma_wait3A_588 : memref<2x128xi32, #tpu.memory_space<hbm>>) dst(%arg10 : memref<2x128xi32, #tpu.memory_space<vmem>>)
      %dma_start3A_589 = arith.constant 0 : i32
      %dma_start3A_590 = arith.constant 0 : i32
      %dma_start3A_591 = arith.constant 0 : i32
      %dma_start3A_592 = tpu.memref_slice %arg10[%dma_start3A_589, %dma_start3A_591] : memref<2x128xi32, #tpu.memory_space<vmem>> -> memref<1x128xi32, #tpu.memory_space<vmem>>
      %dma_start3A_593 = tpu.memref_squeeze %dma_start3A_592 : memref<1x128xi32, #tpu.memory_space<vmem>> -> memref<128xi32, #tpu.memory_space<vmem>>
      %dma_start3A_594 = arith.constant 0 : i32
      %dma_start3A_595 = arith.constant 0 : i32
      %dma_start3A_596 = tpu.memref_slice %arg3[%dma_start3A_594, %dma_start3A_595] : memref<10000x128xf32, #tpu.memory_space<hbm>> -> memref<10000x128xf32, #tpu.memory_space<hbm>>
      %dma_start3A_597 = tpu.memref_slice %arg18[%dma_start3A_590] : memref<2x!tpu.dma_semaphore, #tpu.memory_space<semaphore_mem>> -> memref<1x!tpu.dma_semaphore, #tpu.memory_space<semaphore_mem>>
      %dma_start3A_598 = tpu.memref_squeeze %dma_start3A_597 : memref<1x!tpu.dma_semaphore, #tpu.memory_space<semaphore_mem>> -> memref<!tpu.dma_semaphore, #tpu.memory_space<semaphore_mem>>
      tpu.enqueue_indirect_dma source(%dma_start3A_596 : memref<10000x128xf32, #tpu.memory_space<hbm>>) target(%arg12 : memref<128x128xf32, #tpu.memory_space<vmem>>) offsets(%dma_start3A_593 : memref<128xi32, #tpu.memory_space<vmem>>) semaphore(%dma_start3A_598 : memref<!tpu.dma_semaphore, #tpu.memory_space<semaphore_mem>>)
      %dma_wait3A_599 = arith.constant 0 : i32
      %dma_wait3A_600 = arith.constant 0 : i32
      %dma_wait3A_601 = arith.constant 0 : i32
      %dma_wait3A_602 = tpu.memref_slice %arg10[%dma_wait3A_599, %dma_wait3A_601] : memref<2x128xi32, #tpu.memory_space<vmem>> -> memref<1x128xi32, #tpu.memory_space<vmem>>
      %dma_wait3A_603 = tpu.memref_squeeze %dma_wait3A_602 : memref<1x128xi32, #tpu.memory_space<vmem>> -> memref<128xi32, #tpu.memory_space<vmem>>
      %dma_wait3A_604 = arith.constant 0 : i32
      %dma_wait3A_605 = arith.constant 0 : i32
      %dma_wait3A_606 = tpu.memref_slice %arg3[%dma_wait3A_604, %dma_wait3A_605] : memref<10000x128xf32, #tpu.memory_space<hbm>> -> memref<10000x128xf32, #tpu.memory_space<hbm>>
      %dma_wait3A_607 = tpu.memref_slice %arg18[%dma_wait3A_600] : memref<2x!tpu.dma_semaphore, #tpu.memory_space<semaphore_mem>> -> memref<1x!tpu.dma_semaphore, #tpu.memory_space<semaphore_mem>>
      %dma_wait3A_608 = tpu.memref_squeeze %dma_wait3A_607 : memref<1x!tpu.dma_semaphore, #tpu.memory_space<semaphore_mem>> -> memref<!tpu.dma_semaphore, #tpu.memory_space<semaphore_mem>>
      tpu.wait_indirect_dma semaphore(%dma_wait3A_608 : memref<!tpu.dma_semaphore, #tpu.memory_space<semaphore_mem>>) src(%dma_wait3A_606 : memref<10000x128xf32, #tpu.memory_space<hbm>>) dst(%arg12 : memref<128x128xf32, #tpu.memory_space<vmem>>)
      %dma_start3A_609 = arith.constant 1 : i32
      %dma_start3A_610 = arith.constant 0 : i32
      %dma_start3A_611 = arith.constant 0 : i32
      %dma_start3A_612 = tpu.memref_slice %arg10[%dma_start3A_609, %dma_start3A_611] : memref<2x128xi32, #tpu.memory_space<vmem>> -> memref<1x128xi32, #tpu.memory_space<vmem>>
      %dma_start3A_613 = tpu.memref_squeeze %dma_start3A_612 : memref<1x128xi32, #tpu.memory_space<vmem>> -> memref<128xi32, #tpu.memory_space<vmem>>
      %dma_start3A_614 = arith.constant 0 : i32
      %dma_start3A_615 = arith.constant 0 : i32
      %dma_start3A_616 = tpu.memref_slice %arg16[%dma_start3A_614, %dma_start3A_615] : memref<10112x128xf32, #tpu.memory_space<vmem_shared>> -> memref<10112x128xf32, #tpu.memory_space<vmem_shared>>
      %dma_start3A_617 = tpu.memref_slice %arg19[%dma_start3A_610] : memref<2x!tpu.dma_semaphore, #tpu.memory_space<semaphore_mem>> -> memref<1x!tpu.dma_semaphore, #tpu.memory_space<semaphore_mem>>
      %dma_start3A_618 = tpu.memref_squeeze %dma_start3A_617 : memref<1x!tpu.dma_semaphore, #tpu.memory_space<semaphore_mem>> -> memref<!tpu.dma_semaphore, #tpu.memory_space<semaphore_mem>>
      tpu.enqueue_indirect_dma source(%arg12 : memref<128x128xf32, #tpu.memory_space<vmem>>) target(%dma_start3A_616 : memref<10112x128xf32, #tpu.memory_space<vmem_shared>>) offsets(%dma_start3A_613 : memref<128xi32, #tpu.memory_space<vmem>>) semaphore(%dma_start3A_618 : memref<!tpu.dma_semaphore, #tpu.memory_space<semaphore_mem>>) {add = true}
      %dma_wait3A_619 = arith.constant 1 : i32
      %dma_wait3A_620 = arith.constant 1 : i32
      %dma_wait3A_621 = arith.constant 0 : i32
      %dma_wait3A_622 = tpu.memref_slice %arg9[%dma_wait3A_619, %dma_wait3A_621] : memref<2x128xi32, #tpu.memory_space<vmem>> -> memref<1x128xi32, #tpu.memory_space<vmem>>
      %dma_wait3A_623 = tpu.memref_squeeze %dma_wait3A_622 : memref<1x128xi32, #tpu.memory_space<vmem>> -> memref<128xi32, #tpu.memory_space<vmem>>
      %dma_wait3A_624 = arith.constant 0 : i32
      %dma_wait3A_625 = arith.constant 0 : i32
      %dma_wait3A_626 = tpu.memref_slice %arg16[%dma_wait3A_624, %dma_wait3A_625] : memref<10112x128xf32, #tpu.memory_space<vmem_shared>> -> memref<10112x128xf32, #tpu.memory_space<vmem_shared>>
      %dma_wait3A_627 = tpu.memref_slice %arg19[%dma_wait3A_620] : memref<2x!tpu.dma_semaphore, #tpu.memory_space<semaphore_mem>> -> memref<1x!tpu.dma_semaphore, #tpu.memory_space<semaphore_mem>>
      %dma_wait3A_628 = tpu.memref_squeeze %dma_wait3A_627 : memref<1x!tpu.dma_semaphore, #tpu.memory_space<semaphore_mem>> -> memref<!tpu.dma_semaphore, #tpu.memory_space<semaphore_mem>>
      tpu.wait_indirect_dma semaphore(%dma_wait3A_628 : memref<!tpu.dma_semaphore, #tpu.memory_space<semaphore_mem>>) src(%arg13 : memref<128x128xf32, #tpu.memory_space<vmem>>) dst(%dma_wait3A_626 : memref<10112x128xf32, #tpu.memory_space<vmem_shared>>)
      %lt3A_629 = arith.constant 19 : i32
      %lt3A_630 = arith.cmpi slt, %add3A_409, %lt3A_629 : i32
      %convert_element_type3A_631 = arith.extui %lt3A_630 : i1 to i32
      %cond3A_632 = arith.constant 0 : i32
      %cond3A_633 = arith.cmpi ne, %convert_element_type3A_631, %cond3A_632 : i32
      scf.if %cond3A_633 {
        %mul3A_682 = arith.constant 4 : i32
        %mul3A_683 = arith.muli %add3A_409, %mul3A_682 : i32
        %add3A_684 = arith.constant 3 : i32
        %add3A_685 = arith.addi %mul3A_683, %add3A_684 : i32
        %add3A_686 = arith.constant 2 : i32
        %add3A_687 = arith.addi %add3A_685, %add3A_686 : i32
        %mul3A_688 = arith.constant 80 : i32
        %mul3A_689 = arith.muli %add3A, %mul3A_688 : i32
        %add3A_690 = arith.addi %mul3A_689, %add3A_687 : i32
        %dma_start3A_691 = arith.constant 1 : i32
        %dma_start3A_692 = arith.constant 0 : i32
        %dma_start3A_693 = arith.constant 0 : i32
        %dma_start3A_694 = tpu.memref_slice %arg5[%add3A_690, %dma_start3A_692, %dma_start3A_693] : memref<2560x2x128xi32, #tpu.memory_space<hbm>> -> memref<1x2x128xi32, #tpu.memory_space<hbm>>
        %dma_start3A_695 = tpu.memref_squeeze %dma_start3A_694 : memref<1x2x128xi32, #tpu.memory_space<hbm>> -> memref<2x128xi32, #tpu.memory_space<hbm>>
        %dma_start3A_696 = tpu.memref_slice %arg17[%dma_start3A_691] : memref<4x!tpu.dma_semaphore, #tpu.memory_space<semaphore_mem>> -> memref<1x!tpu.dma_semaphore, #tpu.memory_space<semaphore_mem>>
        %dma_start3A_697 = tpu.memref_squeeze %dma_start3A_696 : memref<1x!tpu.dma_semaphore, #tpu.memory_space<semaphore_mem>> -> memref<!tpu.dma_semaphore, #tpu.memory_space<semaphore_mem>>
        %dma_start3A_698 = arith.constant 0 : i32
        %dma_start3A_699 = arith.constant 0 : i32
        %dma_start3A_700 = tpu.memref_slice %arg5[%add3A_690, %dma_start3A_698, %dma_start3A_699] : memref<2560x2x128xi32, #tpu.memory_space<hbm>> -> memref<1x2x128xi32, #tpu.memory_space<hbm>>
        %dma_start3A_701 = tpu.memref_squeeze %dma_start3A_700 : memref<1x2x128xi32, #tpu.memory_space<hbm>> -> memref<2x128xi32, #tpu.memory_space<hbm>>
        tpu.enqueue_dma source(%dma_start3A_701 : memref<2x128xi32, #tpu.memory_space<hbm>>) target(%arg9 : memref<2x128xi32, #tpu.memory_space<vmem>>) target_semaphore(%dma_start3A_697 : memref<!tpu.dma_semaphore, #tpu.memory_space<semaphore_mem>>)
      } else {
      }
      %mul3A_634 = arith.constant 4 : i32
      %mul3A_635 = arith.muli %add3A_409, %mul3A_634 : i32
      %add3A_636 = arith.constant 3 : i32
      %add3A_637 = arith.addi %mul3A_635, %add3A_636 : i32
      %mul3A_638 = arith.constant 80 : i32
      %mul3A_639 = arith.muli %add3A, %mul3A_638 : i32
      %add3A_640 = arith.addi %mul3A_639, %add3A_637 : i32
      %dma_wait3A_641 = arith.constant 3 : i32
      %dma_wait3A_642 = arith.constant 0 : i32
      %dma_wait3A_643 = arith.constant 0 : i32
      %dma_wait3A_644 = tpu.memref_slice %arg5[%add3A_640, %dma_wait3A_642, %dma_wait3A_643] : memref<2560x2x128xi32, #tpu.memory_space<hbm>> -> memref<1x2x128xi32, #tpu.memory_space<hbm>>
      %dma_wait3A_645 = tpu.memref_squeeze %dma_wait3A_644 : memref<1x2x128xi32, #tpu.memory_space<hbm>> -> memref<2x128xi32, #tpu.memory_space<hbm>>
      %dma_wait3A_646 = tpu.memref_slice %arg17[%dma_wait3A_641] : memref<4x!tpu.dma_semaphore, #tpu.memory_space<semaphore_mem>> -> memref<1x!tpu.dma_semaphore, #tpu.memory_space<semaphore_mem>>
      %dma_wait3A_647 = tpu.memref_squeeze %dma_wait3A_646 : memref<1x!tpu.dma_semaphore, #tpu.memory_space<semaphore_mem>> -> memref<!tpu.dma_semaphore, #tpu.memory_space<semaphore_mem>>
      %dma_wait3A_648 = arith.constant 0 : i32
      %dma_wait3A_649 = arith.constant 0 : i32
      %dma_wait3A_650 = tpu.memref_slice %arg5[%add3A_640, %dma_wait3A_648, %dma_wait3A_649] : memref<2560x2x128xi32, #tpu.memory_space<hbm>> -> memref<1x2x128xi32, #tpu.memory_space<hbm>>
      %dma_wait3A_651 = tpu.memref_squeeze %dma_wait3A_650 : memref<1x2x128xi32, #tpu.memory_space<hbm>> -> memref<2x128xi32, #tpu.memory_space<hbm>>
      tpu.wait_dma2 semaphore(%dma_wait3A_647 : memref<!tpu.dma_semaphore, #tpu.memory_space<semaphore_mem>>) src(%dma_wait3A_651 : memref<2x128xi32, #tpu.memory_space<hbm>>) dst(%arg11 : memref<2x128xi32, #tpu.memory_space<vmem>>)
      %dma_start3A_652 = arith.constant 0 : i32
      %dma_start3A_653 = arith.constant 1 : i32
      %dma_start3A_654 = arith.constant 0 : i32
      %dma_start3A_655 = tpu.memref_slice %arg11[%dma_start3A_652, %dma_start3A_654] : memref<2x128xi32, #tpu.memory_space<vmem>> -> memref<1x128xi32, #tpu.memory_space<vmem>>
      %dma_start3A_656 = tpu.memref_squeeze %dma_start3A_655 : memref<1x128xi32, #tpu.memory_space<vmem>> -> memref<128xi32, #tpu.memory_space<vmem>>
      %dma_start3A_657 = arith.constant 0 : i32
      %dma_start3A_658 = arith.constant 0 : i32
      %dma_start3A_659 = tpu.memref_slice %arg3[%dma_start3A_657, %dma_start3A_658] : memref<10000x128xf32, #tpu.memory_space<hbm>> -> memref<10000x128xf32, #tpu.memory_space<hbm>>
      %dma_start3A_660 = tpu.memref_slice %arg18[%dma_start3A_653] : memref<2x!tpu.dma_semaphore, #tpu.memory_space<semaphore_mem>> -> memref<1x!tpu.dma_semaphore, #tpu.memory_space<semaphore_mem>>
      %dma_start3A_661 = tpu.memref_squeeze %dma_start3A_660 : memref<1x!tpu.dma_semaphore, #tpu.memory_space<semaphore_mem>> -> memref<!tpu.dma_semaphore, #tpu.memory_space<semaphore_mem>>
      tpu.enqueue_indirect_dma source(%dma_start3A_659 : memref<10000x128xf32, #tpu.memory_space<hbm>>) target(%arg13 : memref<128x128xf32, #tpu.memory_space<vmem>>) offsets(%dma_start3A_656 : memref<128xi32, #tpu.memory_space<vmem>>) semaphore(%dma_start3A_661 : memref<!tpu.dma_semaphore, #tpu.memory_space<semaphore_mem>>)
      %dma_wait3A_662 = arith.constant 0 : i32
      %dma_wait3A_663 = arith.constant 1 : i32
      %dma_wait3A_664 = arith.constant 0 : i32
      %dma_wait3A_665 = tpu.memref_slice %arg11[%dma_wait3A_662, %dma_wait3A_664] : memref<2x128xi32, #tpu.memory_space<vmem>> -> memref<1x128xi32, #tpu.memory_space<vmem>>
      %dma_wait3A_666 = tpu.memref_squeeze %dma_wait3A_665 : memref<1x128xi32, #tpu.memory_space<vmem>> -> memref<128xi32, #tpu.memory_space<vmem>>
      %dma_wait3A_667 = arith.constant 0 : i32
      %dma_wait3A_668 = arith.constant 0 : i32
      %dma_wait3A_669 = tpu.memref_slice %arg3[%dma_wait3A_667, %dma_wait3A_668] : memref<10000x128xf32, #tpu.memory_space<hbm>> -> memref<10000x128xf32, #tpu.memory_space<hbm>>
      %dma_wait3A_670 = tpu.memref_slice %arg18[%dma_wait3A_663] : memref<2x!tpu.dma_semaphore, #tpu.memory_space<semaphore_mem>> -> memref<1x!tpu.dma_semaphore, #tpu.memory_space<semaphore_mem>>
      %dma_wait3A_671 = tpu.memref_squeeze %dma_wait3A_670 : memref<1x!tpu.dma_semaphore, #tpu.memory_space<semaphore_mem>> -> memref<!tpu.dma_semaphore, #tpu.memory_space<semaphore_mem>>
      tpu.wait_indirect_dma semaphore(%dma_wait3A_671 : memref<!tpu.dma_semaphore, #tpu.memory_space<semaphore_mem>>) src(%dma_wait3A_669 : memref<10000x128xf32, #tpu.memory_space<hbm>>) dst(%arg13 : memref<128x128xf32, #tpu.memory_space<vmem>>)
      %dma_start3A_672 = arith.constant 1 : i32
      %dma_start3A_673 = arith.constant 1 : i32
      %dma_start3A_674 = arith.constant 0 : i32
      %dma_start3A_675 = tpu.memref_slice %arg11[%dma_start3A_672, %dma_start3A_674] : memref<2x128xi32, #tpu.memory_space<vmem>> -> memref<1x128xi32, #tpu.memory_space<vmem>>
      %dma_start3A_676 = tpu.memref_squeeze %dma_start3A_675 : memref<1x128xi32, #tpu.memory_space<vmem>> -> memref<128xi32, #tpu.memory_space<vmem>>
      %dma_start3A_677 = arith.constant 0 : i32
      %dma_start3A_678 = arith.constant 0 : i32
      %dma_start3A_679 = tpu.memref_slice %arg16[%dma_start3A_677, %dma_start3A_678] : memref<10112x128xf32, #tpu.memory_space<vmem_shared>> -> memref<10112x128xf32, #tpu.memory_space<vmem_shared>>
      %dma_start3A_680 = tpu.memref_slice %arg19[%dma_start3A_673] : memref<2x!tpu.dma_semaphore, #tpu.memory_space<semaphore_mem>> -> memref<1x!tpu.dma_semaphore, #tpu.memory_space<semaphore_mem>>
      %dma_start3A_681 = tpu.memref_squeeze %dma_start3A_680 : memref<1x!tpu.dma_semaphore, #tpu.memory_space<semaphore_mem>> -> memref<!tpu.dma_semaphore, #tpu.memory_space<semaphore_mem>>
      tpu.enqueue_indirect_dma source(%arg13 : memref<128x128xf32, #tpu.memory_space<vmem>>) target(%dma_start3A_679 : memref<10112x128xf32, #tpu.memory_space<vmem_shared>>) offsets(%dma_start3A_676 : memref<128xi32, #tpu.memory_space<vmem>>) semaphore(%dma_start3A_681 : memref<!tpu.dma_semaphore, #tpu.memory_space<semaphore_mem>>) {add = true}
    }
    %scan3A_375 = arith.constant 20 : i32
    %dma_wait3A_376 = arith.constant 1 : i32
    %dma_wait3A_377 = arith.constant 0 : i32
    %dma_wait3A_378 = arith.constant 0 : i32
    %dma_wait3A_379 = tpu.memref_slice %arg10[%dma_wait3A_376, %dma_wait3A_378] : memref<2x128xi32, #tpu.memory_space<vmem>> -> memref<1x128xi32, #tpu.memory_space<vmem>>
    %dma_wait3A_380 = tpu.memref_squeeze %dma_wait3A_379 : memref<1x128xi32, #tpu.memory_space<vmem>> -> memref<128xi32, #tpu.memory_space<vmem>>
    %dma_wait3A_381 = arith.constant 0 : i32
    %dma_wait3A_382 = arith.constant 0 : i32
    %dma_wait3A_383 = tpu.memref_slice %arg16[%dma_wait3A_381, %dma_wait3A_382] : memref<10112x128xf32, #tpu.memory_space<vmem_shared>> -> memref<10112x128xf32, #tpu.memory_space<vmem_shared>>
    %dma_wait3A_384 = tpu.memref_slice %arg19[%dma_wait3A_377] : memref<2x!tpu.dma_semaphore, #tpu.memory_space<semaphore_mem>> -> memref<1x!tpu.dma_semaphore, #tpu.memory_space<semaphore_mem>>
    %dma_wait3A_385 = tpu.memref_squeeze %dma_wait3A_384 : memref<1x!tpu.dma_semaphore, #tpu.memory_space<semaphore_mem>> -> memref<!tpu.dma_semaphore, #tpu.memory_space<semaphore_mem>>
    tpu.wait_indirect_dma semaphore(%dma_wait3A_385 : memref<!tpu.dma_semaphore, #tpu.memory_space<semaphore_mem>>) src(%arg12 : memref<128x128xf32, #tpu.memory_space<vmem>>) dst(%dma_wait3A_383 : memref<10112x128xf32, #tpu.memory_space<vmem_shared>>)
    %dma_wait3A_386 = arith.constant 1 : i32
    %dma_wait3A_387 = arith.constant 1 : i32
    %dma_wait3A_388 = arith.constant 0 : i32
    %dma_wait3A_389 = tpu.memref_slice %arg11[%dma_wait3A_386, %dma_wait3A_388] : memref<2x128xi32, #tpu.memory_space<vmem>> -> memref<1x128xi32, #tpu.memory_space<vmem>>
    %dma_wait3A_390 = tpu.memref_squeeze %dma_wait3A_389 : memref<1x128xi32, #tpu.memory_space<vmem>> -> memref<128xi32, #tpu.memory_space<vmem>>
    %dma_wait3A_391 = arith.constant 0 : i32
    %dma_wait3A_392 = arith.constant 0 : i32
    %dma_wait3A_393 = tpu.memref_slice %arg16[%dma_wait3A_391, %dma_wait3A_392] : memref<10112x128xf32, #tpu.memory_space<vmem_shared>> -> memref<10112x128xf32, #tpu.memory_space<vmem_shared>>
    %dma_wait3A_394 = tpu.memref_slice %arg19[%dma_wait3A_387] : memref<2x!tpu.dma_semaphore, #tpu.memory_space<semaphore_mem>> -> memref<1x!tpu.dma_semaphore, #tpu.memory_space<semaphore_mem>>
    %dma_wait3A_395 = tpu.memref_squeeze %dma_wait3A_394 : memref<1x!tpu.dma_semaphore, #tpu.memory_space<semaphore_mem>> -> memref<!tpu.dma_semaphore, #tpu.memory_space<semaphore_mem>>
    tpu.wait_indirect_dma semaphore(%dma_wait3A_395 : memref<!tpu.dma_semaphore, #tpu.memory_space<semaphore_mem>>) src(%arg13 : memref<128x128xf32, #tpu.memory_space<vmem>>) dst(%dma_wait3A_393 : memref<10112x128xf32, #tpu.memory_space<vmem_shared>>)
    %barrier3A_396 = arith.constant 0 : index
    tpu.barrier barrier_id(%barrier3A_396)
    %mul3A_397 = arith.constant 64 : i32
    %mul3A_398 = arith.muli %arg1, %mul3A_397 : i32
    %mul3A_399 = arith.constant 64 : i32
    %mul3A_400 = arith.muli %arg1, %mul3A_399 : i32
    "tpu.region"() ({
      %run_scoped3A = tpu.sem_alloc : memref<!tpu.dma_semaphore, #tpu.memory_space<semaphore_mem>>
      %dma_start3A_405 = arith.constant 0 : i32
      %dma_start3A_406 = arith.constant 0 : i32
      %dma_start3A_407 = tpu.memref_slice %arg6[%arg0, %dma_start3A_405, %dma_start3A_406] : memref<2x1024x128xf32, #tpu.memory_space<hbm>> -> memref<1x1024x128xf32, #tpu.memory_space<hbm>>
      %dma_start3A_408 = tpu.memref_squeeze %dma_start3A_407 : memref<1x1024x128xf32, #tpu.memory_space<hbm>> -> memref<1024x128xf32, #tpu.memory_space<hbm>>
      %dma_start3A_409 = arith.constant 0 : i32
      %dma_start3A_410 = tpu.memref_slice %dma_start3A_408[%mul3A_400, %dma_start3A_409] : memref<1024x128xf32, #tpu.memory_space<hbm>> -> memref<64x128xf32, #tpu.memory_space<hbm>>
      %dma_start3A_411 = arith.constant 0 : i32
      %dma_start3A_412 = tpu.memref_slice %arg15[%mul3A_398, %dma_start3A_411] : memref<1024x128xf32, #tpu.memory_space<vmem_shared>> -> memref<64x128xf32, #tpu.memory_space<vmem_shared>>
      tpu.enqueue_dma source(%dma_start3A_412 : memref<64x128xf32, #tpu.memory_space<vmem_shared>>) target(%dma_start3A_410 : memref<64x128xf32, #tpu.memory_space<hbm>>) target_semaphore(%run_scoped3A : memref<!tpu.dma_semaphore, #tpu.memory_space<semaphore_mem>>)
      %dma_wait3A_413 = arith.constant 0 : i32
      %dma_wait3A_414 = arith.constant 0 : i32
      %dma_wait3A_415 = tpu.memref_slice %arg6[%arg0, %dma_wait3A_413, %dma_wait3A_414] : memref<2x1024x128xf32, #tpu.memory_space<hbm>> -> memref<1x1024x128xf32, #tpu.memory_space<hbm>>
      %dma_wait3A_416 = tpu.memref_squeeze %dma_wait3A_415 : memref<1x1024x128xf32, #tpu.memory_space<hbm>> -> memref<1024x128xf32, #tpu.memory_space<hbm>>
      %dma_wait3A_417 = arith.constant 0 : i32
      %dma_wait3A_418 = tpu.memref_slice %dma_wait3A_416[%mul3A_400, %dma_wait3A_417] : memref<1024x128xf32, #tpu.memory_space<hbm>> -> memref<64x128xf32, #tpu.memory_space<hbm>>
      %dma_wait3A_419 = arith.constant 0 : i32
      %dma_wait3A_420 = tpu.memref_slice %arg15[%mul3A_398, %dma_wait3A_419] : memref<1024x128xf32, #tpu.memory_space<vmem_shared>> -> memref<64x128xf32, #tpu.memory_space<vmem_shared>>
      tpu.wait_dma2 semaphore(%run_scoped3A : memref<!tpu.dma_semaphore, #tpu.memory_space<semaphore_mem>>) src(%dma_wait3A_420 : memref<64x128xf32, #tpu.memory_space<vmem_shared>>) dst(%dma_wait3A_418 : memref<64x128xf32, #tpu.memory_space<hbm>>)
      tpu.yield
    }) : () -> ()
    %mul3A_401 = arith.constant 632 : i32
    %mul3A_402 = arith.muli %arg1, %mul3A_401 : i32
    %mul3A_403 = arith.constant 632 : i32
    %mul3A_404 = arith.muli %arg1, %mul3A_403 : i32
    "tpu.region"() ({
      %run_scoped3A = tpu.sem_alloc : memref<!tpu.dma_semaphore, #tpu.memory_space<semaphore_mem>>
      %dma_start3A_405 = arith.constant 0 : i32
      %dma_start3A_406 = arith.constant 0 : i32
      %dma_start3A_407 = tpu.memref_slice %arg7[%arg0, %dma_start3A_405, %dma_start3A_406] : memref<2x10112x128xf32, #tpu.memory_space<hbm>> -> memref<1x10112x128xf32, #tpu.memory_space<hbm>>
      %dma_start3A_408 = tpu.memref_squeeze %dma_start3A_407 : memref<1x10112x128xf32, #tpu.memory_space<hbm>> -> memref<10112x128xf32, #tpu.memory_space<hbm>>
      %dma_start3A_409 = arith.constant 0 : i32
      %dma_start3A_410 = tpu.memref_slice %dma_start3A_408[%mul3A_404, %dma_start3A_409] : memref<10112x128xf32, #tpu.memory_space<hbm>> -> memref<632x128xf32, #tpu.memory_space<hbm>>
      %dma_start3A_411 = arith.constant 0 : i32
      %dma_start3A_412 = tpu.memref_slice %arg16[%mul3A_402, %dma_start3A_411] : memref<10112x128xf32, #tpu.memory_space<vmem_shared>> -> memref<632x128xf32, #tpu.memory_space<vmem_shared>>
      tpu.enqueue_dma source(%dma_start3A_412 : memref<632x128xf32, #tpu.memory_space<vmem_shared>>) target(%dma_start3A_410 : memref<632x128xf32, #tpu.memory_space<hbm>>) target_semaphore(%run_scoped3A : memref<!tpu.dma_semaphore, #tpu.memory_space<semaphore_mem>>)
      %dma_wait3A_413 = arith.constant 0 : i32
      %dma_wait3A_414 = arith.constant 0 : i32
      %dma_wait3A_415 = tpu.memref_slice %arg7[%arg0, %dma_wait3A_413, %dma_wait3A_414] : memref<2x10112x128xf32, #tpu.memory_space<hbm>> -> memref<1x10112x128xf32, #tpu.memory_space<hbm>>
      %dma_wait3A_416 = tpu.memref_squeeze %dma_wait3A_415 : memref<1x10112x128xf32, #tpu.memory_space<hbm>> -> memref<10112x128xf32, #tpu.memory_space<hbm>>
      %dma_wait3A_417 = arith.constant 0 : i32
      %dma_wait3A_418 = tpu.memref_slice %dma_wait3A_416[%mul3A_404, %dma_wait3A_417] : memref<10112x128xf32, #tpu.memory_space<hbm>> -> memref<632x128xf32, #tpu.memory_space<hbm>>
      %dma_wait3A_419 = arith.constant 0 : i32
      %dma_wait3A_420 = tpu.memref_slice %arg16[%mul3A_402, %dma_wait3A_419] : memref<10112x128xf32, #tpu.memory_space<vmem_shared>> -> memref<632x128xf32, #tpu.memory_space<vmem_shared>>
      tpu.wait_dma2 semaphore(%run_scoped3A : memref<!tpu.dma_semaphore, #tpu.memory_space<semaphore_mem>>) src(%dma_wait3A_420 : memref<632x128xf32, #tpu.memory_space<vmem_shared>>) dst(%dma_wait3A_418 : memref<632x128xf32, #tpu.memory_space<hbm>>)
      tpu.yield
    }) : () -> ()
    return
  }
}

#map = affine_map<(d0, d1) -> (0, 0)>
#map1 = affine_map<(d0, d1) -> (0, 0, 0)>
module attributes {stable_mosaic.version = 14 : i64} {
  func.func @seg(%arg0: i32, %arg1: i32, %arg2: memref<1000x128xf32, #tpu.memory_space<hbm>>, %arg3: memref<10000x128xf32, #tpu.memory_space<hbm>>, %arg4: memref<128x2x128xi32, #tpu.memory_space<hbm>>, %arg5: memref<2560x2x128xi32, #tpu.memory_space<hbm>>, %arg6: memref<2x1024x128xf32, #tpu.memory_space<hbm>>, %arg7: memref<2x10112x128xf32, #tpu.memory_space<hbm>>, %arg8: memref<2x128xi32, #tpu.memory_space<vmem>>, %arg9: memref<2x128xi32, #tpu.memory_space<vmem>>, %arg10: memref<2x128xi32, #tpu.memory_space<vmem>>, %arg11: memref<2x128xi32, #tpu.memory_space<vmem>>, %arg12: memref<128x128xf32, #tpu.memory_space<vmem>>, %arg13: memref<128x128xf32, #tpu.memory_space<vmem>>, %arg14: memref<32x128xf32, #tpu.memory_space<vmem>>, %arg15: memref<1024x128xf32, #tpu.memory_space<vmem_shared>>, %arg16: memref<10112x128xf32, #tpu.memory_space<vmem_shared>>, %arg17: memref<4x!tpu.dma_semaphore, #tpu.memory_space<semaphore_mem>>, %arg18: memref<2x!tpu.dma_semaphore, #tpu.memory_space<semaphore_mem>>, %arg19: memref<2x!tpu.dma_semaphore, #tpu.memory_space<semaphore_mem>>) attributes {dimension_semantics = [#tpu.dimension_semantics<core_parallel>, #tpu.dimension_semantics<subcore_parallel>], iteration_bounds = array<i64: 2, 16>, scalar_prefetch = 0 : i64, scratch_operands = 12 : i64, tpu.core_type = #tpu.core_type<sc_vector_subcore>, window_params = [{transform_indices = #map}, {transform_indices = #map}, {transform_indices = #map1}, {transform_indices = #map1}, {transform_indices = #map1}, {transform_indices = #map1}]} {
    %mul3A = arith.constant 16 : i32
    %mul3A_0 = arith.muli %arg0, %mul3A : i32
    %add3A = arith.addi %mul3A_0, %arg1 : i32
    %scan3A = arith.constant 0 : i32
    %scan3A_1 = arith.constant 32 : i32
    %scan3A_2 = arith.addi %scan3A, %scan3A_1 : i32
    %scan3A_3 = arith.constant 1 : i32
    scf.for %scan3A_405 = %scan3A to %scan3A_2 step %scan3A_3  : i32 {
      %mul3A_406 = arith.constant 1 : i32
      %mul3A_407 = arith.muli %scan3A_405, %mul3A_406 : i32
      %add3A_408 = arith.constant 0 : i32
      %add3A_409 = arith.addi %add3A_408, %mul3A_407 : i32
      %scan3A_410 = arith.constant 0 : i32
      %scan3A_411 = arith.constant 8 : i32
      %scan3A_412 = arith.addi %scan3A_410, %scan3A_411 : i32
      %scan3A_413 = arith.constant 1 : i32
      scf.for %scan3A_415 = %scan3A_410 to %scan3A_412 step %scan3A_413  : i32 {
        %mul3A_416 = arith.constant 1 : i32
        %mul3A_417 = arith.muli %scan3A_415, %mul3A_416 : i32
        %add3A_418 = arith.constant 0 : i32
        %add3A_419 = arith.addi %add3A_418, %mul3A_417 : i32
        %broadcast_in_dim3A = arith.constant 0.000000e+00 : f32
        %broadcast_in_dim3A_420 = vector.broadcast %broadcast_in_dim3A : f32 to vector<16xf32>
        %mul3A_421 = arith.constant 16 : i32
        %mul3A_422 = arith.muli %add3A_419, %mul3A_421 : i32
        %swap3A = arith.index_cast %add3A_409 : i32 to index
        %swap3A_423 = arith.index_cast %mul3A_422 : i32 to index
        %swap3A_424 = tpu.vector_load %arg14[%swap3A, %swap3A_423] {strides = array<i32>} : memref<32x128xf32, #tpu.memory_space<vmem>>, vector<1x16xf32>,
        %swap3A_425 = vector.shape_cast %swap3A_424 : vector<1x16xf32> to vector<16xf32>
        %swap3A_426 = vector.shape_cast %broadcast_in_dim3A_420 : vector<16xf32> to vector<1x16xf32>
        tpu.vector_store %arg14[%swap3A, %swap3A_423], %swap3A_426 {strides = array<i32>} : memref<32x128xf32, #tpu.memory_space<vmem>>, vector<1x16xf32>,
      }
      %scan3A_414 = arith.constant 8 : i32
    }
    %scan3A_4 = arith.constant 32 : i32
    %mul3A_5 = arith.constant 64 : i32
    %mul3A_6 = arith.muli %arg1, %mul3A_5 : i32
    %scan3A_7 = arith.constant 0 : i32
    %scan3A_8 = arith.constant 2 : i32
    %scan3A_9 = arith.addi %scan3A_7, %scan3A_8 : i32
    %scan3A_10 = arith.constant 1 : i32
    scf.for %scan3A_405 = %scan3A_7 to %scan3A_9 step %scan3A_10  : i32 {
      %mul3A_406 = arith.constant 1 : i32
      %mul3A_407 = arith.muli %scan3A_405, %mul3A_406 : i32
      %add3A_408 = arith.constant 0 : i32
      %add3A_409 = arith.addi %add3A_408, %mul3A_407 : i32
      %mul3A_410 = arith.constant 32 : i32
      %mul3A_411 = arith.muli %add3A_409, %mul3A_410 : i32
      %min3A = arith.constant 32 : i32
      %min3A_412 = arith.minsi %mul3A_411, %min3A : i32
      %add3A_413 = arith.addi %mul3A_6, %min3A_412 : i32
      "tpu.region"() ({
        %run_scoped3A = tpu.sem_alloc : memref<!tpu.dma_semaphore, #tpu.memory_space<semaphore_mem>>
        %dma_start3A_414 = arith.constant 0 : i32
        %dma_start3A_415 = arith.constant 0 : i32
        %dma_start3A_416 = tpu.memref_slice %arg14[%dma_start3A_414, %dma_start3A_415] : memref<32x128xf32, #tpu.memory_space<vmem>> -> memref<32x128xf32, #tpu.memory_space<vmem>>
        %dma_start3A_417 = arith.constant 0 : i32
        %dma_start3A_418 = tpu.memref_slice %arg15[%add3A_413, %dma_start3A_417] : memref<1024x128xf32, #tpu.memory_space<vmem_shared>> -> memref<32x128xf32, #tpu.memory_space<vmem_shared>>
        %dma_start3A_419 = arith.constant 0 : i32
        %dma_start3A_420 = tpu.memref_slice %arg15[%add3A_413, %dma_start3A_419] : memref<1024x128xf32, #tpu.memory_space<vmem_shared>> -> memref<32x128xf32, #tpu.memory_space<vmem_shared>>
        %dma_start3A_421 = arith.constant 0 : i32
        %dma_start3A_422 = arith.constant 0 : i32
        %dma_start3A_423 = tpu.memref_slice %arg14[%dma_start3A_421, %dma_start3A_422] : memref<32x128xf32, #tpu.memory_space<vmem>> -> memref<32x128xf32, #tpu.memory_space<vmem>>
        tpu.enqueue_dma source(%dma_start3A_423 : memref<32x128xf32, #tpu.memory_space<vmem>>) target(%dma_start3A_420 : memref<32x128xf32, #tpu.memory_space<vmem_shared>>) target_semaphore(%run_scoped3A : memref<!tpu.dma_semaphore, #tpu.memory_space<semaphore_mem>>)
        %dma_wait3A_424 = arith.constant 0 : i32
        %dma_wait3A_425 = arith.constant 0 : i32
        %dma_wait3A_426 = tpu.memref_slice %arg14[%dma_wait3A_424, %dma_wait3A_425] : memref<32x128xf32, #tpu.memory_space<vmem>> -> memref<32x128xf32, #tpu.memory_space<vmem>>
        %dma_wait3A_427 = arith.constant 0 : i32
        %dma_wait3A_428 = tpu.memref_slice %arg15[%add3A_413, %dma_wait3A_427] : memref<1024x128xf32, #tpu.memory_space<vmem_shared>> -> memref<32x128xf32, #tpu.memory_space<vmem_shared>>
        %dma_wait3A_429 = arith.constant 0 : i32
        %dma_wait3A_430 = tpu.memref_slice %arg15[%add3A_413, %dma_wait3A_429] : memref<1024x128xf32, #tpu.memory_space<vmem_shared>> -> memref<32x128xf32, #tpu.memory_space<vmem_shared>>
        %dma_wait3A_431 = arith.constant 0 : i32
        %dma_wait3A_432 = arith.constant 0 : i32
        %dma_wait3A_433 = tpu.memref_slice %arg14[%dma_wait3A_431, %dma_wait3A_432] : memref<32x128xf32, #tpu.memory_space<vmem>> -> memref<32x128xf32, #tpu.memory_space<vmem>>
        tpu.wait_dma2 semaphore(%run_scoped3A : memref<!tpu.dma_semaphore, #tpu.memory_space<semaphore_mem>>) src(%dma_wait3A_433 : memref<32x128xf32, #tpu.memory_space<vmem>>) dst(%dma_wait3A_430 : memref<32x128xf32, #tpu.memory_space<vmem_shared>>)
        tpu.yield
      }) : () -> ()
    }
    %scan3A_11 = arith.constant 2 : i32
    %mul3A_12 = arith.constant 632 : i32
    %mul3A_13 = arith.muli %arg1, %mul3A_12 : i32
    %scan3A_14 = arith.constant 0 : i32
    %scan3A_15 = arith.constant 20 : i32
    %scan3A_16 = arith.addi %scan3A_14, %scan3A_15 : i32
    %scan3A_17 = arith.constant 1 : i32
    scf.for %scan3A_405 = %scan3A_14 to %scan3A_16 step %scan3A_17  : i32 {
      %mul3A_406 = arith.constant 1 : i32
      %mul3A_407 = arith.muli %scan3A_405, %mul3A_406 : i32
      %add3A_408 = arith.constant 0 : i32
      %add3A_409 = arith.addi %add3A_408, %mul3A_407 : i32
      %mul3A_410 = arith.constant 32 : i32
      %mul3A_411 = arith.muli %add3A_409, %mul3A_410 : i32
      %min3A = arith.constant 600 : i32
      %min3A_412 = arith.minsi %mul3A_411, %min3A : i32
      %add3A_413 = arith.addi %mul3A_13, %min3A_412 : i32
      "tpu.region"() ({
        %run_scoped3A = tpu.sem_alloc : memref<!tpu.dma_semaphore, #tpu.memory_space<semaphore_mem>>
        %dma_start3A_414 = arith.constant 0 : i32
        %dma_start3A_415 = arith.constant 0 : i32
        %dma_start3A_416 = tpu.memref_slice %arg14[%dma_start3A_414, %dma_start3A_415] : memref<32x128xf32, #tpu.memory_space<vmem>> -> memref<32x128xf32, #tpu.memory_space<vmem>>
        %dma_start3A_417 = arith.constant 0 : i32
        %dma_start3A_418 = tpu.memref_slice %arg16[%add3A_413, %dma_start3A_417] : memref<10112x128xf32, #tpu.memory_space<vmem_shared>> -> memref<32x128xf32, #tpu.memory_space<vmem_shared>>
        %dma_start3A_419 = arith.constant 0 : i32
        %dma_start3A_420 = tpu.memref_slice %arg16[%add3A_413, %dma_start3A_419] : memref<10112x128xf32, #tpu.memory_space<vmem_shared>> -> memref<32x128xf32, #tpu.memory_space<vmem_shared>>
        %dma_start3A_421 = arith.constant 0 : i32
        %dma_start3A_422 = arith.constant 0 : i32
        %dma_start3A_423 = tpu.memref_slice %arg14[%dma_start3A_421, %dma_start3A_422] : memref<32x128xf32, #tpu.memory_space<vmem>> -> memref<32x128xf32, #tpu.memory_space<vmem>>
        tpu.enqueue_dma source(%dma_start3A_423 : memref<32x128xf32, #tpu.memory_space<vmem>>) target(%dma_start3A_420 : memref<32x128xf32, #tpu.memory_space<vmem_shared>>) target_semaphore(%run_scoped3A : memref<!tpu.dma_semaphore, #tpu.memory_space<semaphore_mem>>)
        %dma_wait3A_424 = arith.constant 0 : i32
        %dma_wait3A_425 = arith.constant 0 : i32
        %dma_wait3A_426 = tpu.memref_slice %arg14[%dma_wait3A_424, %dma_wait3A_425] : memref<32x128xf32, #tpu.memory_space<vmem>> -> memref<32x128xf32, #tpu.memory_space<vmem>>
        %dma_wait3A_427 = arith.constant 0 : i32
        %dma_wait3A_428 = tpu.memref_slice %arg16[%add3A_413, %dma_wait3A_427] : memref<10112x128xf32, #tpu.memory_space<vmem_shared>> -> memref<32x128xf32, #tpu.memory_space<vmem_shared>>
        %dma_wait3A_429 = arith.constant 0 : i32
        %dma_wait3A_430 = tpu.memref_slice %arg16[%add3A_413, %dma_wait3A_429] : memref<10112x128xf32, #tpu.memory_space<vmem_shared>> -> memref<32x128xf32, #tpu.memory_space<vmem_shared>>
        %dma_wait3A_431 = arith.constant 0 : i32
        %dma_wait3A_432 = arith.constant 0 : i32
        %dma_wait3A_433 = tpu.memref_slice %arg14[%dma_wait3A_431, %dma_wait3A_432] : memref<32x128xf32, #tpu.memory_space<vmem>> -> memref<32x128xf32, #tpu.memory_space<vmem>>
        tpu.wait_dma2 semaphore(%run_scoped3A : memref<!tpu.dma_semaphore, #tpu.memory_space<semaphore_mem>>) src(%dma_wait3A_433 : memref<32x128xf32, #tpu.memory_space<vmem>>) dst(%dma_wait3A_430 : memref<32x128xf32, #tpu.memory_space<vmem_shared>>)
        tpu.yield
      }) : () -> ()
    }
    %scan3A_18 = arith.constant 20 : i32
    %barrier3A = arith.constant 0 : index
    tpu.barrier barrier_id(%barrier3A)
    %mul3A_19 = arith.constant 4 : i32
    %mul3A_20 = arith.muli %add3A, %mul3A_19 : i32
    %add3A_21 = arith.constant 0 : i32
    %add3A_22 = arith.addi %mul3A_20, %add3A_21 : i32
    %dma_start3A = arith.constant 0 : i32
    %dma_start3A_23 = arith.constant 0 : i32
    %dma_start3A_24 = arith.constant 0 : i32
    %dma_start3A_25 = tpu.memref_slice %arg4[%add3A_22, %dma_start3A_23, %dma_start3A_24] : memref<128x2x128xi32, #tpu.memory_space<hbm>> -> memref<1x2x128xi32, #tpu.memory_space<hbm>>
    %dma_start3A_26 = tpu.memref_squeeze %dma_start3A_25 : memref<1x2x128xi32, #tpu.memory_space<hbm>> -> memref<2x128xi32, #tpu.memory_space<hbm>>
    %dma_start3A_27 = tpu.memref_slice %arg17[%dma_start3A] : memref<4x!tpu.dma_semaphore, #tpu.memory_space<semaphore_mem>> -> memref<1x!tpu.dma_semaphore, #tpu.memory_space<semaphore_mem>>
    %dma_start3A_28 = tpu.memref_squeeze %dma_start3A_27 : memref<1x!tpu.dma_semaphore, #tpu.memory_space<semaphore_mem>> -> memref<!tpu.dma_semaphore, #tpu.memory_space<semaphore_mem>>
    %dma_start3A_29 = arith.constant 0 : i32
    %dma_start3A_30 = arith.constant 0 : i32
    %dma_start3A_31 = tpu.memref_slice %arg4[%add3A_22, %dma_start3A_29, %dma_start3A_30] : memref<128x2x128xi32, #tpu.memory_space<hbm>> -> memref<1x2x128xi32, #tpu.memory_space<hbm>>
    %dma_start3A_32 = tpu.memref_squeeze %dma_start3A_31 : memref<1x2x128xi32, #tpu.memory_space<hbm>> -> memref<2x128xi32, #tpu.memory_space<hbm>>
    tpu.enqueue_dma source(%dma_start3A_32 : memref<2x128xi32, #tpu.memory_space<hbm>>) target(%arg8 : memref<2x128xi32, #tpu.memory_space<vmem>>) target_semaphore(%dma_start3A_28 : memref<!tpu.dma_semaphore, #tpu.memory_space<semaphore_mem>>)
    %mul3A_33 = arith.constant 4 : i32
    %mul3A_34 = arith.muli %add3A, %mul3A_33 : i32
    %add3A_35 = arith.constant 1 : i32
    %add3A_36 = arith.addi %mul3A_34, %add3A_35 : i32
    %dma_start3A_37 = arith.constant 1 : i32
    %dma_start3A_38 = arith.constant 0 : i32
    %dma_start3A_39 = arith.constant 0 : i32
    %dma_start3A_40 = tpu.memref_slice %arg4[%add3A_36, %dma_start3A_38, %dma_start3A_39] : memref<128x2x128xi32, #tpu.memory_space<hbm>> -> memref<1x2x128xi32, #tpu.memory_space<hbm>>
    %dma_start3A_41 = tpu.memref_squeeze %dma_start3A_40 : memref<1x2x128xi32, #tpu.memory_space<hbm>> -> memref<2x128xi32, #tpu.memory_space<hbm>>
    %dma_start3A_42 = tpu.memref_slice %arg17[%dma_start3A_37] : memref<4x!tpu.dma_semaphore, #tpu.memory_space<semaphore_mem>> -> memref<1x!tpu.dma_semaphore, #tpu.memory_space<semaphore_mem>>
    %dma_start3A_43 = tpu.memref_squeeze %dma_start3A_42 : memref<1x!tpu.dma_semaphore, #tpu.memory_space<semaphore_mem>> -> memref<!tpu.dma_semaphore, #tpu.memory_space<semaphore_mem>>
    %dma_start3A_44 = arith.constant 0 : i32
    %dma_start3A_45 = arith.constant 0 : i32
    %dma_start3A_46 = tpu.memref_slice %arg4[%add3A_36, %dma_start3A_44, %dma_start3A_45] : memref<128x2x128xi32, #tpu.memory_space<hbm>> -> memref<1x2x128xi32, #tpu.memory_space<hbm>>
    %dma_start3A_47 = tpu.memref_squeeze %dma_start3A_46 : memref<1x2x128xi32, #tpu.memory_space<hbm>> -> memref<2x128xi32, #tpu.memory_space<hbm>>
    tpu.enqueue_dma source(%dma_start3A_47 : memref<2x128xi32, #tpu.memory_space<hbm>>) target(%arg9 : memref<2x128xi32, #tpu.memory_space<vmem>>) target_semaphore(%dma_start3A_43 : memref<!tpu.dma_semaphore, #tpu.memory_space<semaphore_mem>>)
    %scan3A_48 = arith.constant 0 : i32
    %mul3A_49 = arith.constant 1 : i32
    %mul3A_50 = arith.muli %scan3A_48, %mul3A_49 : i32
    %add3A_51 = arith.constant 0 : i32
    %add3A_52 = arith.addi %add3A_51, %mul3A_50 : i32
    %gt3A = arith.constant 0 : i32
    %gt3A_53 = arith.cmpi sgt, %add3A_52, %gt3A : i32
    %convert_element_type3A = arith.extui %gt3A_53 : i1 to i32
    %cond3A = arith.constant 0 : i32
    %cond3A_54 = arith.cmpi ne, %convert_element_type3A, %cond3A : i32
    scf.if %cond3A_54 {
      %dma_wait3A_405 = arith.constant 1 : i32
      %dma_wait3A_406 = arith.constant 0 : i32
      %dma_wait3A_407 = arith.constant 0 : i32
      %dma_wait3A_408 = tpu.memref_slice %arg10[%dma_wait3A_405, %dma_wait3A_407] : memref<2x128xi32, #tpu.memory_space<vmem>> -> memref<1x128xi32, #tpu.memory_space<vmem>>
      %dma_wait3A_409 = tpu.memref_squeeze %dma_wait3A_408 : memref<1x128xi32, #tpu.memory_space<vmem>> -> memref<128xi32, #tpu.memory_space<vmem>>
      %dma_wait3A_410 = arith.constant 0 : i32
      %dma_wait3A_411 = arith.constant 0 : i32
      %dma_wait3A_412 = tpu.memref_slice %arg15[%dma_wait3A_410, %dma_wait3A_411] : memref<1024x128xf32, #tpu.memory_space<vmem_shared>> -> memref<1024x128xf32, #tpu.memory_space<vmem_shared>>
      %dma_wait3A_413 = tpu.memref_slice %arg19[%dma_wait3A_406] : memref<2x!tpu.dma_semaphore, #tpu.memory_space<semaphore_mem>> -> memref<1x!tpu.dma_semaphore, #tpu.memory_space<semaphore_mem>>
      %dma_wait3A_414 = tpu.memref_squeeze %dma_wait3A_413 : memref<1x!tpu.dma_semaphore, #tpu.memory_space<semaphore_mem>> -> memref<!tpu.dma_semaphore, #tpu.memory_space<semaphore_mem>>
      tpu.wait_indirect_dma semaphore(%dma_wait3A_414 : memref<!tpu.dma_semaphore, #tpu.memory_space<semaphore_mem>>) src(%arg12 : memref<128x128xf32, #tpu.memory_space<vmem>>) dst(%dma_wait3A_412 : memref<1024x128xf32, #tpu.memory_space<vmem_shared>>)
    } else {
    }
    %mul3A_55 = arith.constant 4 : i32
    %mul3A_56 = arith.muli %add3A_52, %mul3A_55 : i32
    %add3A_57 = arith.constant 0 : i32
    %add3A_58 = arith.addi %mul3A_56, %add3A_57 : i32
    %add3A_59 = arith.constant 2 : i32
    %add3A_60 = arith.addi %add3A_58, %add3A_59 : i32
    %mul3A_61 = arith.constant 4 : i32
    %mul3A_62 = arith.muli %add3A, %mul3A_61 : i32
    %add3A_63 = arith.addi %mul3A_62, %add3A_60 : i32
    %dma_start3A_64 = arith.constant 2 : i32
    %dma_start3A_65 = arith.constant 0 : i32
    %dma_start3A_66 = arith.constant 0 : i32
    %dma_start3A_67 = tpu.memref_slice %arg4[%add3A_63, %dma_start3A_65, %dma_start3A_66] : memref<128x2x128xi32, #tpu.memory_space<hbm>> -> memref<1x2x128xi32, #tpu.memory_space<hbm>>
    %dma_start3A_68 = tpu.memref_squeeze %dma_start3A_67 : memref<1x2x128xi32, #tpu.memory_space<hbm>> -> memref<2x128xi32, #tpu.memory_space<hbm>>
    %dma_start3A_69 = tpu.memref_slice %arg17[%dma_start3A_64] : memref<4x!tpu.dma_semaphore, #tpu.memory_space<semaphore_mem>> -> memref<1x!tpu.dma_semaphore, #tpu.memory_space<semaphore_mem>>
    %dma_start3A_70 = tpu.memref_squeeze %dma_start3A_69 : memref<1x!tpu.dma_semaphore, #tpu.memory_space<semaphore_mem>> -> memref<!tpu.dma_semaphore, #tpu.memory_space<semaphore_mem>>
    %dma_start3A_71 = arith.constant 0 : i32
    %dma_start3A_72 = arith.constant 0 : i32
    %dma_start3A_73 = tpu.memref_slice %arg4[%add3A_63, %dma_start3A_71, %dma_start3A_72] : memref<128x2x128xi32, #tpu.memory_space<hbm>> -> memref<1x2x128xi32, #tpu.memory_space<hbm>>
    %dma_start3A_74 = tpu.memref_squeeze %dma_start3A_73 : memref<1x2x128xi32, #tpu.memory_space<hbm>> -> memref<2x128xi32, #tpu.memory_space<hbm>>
    tpu.enqueue_dma source(%dma_start3A_74 : memref<2x128xi32, #tpu.memory_space<hbm>>) target(%arg10 : memref<2x128xi32, #tpu.memory_space<vmem>>) target_semaphore(%dma_start3A_70 : memref<!tpu.dma_semaphore, #tpu.memory_space<semaphore_mem>>)
    %mul3A_75 = arith.constant 4 : i32
    %mul3A_76 = arith.muli %add3A_52, %mul3A_75 : i32
    %add3A_77 = arith.constant 0 : i32
    %add3A_78 = arith.addi %mul3A_76, %add3A_77 : i32
    %mul3A_79 = arith.constant 4 : i32
    %mul3A_80 = arith.muli %add3A, %mul3A_79 : i32
    %add3A_81 = arith.addi %mul3A_80, %add3A_78 : i32
    %dma_wait3A = arith.constant 0 : i32
    %dma_wait3A_82 = arith.constant 0 : i32
    %dma_wait3A_83 = arith.constant 0 : i32
    %dma_wait3A_84 = tpu.memref_slice %arg4[%add3A_81, %dma_wait3A_82, %dma_wait3A_83] : memref<128x2x128xi32, #tpu.memory_space<hbm>> -> memref<1x2x128xi32, #tpu.memory_space<hbm>>
    %dma_wait3A_85 = tpu.memref_squeeze %dma_wait3A_84 : memref<1x2x128xi32, #tpu.memory_space<hbm>> -> memref<2x128xi32, #tpu.memory_space<hbm>>
    %dma_wait3A_86 = tpu.memref_slice %arg17[%dma_wait3A] : memref<4x!tpu.dma_semaphore, #tpu.memory_space<semaphore_mem>> -> memref<1x!tpu.dma_semaphore, #tpu.memory_space<semaphore_mem>>
    %dma_wait3A_87 = tpu.memref_squeeze %dma_wait3A_86 : memref<1x!tpu.dma_semaphore, #tpu.memory_space<semaphore_mem>> -> memref<!tpu.dma_semaphore, #tpu.memory_space<semaphore_mem>>
    %dma_wait3A_88 = arith.constant 0 : i32
    %dma_wait3A_89 = arith.constant 0 : i32
    %dma_wait3A_90 = tpu.memref_slice %arg4[%add3A_81, %dma_wait3A_88, %dma_wait3A_89] : memref<128x2x128xi32, #tpu.memory_space<hbm>> -> memref<1x2x128xi32, #tpu.memory_space<hbm>>
    %dma_wait3A_91 = tpu.memref_squeeze %dma_wait3A_90 : memref<1x2x128xi32, #tpu.memory_space<hbm>> -> memref<2x128xi32, #tpu.memory_space<hbm>>
    tpu.wait_dma2 semaphore(%dma_wait3A_87 : memref<!tpu.dma_semaphore, #tpu.memory_space<semaphore_mem>>) src(%dma_wait3A_91 : memref<2x128xi32, #tpu.memory_space<hbm>>) dst(%arg8 : memref<2x128xi32, #tpu.memory_space<vmem>>)
    %dma_start3A_92 = arith.constant 0 : i32
    %dma_start3A_93 = arith.constant 0 : i32
    %dma_start3A_94 = arith.constant 0 : i32
    %dma_start3A_95 = tpu.memref_slice %arg8[%dma_start3A_92, %dma_start3A_94] : memref<2x128xi32, #tpu.memory_space<vmem>> -> memref<1x128xi32, #tpu.memory_space<vmem>>
    %dma_start3A_96 = tpu.memref_squeeze %dma_start3A_95 : memref<1x128xi32, #tpu.memory_space<vmem>> -> memref<128xi32, #tpu.memory_space<vmem>>
    %dma_start3A_97 = arith.constant 0 : i32
    %dma_start3A_98 = arith.constant 0 : i32
    %dma_start3A_99 = tpu.memref_slice %arg2[%dma_start3A_97, %dma_start3A_98] : memref<1000x128xf32, #tpu.memory_space<hbm>> -> memref<1000x128xf32, #tpu.memory_space<hbm>>
    %dma_start3A_100 = tpu.memref_slice %arg18[%dma_start3A_93] : memref<2x!tpu.dma_semaphore, #tpu.memory_space<semaphore_mem>> -> memref<1x!tpu.dma_semaphore, #tpu.memory_space<semaphore_mem>>
    %dma_start3A_101 = tpu.memref_squeeze %dma_start3A_100 : memref<1x!tpu.dma_semaphore, #tpu.memory_space<semaphore_mem>> -> memref<!tpu.dma_semaphore, #tpu.memory_space<semaphore_mem>>
    tpu.enqueue_indirect_dma source(%dma_start3A_99 : memref<1000x128xf32, #tpu.memory_space<hbm>>) target(%arg12 : memref<128x128xf32, #tpu.memory_space<vmem>>) offsets(%dma_start3A_96 : memref<128xi32, #tpu.memory_space<vmem>>) semaphore(%dma_start3A_101 : memref<!tpu.dma_semaphore, #tpu.memory_space<semaphore_mem>>)
    %dma_wait3A_102 = arith.constant 0 : i32
    %dma_wait3A_103 = arith.constant 0 : i32
    %dma_wait3A_104 = arith.constant 0 : i32
    %dma_wait3A_105 = tpu.memref_slice %arg8[%dma_wait3A_102, %dma_wait3A_104] : memref<2x128xi32, #tpu.memory_space<vmem>> -> memref<1x128xi32, #tpu.memory_space<vmem>>
    %dma_wait3A_106 = tpu.memref_squeeze %dma_wait3A_105 : memref<1x128xi32, #tpu.memory_space<vmem>> -> memref<128xi32, #tpu.memory_space<vmem>>
    %dma_wait3A_107 = arith.constant 0 : i32
    %dma_wait3A_108 = arith.constant 0 : i32
    %dma_wait3A_109 = tpu.memref_slice %arg2[%dma_wait3A_107, %dma_wait3A_108] : memref<1000x128xf32, #tpu.memory_space<hbm>> -> memref<1000x128xf32, #tpu.memory_space<hbm>>
    %dma_wait3A_110 = tpu.memref_slice %arg18[%dma_wait3A_103] : memref<2x!tpu.dma_semaphore, #tpu.memory_space<semaphore_mem>> -> memref<1x!tpu.dma_semaphore, #tpu.memory_space<semaphore_mem>>
    %dma_wait3A_111 = tpu.memref_squeeze %dma_wait3A_110 : memref<1x!tpu.dma_semaphore, #tpu.memory_space<semaphore_mem>> -> memref<!tpu.dma_semaphore, #tpu.memory_space<semaphore_mem>>
    tpu.wait_indirect_dma semaphore(%dma_wait3A_111 : memref<!tpu.dma_semaphore, #tpu.memory_space<semaphore_mem>>) src(%dma_wait3A_109 : memref<1000x128xf32, #tpu.memory_space<hbm>>) dst(%arg12 : memref<128x128xf32, #tpu.memory_space<vmem>>)
    %dma_start3A_112 = arith.constant 1 : i32
    %dma_start3A_113 = arith.constant 0 : i32
    %dma_start3A_114 = arith.constant 0 : i32
    %dma_start3A_115 = tpu.memref_slice %arg8[%dma_start3A_112, %dma_start3A_114] : memref<2x128xi32, #tpu.memory_space<vmem>> -> memref<1x128xi32, #tpu.memory_space<vmem>>
    %dma_start3A_116 = tpu.memref_squeeze %dma_start3A_115 : memref<1x128xi32, #tpu.memory_space<vmem>> -> memref<128xi32, #tpu.memory_space<vmem>>
    %dma_start3A_117 = arith.constant 0 : i32
    %dma_start3A_118 = arith.constant 0 : i32
    %dma_start3A_119 = tpu.memref_slice %arg15[%dma_start3A_117, %dma_start3A_118] : memref<1024x128xf32, #tpu.memory_space<vmem_shared>> -> memref<1024x128xf32, #tpu.memory_space<vmem_shared>>
    %dma_start3A_120 = tpu.memref_slice %arg19[%dma_start3A_113] : memref<2x!tpu.dma_semaphore, #tpu.memory_space<semaphore_mem>> -> memref<1x!tpu.dma_semaphore, #tpu.memory_space<semaphore_mem>>
    %dma_start3A_121 = tpu.memref_squeeze %dma_start3A_120 : memref<1x!tpu.dma_semaphore, #tpu.memory_space<semaphore_mem>> -> memref<!tpu.dma_semaphore, #tpu.memory_space<semaphore_mem>>
    tpu.enqueue_indirect_dma source(%arg12 : memref<128x128xf32, #tpu.memory_space<vmem>>) target(%dma_start3A_119 : memref<1024x128xf32, #tpu.memory_space<vmem_shared>>) offsets(%dma_start3A_116 : memref<128xi32, #tpu.memory_space<vmem>>) semaphore(%dma_start3A_121 : memref<!tpu.dma_semaphore, #tpu.memory_space<semaphore_mem>>) {add = true}
    %gt3A_122 = arith.constant 0 : i32
    %gt3A_123 = arith.cmpi sgt, %add3A_52, %gt3A_122 : i32
    %convert_element_type3A_124 = arith.extui %gt3A_123 : i1 to i32
    %cond3A_125 = arith.constant 0 : i32
    %cond3A_126 = arith.cmpi ne, %convert_element_type3A_124, %cond3A_125 : i32
    scf.if %cond3A_126 {
      %dma_wait3A_405 = arith.constant 1 : i32
      %dma_wait3A_406 = arith.constant 1 : i32
      %dma_wait3A_407 = arith.constant 0 : i32
      %dma_wait3A_408 = tpu.memref_slice %arg11[%dma_wait3A_405, %dma_wait3A_407] : memref<2x128xi32, #tpu.memory_space<vmem>> -> memref<1x128xi32, #tpu.memory_space<vmem>>
      %dma_wait3A_409 = tpu.memref_squeeze %dma_wait3A_408 : memref<1x128xi32, #tpu.memory_space<vmem>> -> memref<128xi32, #tpu.memory_space<vmem>>
      %dma_wait3A_410 = arith.constant 0 : i32
      %dma_wait3A_411 = arith.constant 0 : i32
      %dma_wait3A_412 = tpu.memref_slice %arg15[%dma_wait3A_410, %dma_wait3A_411] : memref<1024x128xf32, #tpu.memory_space<vmem_shared>> -> memref<1024x128xf32, #tpu.memory_space<vmem_shared>>
      %dma_wait3A_413 = tpu.memref_slice %arg19[%dma_wait3A_406] : memref<2x!tpu.dma_semaphore, #tpu.memory_space<semaphore_mem>> -> memref<1x!tpu.dma_semaphore, #tpu.memory_space<semaphore_mem>>
      %dma_wait3A_414 = tpu.memref_squeeze %dma_wait3A_413 : memref<1x!tpu.dma_semaphore, #tpu.memory_space<semaphore_mem>> -> memref<!tpu.dma_semaphore, #tpu.memory_space<semaphore_mem>>
      tpu.wait_indirect_dma semaphore(%dma_wait3A_414 : memref<!tpu.dma_semaphore, #tpu.memory_space<semaphore_mem>>) src(%arg13 : memref<128x128xf32, #tpu.memory_space<vmem>>) dst(%dma_wait3A_412 : memref<1024x128xf32, #tpu.memory_space<vmem_shared>>)
    } else {
    }
    %mul3A_127 = arith.constant 4 : i32
    %mul3A_128 = arith.muli %add3A_52, %mul3A_127 : i32
    %add3A_129 = arith.constant 1 : i32
    %add3A_130 = arith.addi %mul3A_128, %add3A_129 : i32
    %add3A_131 = arith.constant 2 : i32
    %add3A_132 = arith.addi %add3A_130, %add3A_131 : i32
    %mul3A_133 = arith.constant 4 : i32
    %mul3A_134 = arith.muli %add3A, %mul3A_133 : i32
    %add3A_135 = arith.addi %mul3A_134, %add3A_132 : i32
    %dma_start3A_136 = arith.constant 3 : i32
    %dma_start3A_137 = arith.constant 0 : i32
    %dma_start3A_138 = arith.constant 0 : i32
    %dma_start3A_139 = tpu.memref_slice %arg4[%add3A_135, %dma_start3A_137, %dma_start3A_138] : memref<128x2x128xi32, #tpu.memory_space<hbm>> -> memref<1x2x128xi32, #tpu.memory_space<hbm>>
    %dma_start3A_140 = tpu.memref_squeeze %dma_start3A_139 : memref<1x2x128xi32, #tpu.memory_space<hbm>> -> memref<2x128xi32, #tpu.memory_space<hbm>>
    %dma_start3A_141 = tpu.memref_slice %arg17[%dma_start3A_136] : memref<4x!tpu.dma_semaphore, #tpu.memory_space<semaphore_mem>> -> memref<1x!tpu.dma_semaphore, #tpu.memory_space<semaphore_mem>>
    %dma_start3A_142 = tpu.memref_squeeze %dma_start3A_141 : memref<1x!tpu.dma_semaphore, #tpu.memory_space<semaphore_mem>> -> memref<!tpu.dma_semaphore, #tpu.memory_space<semaphore_mem>>
    %dma_start3A_143 = arith.constant 0 : i32
    %dma_start3A_144 = arith.constant 0 : i32
    %dma_start3A_145 = tpu.memref_slice %arg4[%add3A_135, %dma_start3A_143, %dma_start3A_144] : memref<128x2x128xi32, #tpu.memory_space<hbm>> -> memref<1x2x128xi32, #tpu.memory_space<hbm>>
    %dma_start3A_146 = tpu.memref_squeeze %dma_start3A_145 : memref<1x2x128xi32, #tpu.memory_space<hbm>> -> memref<2x128xi32, #tpu.memory_space<hbm>>
    tpu.enqueue_dma source(%dma_start3A_146 : memref<2x128xi32, #tpu.memory_space<hbm>>) target(%arg11 : memref<2x128xi32, #tpu.memory_space<vmem>>) target_semaphore(%dma_start3A_142 : memref<!tpu.dma_semaphore, #tpu.memory_space<semaphore_mem>>)
    %mul3A_147 = arith.constant 4 : i32
    %mul3A_148 = arith.muli %add3A_52, %mul3A_147 : i32
    %add3A_149 = arith.constant 1 : i32
    %add3A_150 = arith.addi %mul3A_148, %add3A_149 : i32
    %mul3A_151 = arith.constant 4 : i32
    %mul3A_152 = arith.muli %add3A, %mul3A_151 : i32
    %add3A_153 = arith.addi %mul3A_152, %add3A_150 : i32
    %dma_wait3A_154 = arith.constant 1 : i32
    %dma_wait3A_155 = arith.constant 0 : i32
    %dma_wait3A_156 = arith.constant 0 : i32
    %dma_wait3A_157 = tpu.memref_slice %arg4[%add3A_153, %dma_wait3A_155, %dma_wait3A_156] : memref<128x2x128xi32, #tpu.memory_space<hbm>> -> memref<1x2x128xi32, #tpu.memory_space<hbm>>
    %dma_wait3A_158 = tpu.memref_squeeze %dma_wait3A_157 : memref<1x2x128xi32, #tpu.memory_space<hbm>> -> memref<2x128xi32, #tpu.memory_space<hbm>>
    %dma_wait3A_159 = tpu.memref_slice %arg17[%dma_wait3A_154] : memref<4x!tpu.dma_semaphore, #tpu.memory_space<semaphore_mem>> -> memref<1x!tpu.dma_semaphore, #tpu.memory_space<semaphore_mem>>
    %dma_wait3A_160 = tpu.memref_squeeze %dma_wait3A_159 : memref<1x!tpu.dma_semaphore, #tpu.memory_space<semaphore_mem>> -> memref<!tpu.dma_semaphore, #tpu.memory_space<semaphore_mem>>
    %dma_wait3A_161 = arith.constant 0 : i32
    %dma_wait3A_162 = arith.constant 0 : i32
    %dma_wait3A_163 = tpu.memref_slice %arg4[%add3A_153, %dma_wait3A_161, %dma_wait3A_162] : memref<128x2x128xi32, #tpu.memory_space<hbm>> -> memref<1x2x128xi32, #tpu.memory_space<hbm>>
    %dma_wait3A_164 = tpu.memref_squeeze %dma_wait3A_163 : memref<1x2x128xi32, #tpu.memory_space<hbm>> -> memref<2x128xi32, #tpu.memory_space<hbm>>
    tpu.wait_dma2 semaphore(%dma_wait3A_160 : memref<!tpu.dma_semaphore, #tpu.memory_space<semaphore_mem>>) src(%dma_wait3A_164 : memref<2x128xi32, #tpu.memory_space<hbm>>) dst(%arg9 : memref<2x128xi32, #tpu.memory_space<vmem>>)
    %dma_start3A_165 = arith.constant 0 : i32
    %dma_start3A_166 = arith.constant 1 : i32
    %dma_start3A_167 = arith.constant 0 : i32
    %dma_start3A_168 = tpu.memref_slice %arg9[%dma_start3A_165, %dma_start3A_167] : memref<2x128xi32, #tpu.memory_space<vmem>> -> memref<1x128xi32, #tpu.memory_space<vmem>>
    %dma_start3A_169 = tpu.memref_squeeze %dma_start3A_168 : memref<1x128xi32, #tpu.memory_space<vmem>> -> memref<128xi32, #tpu.memory_space<vmem>>
    %dma_start3A_170 = arith.constant 0 : i32
    %dma_start3A_171 = arith.constant 0 : i32
    %dma_start3A_172 = tpu.memref_slice %arg2[%dma_start3A_170, %dma_start3A_171] : memref<1000x128xf32, #tpu.memory_space<hbm>> -> memref<1000x128xf32, #tpu.memory_space<hbm>>
    %dma_start3A_173 = tpu.memref_slice %arg18[%dma_start3A_166] : memref<2x!tpu.dma_semaphore, #tpu.memory_space<semaphore_mem>> -> memref<1x!tpu.dma_semaphore, #tpu.memory_space<semaphore_mem>>
    %dma_start3A_174 = tpu.memref_squeeze %dma_start3A_173 : memref<1x!tpu.dma_semaphore, #tpu.memory_space<semaphore_mem>> -> memref<!tpu.dma_semaphore, #tpu.memory_space<semaphore_mem>>
    tpu.enqueue_indirect_dma source(%dma_start3A_172 : memref<1000x128xf32, #tpu.memory_space<hbm>>) target(%arg13 : memref<128x128xf32, #tpu.memory_space<vmem>>) offsets(%dma_start3A_169 : memref<128xi32, #tpu.memory_space<vmem>>) semaphore(%dma_start3A_174 : memref<!tpu.dma_semaphore, #tpu.memory_space<semaphore_mem>>)
    %dma_wait3A_175 = arith.constant 0 : i32
    %dma_wait3A_176 = arith.constant 1 : i32
    %dma_wait3A_177 = arith.constant 0 : i32
    %dma_wait3A_178 = tpu.memref_slice %arg9[%dma_wait3A_175, %dma_wait3A_177] : memref<2x128xi32, #tpu.memory_space<vmem>> -> memref<1x128xi32, #tpu.memory_space<vmem>>
    %dma_wait3A_179 = tpu.memref_squeeze %dma_wait3A_178 : memref<1x128xi32, #tpu.memory_space<vmem>> -> memref<128xi32, #tpu.memory_space<vmem>>
    %dma_wait3A_180 = arith.constant 0 : i32
    %dma_wait3A_181 = arith.constant 0 : i32
    %dma_wait3A_182 = tpu.memref_slice %arg2[%dma_wait3A_180, %dma_wait3A_181] : memref<1000x128xf32, #tpu.memory_space<hbm>> -> memref<1000x128xf32, #tpu.memory_space<hbm>>
    %dma_wait3A_183 = tpu.memref_slice %arg18[%dma_wait3A_176] : memref<2x!tpu.dma_semaphore, #tpu.memory_space<semaphore_mem>> -> memref<1x!tpu.dma_semaphore, #tpu.memory_space<semaphore_mem>>
    %dma_wait3A_184 = tpu.memref_squeeze %dma_wait3A_183 : memref<1x!tpu.dma_semaphore, #tpu.memory_space<semaphore_mem>> -> memref<!tpu.dma_semaphore, #tpu.memory_space<semaphore_mem>>
    tpu.wait_indirect_dma semaphore(%dma_wait3A_184 : memref<!tpu.dma_semaphore, #tpu.memory_space<semaphore_mem>>) src(%dma_wait3A_182 : memref<1000x128xf32, #tpu.memory_space<hbm>>) dst(%arg13 : memref<128x128xf32, #tpu.memory_space<vmem>>)
    %dma_start3A_185 = arith.constant 1 : i32
    %dma_start3A_186 = arith.constant 1 : i32
    %dma_start3A_187 = arith.constant 0 : i32
    %dma_start3A_188 = tpu.memref_slice %arg9[%dma_start3A_185, %dma_start3A_187] : memref<2x128xi32, #tpu.memory_space<vmem>> -> memref<1x128xi32, #tpu.memory_space<vmem>>
    %dma_start3A_189 = tpu.memref_squeeze %dma_start3A_188 : memref<1x128xi32, #tpu.memory_space<vmem>> -> memref<128xi32, #tpu.memory_space<vmem>>
    %dma_start3A_190 = arith.constant 0 : i32
    %dma_start3A_191 = arith.constant 0 : i32
    %dma_start3A_192 = tpu.memref_slice %arg15[%dma_start3A_190, %dma_start3A_191] : memref<1024x128xf32, #tpu.memory_space<vmem_shared>> -> memref<1024x128xf32, #tpu.memory_space<vmem_shared>>
    %dma_start3A_193 = tpu.memref_slice %arg19[%dma_start3A_186] : memref<2x!tpu.dma_semaphore, #tpu.memory_space<semaphore_mem>> -> memref<1x!tpu.dma_semaphore, #tpu.memory_space<semaphore_mem>>
    %dma_start3A_194 = tpu.memref_squeeze %dma_start3A_193 : memref<1x!tpu.dma_semaphore, #tpu.memory_space<semaphore_mem>> -> memref<!tpu.dma_semaphore, #tpu.memory_space<semaphore_mem>>
    tpu.enqueue_indirect_dma source(%arg13 : memref<128x128xf32, #tpu.memory_space<vmem>>) target(%dma_start3A_192 : memref<1024x128xf32, #tpu.memory_space<vmem_shared>>) offsets(%dma_start3A_189 : memref<128xi32, #tpu.memory_space<vmem>>) semaphore(%dma_start3A_194 : memref<!tpu.dma_semaphore, #tpu.memory_space<semaphore_mem>>) {add = true}
    %dma_wait3A_195 = arith.constant 1 : i32
    %dma_wait3A_196 = arith.constant 0 : i32
    %dma_wait3A_197 = arith.constant 0 : i32
    %dma_wait3A_198 = tpu.memref_slice %arg8[%dma_wait3A_195, %dma_wait3A_197] : memref<2x128xi32, #tpu.memory_space<vmem>> -> memref<1x128xi32, #tpu.memory_space<vmem>>
    %dma_wait3A_199 = tpu.memref_squeeze %dma_wait3A_198 : memref<1x128xi32, #tpu.memory_space<vmem>> -> memref<128xi32, #tpu.memory_space<vmem>>
    %dma_wait3A_200 = arith.constant 0 : i32
    %dma_wait3A_201 = arith.constant 0 : i32
    %dma_wait3A_202 = tpu.memref_slice %arg15[%dma_wait3A_200, %dma_wait3A_201] : memref<1024x128xf32, #tpu.memory_space<vmem_shared>> -> memref<1024x128xf32, #tpu.memory_space<vmem_shared>>
    %dma_wait3A_203 = tpu.memref_slice %arg19[%dma_wait3A_196] : memref<2x!tpu.dma_semaphore, #tpu.memory_space<semaphore_mem>> -> memref<1x!tpu.dma_semaphore, #tpu.memory_space<semaphore_mem>>
    %dma_wait3A_204 = tpu.memref_squeeze %dma_wait3A_203 : memref<1x!tpu.dma_semaphore, #tpu.memory_space<semaphore_mem>> -> memref<!tpu.dma_semaphore, #tpu.memory_space<semaphore_mem>>
    tpu.wait_indirect_dma semaphore(%dma_wait3A_204 : memref<!tpu.dma_semaphore, #tpu.memory_space<semaphore_mem>>) src(%arg12 : memref<128x128xf32, #tpu.memory_space<vmem>>) dst(%dma_wait3A_202 : memref<1024x128xf32, #tpu.memory_space<vmem_shared>>)
    %lt3A = arith.constant 0 : i32
    %lt3A_205 = arith.cmpi slt, %add3A_52, %lt3A : i32
    %convert_element_type3A_206 = arith.extui %lt3A_205 : i1 to i32
    %cond3A_207 = arith.constant 0 : i32
    %cond3A_208 = arith.cmpi ne, %convert_element_type3A_206, %cond3A_207 : i32
    scf.if %cond3A_208 {
      %mul3A_405 = arith.constant 4 : i32
      %mul3A_406 = arith.muli %add3A_52, %mul3A_405 : i32
      %add3A_407 = arith.constant 2 : i32
      %add3A_408 = arith.addi %mul3A_406, %add3A_407 : i32
      %add3A_409 = arith.constant 2 : i32
      %add3A_410 = arith.addi %add3A_408, %add3A_409 : i32
      %mul3A_411 = arith.constant 4 : i32
      %mul3A_412 = arith.muli %add3A, %mul3A_411 : i32
      %add3A_413 = arith.addi %mul3A_412, %add3A_410 : i32
      %dma_start3A_414 = arith.constant 0 : i32
      %dma_start3A_415 = arith.constant 0 : i32
      %dma_start3A_416 = arith.constant 0 : i32
      %dma_start3A_417 = tpu.memref_slice %arg4[%add3A_413, %dma_start3A_415, %dma_start3A_416] : memref<128x2x128xi32, #tpu.memory_space<hbm>> -> memref<1x2x128xi32, #tpu.memory_space<hbm>>
      %dma_start3A_418 = tpu.memref_squeeze %dma_start3A_417 : memref<1x2x128xi32, #tpu.memory_space<hbm>> -> memref<2x128xi32, #tpu.memory_space<hbm>>
      %dma_start3A_419 = tpu.memref_slice %arg17[%dma_start3A_414] : memref<4x!tpu.dma_semaphore, #tpu.memory_space<semaphore_mem>> -> memref<1x!tpu.dma_semaphore, #tpu.memory_space<semaphore_mem>>
      %dma_start3A_420 = tpu.memref_squeeze %dma_start3A_419 : memref<1x!tpu.dma_semaphore, #tpu.memory_space<semaphore_mem>> -> memref<!tpu.dma_semaphore, #tpu.memory_space<semaphore_mem>>
      %dma_start3A_421 = arith.constant 0 : i32
      %dma_start3A_422 = arith.constant 0 : i32
      %dma_start3A_423 = tpu.memref_slice %arg4[%add3A_413, %dma_start3A_421, %dma_start3A_422] : memref<128x2x128xi32, #tpu.memory_space<hbm>> -> memref<1x2x128xi32, #tpu.memory_space<hbm>>
      %dma_start3A_424 = tpu.memref_squeeze %dma_start3A_423 : memref<1x2x128xi32, #tpu.memory_space<hbm>> -> memref<2x128xi32, #tpu.memory_space<hbm>>
      tpu.enqueue_dma source(%dma_start3A_424 : memref<2x128xi32, #tpu.memory_space<hbm>>) target(%arg8 : memref<2x128xi32, #tpu.memory_space<vmem>>) target_semaphore(%dma_start3A_420 : memref<!tpu.dma_semaphore, #tpu.memory_space<semaphore_mem>>)
    } else {
    }
    %mul3A_209 = arith.constant 4 : i32
    %mul3A_210 = arith.muli %add3A_52, %mul3A_209 : i32
    %add3A_211 = arith.constant 2 : i32
    %add3A_212 = arith.addi %mul3A_210, %add3A_211 : i32
    %mul3A_213 = arith.constant 4 : i32
    %mul3A_214 = arith.muli %add3A, %mul3A_213 : i32
    %add3A_215 = arith.addi %mul3A_214, %add3A_212 : i32
    %dma_wait3A_216 = arith.constant 2 : i32
    %dma_wait3A_217 = arith.constant 0 : i32
    %dma_wait3A_218 = arith.constant 0 : i32
    %dma_wait3A_219 = tpu.memref_slice %arg4[%add3A_215, %dma_wait3A_217, %dma_wait3A_218] : memref<128x2x128xi32, #tpu.memory_space<hbm>> -> memref<1x2x128xi32, #tpu.memory_space<hbm>>
    %dma_wait3A_220 = tpu.memref_squeeze %dma_wait3A_219 : memref<1x2x128xi32, #tpu.memory_space<hbm>> -> memref<2x128xi32, #tpu.memory_space<hbm>>
    %dma_wait3A_221 = tpu.memref_slice %arg17[%dma_wait3A_216] : memref<4x!tpu.dma_semaphore, #tpu.memory_space<semaphore_mem>> -> memref<1x!tpu.dma_semaphore, #tpu.memory_space<semaphore_mem>>
    %dma_wait3A_222 = tpu.memref_squeeze %dma_wait3A_221 : memref<1x!tpu.dma_semaphore, #tpu.memory_space<semaphore_mem>> -> memref<!tpu.dma_semaphore, #tpu.memory_space<semaphore_mem>>
    %dma_wait3A_223 = arith.constant 0 : i32
    %dma_wait3A_224 = arith.constant 0 : i32
    %dma_wait3A_225 = tpu.memref_slice %arg4[%add3A_215, %dma_wait3A_223, %dma_wait3A_224] : memref<128x2x128xi32, #tpu.memory_space<hbm>> -> memref<1x2x128xi32, #tpu.memory_space<hbm>>
    %dma_wait3A_226 = tpu.memref_squeeze %dma_wait3A_225 : memref<1x2x128xi32, #tpu.memory_space<hbm>> -> memref<2x128xi32, #tpu.memory_space<hbm>>
    tpu.wait_dma2 semaphore(%dma_wait3A_222 : memref<!tpu.dma_semaphore, #tpu.memory_space<semaphore_mem>>) src(%dma_wait3A_226 : memref<2x128xi32, #tpu.memory_space<hbm>>) dst(%arg10 : memref<2x128xi32, #tpu.memory_space<vmem>>)
    %dma_start3A_227 = arith.constant 0 : i32
    %dma_start3A_228 = arith.constant 0 : i32
    %dma_start3A_229 = arith.constant 0 : i32
    %dma_start3A_230 = tpu.memref_slice %arg10[%dma_start3A_227, %dma_start3A_229] : memref<2x128xi32, #tpu.memory_space<vmem>> -> memref<1x128xi32, #tpu.memory_space<vmem>>
    %dma_start3A_231 = tpu.memref_squeeze %dma_start3A_230 : memref<1x128xi32, #tpu.memory_space<vmem>> -> memref<128xi32, #tpu.memory_space<vmem>>
    %dma_start3A_232 = arith.constant 0 : i32
    %dma_start3A_233 = arith.constant 0 : i32
    %dma_start3A_234 = tpu.memref_slice %arg2[%dma_start3A_232, %dma_start3A_233] : memref<1000x128xf32, #tpu.memory_space<hbm>> -> memref<1000x128xf32, #tpu.memory_space<hbm>>
    %dma_start3A_235 = tpu.memref_slice %arg18[%dma_start3A_228] : memref<2x!tpu.dma_semaphore, #tpu.memory_space<semaphore_mem>> -> memref<1x!tpu.dma_semaphore, #tpu.memory_space<semaphore_mem>>
    %dma_start3A_236 = tpu.memref_squeeze %dma_start3A_235 : memref<1x!tpu.dma_semaphore, #tpu.memory_space<semaphore_mem>> -> memref<!tpu.dma_semaphore, #tpu.memory_space<semaphore_mem>>
    tpu.enqueue_indirect_dma source(%dma_start3A_234 : memref<1000x128xf32, #tpu.memory_space<hbm>>) target(%arg12 : memref<128x128xf32, #tpu.memory_space<vmem>>) offsets(%dma_start3A_231 : memref<128xi32, #tpu.memory_space<vmem>>) semaphore(%dma_start3A_236 : memref<!tpu.dma_semaphore, #tpu.memory_space<semaphore_mem>>)
    %dma_wait3A_237 = arith.constant 0 : i32
    %dma_wait3A_238 = arith.constant 0 : i32
    %dma_wait3A_239 = arith.constant 0 : i32
    %dma_wait3A_240 = tpu.memref_slice %arg10[%dma_wait3A_237, %dma_wait3A_239] : memref<2x128xi32, #tpu.memory_space<vmem>> -> memref<1x128xi32, #tpu.memory_space<vmem>>
    %dma_wait3A_241 = tpu.memref_squeeze %dma_wait3A_240 : memref<1x128xi32, #tpu.memory_space<vmem>> -> memref<128xi32, #tpu.memory_space<vmem>>
    %dma_wait3A_242 = arith.constant 0 : i32
    %dma_wait3A_243 = arith.constant 0 : i32
    %dma_wait3A_244 = tpu.memref_slice %arg2[%dma_wait3A_242, %dma_wait3A_243] : memref<1000x128xf32, #tpu.memory_space<hbm>> -> memref<1000x128xf32, #tpu.memory_space<hbm>>
    %dma_wait3A_245 = tpu.memref_slice %arg18[%dma_wait3A_238] : memref<2x!tpu.dma_semaphore, #tpu.memory_space<semaphore_mem>> -> memref<1x!tpu.dma_semaphore, #tpu.memory_space<semaphore_mem>>
    %dma_wait3A_246 = tpu.memref_squeeze %dma_wait3A_245 : memref<1x!tpu.dma_semaphore, #tpu.memory_space<semaphore_mem>> -> memref<!tpu.dma_semaphore, #tpu.memory_space<semaphore_mem>>
    tpu.wait_indirect_dma semaphore(%dma_wait3A_246 : memref<!tpu.dma_semaphore, #tpu.memory_space<semaphore_mem>>) src(%dma_wait3A_244 : memref<1000x128xf32, #tpu.memory_space<hbm>>) dst(%arg12 : memref<128x128xf32, #tpu.memory_space<vmem>>)
    %dma_start3A_247 = arith.constant 1 : i32
    %dma_start3A_248 = arith.constant 0 : i32
    %dma_start3A_249 = arith.constant 0 : i32
    %dma_start3A_250 = tpu.memref_slice %arg10[%dma_start3A_247, %dma_start3A_249] : memref<2x128xi32, #tpu.memory_space<vmem>> -> memref<1x128xi32, #tpu.memory_space<vmem>>
    %dma_start3A_251 = tpu.memref_squeeze %dma_start3A_250 : memref<1x128xi32, #tpu.memory_space<vmem>> -> memref<128xi32, #tpu.memory_space<vmem>>
    %dma_start3A_252 = arith.constant 0 : i32
    %dma_start3A_253 = arith.constant 0 : i32
    %dma_start3A_254 = tpu.memref_slice %arg15[%dma_start3A_252, %dma_start3A_253] : memref<1024x128xf32, #tpu.memory_space<vmem_shared>> -> memref<1024x128xf32, #tpu.memory_space<vmem_shared>>
    %dma_start3A_255 = tpu.memref_slice %arg19[%dma_start3A_248] : memref<2x!tpu.dma_semaphore, #tpu.memory_space<semaphore_mem>> -> memref<1x!tpu.dma_semaphore, #tpu.memory_space<semaphore_mem>>
    %dma_start3A_256 = tpu.memref_squeeze %dma_start3A_255 : memref<1x!tpu.dma_semaphore, #tpu.memory_space<semaphore_mem>> -> memref<!tpu.dma_semaphore, #tpu.memory_space<semaphore_mem>>
    tpu.enqueue_indirect_dma source(%arg12 : memref<128x128xf32, #tpu.memory_space<vmem>>) target(%dma_start3A_254 : memref<1024x128xf32, #tpu.memory_space<vmem_shared>>) offsets(%dma_start3A_251 : memref<128xi32, #tpu.memory_space<vmem>>) semaphore(%dma_start3A_256 : memref<!tpu.dma_semaphore, #tpu.memory_space<semaphore_mem>>) {add = true}
    %dma_wait3A_257 = arith.constant 1 : i32
    %dma_wait3A_258 = arith.constant 1 : i32
    %dma_wait3A_259 = arith.constant 0 : i32
    %dma_wait3A_260 = tpu.memref_slice %arg9[%dma_wait3A_257, %dma_wait3A_259] : memref<2x128xi32, #tpu.memory_space<vmem>> -> memref<1x128xi32, #tpu.memory_space<vmem>>
    %dma_wait3A_261 = tpu.memref_squeeze %dma_wait3A_260 : memref<1x128xi32, #tpu.memory_space<vmem>> -> memref<128xi32, #tpu.memory_space<vmem>>
    %dma_wait3A_262 = arith.constant 0 : i32
    %dma_wait3A_263 = arith.constant 0 : i32
    %dma_wait3A_264 = tpu.memref_slice %arg15[%dma_wait3A_262, %dma_wait3A_263] : memref<1024x128xf32, #tpu.memory_space<vmem_shared>> -> memref<1024x128xf32, #tpu.memory_space<vmem_shared>>
    %dma_wait3A_265 = tpu.memref_slice %arg19[%dma_wait3A_258] : memref<2x!tpu.dma_semaphore, #tpu.memory_space<semaphore_mem>> -> memref<1x!tpu.dma_semaphore, #tpu.memory_space<semaphore_mem>>
    %dma_wait3A_266 = tpu.memref_squeeze %dma_wait3A_265 : memref<1x!tpu.dma_semaphore, #tpu.memory_space<semaphore_mem>> -> memref<!tpu.dma_semaphore, #tpu.memory_space<semaphore_mem>>
    tpu.wait_indirect_dma semaphore(%dma_wait3A_266 : memref<!tpu.dma_semaphore, #tpu.memory_space<semaphore_mem>>) src(%arg13 : memref<128x128xf32, #tpu.memory_space<vmem>>) dst(%dma_wait3A_264 : memref<1024x128xf32, #tpu.memory_space<vmem_shared>>)
    %lt3A_267 = arith.constant 0 : i32
    %lt3A_268 = arith.cmpi slt, %add3A_52, %lt3A_267 : i32
    %convert_element_type3A_269 = arith.extui %lt3A_268 : i1 to i32
    %cond3A_270 = arith.constant 0 : i32
    %cond3A_271 = arith.cmpi ne, %convert_element_type3A_269, %cond3A_270 : i32
    scf.if %cond3A_271 {
      %mul3A_405 = arith.constant 4 : i32
      %mul3A_406 = arith.muli %add3A_52, %mul3A_405 : i32
      %add3A_407 = arith.constant 3 : i32
      %add3A_408 = arith.addi %mul3A_406, %add3A_407 : i32
      %add3A_409 = arith.constant 2 : i32
      %add3A_410 = arith.addi %add3A_408, %add3A_409 : i32
      %mul3A_411 = arith.constant 4 : i32
      %mul3A_412 = arith.muli %add3A, %mul3A_411 : i32
      %add3A_413 = arith.addi %mul3A_412, %add3A_410 : i32
      %dma_start3A_414 = arith.constant 1 : i32
      %dma_start3A_415 = arith.constant 0 : i32
      %dma_start3A_416 = arith.constant 0 : i32
      %dma_start3A_417 = tpu.memref_slice %arg4[%add3A_413, %dma_start3A_415, %dma_start3A_416] : memref<128x2x128xi32, #tpu.memory_space<hbm>> -> memref<1x2x128xi32, #tpu.memory_space<hbm>>
      %dma_start3A_418 = tpu.memref_squeeze %dma_start3A_417 : memref<1x2x128xi32, #tpu.memory_space<hbm>> -> memref<2x128xi32, #tpu.memory_space<hbm>>
      %dma_start3A_419 = tpu.memref_slice %arg17[%dma_start3A_414] : memref<4x!tpu.dma_semaphore, #tpu.memory_space<semaphore_mem>> -> memref<1x!tpu.dma_semaphore, #tpu.memory_space<semaphore_mem>>
      %dma_start3A_420 = tpu.memref_squeeze %dma_start3A_419 : memref<1x!tpu.dma_semaphore, #tpu.memory_space<semaphore_mem>> -> memref<!tpu.dma_semaphore, #tpu.memory_space<semaphore_mem>>
      %dma_start3A_421 = arith.constant 0 : i32
      %dma_start3A_422 = arith.constant 0 : i32
      %dma_start3A_423 = tpu.memref_slice %arg4[%add3A_413, %dma_start3A_421, %dma_start3A_422] : memref<128x2x128xi32, #tpu.memory_space<hbm>> -> memref<1x2x128xi32, #tpu.memory_space<hbm>>
      %dma_start3A_424 = tpu.memref_squeeze %dma_start3A_423 : memref<1x2x128xi32, #tpu.memory_space<hbm>> -> memref<2x128xi32, #tpu.memory_space<hbm>>
      tpu.enqueue_dma source(%dma_start3A_424 : memref<2x128xi32, #tpu.memory_space<hbm>>) target(%arg9 : memref<2x128xi32, #tpu.memory_space<vmem>>) target_semaphore(%dma_start3A_420 : memref<!tpu.dma_semaphore, #tpu.memory_space<semaphore_mem>>)
    } else {
    }
    %mul3A_272 = arith.constant 4 : i32
    %mul3A_273 = arith.muli %add3A_52, %mul3A_272 : i32
    %add3A_274 = arith.constant 3 : i32
    %add3A_275 = arith.addi %mul3A_273, %add3A_274 : i32
    %mul3A_276 = arith.constant 4 : i32
    %mul3A_277 = arith.muli %add3A, %mul3A_276 : i32
    %add3A_278 = arith.addi %mul3A_277, %add3A_275 : i32
    %dma_wait3A_279 = arith.constant 3 : i32
    %dma_wait3A_280 = arith.constant 0 : i32
    %dma_wait3A_281 = arith.constant 0 : i32
    %dma_wait3A_282 = tpu.memref_slice %arg4[%add3A_278, %dma_wait3A_280, %dma_wait3A_281] : memref<128x2x128xi32, #tpu.memory_space<hbm>> -> memref<1x2x128xi32, #tpu.memory_space<hbm>>
    %dma_wait3A_283 = tpu.memref_squeeze %dma_wait3A_282 : memref<1x2x128xi32, #tpu.memory_space<hbm>> -> memref<2x128xi32, #tpu.memory_space<hbm>>
    %dma_wait3A_284 = tpu.memref_slice %arg17[%dma_wait3A_279] : memref<4x!tpu.dma_semaphore, #tpu.memory_space<semaphore_mem>> -> memref<1x!tpu.dma_semaphore, #tpu.memory_space<semaphore_mem>>
    %dma_wait3A_285 = tpu.memref_squeeze %dma_wait3A_284 : memref<1x!tpu.dma_semaphore, #tpu.memory_space<semaphore_mem>> -> memref<!tpu.dma_semaphore, #tpu.memory_space<semaphore_mem>>
    %dma_wait3A_286 = arith.constant 0 : i32
    %dma_wait3A_287 = arith.constant 0 : i32
    %dma_wait3A_288 = tpu.memref_slice %arg4[%add3A_278, %dma_wait3A_286, %dma_wait3A_287] : memref<128x2x128xi32, #tpu.memory_space<hbm>> -> memref<1x2x128xi32, #tpu.memory_space<hbm>>
    %dma_wait3A_289 = tpu.memref_squeeze %dma_wait3A_288 : memref<1x2x128xi32, #tpu.memory_space<hbm>> -> memref<2x128xi32, #tpu.memory_space<hbm>>
    tpu.wait_dma2 semaphore(%dma_wait3A_285 : memref<!tpu.dma_semaphore, #tpu.memory_space<semaphore_mem>>) src(%dma_wait3A_289 : memref<2x128xi32, #tpu.memory_space<hbm>>) dst(%arg11 : memref<2x128xi32, #tpu.memory_space<vmem>>)
    %dma_start3A_290 = arith.constant 0 : i32
    %dma_start3A_291 = arith.constant 1 : i32
    %dma_start3A_292 = arith.constant 0 : i32
    %dma_start3A_293 = tpu.memref_slice %arg11[%dma_start3A_290, %dma_start3A_292] : memref<2x128xi32, #tpu.memory_space<vmem>> -> memref<1x128xi32, #tpu.memory_space<vmem>>
    %dma_start3A_294 = tpu.memref_squeeze %dma_start3A_293 : memref<1x128xi32, #tpu.memory_space<vmem>> -> memref<128xi32, #tpu.memory_space<vmem>>
    %dma_start3A_295 = arith.constant 0 : i32
    %dma_start3A_296 = arith.constant 0 : i32
    %dma_start3A_297 = tpu.memref_slice %arg2[%dma_start3A_295, %dma_start3A_296] : memref<1000x128xf32, #tpu.memory_space<hbm>> -> memref<1000x128xf32, #tpu.memory_space<hbm>>
    %dma_start3A_298 = tpu.memref_slice %arg18[%dma_start3A_291] : memref<2x!tpu.dma_semaphore, #tpu.memory_space<semaphore_mem>> -> memref<1x!tpu.dma_semaphore, #tpu.memory_space<semaphore_mem>>
    %dma_start3A_299 = tpu.memref_squeeze %dma_start3A_298 : memref<1x!tpu.dma_semaphore, #tpu.memory_space<semaphore_mem>> -> memref<!tpu.dma_semaphore, #tpu.memory_space<semaphore_mem>>
    tpu.enqueue_indirect_dma source(%dma_start3A_297 : memref<1000x128xf32, #tpu.memory_space<hbm>>) target(%arg13 : memref<128x128xf32, #tpu.memory_space<vmem>>) offsets(%dma_start3A_294 : memref<128xi32, #tpu.memory_space<vmem>>) semaphore(%dma_start3A_299 : memref<!tpu.dma_semaphore, #tpu.memory_space<semaphore_mem>>)
    %dma_wait3A_300 = arith.constant 0 : i32
    %dma_wait3A_301 = arith.constant 1 : i32
    %dma_wait3A_302 = arith.constant 0 : i32
    %dma_wait3A_303 = tpu.memref_slice %arg11[%dma_wait3A_300, %dma_wait3A_302] : memref<2x128xi32, #tpu.memory_space<vmem>> -> memref<1x128xi32, #tpu.memory_space<vmem>>
    %dma_wait3A_304 = tpu.memref_squeeze %dma_wait3A_303 : memref<1x128xi32, #tpu.memory_space<vmem>> -> memref<128xi32, #tpu.memory_space<vmem>>
    %dma_wait3A_305 = arith.constant 0 : i32
    %dma_wait3A_306 = arith.constant 0 : i32
    %dma_wait3A_307 = tpu.memref_slice %arg2[%dma_wait3A_305, %dma_wait3A_306] : memref<1000x128xf32, #tpu.memory_space<hbm>> -> memref<1000x128xf32, #tpu.memory_space<hbm>>
    %dma_wait3A_308 = tpu.memref_slice %arg18[%dma_wait3A_301] : memref<2x!tpu.dma_semaphore, #tpu.memory_space<semaphore_mem>> -> memref<1x!tpu.dma_semaphore, #tpu.memory_space<semaphore_mem>>
    %dma_wait3A_309 = tpu.memref_squeeze %dma_wait3A_308 : memref<1x!tpu.dma_semaphore, #tpu.memory_space<semaphore_mem>> -> memref<!tpu.dma_semaphore, #tpu.memory_space<semaphore_mem>>
    tpu.wait_indirect_dma semaphore(%dma_wait3A_309 : memref<!tpu.dma_semaphore, #tpu.memory_space<semaphore_mem>>) src(%dma_wait3A_307 : memref<1000x128xf32, #tpu.memory_space<hbm>>) dst(%arg13 : memref<128x128xf32, #tpu.memory_space<vmem>>)
    %dma_start3A_310 = arith.constant 1 : i32
    %dma_start3A_311 = arith.constant 1 : i32
    %dma_start3A_312 = arith.constant 0 : i32
    %dma_start3A_313 = tpu.memref_slice %arg11[%dma_start3A_310, %dma_start3A_312] : memref<2x128xi32, #tpu.memory_space<vmem>> -> memref<1x128xi32, #tpu.memory_space<vmem>>
    %dma_start3A_314 = tpu.memref_squeeze %dma_start3A_313 : memref<1x128xi32, #tpu.memory_space<vmem>> -> memref<128xi32, #tpu.memory_space<vmem>>
    %dma_start3A_315 = arith.constant 0 : i32
    %dma_start3A_316 = arith.constant 0 : i32
    %dma_start3A_317 = tpu.memref_slice %arg15[%dma_start3A_315, %dma_start3A_316] : memref<1024x128xf32, #tpu.memory_space<vmem_shared>> -> memref<1024x128xf32, #tpu.memory_space<vmem_shared>>
    %dma_start3A_318 = tpu.memref_slice %arg19[%dma_start3A_311] : memref<2x!tpu.dma_semaphore, #tpu.memory_space<semaphore_mem>> -> memref<1x!tpu.dma_semaphore, #tpu.memory_space<semaphore_mem>>
    %dma_start3A_319 = tpu.memref_squeeze %dma_start3A_318 : memref<1x!tpu.dma_semaphore, #tpu.memory_space<semaphore_mem>> -> memref<!tpu.dma_semaphore, #tpu.memory_space<semaphore_mem>>
    tpu.enqueue_indirect_dma source(%arg13 : memref<128x128xf32, #tpu.memory_space<vmem>>) target(%dma_start3A_317 : memref<1024x128xf32, #tpu.memory_space<vmem_shared>>) offsets(%dma_start3A_314 : memref<128xi32, #tpu.memory_space<vmem>>) semaphore(%dma_start3A_319 : memref<!tpu.dma_semaphore, #tpu.memory_space<semaphore_mem>>) {add = true}
    %scan3A_320 = arith.constant 1 : i32
    %dma_wait3A_321 = arith.constant 1 : i32
    %dma_wait3A_322 = arith.constant 0 : i32
    %dma_wait3A_323 = arith.constant 0 : i32
    %dma_wait3A_324 = tpu.memref_slice %arg10[%dma_wait3A_321, %dma_wait3A_323] : memref<2x128xi32, #tpu.memory_space<vmem>> -> memref<1x128xi32, #tpu.memory_space<vmem>>
    %dma_wait3A_325 = tpu.memref_squeeze %dma_wait3A_324 : memref<1x128xi32, #tpu.memory_space<vmem>> -> memref<128xi32, #tpu.memory_space<vmem>>
    %dma_wait3A_326 = arith.constant 0 : i32
    %dma_wait3A_327 = arith.constant 0 : i32
    %dma_wait3A_328 = tpu.memref_slice %arg15[%dma_wait3A_326, %dma_wait3A_327] : memref<1024x128xf32, #tpu.memory_space<vmem_shared>> -> memref<1024x128xf32, #tpu.memory_space<vmem_shared>>
    %dma_wait3A_329 = tpu.memref_slice %arg19[%dma_wait3A_322] : memref<2x!tpu.dma_semaphore, #tpu.memory_space<semaphore_mem>> -> memref<1x!tpu.dma_semaphore, #tpu.memory_space<semaphore_mem>>
    %dma_wait3A_330 = tpu.memref_squeeze %dma_wait3A_329 : memref<1x!tpu.dma_semaphore, #tpu.memory_space<semaphore_mem>> -> memref<!tpu.dma_semaphore, #tpu.memory_space<semaphore_mem>>
    tpu.wait_indirect_dma semaphore(%dma_wait3A_330 : memref<!tpu.dma_semaphore, #tpu.memory_space<semaphore_mem>>) src(%arg12 : memref<128x128xf32, #tpu.memory_space<vmem>>) dst(%dma_wait3A_328 : memref<1024x128xf32, #tpu.memory_space<vmem_shared>>)
    %dma_wait3A_331 = arith.constant 1 : i32
    %dma_wait3A_332 = arith.constant 1 : i32
    %dma_wait3A_333 = arith.constant 0 : i32
    %dma_wait3A_334 = tpu.memref_slice %arg11[%dma_wait3A_331, %dma_wait3A_333] : memref<2x128xi32, #tpu.memory_space<vmem>> -> memref<1x128xi32, #tpu.memory_space<vmem>>
    %dma_wait3A_335 = tpu.memref_squeeze %dma_wait3A_334 : memref<1x128xi32, #tpu.memory_space<vmem>> -> memref<128xi32, #tpu.memory_space<vmem>>
    %dma_wait3A_336 = arith.constant 0 : i32
    %dma_wait3A_337 = arith.constant 0 : i32
    %dma_wait3A_338 = tpu.memref_slice %arg15[%dma_wait3A_336, %dma_wait3A_337] : memref<1024x128xf32, #tpu.memory_space<vmem_shared>> -> memref<1024x128xf32, #tpu.memory_space<vmem_shared>>
    %dma_wait3A_339 = tpu.memref_slice %arg19[%dma_wait3A_332] : memref<2x!tpu.dma_semaphore, #tpu.memory_space<semaphore_mem>> -> memref<1x!tpu.dma_semaphore, #tpu.memory_space<semaphore_mem>>
    %dma_wait3A_340 = tpu.memref_squeeze %dma_wait3A_339 : memref<1x!tpu.dma_semaphore, #tpu.memory_space<semaphore_mem>> -> memref<!tpu.dma_semaphore, #tpu.memory_space<semaphore_mem>>
    tpu.wait_indirect_dma semaphore(%dma_wait3A_340 : memref<!tpu.dma_semaphore, #tpu.memory_space<semaphore_mem>>) src(%arg13 : memref<128x128xf32, #tpu.memory_space<vmem>>) dst(%dma_wait3A_338 : memref<1024x128xf32, #tpu.memory_space<vmem_shared>>)
    %mul3A_341 = arith.constant 80 : i32
    %mul3A_342 = arith.muli %add3A, %mul3A_341 : i32
    %add3A_343 = arith.constant 0 : i32
    %add3A_344 = arith.addi %mul3A_342, %add3A_343 : i32
    %dma_start3A_345 = arith.constant 0 : i32
    %dma_start3A_346 = arith.constant 0 : i32
    %dma_start3A_347 = arith.constant 0 : i32
    %dma_start3A_348 = tpu.memref_slice %arg5[%add3A_344, %dma_start3A_346, %dma_start3A_347] : memref<2560x2x128xi32, #tpu.memory_space<hbm>> -> memref<1x2x128xi32, #tpu.memory_space<hbm>>
    %dma_start3A_349 = tpu.memref_squeeze %dma_start3A_348 : memref<1x2x128xi32, #tpu.memory_space<hbm>> -> memref<2x128xi32, #tpu.memory_space<hbm>>
    %dma_start3A_350 = tpu.memref_slice %arg17[%dma_start3A_345] : memref<4x!tpu.dma_semaphore, #tpu.memory_space<semaphore_mem>> -> memref<1x!tpu.dma_semaphore, #tpu.memory_space<semaphore_mem>>
    %dma_start3A_351 = tpu.memref_squeeze %dma_start3A_350 : memref<1x!tpu.dma_semaphore, #tpu.memory_space<semaphore_mem>> -> memref<!tpu.dma_semaphore, #tpu.memory_space<semaphore_mem>>
    %dma_start3A_352 = arith.constant 0 : i32
    %dma_start3A_353 = arith.constant 0 : i32
    %dma_start3A_354 = tpu.memref_slice %arg5[%add3A_344, %dma_start3A_352, %dma_start3A_353] : memref<2560x2x128xi32, #tpu.memory_space<hbm>> -> memref<1x2x128xi32, #tpu.memory_space<hbm>>
    %dma_start3A_355 = tpu.memref_squeeze %dma_start3A_354 : memref<1x2x128xi32, #tpu.memory_space<hbm>> -> memref<2x128xi32, #tpu.memory_space<hbm>>
    tpu.enqueue_dma source(%dma_start3A_355 : memref<2x128xi32, #tpu.memory_space<hbm>>) target(%arg8 : memref<2x128xi32, #tpu.memory_space<vmem>>) target_semaphore(%dma_start3A_351 : memref<!tpu.dma_semaphore, #tpu.memory_space<semaphore_mem>>)
    %mul3A_356 = arith.constant 80 : i32
    %mul3A_357 = arith.muli %add3A, %mul3A_356 : i32
    %add3A_358 = arith.constant 1 : i32
    %add3A_359 = arith.addi %mul3A_357, %add3A_358 : i32
    %dma_start3A_360 = arith.constant 1 : i32
    %dma_start3A_361 = arith.constant 0 : i32
    %dma_start3A_362 = arith.constant 0 : i32
    %dma_start3A_363 = tpu.memref_slice %arg5[%add3A_359, %dma_start3A_361, %dma_start3A_362] : memref<2560x2x128xi32, #tpu.memory_space<hbm>> -> memref<1x2x128xi32, #tpu.memory_space<hbm>>
    %dma_start3A_364 = tpu.memref_squeeze %dma_start3A_363 : memref<1x2x128xi32, #tpu.memory_space<hbm>> -> memref<2x128xi32, #tpu.memory_space<hbm>>
    %dma_start3A_365 = tpu.memref_slice %arg17[%dma_start3A_360] : memref<4x!tpu.dma_semaphore, #tpu.memory_space<semaphore_mem>> -> memref<1x!tpu.dma_semaphore, #tpu.memory_space<semaphore_mem>>
    %dma_start3A_366 = tpu.memref_squeeze %dma_start3A_365 : memref<1x!tpu.dma_semaphore, #tpu.memory_space<semaphore_mem>> -> memref<!tpu.dma_semaphore, #tpu.memory_space<semaphore_mem>>
    %dma_start3A_367 = arith.constant 0 : i32
    %dma_start3A_368 = arith.constant 0 : i32
    %dma_start3A_369 = tpu.memref_slice %arg5[%add3A_359, %dma_start3A_367, %dma_start3A_368] : memref<2560x2x128xi32, #tpu.memory_space<hbm>> -> memref<1x2x128xi32, #tpu.memory_space<hbm>>
    %dma_start3A_370 = tpu.memref_squeeze %dma_start3A_369 : memref<1x2x128xi32, #tpu.memory_space<hbm>> -> memref<2x128xi32, #tpu.memory_space<hbm>>
    tpu.enqueue_dma source(%dma_start3A_370 : memref<2x128xi32, #tpu.memory_space<hbm>>) target(%arg9 : memref<2x128xi32, #tpu.memory_space<vmem>>) target_semaphore(%dma_start3A_366 : memref<!tpu.dma_semaphore, #tpu.memory_space<semaphore_mem>>)
    %scan3A_371 = arith.constant 0 : i32
    %scan3A_372 = arith.constant 20 : i32
    %scan3A_373 = arith.addi %scan3A_371, %scan3A_372 : i32
    %scan3A_374 = arith.constant 1 : i32
    scf.for %scan3A_405 = %scan3A_371 to %scan3A_373 step %scan3A_374  : i32 {
      %mul3A_406 = arith.constant 1 : i32
      %mul3A_407 = arith.muli %scan3A_405, %mul3A_406 : i32
      %add3A_408 = arith.constant 0 : i32
      %add3A_409 = arith.addi %add3A_408, %mul3A_407 : i32
      %gt3A_410 = arith.constant 0 : i32
      %gt3A_411 = arith.cmpi sgt, %add3A_409, %gt3A_410 : i32
      %convert_element_type3A_412 = arith.extui %gt3A_411 : i1 to i32
      %cond3A_413 = arith.constant 0 : i32
      %cond3A_414 = arith.cmpi ne, %convert_element_type3A_412, %cond3A_413 : i32
      scf.if %cond3A_414 {
        %dma_wait3A_682 = arith.constant 1 : i32
        %dma_wait3A_683 = arith.constant 0 : i32
        %dma_wait3A_684 = arith.constant 0 : i32
        %dma_wait3A_685 = tpu.memref_slice %arg10[%dma_wait3A_682, %dma_wait3A_684] : memref<2x128xi32, #tpu.memory_space<vmem>> -> memref<1x128xi32, #tpu.memory_space<vmem>>
        %dma_wait3A_686 = tpu.memref_squeeze %dma_wait3A_685 : memref<1x128xi32, #tpu.memory_space<vmem>> -> memref<128xi32, #tpu.memory_space<vmem>>
        %dma_wait3A_687 = arith.constant 0 : i32
        %dma_wait3A_688 = arith.constant 0 : i32
        %dma_wait3A_689 = tpu.memref_slice %arg16[%dma_wait3A_687, %dma_wait3A_688] : memref<10112x128xf32, #tpu.memory_space<vmem_shared>> -> memref<10112x128xf32, #tpu.memory_space<vmem_shared>>
        %dma_wait3A_690 = tpu.memref_slice %arg19[%dma_wait3A_683] : memref<2x!tpu.dma_semaphore, #tpu.memory_space<semaphore_mem>> -> memref<1x!tpu.dma_semaphore, #tpu.memory_space<semaphore_mem>>
        %dma_wait3A_691 = tpu.memref_squeeze %dma_wait3A_690 : memref<1x!tpu.dma_semaphore, #tpu.memory_space<semaphore_mem>> -> memref<!tpu.dma_semaphore, #tpu.memory_space<semaphore_mem>>
        tpu.wait_indirect_dma semaphore(%dma_wait3A_691 : memref<!tpu.dma_semaphore, #tpu.memory_space<semaphore_mem>>) src(%arg12 : memref<128x128xf32, #tpu.memory_space<vmem>>) dst(%dma_wait3A_689 : memref<10112x128xf32, #tpu.memory_space<vmem_shared>>)
      } else {
      }
      %mul3A_415 = arith.constant 4 : i32
      %mul3A_416 = arith.muli %add3A_409, %mul3A_415 : i32
      %add3A_417 = arith.constant 0 : i32
      %add3A_418 = arith.addi %mul3A_416, %add3A_417 : i32
      %add3A_419 = arith.constant 2 : i32
      %add3A_420 = arith.addi %add3A_418, %add3A_419 : i32
      %mul3A_421 = arith.constant 80 : i32
      %mul3A_422 = arith.muli %add3A, %mul3A_421 : i32
      %add3A_423 = arith.addi %mul3A_422, %add3A_420 : i32
      %dma_start3A_424 = arith.constant 2 : i32
      %dma_start3A_425 = arith.constant 0 : i32
      %dma_start3A_426 = arith.constant 0 : i32
      %dma_start3A_427 = tpu.memref_slice %arg5[%add3A_423, %dma_start3A_425, %dma_start3A_426] : memref<2560x2x128xi32, #tpu.memory_space<hbm>> -> memref<1x2x128xi32, #tpu.memory_space<hbm>>
      %dma_start3A_428 = tpu.memref_squeeze %dma_start3A_427 : memref<1x2x128xi32, #tpu.memory_space<hbm>> -> memref<2x128xi32, #tpu.memory_space<hbm>>
      %dma_start3A_429 = tpu.memref_slice %arg17[%dma_start3A_424] : memref<4x!tpu.dma_semaphore, #tpu.memory_space<semaphore_mem>> -> memref<1x!tpu.dma_semaphore, #tpu.memory_space<semaphore_mem>>
      %dma_start3A_430 = tpu.memref_squeeze %dma_start3A_429 : memref<1x!tpu.dma_semaphore, #tpu.memory_space<semaphore_mem>> -> memref<!tpu.dma_semaphore, #tpu.memory_space<semaphore_mem>>
      %dma_start3A_431 = arith.constant 0 : i32
      %dma_start3A_432 = arith.constant 0 : i32
      %dma_start3A_433 = tpu.memref_slice %arg5[%add3A_423, %dma_start3A_431, %dma_start3A_432] : memref<2560x2x128xi32, #tpu.memory_space<hbm>> -> memref<1x2x128xi32, #tpu.memory_space<hbm>>
      %dma_start3A_434 = tpu.memref_squeeze %dma_start3A_433 : memref<1x2x128xi32, #tpu.memory_space<hbm>> -> memref<2x128xi32, #tpu.memory_space<hbm>>
      tpu.enqueue_dma source(%dma_start3A_434 : memref<2x128xi32, #tpu.memory_space<hbm>>) target(%arg10 : memref<2x128xi32, #tpu.memory_space<vmem>>) target_semaphore(%dma_start3A_430 : memref<!tpu.dma_semaphore, #tpu.memory_space<semaphore_mem>>)
      %mul3A_435 = arith.constant 4 : i32
      %mul3A_436 = arith.muli %add3A_409, %mul3A_435 : i32
      %add3A_437 = arith.constant 0 : i32
      %add3A_438 = arith.addi %mul3A_436, %add3A_437 : i32
      %mul3A_439 = arith.constant 80 : i32
      %mul3A_440 = arith.muli %add3A, %mul3A_439 : i32
      %add3A_441 = arith.addi %mul3A_440, %add3A_438 : i32
      %dma_wait3A_442 = arith.constant 0 : i32
      %dma_wait3A_443 = arith.constant 0 : i32
      %dma_wait3A_444 = arith.constant 0 : i32
      %dma_wait3A_445 = tpu.memref_slice %arg5[%add3A_441, %dma_wait3A_443, %dma_wait3A_444] : memref<2560x2x128xi32, #tpu.memory_space<hbm>> -> memref<1x2x128xi32, #tpu.memory_space<hbm>>
      %dma_wait3A_446 = tpu.memref_squeeze %dma_wait3A_445 : memref<1x2x128xi32, #tpu.memory_space<hbm>> -> memref<2x128xi32, #tpu.memory_space<hbm>>
      %dma_wait3A_447 = tpu.memref_slice %arg17[%dma_wait3A_442] : memref<4x!tpu.dma_semaphore, #tpu.memory_space<semaphore_mem>> -> memref<1x!tpu.dma_semaphore, #tpu.memory_space<semaphore_mem>>
      %dma_wait3A_448 = tpu.memref_squeeze %dma_wait3A_447 : memref<1x!tpu.dma_semaphore, #tpu.memory_space<semaphore_mem>> -> memref<!tpu.dma_semaphore, #tpu.memory_space<semaphore_mem>>
      %dma_wait3A_449 = arith.constant 0 : i32
      %dma_wait3A_450 = arith.constant 0 : i32
      %dma_wait3A_451 = tpu.memref_slice %arg5[%add3A_441, %dma_wait3A_449, %dma_wait3A_450] : memref<2560x2x128xi32, #tpu.memory_space<hbm>> -> memref<1x2x128xi32, #tpu.memory_space<hbm>>
      %dma_wait3A_452 = tpu.memref_squeeze %dma_wait3A_451 : memref<1x2x128xi32, #tpu.memory_space<hbm>> -> memref<2x128xi32, #tpu.memory_space<hbm>>
      tpu.wait_dma2 semaphore(%dma_wait3A_448 : memref<!tpu.dma_semaphore, #tpu.memory_space<semaphore_mem>>) src(%dma_wait3A_452 : memref<2x128xi32, #tpu.memory_space<hbm>>) dst(%arg8 : memref<2x128xi32, #tpu.memory_space<vmem>>)
      %dma_start3A_453 = arith.constant 0 : i32
      %dma_start3A_454 = arith.constant 0 : i32
      %dma_start3A_455 = arith.constant 0 : i32
      %dma_start3A_456 = tpu.memref_slice %arg8[%dma_start3A_453, %dma_start3A_455] : memref<2x128xi32, #tpu.memory_space<vmem>> -> memref<1x128xi32, #tpu.memory_space<vmem>>
      %dma_start3A_457 = tpu.memref_squeeze %dma_start3A_456 : memref<1x128xi32, #tpu.memory_space<vmem>> -> memref<128xi32, #tpu.memory_space<vmem>>
      %dma_start3A_458 = arith.constant 0 : i32
      %dma_start3A_459 = arith.constant 0 : i32
      %dma_start3A_460 = tpu.memref_slice %arg3[%dma_start3A_458, %dma_start3A_459] : memref<10000x128xf32, #tpu.memory_space<hbm>> -> memref<10000x128xf32, #tpu.memory_space<hbm>>
      %dma_start3A_461 = tpu.memref_slice %arg18[%dma_start3A_454] : memref<2x!tpu.dma_semaphore, #tpu.memory_space<semaphore_mem>> -> memref<1x!tpu.dma_semaphore, #tpu.memory_space<semaphore_mem>>
      %dma_start3A_462 = tpu.memref_squeeze %dma_start3A_461 : memref<1x!tpu.dma_semaphore, #tpu.memory_space<semaphore_mem>> -> memref<!tpu.dma_semaphore, #tpu.memory_space<semaphore_mem>>
      tpu.enqueue_indirect_dma source(%dma_start3A_460 : memref<10000x128xf32, #tpu.memory_space<hbm>>) target(%arg12 : memref<128x128xf32, #tpu.memory_space<vmem>>) offsets(%dma_start3A_457 : memref<128xi32, #tpu.memory_space<vmem>>) semaphore(%dma_start3A_462 : memref<!tpu.dma_semaphore, #tpu.memory_space<semaphore_mem>>)
      %dma_wait3A_463 = arith.constant 0 : i32
      %dma_wait3A_464 = arith.constant 0 : i32
      %dma_wait3A_465 = arith.constant 0 : i32
      %dma_wait3A_466 = tpu.memref_slice %arg8[%dma_wait3A_463, %dma_wait3A_465] : memref<2x128xi32, #tpu.memory_space<vmem>> -> memref<1x128xi32, #tpu.memory_space<vmem>>
      %dma_wait3A_467 = tpu.memref_squeeze %dma_wait3A_466 : memref<1x128xi32, #tpu.memory_space<vmem>> -> memref<128xi32, #tpu.memory_space<vmem>>
      %dma_wait3A_468 = arith.constant 0 : i32
      %dma_wait3A_469 = arith.constant 0 : i32
      %dma_wait3A_470 = tpu.memref_slice %arg3[%dma_wait3A_468, %dma_wait3A_469] : memref<10000x128xf32, #tpu.memory_space<hbm>> -> memref<10000x128xf32, #tpu.memory_space<hbm>>
      %dma_wait3A_471 = tpu.memref_slice %arg18[%dma_wait3A_464] : memref<2x!tpu.dma_semaphore, #tpu.memory_space<semaphore_mem>> -> memref<1x!tpu.dma_semaphore, #tpu.memory_space<semaphore_mem>>
      %dma_wait3A_472 = tpu.memref_squeeze %dma_wait3A_471 : memref<1x!tpu.dma_semaphore, #tpu.memory_space<semaphore_mem>> -> memref<!tpu.dma_semaphore, #tpu.memory_space<semaphore_mem>>
      tpu.wait_indirect_dma semaphore(%dma_wait3A_472 : memref<!tpu.dma_semaphore, #tpu.memory_space<semaphore_mem>>) src(%dma_wait3A_470 : memref<10000x128xf32, #tpu.memory_space<hbm>>) dst(%arg12 : memref<128x128xf32, #tpu.memory_space<vmem>>)
      %dma_start3A_473 = arith.constant 1 : i32
      %dma_start3A_474 = arith.constant 0 : i32
      %dma_start3A_475 = arith.constant 0 : i32
      %dma_start3A_476 = tpu.memref_slice %arg8[%dma_start3A_473, %dma_start3A_475] : memref<2x128xi32, #tpu.memory_space<vmem>> -> memref<1x128xi32, #tpu.memory_space<vmem>>
      %dma_start3A_477 = tpu.memref_squeeze %dma_start3A_476 : memref<1x128xi32, #tpu.memory_space<vmem>> -> memref<128xi32, #tpu.memory_space<vmem>>
      %dma_start3A_478 = arith.constant 0 : i32
      %dma_start3A_479 = arith.constant 0 : i32
      %dma_start3A_480 = tpu.memref_slice %arg16[%dma_start3A_478, %dma_start3A_479] : memref<10112x128xf32, #tpu.memory_space<vmem_shared>> -> memref<10112x128xf32, #tpu.memory_space<vmem_shared>>
      %dma_start3A_481 = tpu.memref_slice %arg19[%dma_start3A_474] : memref<2x!tpu.dma_semaphore, #tpu.memory_space<semaphore_mem>> -> memref<1x!tpu.dma_semaphore, #tpu.memory_space<semaphore_mem>>
      %dma_start3A_482 = tpu.memref_squeeze %dma_start3A_481 : memref<1x!tpu.dma_semaphore, #tpu.memory_space<semaphore_mem>> -> memref<!tpu.dma_semaphore, #tpu.memory_space<semaphore_mem>>
      tpu.enqueue_indirect_dma source(%arg12 : memref<128x128xf32, #tpu.memory_space<vmem>>) target(%dma_start3A_480 : memref<10112x128xf32, #tpu.memory_space<vmem_shared>>) offsets(%dma_start3A_477 : memref<128xi32, #tpu.memory_space<vmem>>) semaphore(%dma_start3A_482 : memref<!tpu.dma_semaphore, #tpu.memory_space<semaphore_mem>>) {add = true}
      %gt3A_483 = arith.constant 0 : i32
      %gt3A_484 = arith.cmpi sgt, %add3A_409, %gt3A_483 : i32
      %convert_element_type3A_485 = arith.extui %gt3A_484 : i1 to i32
      %cond3A_486 = arith.constant 0 : i32
      %cond3A_487 = arith.cmpi ne, %convert_element_type3A_485, %cond3A_486 : i32
      scf.if %cond3A_487 {
        %dma_wait3A_682 = arith.constant 1 : i32
        %dma_wait3A_683 = arith.constant 1 : i32
        %dma_wait3A_684 = arith.constant 0 : i32
        %dma_wait3A_685 = tpu.memref_slice %arg11[%dma_wait3A_682, %dma_wait3A_684] : memref<2x128xi32, #tpu.memory_space<vmem>> -> memref<1x128xi32, #tpu.memory_space<vmem>>
        %dma_wait3A_686 = tpu.memref_squeeze %dma_wait3A_685 : memref<1x128xi32, #tpu.memory_space<vmem>> -> memref<128xi32, #tpu.memory_space<vmem>>
        %dma_wait3A_687 = arith.constant 0 : i32
        %dma_wait3A_688 = arith.constant 0 : i32
        %dma_wait3A_689 = tpu.memref_slice %arg16[%dma_wait3A_687, %dma_wait3A_688] : memref<10112x128xf32, #tpu.memory_space<vmem_shared>> -> memref<10112x128xf32, #tpu.memory_space<vmem_shared>>
        %dma_wait3A_690 = tpu.memref_slice %arg19[%dma_wait3A_683] : memref<2x!tpu.dma_semaphore, #tpu.memory_space<semaphore_mem>> -> memref<1x!tpu.dma_semaphore, #tpu.memory_space<semaphore_mem>>
        %dma_wait3A_691 = tpu.memref_squeeze %dma_wait3A_690 : memref<1x!tpu.dma_semaphore, #tpu.memory_space<semaphore_mem>> -> memref<!tpu.dma_semaphore, #tpu.memory_space<semaphore_mem>>
        tpu.wait_indirect_dma semaphore(%dma_wait3A_691 : memref<!tpu.dma_semaphore, #tpu.memory_space<semaphore_mem>>) src(%arg13 : memref<128x128xf32, #tpu.memory_space<vmem>>) dst(%dma_wait3A_689 : memref<10112x128xf32, #tpu.memory_space<vmem_shared>>)
      } else {
      }
      %mul3A_488 = arith.constant 4 : i32
      %mul3A_489 = arith.muli %add3A_409, %mul3A_488 : i32
      %add3A_490 = arith.constant 1 : i32
      %add3A_491 = arith.addi %mul3A_489, %add3A_490 : i32
      %add3A_492 = arith.constant 2 : i32
      %add3A_493 = arith.addi %add3A_491, %add3A_492 : i32
      %mul3A_494 = arith.constant 80 : i32
      %mul3A_495 = arith.muli %add3A, %mul3A_494 : i32
      %add3A_496 = arith.addi %mul3A_495, %add3A_493 : i32
      %dma_start3A_497 = arith.constant 3 : i32
      %dma_start3A_498 = arith.constant 0 : i32
      %dma_start3A_499 = arith.constant 0 : i32
      %dma_start3A_500 = tpu.memref_slice %arg5[%add3A_496, %dma_start3A_498, %dma_start3A_499] : memref<2560x2x128xi32, #tpu.memory_space<hbm>> -> memref<1x2x128xi32, #tpu.memory_space<hbm>>
      %dma_start3A_501 = tpu.memref_squeeze %dma_start3A_500 : memref<1x2x128xi32, #tpu.memory_space<hbm>> -> memref<2x128xi32, #tpu.memory_space<hbm>>
      %dma_start3A_502 = tpu.memref_slice %arg17[%dma_start3A_497] : memref<4x!tpu.dma_semaphore, #tpu.memory_space<semaphore_mem>> -> memref<1x!tpu.dma_semaphore, #tpu.memory_space<semaphore_mem>>
      %dma_start3A_503 = tpu.memref_squeeze %dma_start3A_502 : memref<1x!tpu.dma_semaphore, #tpu.memory_space<semaphore_mem>> -> memref<!tpu.dma_semaphore, #tpu.memory_space<semaphore_mem>>
      %dma_start3A_504 = arith.constant 0 : i32
      %dma_start3A_505 = arith.constant 0 : i32
      %dma_start3A_506 = tpu.memref_slice %arg5[%add3A_496, %dma_start3A_504, %dma_start3A_505] : memref<2560x2x128xi32, #tpu.memory_space<hbm>> -> memref<1x2x128xi32, #tpu.memory_space<hbm>>
      %dma_start3A_507 = tpu.memref_squeeze %dma_start3A_506 : memref<1x2x128xi32, #tpu.memory_space<hbm>> -> memref<2x128xi32, #tpu.memory_space<hbm>>
      tpu.enqueue_dma source(%dma_start3A_507 : memref<2x128xi32, #tpu.memory_space<hbm>>) target(%arg11 : memref<2x128xi32, #tpu.memory_space<vmem>>) target_semaphore(%dma_start3A_503 : memref<!tpu.dma_semaphore, #tpu.memory_space<semaphore_mem>>)
      %mul3A_508 = arith.constant 4 : i32
      %mul3A_509 = arith.muli %add3A_409, %mul3A_508 : i32
      %add3A_510 = arith.constant 1 : i32
      %add3A_511 = arith.addi %mul3A_509, %add3A_510 : i32
      %mul3A_512 = arith.constant 80 : i32
      %mul3A_513 = arith.muli %add3A, %mul3A_512 : i32
      %add3A_514 = arith.addi %mul3A_513, %add3A_511 : i32
      %dma_wait3A_515 = arith.constant 1 : i32
      %dma_wait3A_516 = arith.constant 0 : i32
      %dma_wait3A_517 = arith.constant 0 : i32
      %dma_wait3A_518 = tpu.memref_slice %arg5[%add3A_514, %dma_wait3A_516, %dma_wait3A_517] : memref<2560x2x128xi32, #tpu.memory_space<hbm>> -> memref<1x2x128xi32, #tpu.memory_space<hbm>>
      %dma_wait3A_519 = tpu.memref_squeeze %dma_wait3A_518 : memref<1x2x128xi32, #tpu.memory_space<hbm>> -> memref<2x128xi32, #tpu.memory_space<hbm>>
      %dma_wait3A_520 = tpu.memref_slice %arg17[%dma_wait3A_515] : memref<4x!tpu.dma_semaphore, #tpu.memory_space<semaphore_mem>> -> memref<1x!tpu.dma_semaphore, #tpu.memory_space<semaphore_mem>>
      %dma_wait3A_521 = tpu.memref_squeeze %dma_wait3A_520 : memref<1x!tpu.dma_semaphore, #tpu.memory_space<semaphore_mem>> -> memref<!tpu.dma_semaphore, #tpu.memory_space<semaphore_mem>>
      %dma_wait3A_522 = arith.constant 0 : i32
      %dma_wait3A_523 = arith.constant 0 : i32
      %dma_wait3A_524 = tpu.memref_slice %arg5[%add3A_514, %dma_wait3A_522, %dma_wait3A_523] : memref<2560x2x128xi32, #tpu.memory_space<hbm>> -> memref<1x2x128xi32, #tpu.memory_space<hbm>>
      %dma_wait3A_525 = tpu.memref_squeeze %dma_wait3A_524 : memref<1x2x128xi32, #tpu.memory_space<hbm>> -> memref<2x128xi32, #tpu.memory_space<hbm>>
      tpu.wait_dma2 semaphore(%dma_wait3A_521 : memref<!tpu.dma_semaphore, #tpu.memory_space<semaphore_mem>>) src(%dma_wait3A_525 : memref<2x128xi32, #tpu.memory_space<hbm>>) dst(%arg9 : memref<2x128xi32, #tpu.memory_space<vmem>>)
      %dma_start3A_526 = arith.constant 0 : i32
      %dma_start3A_527 = arith.constant 1 : i32
      %dma_start3A_528 = arith.constant 0 : i32
      %dma_start3A_529 = tpu.memref_slice %arg9[%dma_start3A_526, %dma_start3A_528] : memref<2x128xi32, #tpu.memory_space<vmem>> -> memref<1x128xi32, #tpu.memory_space<vmem>>
      %dma_start3A_530 = tpu.memref_squeeze %dma_start3A_529 : memref<1x128xi32, #tpu.memory_space<vmem>> -> memref<128xi32, #tpu.memory_space<vmem>>
      %dma_start3A_531 = arith.constant 0 : i32
      %dma_start3A_532 = arith.constant 0 : i32
      %dma_start3A_533 = tpu.memref_slice %arg3[%dma_start3A_531, %dma_start3A_532] : memref<10000x128xf32, #tpu.memory_space<hbm>> -> memref<10000x128xf32, #tpu.memory_space<hbm>>
      %dma_start3A_534 = tpu.memref_slice %arg18[%dma_start3A_527] : memref<2x!tpu.dma_semaphore, #tpu.memory_space<semaphore_mem>> -> memref<1x!tpu.dma_semaphore, #tpu.memory_space<semaphore_mem>>
      %dma_start3A_535 = tpu.memref_squeeze %dma_start3A_534 : memref<1x!tpu.dma_semaphore, #tpu.memory_space<semaphore_mem>> -> memref<!tpu.dma_semaphore, #tpu.memory_space<semaphore_mem>>
      tpu.enqueue_indirect_dma source(%dma_start3A_533 : memref<10000x128xf32, #tpu.memory_space<hbm>>) target(%arg13 : memref<128x128xf32, #tpu.memory_space<vmem>>) offsets(%dma_start3A_530 : memref<128xi32, #tpu.memory_space<vmem>>) semaphore(%dma_start3A_535 : memref<!tpu.dma_semaphore, #tpu.memory_space<semaphore_mem>>)
      %dma_wait3A_536 = arith.constant 0 : i32
      %dma_wait3A_537 = arith.constant 1 : i32
      %dma_wait3A_538 = arith.constant 0 : i32
      %dma_wait3A_539 = tpu.memref_slice %arg9[%dma_wait3A_536, %dma_wait3A_538] : memref<2x128xi32, #tpu.memory_space<vmem>> -> memref<1x128xi32, #tpu.memory_space<vmem>>
      %dma_wait3A_540 = tpu.memref_squeeze %dma_wait3A_539 : memref<1x128xi32, #tpu.memory_space<vmem>> -> memref<128xi32, #tpu.memory_space<vmem>>
      %dma_wait3A_541 = arith.constant 0 : i32
      %dma_wait3A_542 = arith.constant 0 : i32
      %dma_wait3A_543 = tpu.memref_slice %arg3[%dma_wait3A_541, %dma_wait3A_542] : memref<10000x128xf32, #tpu.memory_space<hbm>> -> memref<10000x128xf32, #tpu.memory_space<hbm>>
      %dma_wait3A_544 = tpu.memref_slice %arg18[%dma_wait3A_537] : memref<2x!tpu.dma_semaphore, #tpu.memory_space<semaphore_mem>> -> memref<1x!tpu.dma_semaphore, #tpu.memory_space<semaphore_mem>>
      %dma_wait3A_545 = tpu.memref_squeeze %dma_wait3A_544 : memref<1x!tpu.dma_semaphore, #tpu.memory_space<semaphore_mem>> -> memref<!tpu.dma_semaphore, #tpu.memory_space<semaphore_mem>>
      tpu.wait_indirect_dma semaphore(%dma_wait3A_545 : memref<!tpu.dma_semaphore, #tpu.memory_space<semaphore_mem>>) src(%dma_wait3A_543 : memref<10000x128xf32, #tpu.memory_space<hbm>>) dst(%arg13 : memref<128x128xf32, #tpu.memory_space<vmem>>)
      %dma_start3A_546 = arith.constant 1 : i32
      %dma_start3A_547 = arith.constant 1 : i32
      %dma_start3A_548 = arith.constant 0 : i32
      %dma_start3A_549 = tpu.memref_slice %arg9[%dma_start3A_546, %dma_start3A_548] : memref<2x128xi32, #tpu.memory_space<vmem>> -> memref<1x128xi32, #tpu.memory_space<vmem>>
      %dma_start3A_550 = tpu.memref_squeeze %dma_start3A_549 : memref<1x128xi32, #tpu.memory_space<vmem>> -> memref<128xi32, #tpu.memory_space<vmem>>
      %dma_start3A_551 = arith.constant 0 : i32
      %dma_start3A_552 = arith.constant 0 : i32
      %dma_start3A_553 = tpu.memref_slice %arg16[%dma_start3A_551, %dma_start3A_552] : memref<10112x128xf32, #tpu.memory_space<vmem_shared>> -> memref<10112x128xf32, #tpu.memory_space<vmem_shared>>
      %dma_start3A_554 = tpu.memref_slice %arg19[%dma_start3A_547] : memref<2x!tpu.dma_semaphore, #tpu.memory_space<semaphore_mem>> -> memref<1x!tpu.dma_semaphore, #tpu.memory_space<semaphore_mem>>
      %dma_start3A_555 = tpu.memref_squeeze %dma_start3A_554 : memref<1x!tpu.dma_semaphore, #tpu.memory_space<semaphore_mem>> -> memref<!tpu.dma_semaphore, #tpu.memory_space<semaphore_mem>>
      tpu.enqueue_indirect_dma source(%arg13 : memref<128x128xf32, #tpu.memory_space<vmem>>) target(%dma_start3A_553 : memref<10112x128xf32, #tpu.memory_space<vmem_shared>>) offsets(%dma_start3A_550 : memref<128xi32, #tpu.memory_space<vmem>>) semaphore(%dma_start3A_555 : memref<!tpu.dma_semaphore, #tpu.memory_space<semaphore_mem>>) {add = true}
      %dma_wait3A_556 = arith.constant 1 : i32
      %dma_wait3A_557 = arith.constant 0 : i32
      %dma_wait3A_558 = arith.constant 0 : i32
      %dma_wait3A_559 = tpu.memref_slice %arg8[%dma_wait3A_556, %dma_wait3A_558] : memref<2x128xi32, #tpu.memory_space<vmem>> -> memref<1x128xi32, #tpu.memory_space<vmem>>
      %dma_wait3A_560 = tpu.memref_squeeze %dma_wait3A_559 : memref<1x128xi32, #tpu.memory_space<vmem>> -> memref<128xi32, #tpu.memory_space<vmem>>
      %dma_wait3A_561 = arith.constant 0 : i32
      %dma_wait3A_562 = arith.constant 0 : i32
      %dma_wait3A_563 = tpu.memref_slice %arg16[%dma_wait3A_561, %dma_wait3A_562] : memref<10112x128xf32, #tpu.memory_space<vmem_shared>> -> memref<10112x128xf32, #tpu.memory_space<vmem_shared>>
      %dma_wait3A_564 = tpu.memref_slice %arg19[%dma_wait3A_557] : memref<2x!tpu.dma_semaphore, #tpu.memory_space<semaphore_mem>> -> memref<1x!tpu.dma_semaphore, #tpu.memory_space<semaphore_mem>>
      %dma_wait3A_565 = tpu.memref_squeeze %dma_wait3A_564 : memref<1x!tpu.dma_semaphore, #tpu.memory_space<semaphore_mem>> -> memref<!tpu.dma_semaphore, #tpu.memory_space<semaphore_mem>>
      tpu.wait_indirect_dma semaphore(%dma_wait3A_565 : memref<!tpu.dma_semaphore, #tpu.memory_space<semaphore_mem>>) src(%arg12 : memref<128x128xf32, #tpu.memory_space<vmem>>) dst(%dma_wait3A_563 : memref<10112x128xf32, #tpu.memory_space<vmem_shared>>)
      %lt3A_566 = arith.constant 19 : i32
      %lt3A_567 = arith.cmpi slt, %add3A_409, %lt3A_566 : i32
      %convert_element_type3A_568 = arith.extui %lt3A_567 : i1 to i32
      %cond3A_569 = arith.constant 0 : i32
      %cond3A_570 = arith.cmpi ne, %convert_element_type3A_568, %cond3A_569 : i32
      scf.if %cond3A_570 {
        %mul3A_682 = arith.constant 4 : i32
        %mul3A_683 = arith.muli %add3A_409, %mul3A_682 : i32
        %add3A_684 = arith.constant 2 : i32
        %add3A_685 = arith.addi %mul3A_683, %add3A_684 : i32
        %add3A_686 = arith.constant 2 : i32
        %add3A_687 = arith.addi %add3A_685, %add3A_686 : i32
        %mul3A_688 = arith.constant 80 : i32
        %mul3A_689 = arith.muli %add3A, %mul3A_688 : i32
        %add3A_690 = arith.addi %mul3A_689, %add3A_687 : i32
        %dma_start3A_691 = arith.constant 0 : i32
        %dma_start3A_692 = arith.constant 0 : i32
        %dma_start3A_693 = arith.constant 0 : i32
        %dma_start3A_694 = tpu.memref_slice %arg5[%add3A_690, %dma_start3A_692, %dma_start3A_693] : memref<2560x2x128xi32, #tpu.memory_space<hbm>> -> memref<1x2x128xi32, #tpu.memory_space<hbm>>
        %dma_start3A_695 = tpu.memref_squeeze %dma_start3A_694 : memref<1x2x128xi32, #tpu.memory_space<hbm>> -> memref<2x128xi32, #tpu.memory_space<hbm>>
        %dma_start3A_696 = tpu.memref_slice %arg17[%dma_start3A_691] : memref<4x!tpu.dma_semaphore, #tpu.memory_space<semaphore_mem>> -> memref<1x!tpu.dma_semaphore, #tpu.memory_space<semaphore_mem>>
        %dma_start3A_697 = tpu.memref_squeeze %dma_start3A_696 : memref<1x!tpu.dma_semaphore, #tpu.memory_space<semaphore_mem>> -> memref<!tpu.dma_semaphore, #tpu.memory_space<semaphore_mem>>
        %dma_start3A_698 = arith.constant 0 : i32
        %dma_start3A_699 = arith.constant 0 : i32
        %dma_start3A_700 = tpu.memref_slice %arg5[%add3A_690, %dma_start3A_698, %dma_start3A_699] : memref<2560x2x128xi32, #tpu.memory_space<hbm>> -> memref<1x2x128xi32, #tpu.memory_space<hbm>>
        %dma_start3A_701 = tpu.memref_squeeze %dma_start3A_700 : memref<1x2x128xi32, #tpu.memory_space<hbm>> -> memref<2x128xi32, #tpu.memory_space<hbm>>
        tpu.enqueue_dma source(%dma_start3A_701 : memref<2x128xi32, #tpu.memory_space<hbm>>) target(%arg8 : memref<2x128xi32, #tpu.memory_space<vmem>>) target_semaphore(%dma_start3A_697 : memref<!tpu.dma_semaphore, #tpu.memory_space<semaphore_mem>>)
      } else {
      }
      %mul3A_571 = arith.constant 4 : i32
      %mul3A_572 = arith.muli %add3A_409, %mul3A_571 : i32
      %add3A_573 = arith.constant 2 : i32
      %add3A_574 = arith.addi %mul3A_572, %add3A_573 : i32
      %mul3A_575 = arith.constant 80 : i32
      %mul3A_576 = arith.muli %add3A, %mul3A_575 : i32
      %add3A_577 = arith.addi %mul3A_576, %add3A_574 : i32
      %dma_wait3A_578 = arith.constant 2 : i32
      %dma_wait3A_579 = arith.constant 0 : i32
      %dma_wait3A_580 = arith.constant 0 : i32
      %dma_wait3A_581 = tpu.memref_slice %arg5[%add3A_577, %dma_wait3A_579, %dma_wait3A_580] : memref<2560x2x128xi32, #tpu.memory_space<hbm>> -> memref<1x2x128xi32, #tpu.memory_space<hbm>>
      %dma_wait3A_582 = tpu.memref_squeeze %dma_wait3A_581 : memref<1x2x128xi32, #tpu.memory_space<hbm>> -> memref<2x128xi32, #tpu.memory_space<hbm>>
      %dma_wait3A_583 = tpu.memref_slice %arg17[%dma_wait3A_578] : memref<4x!tpu.dma_semaphore, #tpu.memory_space<semaphore_mem>> -> memref<1x!tpu.dma_semaphore, #tpu.memory_space<semaphore_mem>>
      %dma_wait3A_584 = tpu.memref_squeeze %dma_wait3A_583 : memref<1x!tpu.dma_semaphore, #tpu.memory_space<semaphore_mem>> -> memref<!tpu.dma_semaphore, #tpu.memory_space<semaphore_mem>>
      %dma_wait3A_585 = arith.constant 0 : i32
      %dma_wait3A_586 = arith.constant 0 : i32
      %dma_wait3A_587 = tpu.memref_slice %arg5[%add3A_577, %dma_wait3A_585, %dma_wait3A_586] : memref<2560x2x128xi32, #tpu.memory_space<hbm>> -> memref<1x2x128xi32, #tpu.memory_space<hbm>>
      %dma_wait3A_588 = tpu.memref_squeeze %dma_wait3A_587 : memref<1x2x128xi32, #tpu.memory_space<hbm>> -> memref<2x128xi32, #tpu.memory_space<hbm>>
      tpu.wait_dma2 semaphore(%dma_wait3A_584 : memref<!tpu.dma_semaphore, #tpu.memory_space<semaphore_mem>>) src(%dma_wait3A_588 : memref<2x128xi32, #tpu.memory_space<hbm>>) dst(%arg10 : memref<2x128xi32, #tpu.memory_space<vmem>>)
      %dma_start3A_589 = arith.constant 0 : i32
      %dma_start3A_590 = arith.constant 0 : i32
      %dma_start3A_591 = arith.constant 0 : i32
      %dma_start3A_592 = tpu.memref_slice %arg10[%dma_start3A_589, %dma_start3A_591] : memref<2x128xi32, #tpu.memory_space<vmem>> -> memref<1x128xi32, #tpu.memory_space<vmem>>
      %dma_start3A_593 = tpu.memref_squeeze %dma_start3A_592 : memref<1x128xi32, #tpu.memory_space<vmem>> -> memref<128xi32, #tpu.memory_space<vmem>>
      %dma_start3A_594 = arith.constant 0 : i32
      %dma_start3A_595 = arith.constant 0 : i32
      %dma_start3A_596 = tpu.memref_slice %arg3[%dma_start3A_594, %dma_start3A_595] : memref<10000x128xf32, #tpu.memory_space<hbm>> -> memref<10000x128xf32, #tpu.memory_space<hbm>>
      %dma_start3A_597 = tpu.memref_slice %arg18[%dma_start3A_590] : memref<2x!tpu.dma_semaphore, #tpu.memory_space<semaphore_mem>> -> memref<1x!tpu.dma_semaphore, #tpu.memory_space<semaphore_mem>>
      %dma_start3A_598 = tpu.memref_squeeze %dma_start3A_597 : memref<1x!tpu.dma_semaphore, #tpu.memory_space<semaphore_mem>> -> memref<!tpu.dma_semaphore, #tpu.memory_space<semaphore_mem>>
      tpu.enqueue_indirect_dma source(%dma_start3A_596 : memref<10000x128xf32, #tpu.memory_space<hbm>>) target(%arg12 : memref<128x128xf32, #tpu.memory_space<vmem>>) offsets(%dma_start3A_593 : memref<128xi32, #tpu.memory_space<vmem>>) semaphore(%dma_start3A_598 : memref<!tpu.dma_semaphore, #tpu.memory_space<semaphore_mem>>)
      %dma_wait3A_599 = arith.constant 0 : i32
      %dma_wait3A_600 = arith.constant 0 : i32
      %dma_wait3A_601 = arith.constant 0 : i32
      %dma_wait3A_602 = tpu.memref_slice %arg10[%dma_wait3A_599, %dma_wait3A_601] : memref<2x128xi32, #tpu.memory_space<vmem>> -> memref<1x128xi32, #tpu.memory_space<vmem>>
      %dma_wait3A_603 = tpu.memref_squeeze %dma_wait3A_602 : memref<1x128xi32, #tpu.memory_space<vmem>> -> memref<128xi32, #tpu.memory_space<vmem>>
      %dma_wait3A_604 = arith.constant 0 : i32
      %dma_wait3A_605 = arith.constant 0 : i32
      %dma_wait3A_606 = tpu.memref_slice %arg3[%dma_wait3A_604, %dma_wait3A_605] : memref<10000x128xf32, #tpu.memory_space<hbm>> -> memref<10000x128xf32, #tpu.memory_space<hbm>>
      %dma_wait3A_607 = tpu.memref_slice %arg18[%dma_wait3A_600] : memref<2x!tpu.dma_semaphore, #tpu.memory_space<semaphore_mem>> -> memref<1x!tpu.dma_semaphore, #tpu.memory_space<semaphore_mem>>
      %dma_wait3A_608 = tpu.memref_squeeze %dma_wait3A_607 : memref<1x!tpu.dma_semaphore, #tpu.memory_space<semaphore_mem>> -> memref<!tpu.dma_semaphore, #tpu.memory_space<semaphore_mem>>
      tpu.wait_indirect_dma semaphore(%dma_wait3A_608 : memref<!tpu.dma_semaphore, #tpu.memory_space<semaphore_mem>>) src(%dma_wait3A_606 : memref<10000x128xf32, #tpu.memory_space<hbm>>) dst(%arg12 : memref<128x128xf32, #tpu.memory_space<vmem>>)
      %dma_start3A_609 = arith.constant 1 : i32
      %dma_start3A_610 = arith.constant 0 : i32
      %dma_start3A_611 = arith.constant 0 : i32
      %dma_start3A_612 = tpu.memref_slice %arg10[%dma_start3A_609, %dma_start3A_611] : memref<2x128xi32, #tpu.memory_space<vmem>> -> memref<1x128xi32, #tpu.memory_space<vmem>>
      %dma_start3A_613 = tpu.memref_squeeze %dma_start3A_612 : memref<1x128xi32, #tpu.memory_space<vmem>> -> memref<128xi32, #tpu.memory_space<vmem>>
      %dma_start3A_614 = arith.constant 0 : i32
      %dma_start3A_615 = arith.constant 0 : i32
      %dma_start3A_616 = tpu.memref_slice %arg16[%dma_start3A_614, %dma_start3A_615] : memref<10112x128xf32, #tpu.memory_space<vmem_shared>> -> memref<10112x128xf32, #tpu.memory_space<vmem_shared>>
      %dma_start3A_617 = tpu.memref_slice %arg19[%dma_start3A_610] : memref<2x!tpu.dma_semaphore, #tpu.memory_space<semaphore_mem>> -> memref<1x!tpu.dma_semaphore, #tpu.memory_space<semaphore_mem>>
      %dma_start3A_618 = tpu.memref_squeeze %dma_start3A_617 : memref<1x!tpu.dma_semaphore, #tpu.memory_space<semaphore_mem>> -> memref<!tpu.dma_semaphore, #tpu.memory_space<semaphore_mem>>
      tpu.enqueue_indirect_dma source(%arg12 : memref<128x128xf32, #tpu.memory_space<vmem>>) target(%dma_start3A_616 : memref<10112x128xf32, #tpu.memory_space<vmem_shared>>) offsets(%dma_start3A_613 : memref<128xi32, #tpu.memory_space<vmem>>) semaphore(%dma_start3A_618 : memref<!tpu.dma_semaphore, #tpu.memory_space<semaphore_mem>>) {add = true}
      %dma_wait3A_619 = arith.constant 1 : i32
      %dma_wait3A_620 = arith.constant 1 : i32
      %dma_wait3A_621 = arith.constant 0 : i32
      %dma_wait3A_622 = tpu.memref_slice %arg9[%dma_wait3A_619, %dma_wait3A_621] : memref<2x128xi32, #tpu.memory_space<vmem>> -> memref<1x128xi32, #tpu.memory_space<vmem>>
      %dma_wait3A_623 = tpu.memref_squeeze %dma_wait3A_622 : memref<1x128xi32, #tpu.memory_space<vmem>> -> memref<128xi32, #tpu.memory_space<vmem>>
      %dma_wait3A_624 = arith.constant 0 : i32
      %dma_wait3A_625 = arith.constant 0 : i32
      %dma_wait3A_626 = tpu.memref_slice %arg16[%dma_wait3A_624, %dma_wait3A_625] : memref<10112x128xf32, #tpu.memory_space<vmem_shared>> -> memref<10112x128xf32, #tpu.memory_space<vmem_shared>>
      %dma_wait3A_627 = tpu.memref_slice %arg19[%dma_wait3A_620] : memref<2x!tpu.dma_semaphore, #tpu.memory_space<semaphore_mem>> -> memref<1x!tpu.dma_semaphore, #tpu.memory_space<semaphore_mem>>
      %dma_wait3A_628 = tpu.memref_squeeze %dma_wait3A_627 : memref<1x!tpu.dma_semaphore, #tpu.memory_space<semaphore_mem>> -> memref<!tpu.dma_semaphore, #tpu.memory_space<semaphore_mem>>
      tpu.wait_indirect_dma semaphore(%dma_wait3A_628 : memref<!tpu.dma_semaphore, #tpu.memory_space<semaphore_mem>>) src(%arg13 : memref<128x128xf32, #tpu.memory_space<vmem>>) dst(%dma_wait3A_626 : memref<10112x128xf32, #tpu.memory_space<vmem_shared>>)
      %lt3A_629 = arith.constant 19 : i32
      %lt3A_630 = arith.cmpi slt, %add3A_409, %lt3A_629 : i32
      %convert_element_type3A_631 = arith.extui %lt3A_630 : i1 to i32
      %cond3A_632 = arith.constant 0 : i32
      %cond3A_633 = arith.cmpi ne, %convert_element_type3A_631, %cond3A_632 : i32
      scf.if %cond3A_633 {
        %mul3A_682 = arith.constant 4 : i32
        %mul3A_683 = arith.muli %add3A_409, %mul3A_682 : i32
        %add3A_684 = arith.constant 3 : i32
        %add3A_685 = arith.addi %mul3A_683, %add3A_684 : i32
        %add3A_686 = arith.constant 2 : i32
        %add3A_687 = arith.addi %add3A_685, %add3A_686 : i32
        %mul3A_688 = arith.constant 80 : i32
        %mul3A_689 = arith.muli %add3A, %mul3A_688 : i32
        %add3A_690 = arith.addi %mul3A_689, %add3A_687 : i32
        %dma_start3A_691 = arith.constant 1 : i32
        %dma_start3A_692 = arith.constant 0 : i32
        %dma_start3A_693 = arith.constant 0 : i32
        %dma_start3A_694 = tpu.memref_slice %arg5[%add3A_690, %dma_start3A_692, %dma_start3A_693] : memref<2560x2x128xi32, #tpu.memory_space<hbm>> -> memref<1x2x128xi32, #tpu.memory_space<hbm>>
        %dma_start3A_695 = tpu.memref_squeeze %dma_start3A_694 : memref<1x2x128xi32, #tpu.memory_space<hbm>> -> memref<2x128xi32, #tpu.memory_space<hbm>>
        %dma_start3A_696 = tpu.memref_slice %arg17[%dma_start3A_691] : memref<4x!tpu.dma_semaphore, #tpu.memory_space<semaphore_mem>> -> memref<1x!tpu.dma_semaphore, #tpu.memory_space<semaphore_mem>>
        %dma_start3A_697 = tpu.memref_squeeze %dma_start3A_696 : memref<1x!tpu.dma_semaphore, #tpu.memory_space<semaphore_mem>> -> memref<!tpu.dma_semaphore, #tpu.memory_space<semaphore_mem>>
        %dma_start3A_698 = arith.constant 0 : i32
        %dma_start3A_699 = arith.constant 0 : i32
        %dma_start3A_700 = tpu.memref_slice %arg5[%add3A_690, %dma_start3A_698, %dma_start3A_699] : memref<2560x2x128xi32, #tpu.memory_space<hbm>> -> memref<1x2x128xi32, #tpu.memory_space<hbm>>
        %dma_start3A_701 = tpu.memref_squeeze %dma_start3A_700 : memref<1x2x128xi32, #tpu.memory_space<hbm>> -> memref<2x128xi32, #tpu.memory_space<hbm>>
        tpu.enqueue_dma source(%dma_start3A_701 : memref<2x128xi32, #tpu.memory_space<hbm>>) target(%arg9 : memref<2x128xi32, #tpu.memory_space<vmem>>) target_semaphore(%dma_start3A_697 : memref<!tpu.dma_semaphore, #tpu.memory_space<semaphore_mem>>)
      } else {
      }
      %mul3A_634 = arith.constant 4 : i32
      %mul3A_635 = arith.muli %add3A_409, %mul3A_634 : i32
      %add3A_636 = arith.constant 3 : i32
      %add3A_637 = arith.addi %mul3A_635, %add3A_636 : i32
      %mul3A_638 = arith.constant 80 : i32
      %mul3A_639 = arith.muli %add3A, %mul3A_638 : i32
      %add3A_640 = arith.addi %mul3A_639, %add3A_637 : i32
      %dma_wait3A_641 = arith.constant 3 : i32
      %dma_wait3A_642 = arith.constant 0 : i32
      %dma_wait3A_643 = arith.constant 0 : i32
      %dma_wait3A_644 = tpu.memref_slice %arg5[%add3A_640, %dma_wait3A_642, %dma_wait3A_643] : memref<2560x2x128xi32, #tpu.memory_space<hbm>> -> memref<1x2x128xi32, #tpu.memory_space<hbm>>
      %dma_wait3A_645 = tpu.memref_squeeze %dma_wait3A_644 : memref<1x2x128xi32, #tpu.memory_space<hbm>> -> memref<2x128xi32, #tpu.memory_space<hbm>>
      %dma_wait3A_646 = tpu.memref_slice %arg17[%dma_wait3A_641] : memref<4x!tpu.dma_semaphore, #tpu.memory_space<semaphore_mem>> -> memref<1x!tpu.dma_semaphore, #tpu.memory_space<semaphore_mem>>
      %dma_wait3A_647 = tpu.memref_squeeze %dma_wait3A_646 : memref<1x!tpu.dma_semaphore, #tpu.memory_space<semaphore_mem>> -> memref<!tpu.dma_semaphore, #tpu.memory_space<semaphore_mem>>
      %dma_wait3A_648 = arith.constant 0 : i32
      %dma_wait3A_649 = arith.constant 0 : i32
      %dma_wait3A_650 = tpu.memref_slice %arg5[%add3A_640, %dma_wait3A_648, %dma_wait3A_649] : memref<2560x2x128xi32, #tpu.memory_space<hbm>> -> memref<1x2x128xi32, #tpu.memory_space<hbm>>
      %dma_wait3A_651 = tpu.memref_squeeze %dma_wait3A_650 : memref<1x2x128xi32, #tpu.memory_space<hbm>> -> memref<2x128xi32, #tpu.memory_space<hbm>>
      tpu.wait_dma2 semaphore(%dma_wait3A_647 : memref<!tpu.dma_semaphore, #tpu.memory_space<semaphore_mem>>) src(%dma_wait3A_651 : memref<2x128xi32, #tpu.memory_space<hbm>>) dst(%arg11 : memref<2x128xi32, #tpu.memory_space<vmem>>)
      %dma_start3A_652 = arith.constant 0 : i32
      %dma_start3A_653 = arith.constant 1 : i32
      %dma_start3A_654 = arith.constant 0 : i32
      %dma_start3A_655 = tpu.memref_slice %arg11[%dma_start3A_652, %dma_start3A_654] : memref<2x128xi32, #tpu.memory_space<vmem>> -> memref<1x128xi32, #tpu.memory_space<vmem>>
      %dma_start3A_656 = tpu.memref_squeeze %dma_start3A_655 : memref<1x128xi32, #tpu.memory_space<vmem>> -> memref<128xi32, #tpu.memory_space<vmem>>
      %dma_start3A_657 = arith.constant 0 : i32
      %dma_start3A_658 = arith.constant 0 : i32
      %dma_start3A_659 = tpu.memref_slice %arg3[%dma_start3A_657, %dma_start3A_658] : memref<10000x128xf32, #tpu.memory_space<hbm>> -> memref<10000x128xf32, #tpu.memory_space<hbm>>
      %dma_start3A_660 = tpu.memref_slice %arg18[%dma_start3A_653] : memref<2x!tpu.dma_semaphore, #tpu.memory_space<semaphore_mem>> -> memref<1x!tpu.dma_semaphore, #tpu.memory_space<semaphore_mem>>
      %dma_start3A_661 = tpu.memref_squeeze %dma_start3A_660 : memref<1x!tpu.dma_semaphore, #tpu.memory_space<semaphore_mem>> -> memref<!tpu.dma_semaphore, #tpu.memory_space<semaphore_mem>>
      tpu.enqueue_indirect_dma source(%dma_start3A_659 : memref<10000x128xf32, #tpu.memory_space<hbm>>) target(%arg13 : memref<128x128xf32, #tpu.memory_space<vmem>>) offsets(%dma_start3A_656 : memref<128xi32, #tpu.memory_space<vmem>>) semaphore(%dma_start3A_661 : memref<!tpu.dma_semaphore, #tpu.memory_space<semaphore_mem>>)
      %dma_wait3A_662 = arith.constant 0 : i32
      %dma_wait3A_663 = arith.constant 1 : i32
      %dma_wait3A_664 = arith.constant 0 : i32
      %dma_wait3A_665 = tpu.memref_slice %arg11[%dma_wait3A_662, %dma_wait3A_664] : memref<2x128xi32, #tpu.memory_space<vmem>> -> memref<1x128xi32, #tpu.memory_space<vmem>>
      %dma_wait3A_666 = tpu.memref_squeeze %dma_wait3A_665 : memref<1x128xi32, #tpu.memory_space<vmem>> -> memref<128xi32, #tpu.memory_space<vmem>>
      %dma_wait3A_667 = arith.constant 0 : i32
      %dma_wait3A_668 = arith.constant 0 : i32
      %dma_wait3A_669 = tpu.memref_slice %arg3[%dma_wait3A_667, %dma_wait3A_668] : memref<10000x128xf32, #tpu.memory_space<hbm>> -> memref<10000x128xf32, #tpu.memory_space<hbm>>
      %dma_wait3A_670 = tpu.memref_slice %arg18[%dma_wait3A_663] : memref<2x!tpu.dma_semaphore, #tpu.memory_space<semaphore_mem>> -> memref<1x!tpu.dma_semaphore, #tpu.memory_space<semaphore_mem>>
      %dma_wait3A_671 = tpu.memref_squeeze %dma_wait3A_670 : memref<1x!tpu.dma_semaphore, #tpu.memory_space<semaphore_mem>> -> memref<!tpu.dma_semaphore, #tpu.memory_space<semaphore_mem>>
      tpu.wait_indirect_dma semaphore(%dma_wait3A_671 : memref<!tpu.dma_semaphore, #tpu.memory_space<semaphore_mem>>) src(%dma_wait3A_669 : memref<10000x128xf32, #tpu.memory_space<hbm>>) dst(%arg13 : memref<128x128xf32, #tpu.memory_space<vmem>>)
      %dma_start3A_672 = arith.constant 1 : i32
      %dma_start3A_673 = arith.constant 1 : i32
      %dma_start3A_674 = arith.constant 0 : i32
      %dma_start3A_675 = tpu.memref_slice %arg11[%dma_start3A_672, %dma_start3A_674] : memref<2x128xi32, #tpu.memory_space<vmem>> -> memref<1x128xi32, #tpu.memory_space<vmem>>
      %dma_start3A_676 = tpu.memref_squeeze %dma_start3A_675 : memref<1x128xi32, #tpu.memory_space<vmem>> -> memref<128xi32, #tpu.memory_space<vmem>>
      %dma_start3A_677 = arith.constant 0 : i32
      %dma_start3A_678 = arith.constant 0 : i32
      %dma_start3A_679 = tpu.memref_slice %arg16[%dma_start3A_677, %dma_start3A_678] : memref<10112x128xf32, #tpu.memory_space<vmem_shared>> -> memref<10112x128xf32, #tpu.memory_space<vmem_shared>>
      %dma_start3A_680 = tpu.memref_slice %arg19[%dma_start3A_673] : memref<2x!tpu.dma_semaphore, #tpu.memory_space<semaphore_mem>> -> memref<1x!tpu.dma_semaphore, #tpu.memory_space<semaphore_mem>>
      %dma_start3A_681 = tpu.memref_squeeze %dma_start3A_680 : memref<1x!tpu.dma_semaphore, #tpu.memory_space<semaphore_mem>> -> memref<!tpu.dma_semaphore, #tpu.memory_space<semaphore_mem>>
      tpu.enqueue_indirect_dma source(%arg13 : memref<128x128xf32, #tpu.memory_space<vmem>>) target(%dma_start3A_679 : memref<10112x128xf32, #tpu.memory_space<vmem_shared>>) offsets(%dma_start3A_676 : memref<128xi32, #tpu.memory_space<vmem>>) semaphore(%dma_start3A_681 : memref<!tpu.dma_semaphore, #tpu.memory_space<semaphore_mem>>) {add = true}
    }
    %scan3A_375 = arith.constant 20 : i32
    %dma_wait3A_376 = arith.constant 1 : i32
    %dma_wait3A_377 = arith.constant 0 : i32
    %dma_wait3A_378 = arith.constant 0 : i32
    %dma_wait3A_379 = tpu.memref_slice %arg10[%dma_wait3A_376, %dma_wait3A_378] : memref<2x128xi32, #tpu.memory_space<vmem>> -> memref<1x128xi32, #tpu.memory_space<vmem>>
    %dma_wait3A_380 = tpu.memref_squeeze %dma_wait3A_379 : memref<1x128xi32, #tpu.memory_space<vmem>> -> memref<128xi32, #tpu.memory_space<vmem>>
    %dma_wait3A_381 = arith.constant 0 : i32
    %dma_wait3A_382 = arith.constant 0 : i32
    %dma_wait3A_383 = tpu.memref_slice %arg16[%dma_wait3A_381, %dma_wait3A_382] : memref<10112x128xf32, #tpu.memory_space<vmem_shared>> -> memref<10112x128xf32, #tpu.memory_space<vmem_shared>>
    %dma_wait3A_384 = tpu.memref_slice %arg19[%dma_wait3A_377] : memref<2x!tpu.dma_semaphore, #tpu.memory_space<semaphore_mem>> -> memref<1x!tpu.dma_semaphore, #tpu.memory_space<semaphore_mem>>
    %dma_wait3A_385 = tpu.memref_squeeze %dma_wait3A_384 : memref<1x!tpu.dma_semaphore, #tpu.memory_space<semaphore_mem>> -> memref<!tpu.dma_semaphore, #tpu.memory_space<semaphore_mem>>
    tpu.wait_indirect_dma semaphore(%dma_wait3A_385 : memref<!tpu.dma_semaphore, #tpu.memory_space<semaphore_mem>>) src(%arg12 : memref<128x128xf32, #tpu.memory_space<vmem>>) dst(%dma_wait3A_383 : memref<10112x128xf32, #tpu.memory_space<vmem_shared>>)
    %dma_wait3A_386 = arith.constant 1 : i32
    %dma_wait3A_387 = arith.constant 1 : i32
    %dma_wait3A_388 = arith.constant 0 : i32
    %dma_wait3A_389 = tpu.memref_slice %arg11[%dma_wait3A_386, %dma_wait3A_388] : memref<2x128xi32, #tpu.memory_space<vmem>> -> memref<1x128xi32, #tpu.memory_space<vmem>>
    %dma_wait3A_390 = tpu.memref_squeeze %dma_wait3A_389 : memref<1x128xi32, #tpu.memory_space<vmem>> -> memref<128xi32, #tpu.memory_space<vmem>>
    %dma_wait3A_391 = arith.constant 0 : i32
    %dma_wait3A_392 = arith.constant 0 : i32
    %dma_wait3A_393 = tpu.memref_slice %arg16[%dma_wait3A_391, %dma_wait3A_392] : memref<10112x128xf32, #tpu.memory_space<vmem_shared>> -> memref<10112x128xf32, #tpu.memory_space<vmem_shared>>
    %dma_wait3A_394 = tpu.memref_slice %arg19[%dma_wait3A_387] : memref<2x!tpu.dma_semaphore, #tpu.memory_space<semaphore_mem>> -> memref<1x!tpu.dma_semaphore, #tpu.memory_space<semaphore_mem>>
    %dma_wait3A_395 = tpu.memref_squeeze %dma_wait3A_394 : memref<1x!tpu.dma_semaphore, #tpu.memory_space<semaphore_mem>> -> memref<!tpu.dma_semaphore, #tpu.memory_space<semaphore_mem>>
    tpu.wait_indirect_dma semaphore(%dma_wait3A_395 : memref<!tpu.dma_semaphore, #tpu.memory_space<semaphore_mem>>) src(%arg13 : memref<128x128xf32, #tpu.memory_space<vmem>>) dst(%dma_wait3A_393 : memref<10112x128xf32, #tpu.memory_space<vmem_shared>>)
    %barrier3A_396 = arith.constant 0 : index
    tpu.barrier barrier_id(%barrier3A_396)
    %mul3A_397 = arith.constant 64 : i32
    %mul3A_398 = arith.muli %arg1, %mul3A_397 : i32
    %mul3A_399 = arith.constant 64 : i32
    %mul3A_400 = arith.muli %arg1, %mul3A_399 : i32
    "tpu.region"() ({
      %run_scoped3A = tpu.sem_alloc : memref<!tpu.dma_semaphore, #tpu.memory_space<semaphore_mem>>
      %dma_start3A_405 = arith.constant 0 : i32
      %dma_start3A_406 = arith.constant 0 : i32
      %dma_start3A_407 = tpu.memref_slice %arg6[%arg0, %dma_start3A_405, %dma_start3A_406] : memref<2x1024x128xf32, #tpu.memory_space<hbm>> -> memref<1x1024x128xf32, #tpu.memory_space<hbm>>
      %dma_start3A_408 = tpu.memref_squeeze %dma_start3A_407 : memref<1x1024x128xf32, #tpu.memory_space<hbm>> -> memref<1024x128xf32, #tpu.memory_space<hbm>>
      %dma_start3A_409 = arith.constant 0 : i32
      %dma_start3A_410 = tpu.memref_slice %dma_start3A_408[%mul3A_400, %dma_start3A_409] : memref<1024x128xf32, #tpu.memory_space<hbm>> -> memref<64x128xf32, #tpu.memory_space<hbm>>
      %dma_start3A_411 = arith.constant 0 : i32
      %dma_start3A_412 = tpu.memref_slice %arg15[%mul3A_398, %dma_start3A_411] : memref<1024x128xf32, #tpu.memory_space<vmem_shared>> -> memref<64x128xf32, #tpu.memory_space<vmem_shared>>
      tpu.enqueue_dma source(%dma_start3A_412 : memref<64x128xf32, #tpu.memory_space<vmem_shared>>) target(%dma_start3A_410 : memref<64x128xf32, #tpu.memory_space<hbm>>) target_semaphore(%run_scoped3A : memref<!tpu.dma_semaphore, #tpu.memory_space<semaphore_mem>>)
      %dma_wait3A_413 = arith.constant 0 : i32
      %dma_wait3A_414 = arith.constant 0 : i32
      %dma_wait3A_415 = tpu.memref_slice %arg6[%arg0, %dma_wait3A_413, %dma_wait3A_414] : memref<2x1024x128xf32, #tpu.memory_space<hbm>> -> memref<1x1024x128xf32, #tpu.memory_space<hbm>>
      %dma_wait3A_416 = tpu.memref_squeeze %dma_wait3A_415 : memref<1x1024x128xf32, #tpu.memory_space<hbm>> -> memref<1024x128xf32, #tpu.memory_space<hbm>>
      %dma_wait3A_417 = arith.constant 0 : i32
      %dma_wait3A_418 = tpu.memref_slice %dma_wait3A_416[%mul3A_400, %dma_wait3A_417] : memref<1024x128xf32, #tpu.memory_space<hbm>> -> memref<64x128xf32, #tpu.memory_space<hbm>>
      %dma_wait3A_419 = arith.constant 0 : i32
      %dma_wait3A_420 = tpu.memref_slice %arg15[%mul3A_398, %dma_wait3A_419] : memref<1024x128xf32, #tpu.memory_space<vmem_shared>> -> memref<64x128xf32, #tpu.memory_space<vmem_shared>>
      tpu.wait_dma2 semaphore(%run_scoped3A : memref<!tpu.dma_semaphore, #tpu.memory_space<semaphore_mem>>) src(%dma_wait3A_420 : memref<64x128xf32, #tpu.memory_space<vmem_shared>>) dst(%dma_wait3A_418 : memref<64x128xf32, #tpu.memory_space<hbm>>)
      tpu.yield
    }) : () -> ()
    %mul3A_401 = arith.constant 632 : i32
    %mul3A_402 = arith.muli %arg1, %mul3A_401 : i32
    %mul3A_403 = arith.constant 632 : i32
    %mul3A_404 = arith.muli %arg1, %mul3A_403 : i32
    "tpu.region"() ({
      %run_scoped3A = tpu.sem_alloc : memref<!tpu.dma_semaphore, #tpu.memory_space<semaphore_mem>>
      %dma_start3A_405 = arith.constant 0 : i32
      %dma_start3A_406 = arith.constant 0 : i32
      %dma_start3A_407 = tpu.memref_slice %arg7[%arg0, %dma_start3A_405, %dma_start3A_406] : memref<2x10112x128xf32, #tpu.memory_space<hbm>> -> memref<1x10112x128xf32, #tpu.memory_space<hbm>>
      %dma_start3A_408 = tpu.memref_squeeze %dma_start3A_407 : memref<1x10112x128xf32, #tpu.memory_space<hbm>> -> memref<10112x128xf32, #tpu.memory_space<hbm>>
      %dma_start3A_409 = arith.constant 0 : i32
      %dma_start3A_410 = tpu.memref_slice %dma_start3A_408[%mul3A_404, %dma_start3A_409] : memref<10112x128xf32, #tpu.memory_space<hbm>> -> memref<632x128xf32, #tpu.memory_space<hbm>>
      %dma_start3A_411 = arith.constant 0 : i32
      %dma_start3A_412 = tpu.memref_slice %arg16[%mul3A_402, %dma_start3A_411] : memref<10112x128xf32, #tpu.memory_space<vmem_shared>> -> memref<632x128xf32, #tpu.memory_space<vmem_shared>>
      tpu.enqueue_dma source(%dma_start3A_412 : memref<632x128xf32, #tpu.memory_space<vmem_shared>>) target(%dma_start3A_410 : memref<632x128xf32, #tpu.memory_space<hbm>>) target_semaphore(%run_scoped3A : memref<!tpu.dma_semaphore, #tpu.memory_space<semaphore_mem>>)
      %dma_wait3A_413 = arith.constant 0 : i32
      %dma_wait3A_414 = arith.constant 0 : i32
      %dma_wait3A_415 = tpu.memref_slice %arg7[%arg0, %dma_wait3A_413, %dma_wait3A_414] : memref<2x10112x128xf32, #tpu.memory_space<hbm>> -> memref<1x10112x128xf32, #tpu.memory_space<hbm>>
      %dma_wait3A_416 = tpu.memref_squeeze %dma_wait3A_415 : memref<1x10112x128xf32, #tpu.memory_space<hbm>> -> memref<10112x128xf32, #tpu.memory_space<hbm>>
      %dma_wait3A_417 = arith.constant 0 : i32
      %dma_wait3A_418 = tpu.memref_slice %dma_wait3A_416[%mul3A_404, %dma_wait3A_417] : memref<10112x128xf32, #tpu.memory_space<hbm>> -> memref<632x128xf32, #tpu.memory_space<hbm>>
      %dma_wait3A_419 = arith.constant 0 : i32
      %dma_wait3A_420 = tpu.memref_slice %arg16[%mul3A_402, %dma_wait3A_419] : memref<10112x128xf32, #tpu.memory_space<vmem_shared>> -> memref<632x128xf32, #tpu.memory_space<vmem_shared>>
      tpu.wait_dma2 semaphore(%run_scoped3A : memref<!tpu.dma_semaphore, #tpu.memory_space<semaphore_mem>>) src(%dma_wait3A_420 : memref<632x128xf32, #tpu.memory_space<vmem_shared>>) dst(%dma_wait3A_418 : memref<632x128xf32, #tpu.memory_space<hbm>>)
      tpu.yield
    }) : () -> ()
    return
  }
}

module attributes {stable_mosaic.version = 14 : i64} {
  func.func @_mm_body(%arg0: i32, %arg1: memref<1000x128xf32, #tpu.memory_space<vmem>>, %arg2: memref<1000x128xf32, #tpu.memory_space<vmem>>, %arg3: memref<1000x128xf32, #tpu.memory_space<vmem>>, %arg4: memref<128x128xf32, #tpu.memory_space<vmem>>, %arg5: memref<1x128xf32, #tpu.memory_space<vmem>>, %arg6: memref<1000x128xf32, #tpu.memory_space<vmem>>) attributes {dimension_semantics = [#tpu.dimension_semantics<arbitrary>], iteration_bounds = array<i64: 1>, scalar_prefetch = 0 : i64, scratch_operands = 0 : i64, tpu.core_type = #tpu.core_type<tc>, window_params = [{transform_indices = @transform_0, window_bounds = array<i64: 1000, 128>}, {transform_indices = @transform_1, window_bounds = array<i64: 1000, 128>}, {transform_indices = @transform_2, window_bounds = array<i64: 1000, 128>}, {pipeline_mode = #tpu.pipeline_mode<synchronous>, transform_indices = @transform_3, window_bounds = array<i64: 128, 128>}, {pipeline_mode = #tpu.pipeline_mode<synchronous>, transform_indices = @transform_4, window_bounds = array<i64: 1, 128>}, {transform_indices = @transform_5, window_bounds = array<i64: 1000, 128>}]} {
    %get3A = arith.constant 0 : index
    %get3A_0 = arith.constant 0 : index
    %get3A_1 = vector.load %arg1[%get3A, %get3A_0] : memref<1000x128xf32, #tpu.memory_space<vmem>>, vector<1000x128xf32>
    %get3A_2 = arith.constant 0 : index
    %get3A_3 = arith.constant 0 : index
    %get3A_4 = vector.load %arg2[%get3A_2, %get3A_3] : memref<1000x128xf32, #tpu.memory_space<vmem>>, vector<1000x128xf32>
    %add3A = arith.addf %get3A_1, %get3A_4 : vector<1000x128xf32>
    %get3A_5 = arith.constant 0 : index
    %get3A_6 = arith.constant 0 : index
    %get3A_7 = vector.load %arg3[%get3A_5, %get3A_6] : memref<1000x128xf32, #tpu.memory_space<vmem>>, vector<1000x128xf32>
    %add3A_8 = arith.addf %add3A, %get3A_7 : vector<1000x128xf32>
    %get3A_9 = arith.constant 0 : index
    %get3A_10 = arith.constant 0 : index
    %get3A_11 = vector.load %arg4[%get3A_9, %get3A_10] : memref<128x128xf32, #tpu.memory_space<vmem>>, vector<128x128xf32>
    %dot_general3A = arith.constant dense<0.000000e+00> : vector<1000x128xf32>
    %dot_general3A_12 = tpu.matmul %add3A_8, %get3A_11, %dot_general3A {dimension_numbers = #tpu.dot_dimension_numbers<[1], [0], [0], [1], [0, 0, 1, 1], [], []>, precision = #tpu.contract_precision<fp32>, transpose_lhs_hint = false} : vector<1000x128xf32>, vector<128x128xf32>, vector<1000x128xf32> -> vector<1000x128xf32>
    %get3A_13 = arith.constant 0 : index
    %get3A_14 = arith.constant 0 : index
    %get3A_15 = vector.load %arg5[%get3A_13, %get3A_14] : memref<1x128xf32, #tpu.memory_space<vmem>>, vector<1x128xf32>
    %add3A_16 = vector.broadcast %get3A_15 : vector<1x128xf32> to vector<1000x128xf32>
    %add3A_17 = arith.addf %dot_general3A_12, %add3A_16 : vector<1000x128xf32>
    %max3A = arith.constant 0.000000e+00 : f32
    %max3A_18 = vector.broadcast %max3A : f32 to vector<1000x128xf32>
    %max3A_19 = arith.maximumf %add3A_17, %max3A_18 : vector<1000x128xf32>
    %swap3A = arith.constant 0 : index
    %swap3A_20 = arith.constant 0 : index
    %swap3A_21 = vector.load %arg6[%swap3A, %swap3A_20] : memref<1000x128xf32, #tpu.memory_space<vmem>>, vector<1000x128xf32>
    tpu.vector_store %arg6[%swap3A, %swap3A_20], %max3A_19 {strides = array<i32>} : memref<1000x128xf32, #tpu.memory_space<vmem>>, vector<1000x128xf32>,
    return
  }
  func.func @transform_0(%arg0: i32) -> (i32, i32) {
    %c0_i32 = arith.constant 0 : i32
    %c0_i32_0 = arith.constant 0 : i32
    return %arg0, %c0_i32 : i32, i32
  }
  func.func @transform_1(%arg0: i32) -> (i32, i32) {
    %c0_i32 = arith.constant 0 : i32
    %c0_i32_0 = arith.constant 0 : i32
    return %arg0, %c0_i32 : i32, i32
  }
  func.func @transform_2(%arg0: i32) -> (i32, i32) {
    %c0_i32 = arith.constant 0 : i32
    %c0_i32_0 = arith.constant 0 : i32
    return %arg0, %c0_i32 : i32, i32
  }
  func.func @transform_3(%arg0: i32) -> (i32, i32) {
    %c0_i32 = arith.constant 0 : i32
    %c0_i32_0 = arith.constant 0 : i32
    %c0_i32_1 = arith.constant 0 : i32
    return %c0_i32, %c0_i32_0 : i32, i32
  }
  func.func @transform_4(%arg0: i32) -> (i32, i32) {
    %c0_i32 = arith.constant 0 : i32
    %c0_i32_0 = arith.constant 0 : i32
    %c0_i32_1 = arith.constant 0 : i32
    return %c0_i32, %c0_i32_0 : i32, i32
  }
  func.func @transform_5(%arg0: i32) -> (i32, i32) {
    %c0_i32 = arith.constant 0 : i32
    %c0_i32_0 = arith.constant 0 : i32
    return %arg0, %c0_i32 : i32, i32
  }
}

module attributes {stable_mosaic.version = 14 : i64} {
  func.func @_mm_plain_body(%arg0: i32, %arg1: memref<1000x128xf32, #tpu.memory_space<vmem>>, %arg2: memref<128x128xf32, #tpu.memory_space<vmem>>, %arg3: memref<1000x128xf32, #tpu.memory_space<vmem>>) attributes {dimension_semantics = [#tpu.dimension_semantics<arbitrary>], iteration_bounds = array<i64: 1>, scalar_prefetch = 0 : i64, scratch_operands = 0 : i64, tpu.core_type = #tpu.core_type<tc>, window_params = [{transform_indices = @transform_0, window_bounds = array<i64: 1000, 128>}, {pipeline_mode = #tpu.pipeline_mode<synchronous>, transform_indices = @transform_1, window_bounds = array<i64: 128, 128>}, {transform_indices = @transform_2, window_bounds = array<i64: 1000, 128>}]} {
    %get3A = arith.constant 0 : index
    %get3A_0 = arith.constant 0 : index
    %get3A_1 = vector.load %arg1[%get3A, %get3A_0] : memref<1000x128xf32, #tpu.memory_space<vmem>>, vector<1000x128xf32>
    %get3A_2 = arith.constant 0 : index
    %get3A_3 = arith.constant 0 : index
    %get3A_4 = vector.load %arg2[%get3A_2, %get3A_3] : memref<128x128xf32, #tpu.memory_space<vmem>>, vector<128x128xf32>
    %dot_general3A = arith.constant dense<0.000000e+00> : vector<1000x128xf32>
    %dot_general3A_5 = tpu.matmul %get3A_1, %get3A_4, %dot_general3A {dimension_numbers = #tpu.dot_dimension_numbers<[1], [0], [0], [1], [0, 0, 1, 1], [], []>, precision = #tpu.contract_precision<fp32>, transpose_lhs_hint = false} : vector<1000x128xf32>, vector<128x128xf32>, vector<1000x128xf32> -> vector<1000x128xf32>
    %swap3A = arith.constant 0 : index
    %swap3A_6 = arith.constant 0 : index
    %swap3A_7 = vector.load %arg3[%swap3A, %swap3A_6] : memref<1000x128xf32, #tpu.memory_space<vmem>>, vector<1000x128xf32>
    tpu.vector_store %arg3[%swap3A, %swap3A_6], %dot_general3A_5 {strides = array<i32>} : memref<1000x128xf32, #tpu.memory_space<vmem>>, vector<1000x128xf32>,
    return
  }
  func.func @transform_0(%arg0: i32) -> (i32, i32) {
    %c0_i32 = arith.constant 0 : i32
    %c0_i32_0 = arith.constant 0 : i32
    return %arg0, %c0_i32 : i32, i32
  }
  func.func @transform_1(%arg0: i32) -> (i32, i32) {
    %c0_i32 = arith.constant 0 : i32
    %c0_i32_0 = arith.constant 0 : i32
    %c0_i32_1 = arith.constant 0 : i32
    return %c0_i32, %c0_i32_0 : i32, i32
  }
  func.func @transform_2(%arg0: i32) -> (i32, i32) {
    %c0_i32 = arith.constant 0 : i32
    %c0_i32_0 = arith.constant 0 : i32
    return %arg0, %c0_i32 : i32, i32
  }
}

module attributes {stable_mosaic.version = 14 : i64} {
  func.func @_mm_body(%arg0: i32, %arg1: memref<1000x128xf32, #tpu.memory_space<vmem>>, %arg2: memref<1000x128xf32, #tpu.memory_space<vmem>>, %arg3: memref<1000x128xf32, #tpu.memory_space<vmem>>, %arg4: memref<128x256xf32, #tpu.memory_space<vmem>>, %arg5: memref<1x256xf32, #tpu.memory_space<vmem>>, %arg6: memref<1000x256xf32, #tpu.memory_space<vmem>>) attributes {dimension_semantics = [#tpu.dimension_semantics<arbitrary>], iteration_bounds = array<i64: 10>, scalar_prefetch = 0 : i64, scratch_operands = 0 : i64, tpu.core_type = #tpu.core_type<tc>, window_params = [{transform_indices = @transform_0, window_bounds = array<i64: 1000, 128>}, {transform_indices = @transform_1, window_bounds = array<i64: 1000, 128>}, {transform_indices = @transform_2, window_bounds = array<i64: 1000, 128>}, {pipeline_mode = #tpu.pipeline_mode<synchronous>, transform_indices = @transform_3, window_bounds = array<i64: 128, 256>}, {pipeline_mode = #tpu.pipeline_mode<synchronous>, transform_indices = @transform_4, window_bounds = array<i64: 1, 256>}, {transform_indices = @transform_5, window_bounds = array<i64: 1000, 256>}]} {
    %get3A = arith.constant 0 : index
    %get3A_0 = arith.constant 0 : index
    %get3A_1 = vector.load %arg1[%get3A, %get3A_0] : memref<1000x128xf32, #tpu.memory_space<vmem>>, vector<1000x128xf32>
    %get3A_2 = arith.constant 0 : index
    %get3A_3 = arith.constant 0 : index
    %get3A_4 = vector.load %arg2[%get3A_2, %get3A_3] : memref<1000x128xf32, #tpu.memory_space<vmem>>, vector<1000x128xf32>
    %add3A = arith.addf %get3A_1, %get3A_4 : vector<1000x128xf32>
    %get3A_5 = arith.constant 0 : index
    %get3A_6 = arith.constant 0 : index
    %get3A_7 = vector.load %arg3[%get3A_5, %get3A_6] : memref<1000x128xf32, #tpu.memory_space<vmem>>, vector<1000x128xf32>
    %add3A_8 = arith.addf %add3A, %get3A_7 : vector<1000x128xf32>
    %get3A_9 = arith.constant 0 : index
    %get3A_10 = arith.constant 0 : index
    %get3A_11 = vector.load %arg4[%get3A_9, %get3A_10] : memref<128x256xf32, #tpu.memory_space<vmem>>, vector<128x256xf32>
    %dot_general3A = arith.constant dense<0.000000e+00> : vector<1000x256xf32>
    %dot_general3A_12 = tpu.matmul %add3A_8, %get3A_11, %dot_general3A {dimension_numbers = #tpu.dot_dimension_numbers<[1], [0], [0], [1], [0, 0, 1, 1], [], []>, precision = #tpu.contract_precision<fp32>, transpose_lhs_hint = false} : vector<1000x128xf32>, vector<128x256xf32>, vector<1000x256xf32> -> vector<1000x256xf32>
    %get3A_13 = arith.constant 0 : index
    %get3A_14 = arith.constant 0 : index
    %get3A_15 = vector.load %arg5[%get3A_13, %get3A_14] : memref<1x256xf32, #tpu.memory_space<vmem>>, vector<1x256xf32>
    %add3A_16 = vector.broadcast %get3A_15 : vector<1x256xf32> to vector<1000x256xf32>
    %add3A_17 = arith.addf %dot_general3A_12, %add3A_16 : vector<1000x256xf32>
    %max3A = arith.constant 0.000000e+00 : f32
    %max3A_18 = vector.broadcast %max3A : f32 to vector<1000x256xf32>
    %max3A_19 = arith.maximumf %add3A_17, %max3A_18 : vector<1000x256xf32>
    %swap3A = arith.constant 0 : index
    %swap3A_20 = arith.constant 0 : index
    %swap3A_21 = vector.load %arg6[%swap3A, %swap3A_20] : memref<1000x256xf32, #tpu.memory_space<vmem>>, vector<1000x256xf32>
    tpu.vector_store %arg6[%swap3A, %swap3A_20], %max3A_19 {strides = array<i32>} : memref<1000x256xf32, #tpu.memory_space<vmem>>, vector<1000x256xf32>,
    return
  }
  func.func @transform_0(%arg0: i32) -> (i32, i32) {
    %c0_i32 = arith.constant 0 : i32
    %c0_i32_0 = arith.constant 0 : i32
    return %arg0, %c0_i32 : i32, i32
  }
  func.func @transform_1(%arg0: i32) -> (i32, i32) {
    %c0_i32 = arith.constant 0 : i32
    %c0_i32_0 = arith.constant 0 : i32
    return %arg0, %c0_i32 : i32, i32
  }
  func.func @transform_2(%arg0: i32) -> (i32, i32) {
    %c0_i32 = arith.constant 0 : i32
    %c0_i32_0 = arith.constant 0 : i32
    return %arg0, %c0_i32 : i32, i32
  }
  func.func @transform_3(%arg0: i32) -> (i32, i32) {
    %c0_i32 = arith.constant 0 : i32
    %c0_i32_0 = arith.constant 0 : i32
    %c0_i32_1 = arith.constant 0 : i32
    return %c0_i32, %c0_i32_0 : i32, i32
  }
  func.func @transform_4(%arg0: i32) -> (i32, i32) {
    %c0_i32 = arith.constant 0 : i32
    %c0_i32_0 = arith.constant 0 : i32
    %c0_i32_1 = arith.constant 0 : i32
    return %c0_i32, %c0_i32_0 : i32, i32
  }
  func.func @transform_5(%arg0: i32) -> (i32, i32) {
    %c0_i32 = arith.constant 0 : i32
    %c0_i32_0 = arith.constant 0 : i32
    return %arg0, %c0_i32 : i32, i32
  }
}

module attributes {stable_mosaic.version = 14 : i64} {
  func.func @_mm_plain_body(%arg0: i32, %arg1: memref<1000x256xf32, #tpu.memory_space<vmem>>, %arg2: memref<256x128xf32, #tpu.memory_space<vmem>>, %arg3: memref<1000x128xf32, #tpu.memory_space<vmem>>) attributes {dimension_semantics = [#tpu.dimension_semantics<arbitrary>], iteration_bounds = array<i64: 10>, scalar_prefetch = 0 : i64, scratch_operands = 0 : i64, tpu.core_type = #tpu.core_type<tc>, window_params = [{transform_indices = @transform_0, window_bounds = array<i64: 1000, 256>}, {pipeline_mode = #tpu.pipeline_mode<synchronous>, transform_indices = @transform_1, window_bounds = array<i64: 256, 128>}, {transform_indices = @transform_2, window_bounds = array<i64: 1000, 128>}]} {
    %get3A = arith.constant 0 : index
    %get3A_0 = arith.constant 0 : index
    %get3A_1 = vector.load %arg1[%get3A, %get3A_0] : memref<1000x256xf32, #tpu.memory_space<vmem>>, vector<1000x256xf32>
    %get3A_2 = arith.constant 0 : index
    %get3A_3 = arith.constant 0 : index
    %get3A_4 = vector.load %arg2[%get3A_2, %get3A_3] : memref<256x128xf32, #tpu.memory_space<vmem>>, vector<256x128xf32>
    %dot_general3A = arith.constant dense<0.000000e+00> : vector<1000x128xf32>
    %dot_general3A_5 = tpu.matmul %get3A_1, %get3A_4, %dot_general3A {dimension_numbers = #tpu.dot_dimension_numbers<[1], [0], [0], [1], [0, 0, 1, 1], [], []>, precision = #tpu.contract_precision<fp32>, transpose_lhs_hint = false} : vector<1000x256xf32>, vector<256x128xf32>, vector<1000x128xf32> -> vector<1000x128xf32>
    %swap3A = arith.constant 0 : index
    %swap3A_6 = arith.constant 0 : index
    %swap3A_7 = vector.load %arg3[%swap3A, %swap3A_6] : memref<1000x128xf32, #tpu.memory_space<vmem>>, vector<1000x128xf32>
    tpu.vector_store %arg3[%swap3A, %swap3A_6], %dot_general3A_5 {strides = array<i32>} : memref<1000x128xf32, #tpu.memory_space<vmem>>, vector<1000x128xf32>,
    return
  }
  func.func @transform_0(%arg0: i32) -> (i32, i32) {
    %c0_i32 = arith.constant 0 : i32
    %c0_i32_0 = arith.constant 0 : i32
    return %arg0, %c0_i32 : i32, i32
  }
  func.func @transform_1(%arg0: i32) -> (i32, i32) {
    %c0_i32 = arith.constant 0 : i32
    %c0_i32_0 = arith.constant 0 : i32
    %c0_i32_1 = arith.constant 0 : i32
    return %c0_i32, %c0_i32_0 : i32, i32
  }
  func.func @transform_2(%arg0: i32) -> (i32, i32) {
    %c0_i32 = arith.constant 0 : i32
    %c0_i32_0 = arith.constant 0 : i32
    return %arg0, %c0_i32 : i32, i32
  }
}

module attributes {stable_mosaic.version = 14 : i64} {
  func.func @_reduce_body(%arg0: i32, %arg1: memref<1000x128xf32, #tpu.memory_space<vmem>>, %arg2: memref<1000x128xf32, #tpu.memory_space<vmem>>, %arg3: memref<1000x128xf32, #tpu.memory_space<vmem>>, %arg4: memref<1x128xf32, #tpu.memory_space<vmem>>, %arg5: memref<1x128xf32, #tpu.memory_space<vmem>>) attributes {dimension_semantics = [#tpu.dimension_semantics<arbitrary>], iteration_bounds = array<i64: 1>, scalar_prefetch = 0 : i64, scratch_operands = 0 : i64, tpu.core_type = #tpu.core_type<tc>, window_params = [{transform_indices = @transform_0, window_bounds = array<i64: 1000, 128>}, {transform_indices = @transform_1, window_bounds = array<i64: 1000, 128>}, {transform_indices = @transform_2, window_bounds = array<i64: 1000, 128>}, {pipeline_mode = #tpu.pipeline_mode<synchronous>, transform_indices = @transform_3, window_bounds = array<i64: 1, 128>}, {pipeline_mode = #tpu.pipeline_mode<synchronous>, transform_indices = @transform_4, window_bounds = array<i64: 1, 128>}]} {
    %get3A = arith.constant 0 : index
    %get3A_0 = arith.constant 0 : index
    %get3A_1 = vector.load %arg1[%get3A, %get3A_0] : memref<1000x128xf32, #tpu.memory_space<vmem>>, vector<1000x128xf32>
    %get3A_2 = arith.constant 0 : index
    %get3A_3 = arith.constant 0 : index
    %get3A_4 = vector.load %arg2[%get3A_2, %get3A_3] : memref<1000x128xf32, #tpu.memory_space<vmem>>, vector<1000x128xf32>
    %add3A = arith.addf %get3A_1, %get3A_4 : vector<1000x128xf32>
    %get3A_5 = arith.constant 0 : index
    %get3A_6 = arith.constant 0 : index
    %get3A_7 = vector.load %arg3[%get3A_5, %get3A_6] : memref<1000x128xf32, #tpu.memory_space<vmem>>, vector<1000x128xf32>
    %add3A_8 = arith.addf %add3A, %get3A_7 : vector<1000x128xf32>
    %get3A_9 = arith.constant 0 : index
    %get3A_10 = arith.constant 0 : index
    %get3A_11 = vector.load %arg4[%get3A_9, %get3A_10] : memref<1x128xf32, #tpu.memory_space<vmem>>, vector<1x128xf32>
    %add3A_12 = vector.broadcast %get3A_11 : vector<1x128xf32> to vector<1000x128xf32>
    %add3A_13 = arith.addf %add3A_8, %add3A_12 : vector<1000x128xf32>
    %max3A = arith.constant 0.000000e+00 : f32
    %max3A_14 = vector.broadcast %max3A : f32 to vector<1000x128xf32>
    %max3A_15 = arith.maximumf %add3A_13, %max3A_14 : vector<1000x128xf32>
    %eq3A = arith.constant 0 : i32
    %eq3A_16 = arith.cmpi eq, %arg0, %eq3A : i32
    %convert_element_type3A = arith.extui %eq3A_16 : i1 to i32
    %cond3A = arith.constant 0 : i32
    %cond3A_17 = arith.cmpi ne, %convert_element_type3A, %cond3A : i32
    scf.if %cond3A_17 {
      %broadcast_in_dim3A_25 = arith.constant 0.000000e+00 : f32
      %broadcast_in_dim3A_26 = vector.broadcast %broadcast_in_dim3A_25 : f32 to vector<1x128xf32>
      %swap3A_27 = arith.constant 0 : index
      %swap3A_28 = arith.constant 0 : index
      %swap3A_29 = vector.load %arg5[%swap3A_27, %swap3A_28] : memref<1x128xf32, #tpu.memory_space<vmem>>, vector<1x128xf32>
      tpu.vector_store %arg5[%swap3A_27, %swap3A_28], %broadcast_in_dim3A_26 {strides = array<i32>} : memref<1x128xf32, #tpu.memory_space<vmem>>, vector<1x128xf32>,
    } else {
    }
    %get3A_18 = arith.constant 0 : index
    %get3A_19 = arith.constant 0 : index
    %get3A_20 = vector.load %arg5[%get3A_18, %get3A_19] : memref<1x128xf32, #tpu.memory_space<vmem>>, vector<1x128xf32>
    %reduce_sum3A = arith.constant dense<0.000000e+00> : vector<128xf32>
    %reduce_sum3A_21 = vector.multi_reduction <add>, %max3A_15, %reduce_sum3A [0] : vector<1000x128xf32> to vector<128xf32>
    %broadcast_in_dim3A = vector.shape_cast %reduce_sum3A_21 : vector<128xf32> to vector<1x128xf32>
    %add3A_22 = arith.addf %get3A_20, %broadcast_in_dim3A : vector<1x128xf32>
    %swap3A = arith.constant 0 : index
    %swap3A_23 = arith.constant 0 : index
    %swap3A_24 = vector.load %arg5[%swap3A, %swap3A_23] : memref<1x128xf32, #tpu.memory_space<vmem>>, vector<1x128xf32>
    tpu.vector_store %arg5[%swap3A, %swap3A_23], %add3A_22 {strides = array<i32>} : memref<1x128xf32, #tpu.memory_space<vmem>>, vector<1x128xf32>,
    return
  }
  func.func @transform_0(%arg0: i32) -> (i32, i32) {
    %c0_i32 = arith.constant 0 : i32
    %c0_i32_0 = arith.constant 0 : i32
    return %arg0, %c0_i32 : i32, i32
  }
  func.func @transform_1(%arg0: i32) -> (i32, i32) {
    %c0_i32 = arith.constant 0 : i32
    %c0_i32_0 = arith.constant 0 : i32
    return %arg0, %c0_i32 : i32, i32
  }
  func.func @transform_2(%arg0: i32) -> (i32, i32) {
    %c0_i32 = arith.constant 0 : i32
    %c0_i32_0 = arith.constant 0 : i32
    return %arg0, %c0_i32 : i32, i32
  }
  func.func @transform_3(%arg0: i32) -> (i32, i32) {
    %c0_i32 = arith.constant 0 : i32
    %c0_i32_0 = arith.constant 0 : i32
    %c0_i32_1 = arith.constant 0 : i32
    return %c0_i32, %c0_i32_0 : i32, i32
  }
  func.func @transform_4(%arg0: i32) -> (i32, i32) {
    %c0_i32 = arith.constant 0 : i32
    %c0_i32_0 = arith.constant 0 : i32
    %c0_i32_1 = arith.constant 0 : i32
    return %c0_i32, %c0_i32_0 : i32, i32
  }
}

module attributes {stable_mosaic.version = 14 : i64} {
  func.func @_reduce_body(%arg0: i32, %arg1: memref<1000x128xf32, #tpu.memory_space<vmem>>, %arg2: memref<1000x128xf32, #tpu.memory_space<vmem>>, %arg3: memref<1000x128xf32, #tpu.memory_space<vmem>>, %arg4: memref<1x128xf32, #tpu.memory_space<vmem>>, %arg5: memref<1x128xf32, #tpu.memory_space<vmem>>) attributes {dimension_semantics = [#tpu.dimension_semantics<arbitrary>], iteration_bounds = array<i64: 10>, scalar_prefetch = 0 : i64, scratch_operands = 0 : i64, tpu.core_type = #tpu.core_type<tc>, window_params = [{transform_indices = @transform_0, window_bounds = array<i64: 1000, 128>}, {transform_indices = @transform_1, window_bounds = array<i64: 1000, 128>}, {transform_indices = @transform_2, window_bounds = array<i64: 1000, 128>}, {pipeline_mode = #tpu.pipeline_mode<synchronous>, transform_indices = @transform_3, window_bounds = array<i64: 1, 128>}, {pipeline_mode = #tpu.pipeline_mode<synchronous>, transform_indices = @transform_4, window_bounds = array<i64: 1, 128>}]} {
    %get3A = arith.constant 0 : index
    %get3A_0 = arith.constant 0 : index
    %get3A_1 = vector.load %arg1[%get3A, %get3A_0] : memref<1000x128xf32, #tpu.memory_space<vmem>>, vector<1000x128xf32>
    %get3A_2 = arith.constant 0 : index
    %get3A_3 = arith.constant 0 : index
    %get3A_4 = vector.load %arg2[%get3A_2, %get3A_3] : memref<1000x128xf32, #tpu.memory_space<vmem>>, vector<1000x128xf32>
    %add3A = arith.addf %get3A_1, %get3A_4 : vector<1000x128xf32>
    %get3A_5 = arith.constant 0 : index
    %get3A_6 = arith.constant 0 : index
    %get3A_7 = vector.load %arg3[%get3A_5, %get3A_6] : memref<1000x128xf32, #tpu.memory_space<vmem>>, vector<1000x128xf32>
    %add3A_8 = arith.addf %add3A, %get3A_7 : vector<1000x128xf32>
    %get3A_9 = arith.constant 0 : index
    %get3A_10 = arith.constant 0 : index
    %get3A_11 = vector.load %arg4[%get3A_9, %get3A_10] : memref<1x128xf32, #tpu.memory_space<vmem>>, vector<1x128xf32>
    %add3A_12 = vector.broadcast %get3A_11 : vector<1x128xf32> to vector<1000x128xf32>
    %add3A_13 = arith.addf %add3A_8, %add3A_12 : vector<1000x128xf32>
    %max3A = arith.constant 0.000000e+00 : f32
    %max3A_14 = vector.broadcast %max3A : f32 to vector<1000x128xf32>
    %max3A_15 = arith.maximumf %add3A_13, %max3A_14 : vector<1000x128xf32>
    %eq3A = arith.constant 0 : i32
    %eq3A_16 = arith.cmpi eq, %arg0, %eq3A : i32
    %convert_element_type3A = arith.extui %eq3A_16 : i1 to i32
    %cond3A = arith.constant 0 : i32
    %cond3A_17 = arith.cmpi ne, %convert_element_type3A, %cond3A : i32
    scf.if %cond3A_17 {
      %broadcast_in_dim3A_25 = arith.constant 0.000000e+00 : f32
      %broadcast_in_dim3A_26 = vector.broadcast %broadcast_in_dim3A_25 : f32 to vector<1x128xf32>
      %swap3A_27 = arith.constant 0 : index
      %swap3A_28 = arith.constant 0 : index
      %swap3A_29 = vector.load %arg5[%swap3A_27, %swap3A_28] : memref<1x128xf32, #tpu.memory_space<vmem>>, vector<1x128xf32>
      tpu.vector_store %arg5[%swap3A_27, %swap3A_28], %broadcast_in_dim3A_26 {strides = array<i32>} : memref<1x128xf32, #tpu.memory_space<vmem>>, vector<1x128xf32>,
    } else {
    }
    %get3A_18 = arith.constant 0 : index
    %get3A_19 = arith.constant 0 : index
    %get3A_20 = vector.load %arg5[%get3A_18, %get3A_19] : memref<1x128xf32, #tpu.memory_space<vmem>>, vector<1x128xf32>
    %reduce_sum3A = arith.constant dense<0.000000e+00> : vector<128xf32>
    %reduce_sum3A_21 = vector.multi_reduction <add>, %max3A_15, %reduce_sum3A [0] : vector<1000x128xf32> to vector<128xf32>
    %broadcast_in_dim3A = vector.shape_cast %reduce_sum3A_21 : vector<128xf32> to vector<1x128xf32>
    %add3A_22 = arith.addf %get3A_20, %broadcast_in_dim3A : vector<1x128xf32>
    %swap3A = arith.constant 0 : index
    %swap3A_23 = arith.constant 0 : index
    %swap3A_24 = vector.load %arg5[%swap3A, %swap3A_23] : memref<1x128xf32, #tpu.memory_space<vmem>>, vector<1x128xf32>
    tpu.vector_store %arg5[%swap3A, %swap3A_23], %add3A_22 {strides = array<i32>} : memref<1x128xf32, #tpu.memory_space<vmem>>, vector<1x128xf32>,
    return
  }
  func.func @transform_0(%arg0: i32) -> (i32, i32) {
    %c0_i32 = arith.constant 0 : i32
    %c0_i32_0 = arith.constant 0 : i32
    return %arg0, %c0_i32 : i32, i32
  }
  func.func @transform_1(%arg0: i32) -> (i32, i32) {
    %c0_i32 = arith.constant 0 : i32
    %c0_i32_0 = arith.constant 0 : i32
    return %arg0, %c0_i32 : i32, i32
  }
  func.func @transform_2(%arg0: i32) -> (i32, i32) {
    %c0_i32 = arith.constant 0 : i32
    %c0_i32_0 = arith.constant 0 : i32
    return %arg0, %c0_i32 : i32, i32
  }
  func.func @transform_3(%arg0: i32) -> (i32, i32) {
    %c0_i32 = arith.constant 0 : i32
    %c0_i32_0 = arith.constant 0 : i32
    %c0_i32_1 = arith.constant 0 : i32
    return %c0_i32, %c0_i32_0 : i32, i32
  }
  func.func @transform_4(%arg0: i32) -> (i32, i32) {
    %c0_i32 = arith.constant 0 : i32
    %c0_i32_0 = arith.constant 0 : i32
    %c0_i32_1 = arith.constant 0 : i32
    return %c0_i32, %c0_i32_0 : i32, i32
  }
}

module attributes {stable_mosaic.version = 14 : i64} {
  func.func @_head_body(%arg0: memref<1x128xf32, #tpu.memory_space<vmem>>, %arg1: memref<1x128xf32, #tpu.memory_space<vmem>>, %arg2: memref<128x128xf32, #tpu.memory_space<vmem>>, %arg3: memref<128x128xf32, #tpu.memory_space<vmem>>, %arg4: memref<1x128xf32, #tpu.memory_space<vmem>>, %arg5: memref<128x64xf32, #tpu.memory_space<vmem>>, %arg6: memref<1x64xf32, #tpu.memory_space<vmem>>, %arg7: memref<1x64xf32, #tpu.memory_space<vmem>>, %arg8: memref<1x1xf32, #tpu.memory_space<vmem>>, %arg9: memref<1x1xf32, #tpu.memory_space<vmem>>) attributes {dimension_semantics = [], scalar_prefetch = 0 : i64, scratch_operands = 0 : i64, tpu.core_type = #tpu.core_type<tc>} {
    %get3A = arith.constant 0 : index
    %get3A_0 = arith.constant 0 : index
    %get3A_1 = vector.load %arg0[%get3A, %get3A_0] : memref<1x128xf32, #tpu.memory_space<vmem>>, vector<1x128xf32>
    %get3A_2 = arith.constant 0 : index
    %get3A_3 = arith.constant 0 : index
    %get3A_4 = vector.load %arg2[%get3A_2, %get3A_3] : memref<128x128xf32, #tpu.memory_space<vmem>>, vector<128x128xf32>
    %dot_general3A = arith.constant dense<0.000000e+00> : vector<1x128xf32>
    %dot_general3A_5 = tpu.matmul %get3A_1, %get3A_4, %dot_general3A {dimension_numbers = #tpu.dot_dimension_numbers<[1], [0], [0], [1], [0, 0, 1, 1], [], []>, precision = #tpu.contract_precision<fp32>, transpose_lhs_hint = false} : vector<1x128xf32>, vector<128x128xf32>, vector<1x128xf32> -> vector<1x128xf32>
    %get3A_6 = arith.constant 0 : index
    %get3A_7 = arith.constant 0 : index
    %get3A_8 = vector.load %arg1[%get3A_6, %get3A_7] : memref<1x128xf32, #tpu.memory_space<vmem>>, vector<1x128xf32>
    %get3A_9 = arith.constant 0 : index
    %get3A_10 = arith.constant 0 : index
    %get3A_11 = vector.load %arg3[%get3A_9, %get3A_10] : memref<128x128xf32, #tpu.memory_space<vmem>>, vector<128x128xf32>
    %dot_general3A_12 = arith.constant dense<0.000000e+00> : vector<1x128xf32>
    %dot_general3A_13 = tpu.matmul %get3A_8, %get3A_11, %dot_general3A_12 {dimension_numbers = #tpu.dot_dimension_numbers<[1], [0], [0], [1], [0, 0, 1, 1], [], []>, precision = #tpu.contract_precision<fp32>, transpose_lhs_hint = false} : vector<1x128xf32>, vector<128x128xf32>, vector<1x128xf32> -> vector<1x128xf32>
    %add3A = arith.addf %dot_general3A_5, %dot_general3A_13 : vector<1x128xf32>
    %get3A_14 = arith.constant 0 : index
    %get3A_15 = arith.constant 0 : index
    %get3A_16 = vector.load %arg4[%get3A_14, %get3A_15] : memref<1x128xf32, #tpu.memory_space<vmem>>, vector<1x128xf32>
    %add3A_17 = arith.addf %add3A, %get3A_16 : vector<1x128xf32>
    %max3A = arith.constant 0.000000e+00 : f32
    %max3A_18 = vector.broadcast %max3A : f32 to vector<1x128xf32>
    %max3A_19 = arith.maximumf %add3A_17, %max3A_18 : vector<1x128xf32>
    %get3A_20 = arith.constant 0 : index
    %get3A_21 = arith.constant 0 : index
    %get3A_22 = vector.load %arg5[%get3A_20, %get3A_21] : memref<128x64xf32, #tpu.memory_space<vmem>>, vector<128x64xf32>
    %dot_general3A_23 = arith.constant dense<0.000000e+00> : vector<1x64xf32>
    %dot_general3A_24 = tpu.matmul %max3A_19, %get3A_22, %dot_general3A_23 {dimension_numbers = #tpu.dot_dimension_numbers<[1], [0], [0], [1], [0, 0, 1, 1], [], []>, precision = #tpu.contract_precision<fp32>, transpose_lhs_hint = false} : vector<1x128xf32>, vector<128x64xf32>, vector<1x64xf32> -> vector<1x64xf32>
    %get3A_25 = arith.constant 0 : index
    %get3A_26 = arith.constant 0 : index
    %get3A_27 = vector.load %arg6[%get3A_25, %get3A_26] : memref<1x64xf32, #tpu.memory_space<vmem>>, vector<1x64xf32>
    %add3A_28 = arith.addf %dot_general3A_24, %get3A_27 : vector<1x64xf32>
    %max3A_29 = arith.constant 0.000000e+00 : f32
    %max3A_30 = vector.broadcast %max3A_29 : f32 to vector<1x64xf32>
    %max3A_31 = arith.maximumf %add3A_28, %max3A_30 : vector<1x64xf32>
    %get3A_32 = arith.constant 0 : index
    %get3A_33 = arith.constant 0 : index
    %get3A_34 = vector.load %arg7[%get3A_32, %get3A_33] : memref<1x64xf32, #tpu.memory_space<vmem>>, vector<1x64xf32>
    %mul3A = arith.mulf %max3A_31, %get3A_34 : vector<1x64xf32>
    %reduce_sum3A = arith.constant dense<0.000000e+00> : vector<1xf32>
    %reduce_sum3A_35 = vector.multi_reduction <add>, %mul3A, %reduce_sum3A [1] : vector<1x64xf32> to vector<1xf32>
    %broadcast_in_dim3A = vector.shape_cast %reduce_sum3A_35 : vector<1xf32> to vector<1x1xf32>
    %get3A_36 = arith.constant 0 : index
    %get3A_37 = arith.constant 0 : index
    %get3A_38 = vector.load %arg8[%get3A_36, %get3A_37] : memref<1x1xf32, #tpu.memory_space<vmem>>, vector<1x1xf32>
    %add3A_39 = arith.addf %broadcast_in_dim3A, %get3A_38 : vector<1x1xf32>
    %max3A_40 = arith.constant 0.000000e+00 : f32
    %max3A_41 = vector.broadcast %max3A_40 : f32 to vector<1x1xf32>
    %max3A_42 = arith.maximumf %add3A_39, %max3A_41 : vector<1x1xf32>
    %swap3A = arith.constant 0 : index
    %swap3A_43 = arith.constant 0 : index
    %swap3A_44 = vector.load %arg9[%swap3A, %swap3A_43] : memref<1x1xf32, #tpu.memory_space<vmem>>, vector<1x1xf32>
    tpu.vector_store %arg9[%swap3A, %swap3A_43], %max3A_42 {strides = array<i32>} : memref<1x1xf32, #tpu.memory_space<vmem>>, vector<1x1xf32>,
    return
  }
}

</mosaic_0001>

<sc_bundles>
// kernel: kernel.11.cloned.1.call-start
scs
__scs_entry_jumppad:
0x0: {  	(pc) =	sbr.rel $0x88, $3  }
0x1: {  	(tag) =	ssettag $0x0;
	lr =	simm.s32 $0x1  }
0x2: {  	[smem:$0x3F8F] =	sst lr;
	_ =	strace $0xD0000000  }
0x3: {  	_ = 	snop  }
0x4: {  	_ = 	snop  }
0x5: {  	_ = 	snop  }
0x6: {  	_ = 	snop  }
0x7: {  	_ = 	snop  }
__scs_overlays_trampoline_lowered:
0x8: {  	[smem:$0x3F9E] =	sst s0  }
0x9: {  	[smem:$0x3F9F] =	sst s1  }
0xa: {  	[smem:$0x3FA0] =	sst s2  }
0xb: {  	[smem:$0x3FA1] =	sst s3  }
0xc: {  	[smem:$0x3FA2] =	sst s4  }
0xd: {  	[smem:$0x3FA3] =	sst s5  }
0xe: {  	[smem:$0x3FA4] =	sst s6  }
0xf: {  	[smem:$0x3FA5] =	sst s7  }
0x10: {  	[smem:$0x3FA6] =	sst s8  }
0x11: {  	[smem:$0x3FA7] =	sst s9;
	s0 =	simm.s32 @!p0 $0x0  }
0x12: {  	s1 =	sld [smem:$0x3F8D];
	s0 =	simm.s32 @p0 $0x1  }
0x13: {  	[smem:$0x3FA8] =	sst s0;
	s0 =	simm.s32 @!p1 $0x0  }
0x14: {  	s2 =	sld [smem:$0x3F8C];
	s0 =	simm.s32 @p1 $0x1  }
0x15: {  	[smem:$0x3FA9] =	sst s0;
	s0 =	simm.s32 @!p2 $0x0  }
0x16: {  	s3 =	sld [smem:$0x3FDB];
	s0 =	simm.s32 @p2 $0x1  }
0x17: {  	s4 =	simm.s32 $0x1BF5;
	[smem:$0x3FAB] =	sst s0  }
0x18: {  	s0 =	sld [smem:$0x3F8E];
	_ =	swait.ge [sflag:s4], $0x0  }
0x19: {  	s7 =	sld [smem:$0x3F8F]  }
0x1a: {  	s8 =	sadd.s32 $0xFFFFE003, lr  }
0x1b: {  	s9 =	sadd.s32 $0xFFFFFEF7, lr;
	s5 =	simm.s32 $0xFFFFFFFF;
	p2 =	slt.u32 s8, $0xFFFFF086  }
0x1c: {  	p1 =	slt.u32 s9, $0xF7A;
	s5 =	simm.s32 @!p2 $0x0  }
0x1d: {  	s5 =	simm.s32 @p1 $0x1;
	p0 =	seq.s32 s7, s2  }
0x1e: {  	s7 =	smul.u32 @!p0 $0xF7A, s2;
	p2 =	seq.s32 @!p0 s5, $0x0  }
0x1f: {  	s9 =	smul.u32 $0xF7A, s1;
	s8 =	simm.s32 @!p0 $0x1BF5;
	p2 =	por !p2, p0  }
0x20: {  	[sflag:s8] =	ssyncset.s32 @!p0 $0xFFFFF086;
	s6 =	sadd.s32 @!p0 s3, s7;
	s7 =	simm.s32 @!p0 $0x108  }
0x21: {  	s3 =	sadd.s32 s3, s9;
	s6 =	sadd.s32 @!p0 $0x88, s6;
	s7 =	simm.s32 @p2 $0x1082  }
0x22: {  	[simem:s7], [sflag:s8] =	dma.local @!p0 [hbm:s6], $0xF7A  }
0x23: {  	s9 =	sor.u32 $0xD0000000, s2;
	s6 =	simm.s32 $0x108;
	_ =	swait.ge @!p0 [sflag:s8], $0x0  }
0x24: {  	s3 =	sadd.s32 $0x88, s3;
	s6 =	simm.s32 @!p1 $0x1082;
	[sflag:s4] =	ssyncset.s32 $0xFFFFF086  }
0x25: {  	[simem:s6], [sflag:s4] =	dma.local [hbm:s3], $0xF7A  }
0x26: {  	[smem:$0x3F8F] =	sst s1;
	(tag) =	ssettag s2;
	_ =	strace s9  }
0x27: {  	s1 =	sld [smem:$0x3F9F]  }
0x28: {  	s2 =	sld [smem:$0x3FA0]  }
0x29: {  	s4 =	sld [smem:$0x3FA2]  }
0x2a: {  	p0 =	seq.s32 s5, $0x0;
	s5 =	sld [smem:$0x3FA3]  }
0x2b: {  	s6 =	sld [smem:$0x3FA4]  }
0x2c: {  	s7 =	sld [smem:$0x3FA5]  }
0x2d: {  	s3 =	simm.s32 $0x108;
	s8 =	sld [smem:$0x3FA6]  }
0x2e: {  	s3 =	simm.s32 @!p0 $0x1082;
	s9 =	sld [smem:$0x3FA7]  }
0x2f: {  	lr =	sadd.s32 s0, s3;
	s0 =	sld [smem:$0x3F9E]  }
0x30: {  	s3 =	sld [smem:$0x3FA1]  }
0x31: {  	[smem:$0x3FAA] =	sst s10  }
0x32: {  	s10 =	sld [smem:$0x3FA8];
	_ =	sdelay $0x3  }
0x33: {  	p0 =	seq.s32 s10, $0x1;
	s10 =	sld [smem:$0x3FAA];
	_ =	sdelay $0x3  }
0x34: {  	[smem:$0x3FAA] =	sst s10  }
0x35: {  	s10 =	sld [smem:$0x3FA9];
	_ =	sdelay $0x3  }
0x36: {  	p1 =	seq.s32 s10, $0x1;
	s10 =	sld [smem:$0x3FAA];
	_ =	sdelay $0x3  }
0x37: {  	[smem:$0x3FAA] =	sst s10  }
0x38: {  	s10 =	sld [smem:$0x3FAB]  }
0x39: {  	_ = 	snop;
	(pc) =	sbr.ind lr, $3  }
0x3a: {  	_ = 	snop  }
0x3b: {  	_ = 	snop  }
0x3c: {  	p2 =	seq.s32 s10, $0x1;
	s10 =	sld [smem:$0x3FAA]  }
0x3d: {  	_ =	shalt  }
0x3e: {  	_ =	shalt  }
0x3f: {  	_ =	shalt  }
0x40: {  	_ =	shalt  }
0x41: {  	_ =	shalt  }
0x42: {  	_ =	shalt  }
0x43: {  	_ =	shalt  }
0x44: {  	_ =	shalt  }
0x45: {  	_ =	shalt  }
0x46: {  	_ =	shalt  }
0x47: {  	_ =	shalt  }
0x48: {  	_ =	shalt  }
0x49: {  	_ =	shalt  }
0x4a: {  	_ =	shalt  }
0x4b: {  	_ =	shalt  }
0x4c: {  	_ =	shalt  }
0x4d: {  	_ =	shalt  }
0x4e: {  	_ =	shalt  }
0x4f: {  	_ =	shalt  }
0x50: {  	_ =	shalt  }
0x51: {  	_ =	shalt  }
0x52: {  	_ =	shalt  }
0x53: {  	_ =	shalt  }
0x54: {  	_ =	shalt  }
0x55: {  	_ =	shalt  }
0x56: {  	_ =	shalt  }
0x57: {  	_ =	shalt  }
0x58: {  	_ =	shalt  }
0x59: {  	_ =	shalt  }
0x5a: {  	_ =	shalt  }
0x5b: {  	_ =	shalt  }
0x5c: {  	_ =	shalt  }
0x5d: {  	_ =	shalt  }
0x5e: {  	_ =	shalt  }
0x5f: {  	_ =	shalt  }
0x60: {  	_ =	shalt  }
0x61: {  	_ =	shalt  }
0x62: {  	_ =	shalt  }
0x63: {  	_ =	shalt  }
0x64: {  	_ =	shalt  }
0x65: {  	_ =	shalt  }
0x66: {  	_ =	shalt  }
0x67: {  	_ =	shalt  }
0x68: {  	_ =	shalt  }
0x69: {  	_ =	shalt  }
0x6a: {  	_ =	shalt  }
0x6b: {  	_ =	shalt  }
0x6c: {  	_ =	shalt  }
0x6d: {  	_ =	shalt  }
0x6e: {  	_ =	shalt  }
0x6f: {  	_ =	shalt  }
0x70: {  	_ =	shalt  }
0x71: {  	_ =	shalt  }
0x72: {  	_ =	shalt  }
0x73: {  	_ =	shalt  }
0x74: {  	_ =	shalt  }
0x75: {  	_ =	shalt  }
0x76: {  	_ =	shalt  }
0x77: {  	_ =	shalt  }
0x78: {  	_ =	shalt  }
0x79: {  	_ =	shalt  }
0x7a: {  	_ =	shalt  }
0x7b: {  	_ =	shalt  }
0x7c: {  	_ =	shalt  }
0x7d: {  	_ =	shalt  }
0x7e: {  	_ =	shalt  }
0x7f: {  	_ =	shalt  }
0x80: {  	_ =	shalt  }
0x81: {  	_ =	shalt  }
0x82: {  	_ =	shalt  }
0x83: {  	_ =	shalt  }
0x84: {  	_ =	shalt  }
0x85: {  	_ =	shalt  }
0x86: {  	_ =	shalt  }
0x87: {  	_ =	shalt  }
.Lfunc_end0:
.L_simem_size_0:
called_computation_lowered:
.L_overlay_start_0:
0x88: {  	s2 =	sld [smem:$0x3FD9]  }
0x89: {  	s3 =	sld [smem:$0x3FFE];
	_ =	sdelay $0x1  }
0x8a: {  	s1 =	srdreg.scid  }
0x8b: {  	s0 =	sand.u32 $0x1, s1  }
0x8c: {  	s17 =	sshll.u32 s0, $0xA;
	s2 =	sadd.s32 s3, s2  }
0x8d: {  	s2 =	sadd.s32 s2, s17  }
0x8e: {  	[smem:$0x3FB6] =	sst s2  }
0x8f: {  	_ = 	snop  }
0x90: {  	s2 =	sld [smem:$0x3FC9]  }
0x91: {  	s18 =	sld [smem:$0x3FC7];
	(tm) =	ssettm $0x1  }
0x92: {  	s4 =	sld [smem:$0x3FFB];
	_ =	sdelay $0x3  }
0x93: {  	_ =	strace s4  }
0x94: {  	s4 =	sld [smem:$0x3FFC];
	_ =	sdelay $0x3  }
0x95: {  	_ =	strace s4  }
0x96: {  	s4 =	sld [smem:$0x3FFD];
	_ =	sdelay $0x3  }
0x97: {  	_ =	strace s4  }
0x98: {  	_ =	strace $0x8FFFFFFF  }
0x99: {  	s19 =	sld [smem:$0x3FDB];
	_ =	sdelay $0x1  }
0x9a: {  	s5 =	simm.s32 $_scs_section_size  }
0x9b: {  	s6 =	simm.s32 $_size__tile_overlayer_lowered;
	s7 =	simm.s32 $_tile_overlayer_lowered  }
0x9c: {  	s22 =	simm.s32 $0x1BFF;
	s21 =	sshll.u32 s7, $0x1;
	s4 =	sadd.s32 s5, s19  }
0x9d: {  	s8 =	simm.s32 $0x0;
	s20 =	sshll.u32 s6, $0x1;
	s6 =	sadd.s32 s21, s4  }
0x9e: {  	[timem:s8], [sflag:s22] =	dma.local [hbm:s6], s20  }
0x9f: {  	_ =	swait.ge [sflag:s22], s20  }
0xa0: {  	s5 =	ssub.s32 $0x0, s20;
	[sflag:s22] =	ssyncset.done $0x0  }
0xa1: {  	[sflag:s22] =	ssyncadd.s32 s5;
	_ =	sdelay $0x1  }
0xa2: {  	s23 =	simm.s32 $0x1B8B  }
0xa3: {  	_ =	swait.ge [sflag:s23], $0x1  }
0xa4: {  	[sflag:s23] =	ssyncset.done $0x0  }
0xa5: {  	s25 =	simm.s32 $0x1B8E;
	s24 =	sld [smem:$0x3FFE];
	[sflag:s23] =	ssyncadd.s32 $0xFFFFFFFF  }
0xa6: {  	s26 =	simm.s32 $execute0_lowered;
	[smem:$0x3FD2] =	sst s25  }
0xa7: {  	s6 =	sshll.u32 s26, $0x1;
	_ =	strace $0x80000046;
	[dreg:$0x1] =	wrdreg $0xFFFFFFFF  }
0xa8: {  	s28 =	simm.s32 $_size_execute0_lowered;
	s4 =	sadd.s32 s4, s6;
	[dreg:$0x0] =	wrdreg $0x0  }
0xa9: {  	s6 =	sshll.u32 s28, $0x1;
	[dreg:$0x2] =	wrdreg s4  }
0xaa: {  	[dreg:$0x3] =	wrdreg s6  }
0xab: {  	[dreg:$0x4] =	wrdreg $0xC0  }
0xac: {  	_ =	task [dreg:s8], $0x5FFFF  }
0xad: {  	[dreg:$0x1] =	wrdreg $0xFFFFFFFF  }
0xae: {  	[dreg:$0x0] =	wrdreg $0x60  }
0xaf: {  	[dreg:$0x2] =	wrdreg s2  }
0xb0: {  	[dreg:$0x3] =	wrdreg s18  }
0xb1: {  	[dreg:$0x4] =	wrdreg s24  }
0xb2: {  	[dreg:$0x5] =	wrdreg $0x94000  }
0xb3: {  	[dreg:$0x6] =	wrdreg $0xB4000  }
0xb4: {  	[dreg:$0x7] =	wrdreg $0x9  }
0xb5: {  	_ =	task.clear_ibuf [dreg:s8], $0x8FFFF;
	_ =	strace $0x90000046  }
0xb6: {  	s29 =	simm.s32 $0x9;
	_ =	strace $0x80000048  }
0xb7: {  	_ =	swait.ge [sflag:s29], $0x1  }
0xb8: {  	[sflag:s29] =	ssyncadd.s32 $0xFFFFFFFF  }
0xb9: {  	_ =	strace $0x90000048  }
0xba: {  	_ =	sfence  }
0xbb: {  	s30 =	sld [smem:$0x0];
	_ =	sdelay $0x2  }
0xbc: {  	s31 =	sshll.u32 s1, $0xD;
	s1 =	sshrl.u32 s1, $0x2  }
0xbd: {  	s3 =	sand.u32 $0x4000, s31;
	s1 =	sadd.s32 s1, s30  }
0xbe: {  	s0 =	sor.u32 s3, s0;
	s1 =	sshll.u32 s1, $0x11  }
0xbf: {  	s0 =	sor.u32 s1, s0  }
0xc0: {  	s0 =	sadd.s32 $0x8F2B, s0  }
0xc1: {  	[sflag:s0] =	ssyncadd.remote.s32 $0x1  }
0xc2: {  	_ =	sfence.sel $0xFFFF  }
0xc3: {  	[dreg:$0x0] =	wrdreg $0xFFFFFFFF;
	(pc) =	sbr.abs _section_cstart, $3  }
0xc4: {  	[dreg:$0x1] =	wrdreg $0xFFFFFFFF  }
0xc5: {  	_ =	task.clear_ibuf [dreg:s8], $0x2FFFF;
	_ =	strace $0x9FFFFFFF  }
0xc6: {  	(tm) =	ssettm $0x7FFFFFFF  }
0xc7: {  	_ =	shalt  }
tec
execute0_lowered:
.L_overlay_start_1:
0x0: {  	(tag) =	ssettag $0x1  }
0x1: {  	s1 =	rddreg [dreg:$0x1]  }
0x2: {  	s2 =	rddreg [dreg:$0x2]  }
0x3: {  	s4 =	rddreg [dreg:$0x3]  }
0x4: {  	s3 =	srdreg.scid;
	s5 =	rddreg [dreg:$0x4]  }
0x5: {  	s0 =	stileid.u32;
	s6 =	simm.s32 $0x0;
	s19 =	simm.s32 $0x8400  }
0x6: {  	s28 =	simm.s32 $0x400;
	s29 =	simm.s32 $0x5;
	s30 =	simm.s32 $0x300  }
0x7: {  	s31 =	simm.s32 $0x2;
	s3 =	sand.u32 $0x1, s3;
	s26 =	smul.u32 $0x50, s0  }
0x8: {  	[smem:$0x7FF] =	sst s6;
	s10 =	sadd.s32 $0x4C00, s2;
	s16 =	smul.u32 $0x4F000, s0  }
0x9: {  	s22 =	sshll.u32 s0, $0xD;
	s17 =	sshll.u32 s0, $0xA;
	s18 =	smul.u32 $0x2780, s0  }
0xa: {  	s7 =	sshll.u32 s3, $0x4;
	_ =	strace $0x80000047;
	s9 =	smul.u32 $0x27800, s3  }
0xb: {  	s11 =	sshll.u32 s3, $0xE;
	s12 =	ssub.s32 $0x2, s3;
	s3 =	smul.u32 $0x500, s3  }
0xc: {  	s7 =	sor.u32 s0, s7;
	s11 =	sadd.s32 s11, s2;
	s21 =	sshrl.u32 s12, $0x1  }
0xd: {  	s8 =	sshll.u32 s7, $0x7;
	s13 =	smul.u32 $0xA00, s7;
	s7 =	sadd.s32 s22, s4  }
0xe: {  	s11 =	sadd.s32 $0x18C00, s11;
	s3 =	sadd.s32 s26, s3;
	s8 =	sadd.s32 s8, s2  }
0xf: {  	s2 =	sadd.s32 s9, s2;
	s9 =	ssub.s32 s12, s21;
	s3 =	sshll.u32 s3, $0x5  }
0x10: {  	s22 =	sadd.s32 $0x1000, s7;
	s12 =	simm.s32 $0x380;
	s23 =	sadd.s32 $0x3C00, s8  }
0x11: {  	s24 =	sadd.s32 $0x3C20, s8;
	s25 =	sadd.s32 $0x3C40, s8;
	[dreg:$0xf] =	wrdreg s22  }
0x12: {  	s14 =	sadd.s32 $0x3C60, s8;
	s15 =	sadd.s32 s10, s13;
	[dreg:$0x8] =	wrdreg s23  }
0x13: {  	s8 =	sshrl.u32 s16, $0x2;
	s2 =	sadd.s32 $0x20C00, s2;
	[dreg:$0x9] =	wrdreg s24  }
0x14: {  	s20 =	smax.u32 s9, $0x1;
	s9 =	simm.s32 $0x7;
	[dreg:$0xa] =	wrdreg s25  }
0x15: {  	s13 =	simm.s32 $0x8;
	s16 =	simm.s32 $0x4;
	[dreg:$0xb] =	wrdreg s14  }
0x16: {  	[dreg:$0xc] =	wrdreg s15;
	s4 =	sadd.s32 $0x20, s15;
	s14 =	sadd.s32 s8, s5  }
0x17: {  	s15 =	sadd.s32 s3, s10;
	[dreg:$0xe] =	wrdreg s20;
	s20 =	simm.s32 $0x9  }
0x18: {  	s25 =	sadd.s32 s17, s11;
	s26 =	sadd.s32 s18, s2;
	s2 =	simm.s32 $0x4400  }
0x19: {  	s3 =	simm.s32 $0x6;
	s8 =	simm.s32 $0x180;
	[dreg:$0xd] =	wrdreg s4  }
0x1a: {  	s10 =	simm.s32 $0x3;
	s11 =	simm.s32 $0x280;
	[dreg:$0x11] =	wrdreg s25  }
0x1b: {  	s17 =	simm.s32 $0x0;
	s21 =	sadd.s32 $0x80, s15;
	[dreg:$0x12] =	wrdreg s26  }
0x1c: {  	s23 =	sadd.s32 $0x40, s15;
	s24 =	sadd.s32 $0x12C00, s14;
	[dreg:$0x6] =	wrdreg s21  }
0x1d: {  	s25 =	simm.s32 $0x1;
	s26 =	simm.s32 $0x80;
	[dreg:$0x10] =	wrdreg s24  }
0x1e: {  	v0 =	vimm.f32 $0.0e+00;
	[dreg:$0x7] =	wrdreg s23;
	s21 =	simm.s32 $0x100;
	s23 =	simm.s32 $0x200  }
.LBB2_1:
0x1f: {  	s18 =	simm.s32 $0x0;
	s22 =	simm.s32 $0x200  }
.LBB2_2:
0x20: {  	p0 =	sne.s32 s22, $0x3E00;
	[tilespmem:s18+$0x8470] =	vst v0  }
0x21: {  	[tilespmem:s18+$0x8400] =	vst v0  }
0x22: {  	[tilespmem:s18+$0x8410] =	vst v0  }
.Ltmp0:
0x23: {  	[tilespmem:s18+$0x8420] =	vst v0;
	(pc) =	sbr.rel @p0 .LBB2_2-.Ltmp0, $4  }
0x24: {  	[tilespmem:s18+$0x8430] =	vst v0  }
0x25: {  	[tilespmem:s18+$0x8440] =	vst v0  }
0x26: {  	[tilespmem:s18+$0x8450] =	vst v0  }
0x27: {  	[tilespmem:s18+$0x8460] =	vst v0;
	s18 =	sshra.s32 s22, $0x2;
	s22 =	sadd.s32 $0x200, s22  }
0x28: {  	[tilespmem:s18+$0x8470] =	vst v0  }
0x29: {  	[tilespmem:s18+$0x8400] =	vst v0  }
0x2a: {  	[tilespmem:s18+$0x8410] =	vst v0  }
0x2b: {  	[tilespmem:s18+$0x8420] =	vst v0  }
0x2c: {  	[tilespmem:s18+$0x8430] =	vst v0  }
0x2d: {  	[tilespmem:s18+$0x8440] =	vst v0  }
0x2e: {  	[tilespmem:s18+$0x8450] =	vst v0  }
0x2f: {  	[tilespmem:s18+$0x8460] =	vst v0  }
0x30: {  	[spmem:s7] =	stream.linear.scatter [tilespmem:s19], [sflag:$0x9], $0x1000, $0x38;
	[tilespmem:$0x1F000] =	vst v63  }
0x31: {  	_ =	swait.ge [sflag:s20], $0x1000  }
0x32: {  	[sflag:s20] =	ssyncset.done $0x0  }
0x33: {  	s0 =	rddreg [dreg:$0xf];
	[sflag:s20] =	ssyncadd.s32 $0xFFFFF000  }
0x34: {  	[spmem:s0] =	stream.linear.scatter [tilespmem:s19], [sflag:$0x9], $0x1000, $0x38;
	[tilespmem:$0x1F000] =	vst v63  }
0x35: {  	_ =	swait.ge [sflag:s20], $0x1000  }
0x36: {  	[sflag:s20] =	ssyncset.done $0x0  }
0x37: {  	s24 =	sadd.s32 $0x0, s14;
	[sflag:s20] =	ssyncadd.s32 $0xFFFFF000  }
0x38: {  	[spmem:s24] =	stream.linear.scatter [tilespmem:s19], [sflag:$0x9], $0x1000, $0x38;
	[tilespmem:$0x1F000] =	vst v63  }
0x39: {  	s18 =	simm.s32 $0x4000;
	_ =	swait.ge [sflag:s20], $0x1000  }
.LBB2_4:
0x3a: {  	s22 =	sshra.s32 s18, $0x2;
	[sflag:s20] =	ssyncset.done $0x0;
	p0 =	sne.s32 s18, $0x48000  }
.Ltmp1:
0x3b: {  	s22 =	sadd.s32 s22, s14;
	[sflag:s20] =	ssyncadd.s32 $0xFFFFF000;
	(pc) =	sbr.rel @p0 .LBB2_4-.Ltmp1, $3  }
0x3c: {  	[spmem:s22] =	stream.linear.scatter [tilespmem:s19], [sflag:$0x9], $0x1000, $0x38;
	[tilespmem:$0x1F000] =	vst v63  }
0x3d: {  	s18 =	sadd.s32 $0x4000, s18;
	_ =	sdelay $0x1  }
0x3e: {  	_ =	swait.ge [sflag:s20], $0x1000  }
0x3f: {  	[sflag:s20] =	ssyncset.done $0x0  }
0x40: {  	s0 =	rddreg [dreg:$0x10];
	[sflag:s20] =	ssyncadd.s32 $0xFFFFF000  }
0x41: {  	[spmem:s0] =	stream.linear.scatter [tilespmem:s19], [sflag:$0x9], $0x1000, $0x38;
	[tilespmem:$0x1F000] =	vst v63  }
0x42: {  	_ =	swait.ge [sflag:s20], $0x1000  }
0x43: {  	[sflag:s20] =	ssyncset.done $0x0  }
0x44: {  	[sflag:s20] =	ssyncadd.s32 $0xFFFFF000  }
0x45: {  	[bflag:$0x0] =	sbarrier.arrive $0xFFFF  }
0x46: {  	s18 =	simm.s32 $0x0;
	s24 =	rddreg [dreg:$0x8]  }
0x47: {  	[tilespmem:s18], [sflag:$0x1] =	stream.linear.gather [hbm4b:s24+s18], $0x100, $0x38;
	[tilespmem:$0x1F000] =	vst v63  }
0x48: {  	s4 =	rddreg [dreg:$0x9]  }
0x49: {  	[tilespmem:s21], [sflag:$0x2] =	stream.linear.gather [hbm4b:s4+s18], $0x100, $0x38;
	[tilespmem:$0x1F000] =	vst v63  }
0x4a: {  	s22 =	rddreg [dreg:$0xa]  }
0x4b: {  	[tilespmem:s23], [sflag:$0x3] =	stream.linear.gather [hbm4b:s22+s18], $0x100, $0x38;
	[tilespmem:$0x1F000] =	vst v63  }
0x4c: {  	_ =	swait.ge [sflag:s25], $0x100  }
0x4d: {  	[sflag:s25] =	ssyncset.done $0x0  }
0x4e: {  	[sflag:s25] =	ssyncadd.s32 $0xFFFFFF00  }
0x4f: {  	s24 =	rddreg [dreg:$0x0]  }
0x50: {  	[tilespmem:s28], [sflag:$0x5] =	stream.indirect.gather [hbm4b:s24+s26], $0x80, s18, s26, $0xb8;
	[tilespmem:$0x1F000] =	vst v63  }
0x51: {  	_ =	swait.ge [sflag:s29], $0x4000  }
0x52: {  	[sflag:s29] =	ssyncset.done $0x0  }
0x53: {  	[sflag:s29] =	ssyncadd.s32 $0xFFFFC000  }
0x54: {  	s4 =	rddreg [dreg:$0x3]  }
0x55: {  	[spmem:s4] =	stream.indirect.scatter.add.f32 [tilespmem:s28], [sflag:$0x7], $0x80, s26, s26, $0xb8;
	[tilespmem:$0x1F000] =	vst v63  }
0x56: {  	s22 =	rddreg [dreg:$0xb]  }
0x57: {  	[tilespmem:s30], [sflag:$0x4] =	stream.linear.gather [hbm4b:s22+s18], $0x100, $0x38;
	[tilespmem:$0x1F000] =	vst v63  }
0x58: {  	_ =	swait.ge [sflag:s31], $0x100  }
0x59: {  	[sflag:s31] =	ssyncset.done $0x0  }
0x5a: {  	[sflag:s31] =	ssyncadd.s32 $0xFFFFFF00  }
0x5b: {  	[tilespmem:s2], [sflag:$0x6] =	stream.indirect.gather [hbm4b:s24+s26], $0x80, s21, s26, $0xb8;
	[tilespmem:$0x1F000] =	vst v63  }
0x5c: {  	_ =	swait.ge [sflag:s3], $0x4000  }
0x5d: {  	[sflag:s3] =	ssyncset.done $0x0  }
0x5e: {  	[sflag:s3] =	ssyncadd.s32 $0xFFFFC000  }
0x5f: {  	[spmem:s4] =	stream.indirect.scatter.add.f32 [tilespmem:s2], [sflag:$0x8], $0x80, s8, s26, $0xb8;
	[tilespmem:$0x1F000] =	vst v63  }
0x60: {  	_ =	swait.ge [sflag:s9], $0x4000  }
0x61: {  	[sflag:s9] =	ssyncset.done $0x0  }
0x62: {  	[sflag:s9] =	ssyncadd.s32 $0xFFFFC000  }
0x63: {  	_ =	swait.ge [sflag:s10], $0x100  }
0x64: {  	[sflag:s10] =	ssyncset.done $0x0  }
0x65: {  	[sflag:s10] =	ssyncadd.s32 $0xFFFFFF00  }
0x66: {  	[tilespmem:s28], [sflag:$0x5] =	stream.indirect.gather [hbm4b:s24+s26], $0x80, s23, s26, $0xb8;
	[tilespmem:$0x1F000] =	vst v63  }
0x67: {  	_ =	swait.ge [sflag:s29], $0x4000  }
0x68: {  	[sflag:s29] =	ssyncset.done $0x0  }
0x69: {  	[sflag:s29] =	ssyncadd.s32 $0xFFFFC000  }
0x6a: {  	[spmem:s4] =	stream.indirect.scatter.add.f32 [tilespmem:s28], [sflag:$0x7], $0x80, s11, s26, $0xb8;
	[tilespmem:$0x1F000] =	vst v63  }
0x6b: {  	_ =	swait.ge [sflag:s13], $0x4000  }
0x6c: {  	[sflag:s13] =	ssyncset.done $0x0  }
0x6d: {  	[sflag:s13] =	ssyncadd.s32 $0xFFFFC000  }
0x6e: {  	_ =	swait.ge [sflag:s16], $0x100  }
0x6f: {  	[sflag:s16] =	ssyncset.done $0x0  }
0x70: {  	[sflag:s16] =	ssyncadd.s32 $0xFFFFFF00  }
0x71: {  	[tilespmem:s2], [sflag:$0x6] =	stream.indirect.gather [hbm4b:s24+s26], $0x80, s30, s26, $0xb8;
	[tilespmem:$0x1F000] =	vst v63  }
0x72: {  	_ =	swait.ge [sflag:s3], $0x4000  }
0x73: {  	[sflag:s3] =	ssyncset.done $0x0  }
0x74: {  	[sflag:s3] =	ssyncadd.s32 $0xFFFFC000  }
0x75: {  	[spmem:s4] =	stream.indirect.scatter.add.f32 [tilespmem:s2], [sflag:$0x8], $0x80, s12, s26, $0xb8;
	[tilespmem:$0x1F000] =	vst v63  }
0x76: {  	_ =	swait.ge [sflag:s9], $0x4000  }
0x77: {  	[sflag:s9] =	ssyncset.done $0x0  }
0x78: {  	[sflag:s9] =	ssyncadd.s32 $0xFFFFC000  }
0x79: {  	_ =	swait.ge [sflag:s13], $0x4000  }
0x7a: {  	[sflag:s13] =	ssyncset.done $0x0  }
0x7b: {  	s4 =	rddreg [dreg:$0xc];
	[sflag:s13] =	ssyncadd.s32 $0xFFFFC000  }
0x7c: {  	[tilespmem:s18], [sflag:$0x1] =	stream.linear.gather [hbm4b:s4+s18], $0x100, $0x38;
	[tilespmem:$0x1F000] =	vst v63  }
0x7d: {  	p0 =	por $0x1, $0x1;
	s22 =	rddreg [dreg:$0xd]  }
0x7e: {  	[tilespmem:s21], [sflag:$0x2] =	stream.linear.gather [hbm4b:s22+s18], $0x100, $0x38;
	[tilespmem:$0x1F000] =	vst v63  }
0x7f: {  	s18 =	simm.s32 @!p0 $0x7  }
0x80: {  	_ =	swait.ge @!p0 [sflag:s18], $0x4000  }
0x81: {  	s24 =	rddreg [dreg:$0x7];
	[sflag:s18] =	ssyncset.done @!p0 $0x0  }
0x82: {  	[sflag:s18] =	ssyncadd.s32 @!p0 $0xFFFFC000;
	s0 =	sadd.s32 $0x0, s24  }
0x83: {  	[tilespmem:s23], [sflag:$0x3] =	stream.linear.gather [hbm4b:s0+s6], $0x100, $0x38;
	[tilespmem:$0x1F000] =	vst v63  }
0x84: {  	_ =	swait.ge [sflag:s25], $0x100  }
0x85: {  	[sflag:s25] =	ssyncset.done $0x0  }
0x86: {  	[sflag:s25] =	ssyncadd.s32 $0xFFFFFF00  }
0x87: {  	[tilespmem:s28], [sflag:$0x5] =	stream.indirect.gather [hbm4b:s1+s26], $0x80, s6, s26, $0xb8;
	[tilespmem:$0x1F000] =	vst v63  }
0x88: {  	_ =	swait.ge [sflag:s29], $0x4000  }
0x89: {  	[sflag:s29] =	ssyncset.done $0x0  }
0x8a: {  	s18 =	simm.s32 @!p0 $0x8;
	[sflag:s29] =	ssyncadd.s32 $0xFFFFC000  }
0x8b: {  	[spmem:s5] =	stream.indirect.scatter.add.f32 [tilespmem:s28], [sflag:$0x7], $0x80, s26, s26, $0xb8;
	[tilespmem:$0x1F000] =	vst v63  }
0x8c: {  	_ =	swait.ge @!p0 [sflag:s18], $0x4000  }
0x8d: {  	s4 =	sadd.s32 $0x0, s15;
	[sflag:s18] =	ssyncset.done @!p0 $0x0  }
0x8e: {  	s24 =	sadd.s32 $0x60, s4;
	[sflag:s18] =	ssyncadd.s32 @!p0 $0xFFFFC000  }
0x8f: {  	[tilespmem:s30], [sflag:$0x4] =	stream.linear.gather [hbm4b:s24+s6], $0x100, $0x38;
	[tilespmem:$0x1F000] =	vst v63  }
0x90: {  	_ =	swait.ge [sflag:s31], $0x100  }
0x91: {  	[sflag:s31] =	ssyncset.done $0x0  }
0x92: {  	[sflag:s31] =	ssyncadd.s32 $0xFFFFFF00  }
0x93: {  	[tilespmem:s2], [sflag:$0x6] =	stream.indirect.gather [hbm4b:s1+s26], $0x80, s21, s26, $0xb8;
	[tilespmem:$0x1F000] =	vst v63  }
0x94: {  	_ =	swait.ge [sflag:s3], $0x4000  }
0x95: {  	[sflag:s3] =	ssyncset.done $0x0  }
0x96: {  	[sflag:s3] =	ssyncadd.s32 $0xFFFFC000  }
0x97: {  	[spmem:s5] =	stream.indirect.scatter.add.f32 [tilespmem:s2], [sflag:$0x8], $0x80, s8, s26, $0xb8;
	[tilespmem:$0x1F000] =	vst v63  }
0x98: {  	_ =	swait.ge [sflag:s9], $0x4000  }
0x99: {  	p0 =	por $0x0, $0x0;
	s18 =	rddreg [dreg:$0x6];
	[sflag:s9] =	ssyncset.done $0x0  }
0x9a: {  	s22 =	simm.s32 @!p0 $0x0;
	[sflag:s9] =	ssyncadd.s32 $0xFFFFC000;
	s18 =	sadd.s32 @!p0 $0x0, s18  }
0x9b: {  	[tilespmem:s22], [sflag:$0x1] =	stream.linear.gather @!p0 [hbm4b:s18+s22], $0x100, $0x38;
	[tilespmem:$0x1F000] =	vst v63  }
0x9c: {  	_ =	swait.ge [sflag:s10], $0x100  }
0x9d: {  	[sflag:s10] =	ssyncset.done $0x0  }
0x9e: {  	[sflag:s10] =	ssyncadd.s32 $0xFFFFFF00  }
0x9f: {  	[tilespmem:s28], [sflag:$0x5] =	stream.indirect.gather [hbm4b:s1+s26], $0x80, s23, s26, $0xb8;
	[tilespmem:$0x1F000] =	vst v63  }
0xa0: {  	_ =	swait.ge [sflag:s29], $0x4000  }
0xa1: {  	[sflag:s29] =	ssyncset.done $0x0  }
0xa2: {  	[sflag:s29] =	ssyncadd.s32 $0xFFFFC000  }
0xa3: {  	[spmem:s5] =	stream.indirect.scatter.add.f32 [tilespmem:s28], [sflag:$0x7], $0x80, s11, s26, $0xb8;
	[tilespmem:$0x1F000] =	vst v63  }
0xa4: {  	_ =	swait.ge [sflag:s13], $0x4000  }
0xa5: {  	s18 =	sadd.s32 @!p0 $0x0, s15;
	[sflag:s13] =	ssyncset.done $0x0  }
0xa6: {  	s24 =	simm.s32 @!p0 $0x100;
	s18 =	sadd.s32 @!p0 $0xA0, s18;
	[sflag:s13] =	ssyncadd.s32 $0xFFFFC000  }
0xa7: {  	[tilespmem:s24], [sflag:$0x2] =	stream.linear.gather @!p0 [hbm4b:s18+s22], $0x100, $0x38;
	[tilespmem:$0x1F000] =	vst v63  }
0xa8: {  	_ =	swait.ge [sflag:s16], $0x100  }
0xa9: {  	[sflag:s16] =	ssyncset.done $0x0  }
0xaa: {  	[sflag:s16] =	ssyncadd.s32 $0xFFFFFF00  }
0xab: {  	[tilespmem:s2], [sflag:$0x6] =	stream.indirect.gather [hbm4b:s1+s26], $0x80, s30, s26, $0xb8;
	[tilespmem:$0x1F000] =	vst v63  }
0xac: {  	p1 =	por $0x0, $0x0;
	_ =	swait.ge [sflag:s3], $0x4000  }
0xad: {  	s18 =	simm.s32 $0x80;
	s22 =	simm.s32 $0x100;
	[sflag:s3] =	ssyncset.done $0x0  }
.LBB2_6:
0xae: {  	s0 =	simm.s32 @!p1 $0x7;
	[sflag:s3] =	ssyncadd.s32 $0xFFFFC000  }
0xaf: {  	[spmem:s5] =	stream.indirect.scatter.add.f32 [tilespmem:s2], [sflag:$0x8], $0x80, s12, s26, $0xb8;
	[tilespmem:$0x1F000] =	vst v63  }
0xb0: {  	_ =	swait.ge @!p1 [sflag:s0], $0x4000  }
0xb1: {  	[sflag:s0] =	ssyncset.done @!p1 $0x0;
	s4 =	rddreg [dreg:$0x7]  }
0xb2: {  	[sflag:s0] =	ssyncadd.s32 @!p1 $0xFFFFC000;
	s4 =	sadd.s32 s18, s4  }
0xb3: {  	[tilespmem:s23], [sflag:$0x3] =	stream.linear.gather [hbm4b:s4+s6], $0x100, $0x38;
	[tilespmem:$0x1F000] =	vst v63  }
0xb4: {  	_ =	swait.ge [sflag:s25], $0x100  }
0xb5: {  	[sflag:s25] =	ssyncset.done $0x0  }
0xb6: {  	[sflag:s25] =	ssyncadd.s32 $0xFFFFFF00  }
0xb7: {  	[tilespmem:s28], [sflag:$0x5] =	stream.indirect.gather [hbm4b:s1+s26], $0x80, s6, s26, $0xb8;
	[tilespmem:$0x1F000] =	vst v63  }
0xb8: {  	_ =	swait.ge [sflag:s29], $0x4000  }
0xb9: {  	[sflag:s29] =	ssyncset.done $0x0  }
0xba: {  	s0 =	simm.s32 @!p1 $0x8;
	[sflag:s29] =	ssyncadd.s32 $0xFFFFC000  }
0xbb: {  	[spmem:s5] =	stream.indirect.scatter.add.f32 [tilespmem:s28], [sflag:$0x7], $0x80, s26, s26, $0xb8;
	[tilespmem:$0x1F000] =	vst v63  }
0xbc: {  	_ =	swait.ge @!p1 [sflag:s0], $0x4000  }
0xbd: {  	s4 =	sadd.s32 s18, s15;
	[sflag:s0] =	ssyncset.done @!p1 $0x0  }
0xbe: {  	s4 =	sadd.s32 $0x60, s4;
	[sflag:s0] =	ssyncadd.s32 @!p1 $0xFFFFC000  }
0xbf: {  	[tilespmem:s30], [sflag:$0x4] =	stream.linear.gather [hbm4b:s4+s6], $0x100, $0x38;
	[tilespmem:$0x1F000] =	vst v63  }
0xc0: {  	_ =	swait.ge [sflag:s31], $0x100  }
0xc1: {  	[sflag:s31] =	ssyncset.done $0x0  }
0xc2: {  	[sflag:s31] =	ssyncadd.s32 $0xFFFFFF00  }
0xc3: {  	[tilespmem:s2], [sflag:$0x6] =	stream.indirect.gather [hbm4b:s1+s26], $0x80, s21, s26, $0xb8;
	[tilespmem:$0x1F000] =	vst v63  }
0xc4: {  	_ =	swait.ge [sflag:s3], $0x4000  }
0xc5: {  	[sflag:s3] =	ssyncset.done $0x0  }
0xc6: {  	[sflag:s3] =	ssyncadd.s32 $0xFFFFC000  }
0xc7: {  	[spmem:s5] =	stream.indirect.scatter.add.f32 [tilespmem:s2], [sflag:$0x8], $0x80, s8, s26, $0xb8;
	[tilespmem:$0x1F000] =	vst v63  }
0xc8: {  	_ =	swait.ge [sflag:s9], $0x4000  }
0xc9: {  	p1 =	seq.s32 s18, $0x980;
	s0 =	rddreg [dreg:$0x6];
	[sflag:s9] =	ssyncset.done $0x0  }
0xca: {  	s4 =	simm.s32 @!p1 $0x0;
	[sflag:s9] =	ssyncadd.s32 $0xFFFFC000;
	s0 =	sadd.s32 @!p1 s18, s0  }
0xcb: {  	[tilespmem:s4], [sflag:$0x1] =	stream.linear.gather @!p1 [hbm4b:s0+s4], $0x100, $0x38;
	[tilespmem:$0x1F000] =	vst v63  }
0xcc: {  	_ =	swait.ge [sflag:s10], $0x100  }
0xcd: {  	[sflag:s10] =	ssyncset.done $0x0  }
0xce: {  	[sflag:s10] =	ssyncadd.s32 $0xFFFFFF00  }
0xcf: {  	[tilespmem:s28], [sflag:$0x5] =	stream.indirect.gather [hbm4b:s1+s26], $0x80, s23, s26, $0xb8;
	[tilespmem:$0x1F000] =	vst v63  }
0xd0: {  	_ =	swait.ge [sflag:s29], $0x4000  }
0xd1: {  	[sflag:s29] =	ssyncset.done $0x0  }
0xd2: {  	[sflag:s29] =	ssyncadd.s32 $0xFFFFC000  }
0xd3: {  	[spmem:s5] =	stream.indirect.scatter.add.f32 [tilespmem:s28], [sflag:$0x7], $0x80, s11, s26, $0xb8;
	[tilespmem:$0x1F000] =	vst v63  }
0xd4: {  	s24 =	smov.u32 s22;
	s22 =	sadd.s32 $0x80, s22;
	_ =	swait.ge [sflag:s13], $0x4000  }
0xd5: {  	s0 =	sadd.s32 @!p1 s18, s15;
	s18 =	smov.u32 s24;
	[sflag:s13] =	ssyncset.done $0x0  }
0xd6: {  	s24 =	simm.s32 @!p1 $0x100;
	s0 =	sadd.s32 @!p1 $0xA0, s0;
	[sflag:s13] =	ssyncadd.s32 $0xFFFFC000  }
0xd7: {  	[tilespmem:s24], [sflag:$0x2] =	stream.linear.gather @!p1 [hbm4b:s0+s4], $0x100, $0x38;
	[tilespmem:$0x1F000] =	vst v63  }
0xd8: {  	p0 =	sne.s32 s22, $0xA00;
	_ =	swait.ge [sflag:s16], $0x100  }
.Ltmp2:
0xd9: {  	[sflag:s16] =	ssyncset.done $0x0;
	(pc) =	sbr.rel @p0 .LBB2_6-.Ltmp2, $4  }
0xda: {  	[sflag:s16] =	ssyncadd.s32 $0xFFFFFF00  }
0xdb: {  	[tilespmem:s2], [sflag:$0x6] =	stream.indirect.gather [hbm4b:s1+s26], $0x80, s30, s26, $0xb8;
	[tilespmem:$0x1F000] =	vst v63  }
0xdc: {  	_ =	swait.ge [sflag:s3], $0x4000  }
0xdd: {  	p1 =	seq.s32 s18, $0x0;
	[sflag:s3] =	ssyncset.done $0x0  }
0xde: {  	s0 =	simm.s32 @!p1 $0x7;
	[sflag:s3] =	ssyncadd.s32 $0xFFFFC000  }
0xdf: {  	[spmem:s5] =	stream.indirect.scatter.add.f32 [tilespmem:s2], [sflag:$0x8], $0x80, s12, s26, $0xb8;
	[tilespmem:$0x1F000] =	vst v63  }
0xe0: {  	_ =	swait.ge @!p1 [sflag:s0], $0x4000  }
0xe1: {  	s4 =	rddreg [dreg:$0x7];
	[sflag:s0] =	ssyncset.done @!p1 $0x0  }
0xe2: {  	[sflag:s0] =	ssyncadd.s32 @!p1 $0xFFFFC000;
	s22 =	sadd.s32 s18, s4  }
0xe3: {  	[tilespmem:s23], [sflag:$0x3] =	stream.linear.gather [hbm4b:s22+s6], $0x100, $0x38;
	[tilespmem:$0x1F000] =	vst v63  }
0xe4: {  	_ =	swait.ge [sflag:s25], $0x100  }
0xe5: {  	[sflag:s25] =	ssyncset.done $0x0  }
0xe6: {  	[sflag:s25] =	ssyncadd.s32 $0xFFFFFF00  }
0xe7: {  	[tilespmem:s28], [sflag:$0x5] =	stream.indirect.gather [hbm4b:s1+s26], $0x80, s6, s26, $0xb8;
	[tilespmem:$0x1F000] =	vst v63  }
0xe8: {  	_ =	swait.ge [sflag:s29], $0x4000  }
0xe9: {  	[sflag:s29] =	ssyncset.done $0x0  }
0xea: {  	s0 =	simm.s32 @!p1 $0x8;
	[sflag:s29] =	ssyncadd.s32 $0xFFFFC000  }
0xeb: {  	[spmem:s5] =	stream.indirect.scatter.add.f32 [tilespmem:s28], [sflag:$0x7], $0x80, s26, s26, $0xb8;
	[tilespmem:$0x1F000] =	vst v63  }
0xec: {  	_ =	swait.ge @!p1 [sflag:s0], $0x4000  }
0xed: {  	s24 =	sadd.s32 s18, s15;
	[sflag:s0] =	ssyncset.done @!p1 $0x0  }
0xee: {  	s4 =	sadd.s32 $0x60, s24;
	[sflag:s0] =	ssyncadd.s32 @!p1 $0xFFFFC000  }
0xef: {  	[tilespmem:s30], [sflag:$0x4] =	stream.linear.gather [hbm4b:s4+s6], $0x100, $0x38;
	[tilespmem:$0x1F000] =	vst v63  }
0xf0: {  	_ =	swait.ge [sflag:s31], $0x100  }
0xf1: {  	[sflag:s31] =	ssyncset.done $0x0  }
0xf2: {  	[sflag:s31] =	ssyncadd.s32 $0xFFFFFF00  }
0xf3: {  	[tilespmem:s2], [sflag:$0x6] =	stream.indirect.gather [hbm4b:s1+s26], $0x80, s21, s26, $0xb8;
	[tilespmem:$0x1F000] =	vst v63  }
0xf4: {  	_ =	swait.ge [sflag:s3], $0x4000  }
0xf5: {  	[sflag:s3] =	ssyncset.done $0x0  }
0xf6: {  	[sflag:s3] =	ssyncadd.s32 $0xFFFFC000  }
0xf7: {  	[spmem:s5] =	stream.indirect.scatter.add.f32 [tilespmem:s2], [sflag:$0x8], $0x80, s8, s26, $0xb8;
	[tilespmem:$0x1F000] =	vst v63  }
0xf8: {  	_ =	swait.ge [sflag:s9], $0x4000  }
0xf9: {  	p0 =	seq.s32 s18, $0x980;
	s0 =	rddreg [dreg:$0x6];
	[sflag:s9] =	ssyncset.done $0x0  }
0xfa: {  	s4 =	simm.s32 @!p0 $0x0;
	[sflag:s9] =	ssyncadd.s32 $0xFFFFC000;
	s0 =	sadd.s32 @!p0 s18, s0  }
0xfb: {  	[tilespmem:s4], [sflag:$0x1] =	stream.linear.gather @!p0 [hbm4b:s0+s4], $0x100, $0x38;
	[tilespmem:$0x1F000] =	vst v63  }
0xfc: {  	_ =	swait.ge [sflag:s10], $0x100  }
0xfd: {  	[sflag:s10] =	ssyncset.done $0x0  }
0xfe: {  	[sflag:s10] =	ssyncadd.s32 $0xFFFFFF00  }
0xff: {  	[tilespmem:s28], [sflag:$0x5] =	stream.indirect.gather [hbm4b:s1+s26], $0x80, s23, s26, $0xb8;
	[tilespmem:$0x1F000] =	vst v63  }
0x100: {  	_ =	swait.ge [sflag:s29], $0x4000  }
0x101: {  	[sflag:s29] =	ssyncset.done $0x0  }
0x102: {  	[sflag:s29] =	ssyncadd.s32 $0xFFFFC000  }
0x103: {  	[spmem:s5] =	stream.indirect.scatter.add.f32 [tilespmem:s28], [sflag:$0x7], $0x80, s11, s26, $0xb8;
	[tilespmem:$0x1F000] =	vst v63  }
0x104: {  	_ =	swait.ge [sflag:s13], $0x4000  }
0x105: {  	s0 =	sadd.s32 @!p0 s18, s15;
	[sflag:s13] =	ssyncset.done $0x0  }
0x106: {  	s18 =	simm.s32 @!p0 $0x100;
	s0 =	sadd.s32 @!p0 $0xA0, s0;
	[sflag:s13] =	ssyncadd.s32 $0xFFFFC000  }
0x107: {  	[tilespmem:s18], [sflag:$0x2] =	stream.linear.gather @!p0 [hbm4b:s0+s4], $0x100, $0x38;
	[tilespmem:$0x1F000] =	vst v63  }
0x108: {  	_ =	swait.ge [sflag:s16], $0x100  }
0x109: {  	[sflag:s16] =	ssyncset.done $0x0  }
0x10a: {  	[sflag:s16] =	ssyncadd.s32 $0xFFFFFF00  }
0x10b: {  	[tilespmem:s2], [sflag:$0x6] =	stream.indirect.gather [hbm4b:s1+s26], $0x80, s30, s26, $0xb8;
	[tilespmem:$0x1F000] =	vst v63  }
0x10c: {  	_ =	swait.ge [sflag:s3], $0x4000  }
0x10d: {  	[sflag:s3] =	ssyncset.done $0x0  }
0x10e: {  	[sflag:s3] =	ssyncadd.s32 $0xFFFFC000  }
0x10f: {  	[spmem:s5] =	stream.indirect.scatter.add.f32 [tilespmem:s2], [sflag:$0x8], $0x80, s12, s26, $0xb8;
	[tilespmem:$0x1F000] =	vst v63  }
0x110: {  	_ =	swait.ge [sflag:s9], $0x4000  }
0x111: {  	[sflag:s9] =	ssyncset.done $0x0  }
0x112: {  	[sflag:s9] =	ssyncadd.s32 $0xFFFFC000  }
0x113: {  	_ =	swait.ge [sflag:s13], $0x4000  }
0x114: {  	[sflag:s13] =	ssyncset.done $0x0  }
0x115: {  	s18 =	stileid.u32;
	[sflag:s13] =	ssyncadd.s32 $0xFFFFC000  }
0x116: {  	s0 =	sshll.u32 s18, $0x6;
	[bflag:$0x0] =	sbarrier.arrive $0xFFFF  }
0x117: {  	s22 =	sshrl.u32 s7, $0x3;
	s0 =	sor.u32 $0x1C09, s0;
	s24 =	rddreg [dreg:$0x11]  }
0x118: {  	[hbm:s24], [sflag:s0] =	dma.local [spmem:s22], $0x400  }
0x119: {  	_ =	swait.ge [sflag:s20], $0x400  }
0x11a: {  	[sflag:s20] =	ssyncset.done $0x0  }
0x11b: {  	s18 =	sshrl.u32 s14, $0x3;
	s22 =	rddreg [dreg:$0x12];
	[sflag:s20] =	ssyncadd.s32 $0xFFFFFC00  }
0x11c: {  	[hbm:s22], [sflag:s0] =	dma.local [spmem:s18], $0x2780  }
0x11d: {  	_ =	swait.ge [sflag:s20], $0x2780  }
0x11e: {  	s17 =	sadd.s32 $0x1, s17;
	s24 =	rddreg [dreg:$0xe]  }
0x11f: {  	p0 =	sne.s32 s17, s24  }
.Ltmp3:
0x120: {  	_ = 	snop;
	(pc) =	sbr.rel @p0 .LBB2_1-.Ltmp3, $3  }
0x121: {  	_ =	sdelay $0x1  }
0x122: {  	[sflag:s20] =	ssyncset.done $0x0  }
0x123: {  	[sflag:s20] =	ssyncadd.s32 $0xFFFFD880  }
0x124: {  	_ =	sfence.sel $0x180000  }
0x125: {  	[bflag:$0x0] =	sbarrier.arrive $0xFFFF  }
0x126: {  	_ =	strace $0x90000047  }
0x127: {  	s0 =	stileid.u32;
	[bflag:$0x2] =	sbarrier.arrive $0xFFFF  }
0x128: {  	p0 =	sne.s32 s0, $0x0;
	s0 =	rddreg [dreg:$0x5]  }
0x129: {  	s0 =	sadd.s32 @!p0 $0x100000, s0  }
0x12a: {  	[sflag:s0] =	ssyncadd.tile.s32 @!p0 $0x1;
	_ =	shalt  }
.Lfunc_end2:
_tile_overlayer_lowered:
.L_overlay_start_2:
0x12b: {  	(tag) =	ssettag $0x2  }
0x12c: {  	s0 =	rddreg [dreg:$0x0];
	s2 =	stileid.u32  }
0x12d: {  	s1 =	rddreg [dreg:$0x1];
	p0 =	sne.s32 s2, $0x0  }
0x12e: {  	s3 =	rddreg [dreg:$0x2];
	[bflag:$0x3] =	sbarrier.arrive $0xFFFF;
	s2 =	simm.s32 @!p0 $0x1C09  }
0x12f: {  	[timem:s3], [sflag:s2] =	dma.local @!p0 [hbm:s0], s1  }
0x130: {  	s0 =	simm.s32 @!p0 $0x9  }
0x131: {  	_ =	swait.ge @!p0 [sflag:s0], s1  }
0x132: {  	s1 =	ssub.s32 @!p0 $0x0, s1;
	[sflag:s0] =	ssyncset.done @!p0 $0x0  }
0x133: {  	[sflag:s0] =	ssyncadd.s32 @!p0 s1  }
0x134: {  	[bflag:$0x3] =	sbarrier.arrive $0xFFFF  }
0x135: {  	_ =	shalt  }

// kernel: kernel.14.cloned.1.call-start
scs
__scs_entry_jumppad:
0x0: {  	(pc) =	sbr.rel $0x88, $3  }
0x1: {  	(tag) =	ssettag $0x0;
	lr =	simm.s32 $0x1  }
0x2: {  	[smem:$0x3F8F] =	sst lr;
	_ =	strace $0xD0000000  }
0x3: {  	_ = 	snop  }
0x4: {  	_ = 	snop  }
0x5: {  	_ = 	snop  }
0x6: {  	_ = 	snop  }
0x7: {  	_ = 	snop  }
__scs_overlays_trampoline_lowered:
0x8: {  	[smem:$0x3F9E] =	sst s0  }
0x9: {  	[smem:$0x3F9F] =	sst s1  }
0xa: {  	[smem:$0x3FA0] =	sst s2  }
0xb: {  	[smem:$0x3FA1] =	sst s3  }
0xc: {  	[smem:$0x3FA2] =	sst s4  }
0xd: {  	[smem:$0x3FA3] =	sst s5  }
0xe: {  	[smem:$0x3FA4] =	sst s6  }
0xf: {  	[smem:$0x3FA5] =	sst s7  }
0x10: {  	[smem:$0x3FA6] =	sst s8  }
0x11: {  	[smem:$0x3FA7] =	sst s9;
	s0 =	simm.s32 @!p0 $0x0  }
0x12: {  	s1 =	sld [smem:$0x3F8D];
	s0 =	simm.s32 @p0 $0x1  }
0x13: {  	[smem:$0x3FA8] =	sst s0;
	s0 =	simm.s32 @!p1 $0x0  }
0x14: {  	s2 =	sld [smem:$0x3F8C];
	s0 =	simm.s32 @p1 $0x1  }
0x15: {  	[smem:$0x3FA9] =	sst s0;
	s0 =	simm.s32 @!p2 $0x0  }
0x16: {  	s3 =	sld [smem:$0x3FDB];
	s0 =	simm.s32 @p2 $0x1  }
0x17: {  	s4 =	simm.s32 $0x1BF5;
	[smem:$0x3FAB] =	sst s0  }
0x18: {  	s0 =	sld [smem:$0x3F8E];
	_ =	swait.ge [sflag:s4], $0x0  }
0x19: {  	s7 =	sld [smem:$0x3F8F]  }
0x1a: {  	s8 =	sadd.s32 $0xFFFFE003, lr  }
0x1b: {  	s9 =	sadd.s32 $0xFFFFFEF7, lr;
	s5 =	simm.s32 $0xFFFFFFFF;
	p2 =	slt.u32 s8, $0xFFFFF086  }
0x1c: {  	p1 =	slt.u32 s9, $0xF7A;
	s5 =	simm.s32 @!p2 $0x0  }
0x1d: {  	s5 =	simm.s32 @p1 $0x1;
	p0 =	seq.s32 s7, s2  }
0x1e: {  	s7 =	smul.u32 @!p0 $0xF7A, s2;
	p2 =	seq.s32 @!p0 s5, $0x0  }
0x1f: {  	s9 =	smul.u32 $0xF7A, s1;
	s8 =	simm.s32 @!p0 $0x1BF5;
	p2 =	por !p2, p0  }
0x20: {  	[sflag:s8] =	ssyncset.s32 @!p0 $0xFFFFF086;
	s6 =	sadd.s32 @!p0 s3, s7;
	s7 =	simm.s32 @!p0 $0x108  }
0x21: {  	s3 =	sadd.s32 s3, s9;
	s6 =	sadd.s32 @!p0 $0x88, s6;
	s7 =	simm.s32 @p2 $0x1082  }
0x22: {  	[simem:s7], [sflag:s8] =	dma.local @!p0 [hbm:s6], $0xF7A  }
0x23: {  	s9 =	sor.u32 $0xD0000000, s2;
	s6 =	simm.s32 $0x108;
	_ =	swait.ge @!p0 [sflag:s8], $0x0  }
0x24: {  	s3 =	sadd.s32 $0x88, s3;
	s6 =	simm.s32 @!p1 $0x1082;
	[sflag:s4] =	ssyncset.s32 $0xFFFFF086  }
0x25: {  	[simem:s6], [sflag:s4] =	dma.local [hbm:s3], $0xF7A  }
0x26: {  	[smem:$0x3F8F] =	sst s1;
	(tag) =	ssettag s2;
	_ =	strace s9  }
0x27: {  	s1 =	sld [smem:$0x3F9F]  }
0x28: {  	s2 =	sld [smem:$0x3FA0]  }
0x29: {  	s4 =	sld [smem:$0x3FA2]  }
0x2a: {  	p0 =	seq.s32 s5, $0x0;
	s5 =	sld [smem:$0x3FA3]  }
0x2b: {  	s6 =	sld [smem:$0x3FA4]  }
0x2c: {  	s7 =	sld [smem:$0x3FA5]  }
0x2d: {  	s3 =	simm.s32 $0x108;
	s8 =	sld [smem:$0x3FA6]  }
0x2e: {  	s3 =	simm.s32 @!p0 $0x1082;
	s9 =	sld [smem:$0x3FA7]  }
0x2f: {  	lr =	sadd.s32 s0, s3;
	s0 =	sld [smem:$0x3F9E]  }
0x30: {  	s3 =	sld [smem:$0x3FA1]  }
0x31: {  	[smem:$0x3FAA] =	sst s10  }
0x32: {  	s10 =	sld [smem:$0x3FA8];
	_ =	sdelay $0x3  }
0x33: {  	p0 =	seq.s32 s10, $0x1;
	s10 =	sld [smem:$0x3FAA];
	_ =	sdelay $0x3  }
0x34: {  	[smem:$0x3FAA] =	sst s10  }
0x35: {  	s10 =	sld [smem:$0x3FA9];
	_ =	sdelay $0x3  }
0x36: {  	p1 =	seq.s32 s10, $0x1;
	s10 =	sld [smem:$0x3FAA];
	_ =	sdelay $0x3  }
0x37: {  	[smem:$0x3FAA] =	sst s10  }
0x38: {  	s10 =	sld [smem:$0x3FAB]  }
0x39: {  	_ = 	snop;
	(pc) =	sbr.ind lr, $3  }
0x3a: {  	_ = 	snop  }
0x3b: {  	_ = 	snop  }
0x3c: {  	p2 =	seq.s32 s10, $0x1;
	s10 =	sld [smem:$0x3FAA]  }
0x3d: {  	_ =	shalt  }
0x3e: {  	_ =	shalt  }
0x3f: {  	_ =	shalt  }
0x40: {  	_ =	shalt  }
0x41: {  	_ =	shalt  }
0x42: {  	_ =	shalt  }
0x43: {  	_ =	shalt  }
0x44: {  	_ =	shalt  }
0x45: {  	_ =	shalt  }
0x46: {  	_ =	shalt  }
0x47: {  	_ =	shalt  }
0x48: {  	_ =	shalt  }
0x49: {  	_ =	shalt  }
0x4a: {  	_ =	shalt  }
0x4b: {  	_ =	shalt  }
0x4c: {  	_ =	shalt  }
0x4d: {  	_ =	shalt  }
0x4e: {  	_ =	shalt  }
0x4f: {  	_ =	shalt  }
0x50: {  	_ =	shalt  }
0x51: {  	_ =	shalt  }
0x52: {  	_ =	shalt  }
0x53: {  	_ =	shalt  }
0x54: {  	_ =	shalt  }
0x55: {  	_ =	shalt  }
0x56: {  	_ =	shalt  }
0x57: {  	_ =	shalt  }
0x58: {  	_ =	shalt  }
0x59: {  	_ =	shalt  }
0x5a: {  	_ =	shalt  }
0x5b: {  	_ =	shalt  }
0x5c: {  	_ =	shalt  }
0x5d: {  	_ =	shalt  }
0x5e: {  	_ =	shalt  }
0x5f: {  	_ =	shalt  }
0x60: {  	_ =	shalt  }
0x61: {  	_ =	shalt  }
0x62: {  	_ =	shalt  }
0x63: {  	_ =	shalt  }
0x64: {  	_ =	shalt  }
0x65: {  	_ =	shalt  }
0x66: {  	_ =	shalt  }
0x67: {  	_ =	shalt  }
0x68: {  	_ =	shalt  }
0x69: {  	_ =	shalt  }
0x6a: {  	_ =	shalt  }
0x6b: {  	_ =	shalt  }
0x6c: {  	_ =	shalt  }
0x6d: {  	_ =	shalt  }
0x6e: {  	_ =	shalt  }
0x6f: {  	_ =	shalt  }
0x70: {  	_ =	shalt  }
0x71: {  	_ =	shalt  }
0x72: {  	_ =	shalt  }
0x73: {  	_ =	shalt  }
0x74: {  	_ =	shalt  }
0x75: {  	_ =	shalt  }
0x76: {  	_ =	shalt  }
0x77: {  	_ =	shalt  }
0x78: {  	_ =	shalt  }
0x79: {  	_ =	shalt  }
0x7a: {  	_ =	shalt  }
0x7b: {  	_ =	shalt  }
0x7c: {  	_ =	shalt  }
0x7d: {  	_ =	shalt  }
0x7e: {  	_ =	shalt  }
0x7f: {  	_ =	shalt  }
0x80: {  	_ =	shalt  }
0x81: {  	_ =	shalt  }
0x82: {  	_ =	shalt  }
0x83: {  	_ =	shalt  }
0x84: {  	_ =	shalt  }
0x85: {  	_ =	shalt  }
0x86: {  	_ =	shalt  }
0x87: {  	_ =	shalt  }
.Lfunc_end0:
.L_simem_size_0:
called_computation.1_lowered:
.L_overlay_start_0:
0x88: {  	s2 =	sld [smem:$0x3FD9]  }
0x89: {  	s3 =	sld [smem:$0x3FFE];
	_ =	sdelay $0x1  }
0x8a: {  	s1 =	srdreg.scid  }
0x8b: {  	s0 =	sand.u32 $0x1, s1  }
0x8c: {  	s16 =	sshll.u32 s0, $0xA;
	s2 =	sadd.s32 s3, s2  }
0x8d: {  	s2 =	sadd.s32 s2, s16  }
0x8e: {  	[smem:$0x3FB6] =	sst s2  }
0x8f: {  	_ = 	snop  }
0x90: {  	(tm) =	ssettm $0x1  }
0x91: {  	s17 =	sld [smem:$0x3FFB];
	_ =	sdelay $0x3  }
0x92: {  	_ =	strace s17  }
0x93: {  	s2 =	sld [smem:$0x3FFC];
	_ =	sdelay $0x3  }
0x94: {  	_ =	strace s2  }
0x95: {  	s2 =	sld [smem:$0x3FFD];
	_ =	sdelay $0x3  }
0x96: {  	_ =	strace s2  }
0x97: {  	_ =	strace $0x8FFFFFFF  }
0x98: {  	s18 =	sld [smem:$0x3FDB];
	_ =	sdelay $0x1  }
0x99: {  	s19 =	simm.s32 $_scs_section_size  }
0x9a: {  	s4 =	simm.s32 $_size__tile_overlayer_lowered;
	s5 =	simm.s32 $_tile_overlayer_lowered  }
0x9b: {  	s22 =	simm.s32 $0x1BFF;
	s21 =	sshll.u32 s5, $0x1;
	s2 =	sadd.s32 s19, s18  }
0x9c: {  	s6 =	simm.s32 $0x0;
	s20 =	sshll.u32 s4, $0x1;
	s4 =	sadd.s32 s21, s2  }
0x9d: {  	[timem:s6], [sflag:s22] =	dma.local [hbm:s4], s20  }
0x9e: {  	_ =	swait.ge [sflag:s22], s20  }
0x9f: {  	s3 =	ssub.s32 $0x0, s20;
	[sflag:s22] =	ssyncset.done $0x0  }
0xa0: {  	[sflag:s22] =	ssyncadd.s32 s3;
	_ =	sdelay $0x1  }
0xa1: {  	s23 =	simm.s32 $0x1B8B  }
0xa2: {  	_ =	swait.ge [sflag:s23], $0x1  }
0xa3: {  	[sflag:s23] =	ssyncset.done $0x0  }
0xa4: {  	s25 =	simm.s32 $0x1B8E;
	s24 =	sld [smem:$0x3FFE];
	[sflag:s23] =	ssyncadd.s32 $0xFFFFFFFF  }
0xa5: {  	s26 =	simm.s32 $execute0_lowered;
	[smem:$0x3FD2] =	sst s25  }
0xa6: {  	s4 =	sshll.u32 s26, $0x1;
	_ =	strace $0x80000049;
	[dreg:$0x1] =	wrdreg $0xFFFFFFFF  }
0xa7: {  	s28 =	simm.s32 $_size_execute0_lowered;
	s2 =	sadd.s32 s2, s4;
	[dreg:$0x0] =	wrdreg $0x0  }
0xa8: {  	s4 =	sshll.u32 s28, $0x1;
	[dreg:$0x2] =	wrdreg s2  }
0xa9: {  	[dreg:$0x3] =	wrdreg s4  }
0xaa: {  	[dreg:$0x4] =	wrdreg $0xC0  }
0xab: {  	_ =	task [dreg:s6], $0x5FFFF  }
0xac: {  	[dreg:$0x1] =	wrdreg $0xFFFFFFFF  }
0xad: {  	[dreg:$0x0] =	wrdreg $0x60  }
0xae: {  	[dreg:$0x2] =	wrdreg s24  }
0xaf: {  	[dreg:$0x3] =	wrdreg $0x94000  }
0xb0: {  	[dreg:$0x4] =	wrdreg $0xB4000  }
0xb1: {  	[dreg:$0x5] =	wrdreg $0x9  }
0xb2: {  	_ =	task.clear_ibuf [dreg:s6], $0x6FFFF;
	_ =	strace $0x90000049  }
0xb3: {  	s29 =	simm.s32 $0x9;
	_ =	strace $0x8000004B  }
0xb4: {  	_ =	swait.ge [sflag:s29], $0x1  }
0xb5: {  	[sflag:s29] =	ssyncadd.s32 $0xFFFFFFFF  }
0xb6: {  	_ =	strace $0x9000004B  }
0xb7: {  	_ =	sfence  }
0xb8: {  	s30 =	sld [smem:$0x0];
	_ =	sdelay $0x2  }
0xb9: {  	s31 =	sshll.u32 s1, $0xD;
	s1 =	sshrl.u32 s1, $0x2  }
0xba: {  	s3 =	sand.u32 $0x4000, s31;
	s1 =	sadd.s32 s1, s30  }
0xbb: {  	s0 =	sor.u32 s3, s0;
	s1 =	sshll.u32 s1, $0x11  }
0xbc: {  	s0 =	sor.u32 s1, s0  }
0xbd: {  	s0 =	sadd.s32 $0x8F2B, s0  }
0xbe: {  	[sflag:s0] =	ssyncadd.remote.s32 $0x1  }
0xbf: {  	_ =	sfence.sel $0xFFFF  }
0xc0: {  	[dreg:$0x0] =	wrdreg $0xFFFFFFFF;
	(pc) =	sbr.abs _section_cstart, $3  }
0xc1: {  	[dreg:$0x1] =	wrdreg $0xFFFFFFFF  }
0xc2: {  	_ =	task.clear_ibuf [dreg:s6], $0x2FFFF;
	_ =	strace $0x9FFFFFFF  }
0xc3: {  	(tm) =	ssettm $0x7FFFFFFF  }
tec
execute0_lowered:
.L_overlay_start_1:
0x0: {  	(tag) =	ssettag $0x1  }
0x1: {  	s0 =	rddreg [dreg:$0x0]  }
0x2: {  	s1 =	rddreg [dreg:$0x1]  }
0x3: {  	s2 =	rddreg [dreg:$0x2];
	s3 =	srdreg.scid  }
0x4: {  	s4 =	simm.s32 $0x0;
	s16 =	stileid.u32;
	s19 =	simm.s32 $0x8400  }
0x5: {  	s28 =	simm.s32 $0x400;
	s29 =	simm.s32 $0x5;
	s30 =	simm.s32 $0x300  }
0x6: {  	s31 =	simm.s32 $0x2;
	s3 =	sand.u32 $0x1, s3;
	[smem:$0x7FF] =	sst s4  }
0x7: {  	s6 =	sadd.s32 $0x1CC00, s0;
	s10 =	sadd.s32 $0x4C00, s0;
	s15 =	smul.u32 $0x4F000, s16  }
0x8: {  	s22 =	sshll.u32 s16, $0xD;
	s17 =	sshll.u32 s16, $0xA;
	s18 =	smul.u32 $0x2780, s16  }
0x9: {  	s5 =	sshll.u32 s3, $0x4;
	_ =	strace $0x8000004A;
	s9 =	smul.u32 $0x27800, s3  }
0xa: {  	s11 =	sshll.u32 s3, $0xE;
	s12 =	ssub.s32 $0x2, s3;
	s24 =	sadd.s32 s22, s1  }
0xb: {  	s3 =	smul.u32 $0x500, s3;
	s7 =	sor.u32 s16, s5;
	s5 =	sadd.s32 $0x18C00, s0  }
0xc: {  	s11 =	sadd.s32 s11, s0;
	s21 =	sshrl.u32 s12, $0x1;
	s22 =	sadd.s32 $0x1000, s24  }
0xd: {  	[dreg:$0x6] =	wrdreg s24;
	s8 =	sshll.u32 s7, $0x7;
	s13 =	smul.u32 $0xA00, s7  }
0xe: {  	s7 =	smul.u32 $0x50, s16;
	s11 =	sadd.s32 $0x43E00, s11;
	[dreg:$0xe] =	wrdreg s22  }
0xf: {  	s16 =	simm.s32 $0x4;
	s8 =	sadd.s32 s8, s0;
	s0 =	sadd.s32 s9, s0  }
0x10: {  	s9 =	ssub.s32 s12, s21;
	s12 =	simm.s32 $0x380;
	s23 =	sadd.s32 $0x3C00, s8  }
0x11: {  	s25 =	sadd.s32 $0x3C20, s8;
	s26 =	sadd.s32 $0x3C40, s8;
	[dreg:$0x7] =	wrdreg s23  }
0x12: {  	s8 =	sadd.s32 $0x3C60, s8;
	s14 =	sadd.s32 s10, s13;
	[dreg:$0x8] =	wrdreg s25  }
0x13: {  	s3 =	sadd.s32 s7, s3;
	s0 =	sadd.s32 $0x4BE00, s0;
	[dreg:$0x9] =	wrdreg s26  }
0x14: {  	s20 =	smax.u32 s9, $0x1;
	s9 =	simm.s32 $0x7;
	[dreg:$0xa] =	wrdreg s8  }
0x15: {  	s13 =	simm.s32 $0x8;
	[dreg:$0xb] =	wrdreg s14;
	s1 =	sadd.s32 $0x20, s14  }
0x16: {  	s8 =	sshrl.u32 s15, $0x2;
	s3 =	sshll.u32 s3, $0x5;
	[dreg:$0xd] =	wrdreg s20  }
0x17: {  	s20 =	simm.s32 $0x9;
	s26 =	sadd.s32 s17, s11;
	s0 =	sadd.s32 s18, s0  }
0x18: {  	s11 =	simm.s32 $0x280;
	s17 =	simm.s32 $0x0;
	[dreg:$0xc] =	wrdreg s1  }
0x19: {  	s14 =	sadd.s32 s8, s2;
	s15 =	sadd.s32 s3, s10;
	[dreg:$0x10] =	wrdreg s26  }
0x1a: {  	[dreg:$0x11] =	wrdreg s0;
	s26 =	simm.s32 $0x80;
	s21 =	sadd.s32 $0x80, s15  }
0x1b: {  	s0 =	simm.s32 $0x4400;
	s25 =	sadd.s32 $0x12C00, s14;
	[dreg:$0x4] =	wrdreg s21  }
0x1c: {  	s3 =	simm.s32 $0x6;
	s23 =	sadd.s32 $0x40, s15;
	[dreg:$0xf] =	wrdreg s25  }
0x1d: {  	s8 =	simm.s32 $0x180;
	s10 =	simm.s32 $0x3;
	[dreg:$0x5] =	wrdreg s23  }
0x1e: {  	v0 =	vimm.f32 $0.0e+00;
	s21 =	simm.s32 $0x100;
	s23 =	simm.s32 $0x200;
	s25 =	simm.s32 $0x1  }
.LBB2_1:
0x1f: {  	s18 =	simm.s32 $0x0;
	s22 =	simm.s32 $0x200  }
.LBB2_2:
0x20: {  	p0 =	sne.s32 s22, $0x3E00;
	[tilespmem:s18+$0x8470] =	vst v0  }
0x21: {  	[tilespmem:s18+$0x8400] =	vst v0  }
0x22: {  	[tilespmem:s18+$0x8410] =	vst v0  }
.Ltmp0:
0x23: {  	[tilespmem:s18+$0x8420] =	vst v0;
	(pc) =	sbr.rel @p0 .LBB2_2-.Ltmp0, $4  }
0x24: {  	[tilespmem:s18+$0x8430] =	vst v0  }
0x25: {  	[tilespmem:s18+$0x8440] =	vst v0  }
0x26: {  	[tilespmem:s18+$0x8450] =	vst v0  }
0x27: {  	[tilespmem:s18+$0x8460] =	vst v0;
	s18 =	sshra.s32 s22, $0x2;
	s22 =	sadd.s32 $0x200, s22  }
0x28: {  	[tilespmem:s18+$0x8470] =	vst v0  }
0x29: {  	[tilespmem:s18+$0x8400] =	vst v0  }
0x2a: {  	[tilespmem:s18+$0x8410] =	vst v0  }
0x2b: {  	[tilespmem:s18+$0x8420] =	vst v0  }
0x2c: {  	[tilespmem:s18+$0x8430] =	vst v0  }
0x2d: {  	[tilespmem:s18+$0x8440] =	vst v0  }
0x2e: {  	[tilespmem:s18+$0x8450] =	vst v0  }
0x2f: {  	[tilespmem:s18+$0x8460] =	vst v0  }
0x30: {  	[spmem:s24] =	stream.linear.scatter [tilespmem:s19], [sflag:$0x9], $0x1000, $0x38;
	[tilespmem:$0x1F000] =	vst v63  }
0x31: {  	_ =	swait.ge [sflag:s20], $0x1000  }
0x32: {  	[sflag:s20] =	ssyncset.done $0x0  }
0x33: {  	s1 =	rddreg [dreg:$0xe];
	[sflag:s20] =	ssyncadd.s32 $0xFFFFF000  }
0x34: {  	[spmem:s1] =	stream.linear.scatter [tilespmem:s19], [sflag:$0x9], $0x1000, $0x38;
	[tilespmem:$0x1F000] =	vst v63  }
0x35: {  	_ =	swait.ge [sflag:s20], $0x1000  }
0x36: {  	[sflag:s20] =	ssyncset.done $0x0  }
0x37: {  	s24 =	sadd.s32 $0x0, s14;
	[sflag:s20] =	ssyncadd.s32 $0xFFFFF000  }
0x38: {  	[spmem:s24] =	stream.linear.scatter [tilespmem:s19], [sflag:$0x9], $0x1000, $0x38;
	[tilespmem:$0x1F000] =	vst v63  }
0x39: {  	s18 =	simm.s32 $0x4000;
	_ =	swait.ge [sflag:s20], $0x1000  }
.LBB2_4:
0x3a: {  	s22 =	sshra.s32 s18, $0x2;
	[sflag:s20] =	ssyncset.done $0x0;
	p0 =	sne.s32 s18, $0x48000  }
.Ltmp1:
0x3b: {  	s22 =	sadd.s32 s22, s14;
	[sflag:s20] =	ssyncadd.s32 $0xFFFFF000;
	(pc) =	sbr.rel @p0 .LBB2_4-.Ltmp1, $3  }
0x3c: {  	[spmem:s22] =	stream.linear.scatter [tilespmem:s19], [sflag:$0x9], $0x1000, $0x38;
	[tilespmem:$0x1F000] =	vst v63  }
0x3d: {  	s18 =	sadd.s32 $0x4000, s18;
	_ =	sdelay $0x1  }
0x3e: {  	_ =	swait.ge [sflag:s20], $0x1000  }
0x3f: {  	[sflag:s20] =	ssyncset.done $0x0  }
0x40: {  	s1 =	rddreg [dreg:$0xf];
	[sflag:s20] =	ssyncadd.s32 $0xFFFFF000  }
0x41: {  	[spmem:s1] =	stream.linear.scatter [tilespmem:s19], [sflag:$0x9], $0x1000, $0x38;
	[tilespmem:$0x1F000] =	vst v63  }
0x42: {  	_ =	swait.ge [sflag:s20], $0x1000  }
0x43: {  	[sflag:s20] =	ssyncset.done $0x0  }
0x44: {  	[sflag:s20] =	ssyncadd.s32 $0xFFFFF000  }
0x45: {  	[bflag:$0x0] =	sbarrier.arrive $0xFFFF  }
0x46: {  	s18 =	simm.s32 $0x0;
	s24 =	rddreg [dreg:$0x7]  }
0x47: {  	[tilespmem:s18], [sflag:$0x1] =	stream.linear.gather [hbm4b:s24+s18], $0x100, $0x38;
	[tilespmem:$0x1F000] =	vst v63  }
0x48: {  	s7 =	rddreg [dreg:$0x8]  }
0x49: {  	[tilespmem:s21], [sflag:$0x2] =	stream.linear.gather [hbm4b:s7+s18], $0x100, $0x38;
	[tilespmem:$0x1F000] =	vst v63  }
0x4a: {  	s22 =	rddreg [dreg:$0x9]  }
0x4b: {  	[tilespmem:s23], [sflag:$0x3] =	stream.linear.gather [hbm4b:s22+s18], $0x100, $0x38;
	[tilespmem:$0x1F000] =	vst v63  }
0x4c: {  	_ =	swait.ge [sflag:s25], $0x100  }
0x4d: {  	[sflag:s25] =	ssyncset.done $0x0  }
0x4e: {  	[sflag:s25] =	ssyncadd.s32 $0xFFFFFF00  }
0x4f: {  	[tilespmem:s28], [sflag:$0x5] =	stream.indirect.gather [hbm4b:s5+s26], $0x80, s18, s26, $0xb8;
	[tilespmem:$0x1F000] =	vst v63  }
0x50: {  	_ =	swait.ge [sflag:s29], $0x4000  }
0x51: {  	[sflag:s29] =	ssyncset.done $0x0  }
0x52: {  	[sflag:s29] =	ssyncadd.s32 $0xFFFFC000  }
0x53: {  	s24 =	rddreg [dreg:$0x1]  }
0x54: {  	[spmem:s24] =	stream.indirect.scatter.add.f32 [tilespmem:s28], [sflag:$0x7], $0x80, s26, s26, $0xb8;
	[tilespmem:$0x1F000] =	vst v63  }
0x55: {  	s7 =	rddreg [dreg:$0xa]  }
0x56: {  	[tilespmem:s30], [sflag:$0x4] =	stream.linear.gather [hbm4b:s7+s18], $0x100, $0x38;
	[tilespmem:$0x1F000] =	vst v63  }
0x57: {  	_ =	swait.ge [sflag:s31], $0x100  }
0x58: {  	[sflag:s31] =	ssyncset.done $0x0  }
0x59: {  	[sflag:s31] =	ssyncadd.s32 $0xFFFFFF00  }
0x5a: {  	[tilespmem:s0], [sflag:$0x6] =	stream.indirect.gather [hbm4b:s5+s26], $0x80, s21, s26, $0xb8;
	[tilespmem:$0x1F000] =	vst v63  }
0x5b: {  	_ =	swait.ge [sflag:s3], $0x4000  }
0x5c: {  	[sflag:s3] =	ssyncset.done $0x0  }
0x5d: {  	[sflag:s3] =	ssyncadd.s32 $0xFFFFC000  }
0x5e: {  	[spmem:s24] =	stream.indirect.scatter.add.f32 [tilespmem:s0], [sflag:$0x8], $0x80, s8, s26, $0xb8;
	[tilespmem:$0x1F000] =	vst v63  }
0x5f: {  	_ =	swait.ge [sflag:s9], $0x4000  }
0x60: {  	[sflag:s9] =	ssyncset.done $0x0  }
0x61: {  	[sflag:s9] =	ssyncadd.s32 $0xFFFFC000  }
0x62: {  	_ =	swait.ge [sflag:s10], $0x100  }
0x63: {  	[sflag:s10] =	ssyncset.done $0x0  }
0x64: {  	[sflag:s10] =	ssyncadd.s32 $0xFFFFFF00  }
0x65: {  	[tilespmem:s28], [sflag:$0x5] =	stream.indirect.gather [hbm4b:s5+s26], $0x80, s23, s26, $0xb8;
	[tilespmem:$0x1F000] =	vst v63  }
0x66: {  	_ =	swait.ge [sflag:s29], $0x4000  }
0x67: {  	[sflag:s29] =	ssyncset.done $0x0  }
0x68: {  	[sflag:s29] =	ssyncadd.s32 $0xFFFFC000  }
0x69: {  	[spmem:s24] =	stream.indirect.scatter.add.f32 [tilespmem:s28], [sflag:$0x7], $0x80, s11, s26, $0xb8;
	[tilespmem:$0x1F000] =	vst v63  }
0x6a: {  	_ =	swait.ge [sflag:s13], $0x4000  }
0x6b: {  	[sflag:s13] =	ssyncset.done $0x0  }
0x6c: {  	[sflag:s13] =	ssyncadd.s32 $0xFFFFC000  }
0x6d: {  	_ =	swait.ge [sflag:s16], $0x100  }
0x6e: {  	[sflag:s16] =	ssyncset.done $0x0  }
0x6f: {  	[sflag:s16] =	ssyncadd.s32 $0xFFFFFF00  }
0x70: {  	[tilespmem:s0], [sflag:$0x6] =	stream.indirect.gather [hbm4b:s5+s26], $0x80, s30, s26, $0xb8;
	[tilespmem:$0x1F000] =	vst v63  }
0x71: {  	_ =	swait.ge [sflag:s3], $0x4000  }
0x72: {  	[sflag:s3] =	ssyncset.done $0x0  }
0x73: {  	[sflag:s3] =	ssyncadd.s32 $0xFFFFC000  }
0x74: {  	[spmem:s24] =	stream.indirect.scatter.add.f32 [tilespmem:s0], [sflag:$0x8], $0x80, s12, s26, $0xb8;
	[tilespmem:$0x1F000] =	vst v63  }
0x75: {  	_ =	swait.ge [sflag:s9], $0x4000  }
0x76: {  	[sflag:s9] =	ssyncset.done $0x0  }
0x77: {  	[sflag:s9] =	ssyncadd.s32 $0xFFFFC000  }
0x78: {  	_ =	swait.ge [sflag:s13], $0x4000  }
0x79: {  	[sflag:s13] =	ssyncset.done $0x0  }
0x7a: {  	s22 =	rddreg [dreg:$0xb];
	[sflag:s13] =	ssyncadd.s32 $0xFFFFC000  }
0x7b: {  	[tilespmem:s18], [sflag:$0x1] =	stream.linear.gather [hbm4b:s22+s18], $0x100, $0x38;
	[tilespmem:$0x1F000] =	vst v63  }
0x7c: {  	p0 =	por $0x1, $0x1;
	s24 =	rddreg [dreg:$0xc]  }
0x7d: {  	[tilespmem:s21], [sflag:$0x2] =	stream.linear.gather [hbm4b:s24+s18], $0x100, $0x38;
	[tilespmem:$0x1F000] =	vst v63  }
0x7e: {  	s18 =	simm.s32 @!p0 $0x7  }
0x7f: {  	_ =	swait.ge @!p0 [sflag:s18], $0x4000  }
0x80: {  	s22 =	rddreg [dreg:$0x5];
	[sflag:s18] =	ssyncset.done @!p0 $0x0  }
0x81: {  	[sflag:s18] =	ssyncadd.s32 @!p0 $0xFFFFC000;
	s1 =	sadd.s32 $0x0, s22  }
0x82: {  	[tilespmem:s23], [sflag:$0x3] =	stream.linear.gather [hbm4b:s1+s4], $0x100, $0x38;
	[tilespmem:$0x1F000] =	vst v63  }
0x83: {  	_ =	swait.ge [sflag:s25], $0x100  }
0x84: {  	[sflag:s25] =	ssyncset.done $0x0  }
0x85: {  	[sflag:s25] =	ssyncadd.s32 $0xFFFFFF00  }
0x86: {  	[tilespmem:s28], [sflag:$0x5] =	stream.indirect.gather [hbm4b:s6+s26], $0x80, s4, s26, $0xb8;
	[tilespmem:$0x1F000] =	vst v63  }
0x87: {  	_ =	swait.ge [sflag:s29], $0x4000  }
0x88: {  	[sflag:s29] =	ssyncset.done $0x0  }
0x89: {  	s18 =	simm.s32 @!p0 $0x8;
	[sflag:s29] =	ssyncadd.s32 $0xFFFFC000  }
0x8a: {  	[spmem:s2] =	stream.indirect.scatter.add.f32 [tilespmem:s28], [sflag:$0x7], $0x80, s26, s26, $0xb8;
	[tilespmem:$0x1F000] =	vst v63  }
0x8b: {  	_ =	swait.ge @!p0 [sflag:s18], $0x4000  }
0x8c: {  	s7 =	sadd.s32 $0x0, s15;
	[sflag:s18] =	ssyncset.done @!p0 $0x0  }
0x8d: {  	s24 =	sadd.s32 $0x60, s7;
	[sflag:s18] =	ssyncadd.s32 @!p0 $0xFFFFC000  }
0x8e: {  	[tilespmem:s30], [sflag:$0x4] =	stream.linear.gather [hbm4b:s24+s4], $0x100, $0x38;
	[tilespmem:$0x1F000] =	vst v63  }
0x8f: {  	_ =	swait.ge [sflag:s31], $0x100  }
0x90: {  	[sflag:s31] =	ssyncset.done $0x0  }
0x91: {  	[sflag:s31] =	ssyncadd.s32 $0xFFFFFF00  }
0x92: {  	[tilespmem:s0], [sflag:$0x6] =	stream.indirect.gather [hbm4b:s6+s26], $0x80, s21, s26, $0xb8;
	[tilespmem:$0x1F000] =	vst v63  }
0x93: {  	_ =	swait.ge [sflag:s3], $0x4000  }
0x94: {  	[sflag:s3] =	ssyncset.done $0x0  }
0x95: {  	[sflag:s3] =	ssyncadd.s32 $0xFFFFC000  }
0x96: {  	[spmem:s2] =	stream.indirect.scatter.add.f32 [tilespmem:s0], [sflag:$0x8], $0x80, s8, s26, $0xb8;
	[tilespmem:$0x1F000] =	vst v63  }
0x97: {  	_ =	swait.ge [sflag:s9], $0x4000  }
0x98: {  	p0 =	por $0x0, $0x0;
	s18 =	rddreg [dreg:$0x4];
	[sflag:s9] =	ssyncset.done $0x0  }
0x99: {  	s22 =	simm.s32 @!p0 $0x0;
	[sflag:s9] =	ssyncadd.s32 $0xFFFFC000;
	s18 =	sadd.s32 @!p0 $0x0, s18  }
0x9a: {  	[tilespmem:s22], [sflag:$0x1] =	stream.linear.gather @!p0 [hbm4b:s18+s22], $0x100, $0x38;
	[tilespmem:$0x1F000] =	vst v63  }
0x9b: {  	_ =	swait.ge [sflag:s10], $0x100  }
0x9c: {  	[sflag:s10] =	ssyncset.done $0x0  }
0x9d: {  	[sflag:s10] =	ssyncadd.s32 $0xFFFFFF00  }
0x9e: {  	[tilespmem:s28], [sflag:$0x5] =	stream.indirect.gather [hbm4b:s6+s26], $0x80, s23, s26, $0xb8;
	[tilespmem:$0x1F000] =	vst v63  }
0x9f: {  	_ =	swait.ge [sflag:s29], $0x4000  }
0xa0: {  	[sflag:s29] =	ssyncset.done $0x0  }
0xa1: {  	[sflag:s29] =	ssyncadd.s32 $0xFFFFC000  }
0xa2: {  	[spmem:s2] =	stream.indirect.scatter.add.f32 [tilespmem:s28], [sflag:$0x7], $0x80, s11, s26, $0xb8;
	[tilespmem:$0x1F000] =	vst v63  }
0xa3: {  	_ =	swait.ge [sflag:s13], $0x4000  }
0xa4: {  	s18 =	sadd.s32 @!p0 $0x0, s15;
	[sflag:s13] =	ssyncset.done $0x0  }
0xa5: {  	s24 =	simm.s32 @!p0 $0x100;
	s18 =	sadd.s32 @!p0 $0xA0, s18;
	[sflag:s13] =	ssyncadd.s32 $0xFFFFC000  }
0xa6: {  	[tilespmem:s24], [sflag:$0x2] =	stream.linear.gather @!p0 [hbm4b:s18+s22], $0x100, $0x38;
	[tilespmem:$0x1F000] =	vst v63  }
0xa7: {  	_ =	swait.ge [sflag:s16], $0x100  }
0xa8: {  	[sflag:s16] =	ssyncset.done $0x0  }
0xa9: {  	[sflag:s16] =	ssyncadd.s32 $0xFFFFFF00  }
0xaa: {  	[tilespmem:s0], [sflag:$0x6] =	stream.indirect.gather [hbm4b:s6+s26], $0x80, s30, s26, $0xb8;
	[tilespmem:$0x1F000] =	vst v63  }
0xab: {  	p1 =	por $0x0, $0x0;
	_ =	swait.ge [sflag:s3], $0x4000  }
0xac: {  	s18 =	simm.s32 $0x80;
	s22 =	simm.s32 $0x100;
	[sflag:s3] =	ssyncset.done $0x0  }
.LBB2_6:
0xad: {  	s1 =	simm.s32 @!p1 $0x7;
	[sflag:s3] =	ssyncadd.s32 $0xFFFFC000  }
0xae: {  	[spmem:s2] =	stream.indirect.scatter.add.f32 [tilespmem:s0], [sflag:$0x8], $0x80, s12, s26, $0xb8;
	[tilespmem:$0x1F000] =	vst v63  }
0xaf: {  	_ =	swait.ge @!p1 [sflag:s1], $0x4000  }
0xb0: {  	[sflag:s1] =	ssyncset.done @!p1 $0x0;
	s7 =	rddreg [dreg:$0x5]  }
0xb1: {  	[sflag:s1] =	ssyncadd.s32 @!p1 $0xFFFFC000;
	s7 =	sadd.s32 s18, s7  }
0xb2: {  	[tilespmem:s23], [sflag:$0x3] =	stream.linear.gather [hbm4b:s7+s4], $0x100, $0x38;
	[tilespmem:$0x1F000] =	vst v63  }
0xb3: {  	_ =	swait.ge [sflag:s25], $0x100  }
0xb4: {  	[sflag:s25] =	ssyncset.done $0x0  }
0xb5: {  	[sflag:s25] =	ssyncadd.s32 $0xFFFFFF00  }
0xb6: {  	[tilespmem:s28], [sflag:$0x5] =	stream.indirect.gather [hbm4b:s6+s26], $0x80, s4, s26, $0xb8;
	[tilespmem:$0x1F000] =	vst v63  }
0xb7: {  	_ =	swait.ge [sflag:s29], $0x4000  }
0xb8: {  	[sflag:s29] =	ssyncset.done $0x0  }
0xb9: {  	s1 =	simm.s32 @!p1 $0x8;
	[sflag:s29] =	ssyncadd.s32 $0xFFFFC000  }
0xba: {  	[spmem:s2] =	stream.indirect.scatter.add.f32 [tilespmem:s28], [sflag:$0x7], $0x80, s26, s26, $0xb8;
	[tilespmem:$0x1F000] =	vst v63  }
0xbb: {  	_ =	swait.ge @!p1 [sflag:s1], $0x4000  }
0xbc: {  	s7 =	sadd.s32 s18, s15;
	[sflag:s1] =	ssyncset.done @!p1 $0x0  }
0xbd: {  	s7 =	sadd.s32 $0x60, s7;
	[sflag:s1] =	ssyncadd.s32 @!p1 $0xFFFFC000  }
0xbe: {  	[tilespmem:s30], [sflag:$0x4] =	stream.linear.gather [hbm4b:s7+s4], $0x100, $0x38;
	[tilespmem:$0x1F000] =	vst v63  }
0xbf: {  	_ =	swait.ge [sflag:s31], $0x100  }
0xc0: {  	[sflag:s31] =	ssyncset.done $0x0  }
0xc1: {  	[sflag:s31] =	ssyncadd.s32 $0xFFFFFF00  }
0xc2: {  	[tilespmem:s0], [sflag:$0x6] =	stream.indirect.gather [hbm4b:s6+s26], $0x80, s21, s26, $0xb8;
	[tilespmem:$0x1F000] =	vst v63  }
0xc3: {  	_ =	swait.ge [sflag:s3], $0x4000  }
0xc4: {  	[sflag:s3] =	ssyncset.done $0x0  }
0xc5: {  	[sflag:s3] =	ssyncadd.s32 $0xFFFFC000  }
0xc6: {  	[spmem:s2] =	stream.indirect.scatter.add.f32 [tilespmem:s0], [sflag:$0x8], $0x80, s8, s26, $0xb8;
	[tilespmem:$0x1F000] =	vst v63  }
0xc7: {  	_ =	swait.ge [sflag:s9], $0x4000  }
0xc8: {  	p1 =	seq.s32 s18, $0x980;
	s1 =	rddreg [dreg:$0x4];
	[sflag:s9] =	ssyncset.done $0x0  }
0xc9: {  	s7 =	simm.s32 @!p1 $0x0;
	[sflag:s9] =	ssyncadd.s32 $0xFFFFC000;
	s1 =	sadd.s32 @!p1 s18, s1  }
0xca: {  	[tilespmem:s7], [sflag:$0x1] =	stream.linear.gather @!p1 [hbm4b:s1+s7], $0x100, $0x38;
	[tilespmem:$0x1F000] =	vst v63  }
0xcb: {  	_ =	swait.ge [sflag:s10], $0x100  }
0xcc: {  	[sflag:s10] =	ssyncset.done $0x0  }
0xcd: {  	[sflag:s10] =	ssyncadd.s32 $0xFFFFFF00  }
0xce: {  	[tilespmem:s28], [sflag:$0x5] =	stream.indirect.gather [hbm4b:s6+s26], $0x80, s23, s26, $0xb8;
	[tilespmem:$0x1F000] =	vst v63  }
0xcf: {  	_ =	swait.ge [sflag:s29], $0x4000  }
0xd0: {  	[sflag:s29] =	ssyncset.done $0x0  }
0xd1: {  	[sflag:s29] =	ssyncadd.s32 $0xFFFFC000  }
0xd2: {  	[spmem:s2] =	stream.indirect.scatter.add.f32 [tilespmem:s28], [sflag:$0x7], $0x80, s11, s26, $0xb8;
	[tilespmem:$0x1F000] =	vst v63  }
0xd3: {  	s24 =	smov.u32 s22;
	s22 =	sadd.s32 $0x80, s22;
	_ =	swait.ge [sflag:s13], $0x4000  }
0xd4: {  	s1 =	sadd.s32 @!p1 s18, s15;
	s18 =	smov.u32 s24;
	[sflag:s13] =	ssyncset.done $0x0  }
0xd5: {  	s24 =	simm.s32 @!p1 $0x100;
	s1 =	sadd.s32 @!p1 $0xA0, s1;
	[sflag:s13] =	ssyncadd.s32 $0xFFFFC000  }
0xd6: {  	[tilespmem:s24], [sflag:$0x2] =	stream.linear.gather @!p1 [hbm4b:s1+s7], $0x100, $0x38;
	[tilespmem:$0x1F000] =	vst v63  }
0xd7: {  	p0 =	sne.s32 s22, $0xA00;
	_ =	swait.ge [sflag:s16], $0x100  }
.Ltmp2:
0xd8: {  	[sflag:s16] =	ssyncset.done $0x0;
	(pc) =	sbr.rel @p0 .LBB2_6-.Ltmp2, $4  }
0xd9: {  	[sflag:s16] =	ssyncadd.s32 $0xFFFFFF00  }
0xda: {  	[tilespmem:s0], [sflag:$0x6] =	stream.indirect.gather [hbm4b:s6+s26], $0x80, s30, s26, $0xb8;
	[tilespmem:$0x1F000] =	vst v63  }
0xdb: {  	_ =	swait.ge [sflag:s3], $0x4000  }
0xdc: {  	p1 =	seq.s32 s18, $0x0;
	[sflag:s3] =	ssyncset.done $0x0  }
0xdd: {  	s1 =	simm.s32 @!p1 $0x7;
	[sflag:s3] =	ssyncadd.s32 $0xFFFFC000  }
0xde: {  	[spmem:s2] =	stream.indirect.scatter.add.f32 [tilespmem:s0], [sflag:$0x8], $0x80, s12, s26, $0xb8;
	[tilespmem:$0x1F000] =	vst v63  }
0xdf: {  	_ =	swait.ge @!p1 [sflag:s1], $0x4000  }
0xe0: {  	s7 =	rddreg [dreg:$0x5];
	[sflag:s1] =	ssyncset.done @!p1 $0x0  }
0xe1: {  	[sflag:s1] =	ssyncadd.s32 @!p1 $0xFFFFC000;
	s7 =	sadd.s32 s18, s7  }
0xe2: {  	[tilespmem:s23], [sflag:$0x3] =	stream.linear.gather [hbm4b:s7+s4], $0x100, $0x38;
	[tilespmem:$0x1F000] =	vst v63  }
0xe3: {  	_ =	swait.ge [sflag:s25], $0x100  }
0xe4: {  	[sflag:s25] =	ssyncset.done $0x0  }
0xe5: {  	[sflag:s25] =	ssyncadd.s32 $0xFFFFFF00  }
0xe6: {  	[tilespmem:s28], [sflag:$0x5] =	stream.indirect.gather [hbm4b:s6+s26], $0x80, s4, s26, $0xb8;
	[tilespmem:$0x1F000] =	vst v63  }
0xe7: {  	_ =	swait.ge [sflag:s29], $0x4000  }
0xe8: {  	[sflag:s29] =	ssyncset.done $0x0  }
0xe9: {  	s1 =	simm.s32 @!p1 $0x8;
	[sflag:s29] =	ssyncadd.s32 $0xFFFFC000  }
0xea: {  	[spmem:s2] =	stream.indirect.scatter.add.f32 [tilespmem:s28], [sflag:$0x7], $0x80, s26, s26, $0xb8;
	[tilespmem:$0x1F000] =	vst v63  }
0xeb: {  	_ =	swait.ge @!p1 [sflag:s1], $0x4000  }
0xec: {  	s22 =	sadd.s32 s18, s15;
	[sflag:s1] =	ssyncset.done @!p1 $0x0  }
0xed: {  	s24 =	sadd.s32 $0x60, s22;
	[sflag:s1] =	ssyncadd.s32 @!p1 $0xFFFFC000  }
0xee: {  	[tilespmem:s30], [sflag:$0x4] =	stream.linear.gather [hbm4b:s24+s4], $0x100, $0x38;
	[tilespmem:$0x1F000] =	vst v63  }
0xef: {  	_ =	swait.ge [sflag:s31], $0x100  }
0xf0: {  	[sflag:s31] =	ssyncset.done $0x0  }
0xf1: {  	[sflag:s31] =	ssyncadd.s32 $0xFFFFFF00  }
0xf2: {  	[tilespmem:s0], [sflag:$0x6] =	stream.indirect.gather [hbm4b:s6+s26], $0x80, s21, s26, $0xb8;
	[tilespmem:$0x1F000] =	vst v63  }
0xf3: {  	_ =	swait.ge [sflag:s3], $0x4000  }
0xf4: {  	[sflag:s3] =	ssyncset.done $0x0  }
0xf5: {  	[sflag:s3] =	ssyncadd.s32 $0xFFFFC000  }
0xf6: {  	[spmem:s2] =	stream.indirect.scatter.add.f32 [tilespmem:s0], [sflag:$0x8], $0x80, s8, s26, $0xb8;
	[tilespmem:$0x1F000] =	vst v63  }
0xf7: {  	_ =	swait.ge [sflag:s9], $0x4000  }
0xf8: {  	p0 =	seq.s32 s18, $0x980;
	s1 =	rddreg [dreg:$0x4];
	[sflag:s9] =	ssyncset.done $0x0  }
0xf9: {  	s7 =	simm.s32 @!p0 $0x0;
	[sflag:s9] =	ssyncadd.s32 $0xFFFFC000;
	s1 =	sadd.s32 @!p0 s18, s1  }
0xfa: {  	[tilespmem:s7], [sflag:$0x1] =	stream.linear.gather @!p0 [hbm4b:s1+s7], $0x100, $0x38;
	[tilespmem:$0x1F000] =	vst v63  }
0xfb: {  	_ =	swait.ge [sflag:s10], $0x100  }
0xfc: {  	[sflag:s10] =	ssyncset.done $0x0  }
0xfd: {  	[sflag:s10] =	ssyncadd.s32 $0xFFFFFF00  }
0xfe: {  	[tilespmem:s28], [sflag:$0x5] =	stream.indirect.gather [hbm4b:s6+s26], $0x80, s23, s26, $0xb8;
	[tilespmem:$0x1F000] =	vst v63  }
0xff: {  	_ =	swait.ge [sflag:s29], $0x4000  }
0x100: {  	[sflag:s29] =	ssyncset.done $0x0  }
0x101: {  	[sflag:s29] =	ssyncadd.s32 $0xFFFFC000  }
0x102: {  	[spmem:s2] =	stream.indirect.scatter.add.f32 [tilespmem:s28], [sflag:$0x7], $0x80, s11, s26, $0xb8;
	[tilespmem:$0x1F000] =	vst v63  }
0x103: {  	_ =	swait.ge [sflag:s13], $0x4000  }
0x104: {  	s1 =	sadd.s32 @!p0 s18, s15;
	[sflag:s13] =	ssyncset.done $0x0  }
0x105: {  	s18 =	simm.s32 @!p0 $0x100;
	s1 =	sadd.s32 @!p0 $0xA0, s1;
	[sflag:s13] =	ssyncadd.s32 $0xFFFFC000  }
0x106: {  	[tilespmem:s18], [sflag:$0x2] =	stream.linear.gather @!p0 [hbm4b:s1+s7], $0x100, $0x38;
	[tilespmem:$0x1F000] =	vst v63  }
0x107: {  	_ =	swait.ge [sflag:s16], $0x100  }
0x108: {  	[sflag:s16] =	ssyncset.done $0x0  }
0x109: {  	[sflag:s16] =	ssyncadd.s32 $0xFFFFFF00  }
0x10a: {  	[tilespmem:s0], [sflag:$0x6] =	stream.indirect.gather [hbm4b:s6+s26], $0x80, s30, s26, $0xb8;
	[tilespmem:$0x1F000] =	vst v63  }
0x10b: {  	_ =	swait.ge [sflag:s3], $0x4000  }
0x10c: {  	[sflag:s3] =	ssyncset.done $0x0  }
0x10d: {  	[sflag:s3] =	ssyncadd.s32 $0xFFFFC000  }
0x10e: {  	[spmem:s2] =	stream.indirect.scatter.add.f32 [tilespmem:s0], [sflag:$0x8], $0x80, s12, s26, $0xb8;
	[tilespmem:$0x1F000] =	vst v63  }
0x10f: {  	_ =	swait.ge [sflag:s9], $0x4000  }
0x110: {  	[sflag:s9] =	ssyncset.done $0x0  }
0x111: {  	[sflag:s9] =	ssyncadd.s32 $0xFFFFC000  }
0x112: {  	_ =	swait.ge [sflag:s13], $0x4000  }
0x113: {  	[sflag:s13] =	ssyncset.done $0x0  }
0x114: {  	[sflag:s13] =	ssyncadd.s32 $0xFFFFC000  }
0x115: {  	s7 =	stileid.u32;
	[bflag:$0x0] =	sbarrier.arrive $0xFFFF  }
0x116: {  	s1 =	sshll.u32 s7, $0x6;
	s24 =	rddreg [dreg:$0x6]  }
0x117: {  	s1 =	sor.u32 $0x1C09, s1;
	s22 =	rddreg [dreg:$0x10];
	s18 =	sshrl.u32 s24, $0x3  }
0x118: {  	[hbm:s22], [sflag:s1] =	dma.local [spmem:s18], $0x400  }
0x119: {  	_ =	swait.ge [sflag:s20], $0x400  }
0x11a: {  	[sflag:s20] =	ssyncset.done $0x0  }
0x11b: {  	s18 =	sshrl.u32 s14, $0x3;
	s22 =	rddreg [dreg:$0x11];
	[sflag:s20] =	ssyncadd.s32 $0xFFFFFC00  }
0x11c: {  	[hbm:s22], [sflag:s1] =	dma.local [spmem:s18], $0x2780  }
0x11d: {  	_ =	swait.ge [sflag:s20], $0x2780  }
0x11e: {  	s17 =	sadd.s32 $0x1, s17;
	s22 =	rddreg [dreg:$0xd]  }
0x11f: {  	p0 =	sne.s32 s17, s22  }
.Ltmp3:
0x120: {  	_ = 	snop;
	(pc) =	sbr.rel @p0 .LBB2_1-.Ltmp3, $3  }
0x121: {  	_ =	sdelay $0x1  }
0x122: {  	[sflag:s20] =	ssyncset.done $0x0  }
0x123: {  	[sflag:s20] =	ssyncadd.s32 $0xFFFFD880  }
0x124: {  	_ =	sfence.sel $0x180000  }
0x125: {  	[bflag:$0x0] =	sbarrier.arrive $0xFFFF  }
0x126: {  	_ =	strace $0x9000004A  }
0x127: {  	s0 =	stileid.u32;
	[bflag:$0x2] =	sbarrier.arrive $0xFFFF  }
0x128: {  	p0 =	sne.s32 s0, $0x0;
	s0 =	rddreg [dreg:$0x3]  }
0x129: {  	s0 =	sadd.s32 @!p0 $0x100000, s0  }
0x12a: {  	[sflag:s0] =	ssyncadd.tile.s32 @!p0 $0x1;
	_ =	shalt  }
.Lfunc_end2:
_tile_overlayer_lowered:
.L_overlay_start_2:
0x12b: {  	(tag) =	ssettag $0x2  }
0x12c: {  	s0 =	rddreg [dreg:$0x0];
	s2 =	stileid.u32  }
0x12d: {  	s1 =	rddreg [dreg:$0x1];
	p0 =	sne.s32 s2, $0x0  }
0x12e: {  	s3 =	rddreg [dreg:$0x2];
	[bflag:$0x3] =	sbarrier.arrive $0xFFFF;
	s2 =	simm.s32 @!p0 $0x1C09  }
0x12f: {  	[timem:s3], [sflag:s2] =	dma.local @!p0 [hbm:s0], s1  }
0x130: {  	s0 =	simm.s32 @!p0 $0x9  }
0x131: {  	_ =	swait.ge @!p0 [sflag:s0], s1  }
0x132: {  	s1 =	ssub.s32 @!p0 $0x0, s1;
	[sflag:s0] =	ssyncset.done @!p0 $0x0  }
0x133: {  	[sflag:s0] =	ssyncadd.s32 @!p0 s1  }
0x134: {  	[bflag:$0x3] =	sbarrier.arrive $0xFFFF  }
0x135: {  	_ =	shalt  }

</sc_bundles>
